<compile_context>
chip_gen: v7x
topology: tpu7x:2x2x1
jax: 0.10.2.dev20260603
libtpu: 0.0.44.dev20260713+nightly
codegen_flags: <defaults>
</compile_context>

<pallas_src>
import functools

import jax
import jax.numpy as jnp
from jax import lax
from jax.experimental import pallas as pl
from jax.experimental.pallas import tpu as pltpu
from jax.experimental.pallas import tpu_sc as plsc

T = 16384
D = 4096
L = 16
NC = 2
NS = 16
NW = NC * NS
ROWS_PER_W = T // NW
C = 8
NCHUNK = ROWS_PER_W // C
NBUF = 3
AHEAD = 1
DL = D // L

TC_R = 256


def _bf16_rtne(v):
    c = v * jnp.float32(65537.0)
    return c - (c - v)



def _sc_body(x_hbm, wgt_hbm, xo_hbm, w01_v, wd_v, xcs, sem_rs, sem_ws):
    cid = lax.axis_index("c")
    sid = lax.axis_index("s")
    wid = sid * NC + cid
    base = wid * ROWS_PER_W

    pltpu.sync_copy(wgt_hbm, w01_v)

    @plsc.parallel_loop(0, DL, unroll=8, carry=jnp.int32(0))
    def _init(j, carry):
        sl = pl.ds(j * L, L)
        wd_v[sl] = w01_v[0, sl] - w01_v[1, sl]
        return carry

    def _read(k, b):
        pltpu.async_copy(x_hbm.at[pl.ds(base + k * C, C)], xcs[b], sem_rs[b])

    def _wait_read(b):
        pltpu.make_async_copy(x_hbm.at[pl.ds(base, C)], xcs[b],
                              sem_rs[b]).wait()

    def _drain_writes(b):
        pltpu.make_async_copy(xcs[b], xo_hbm.at[pl.ds(base, C)],
                              sem_ws[b]).wait()

    def _process(k, b):
        xc_v = xcs[b]
        _wait_read(b)
        @plsc.parallel_loop(0, DL, unroll=4,
                            carry=tuple(jnp.zeros((L,), jnp.float32)
                                        for _ in range(C)))
        def accs(j, acc_c):
            sl = pl.ds(j * L, L)
            w = wd_v[sl]
            return tuple(acc_c[i] + xc_v[i, sl] * w for i in range(C))
        gvs = []
        for i in range(C):
            parts = [accs[i][l] for l in range(L)]
            while len(parts) > 1:
                parts = [parts[p] + parts[p + 1]
                         for p in range(0, len(parts), 2)]
            dv = jnp.full((L,), parts[0], jnp.float32)
            gvs.append(1.0 / (1.0 + jnp.exp(-jnp.abs(dv))))

        @plsc.parallel_loop(0, DL, unroll=4, carry=jnp.int32(0))
        def _scale(j, carry2):
            sl = pl.ds(j * L, L)
            for i in range(C):
                xc_v[i, sl] = xc_v[i, sl] * gvs[i]
            return carry2
        pltpu.async_copy(xc_v, xo_hbm.at[pl.ds(base + k * C, C)], sem_ws[b])

    for b in range(NBUF):
        _read(b, b)

    def _step(k3, carry):
        k = k3 * NBUF
        for b in range(NBUF):
            q = k + b
            ahead = q + AHEAD
            tb = (b + AHEAD) % NBUF

            @pl.when(jnp.logical_and(ahead >= NBUF, ahead < NCHUNK))
            def _():
                _drain_writes(tb)
                _read(ahead, tb)
            _process(q, b)
        return carry
    lax.fori_loop(0, NCHUNK // NBUF, _step, 0)

    for b in range(NCHUNK % NBUF):
        _process((NCHUNK // NBUF) * NBUF + b, b)

    for b in range(NBUF):
        _drain_writes(b)



def _tc_body(x_ref, wg_ref, x0_ref, x1_ref):
    xb = x_ref[...]
    logits = lax.dot_general(xb, wg_ref[...], (((1,), (0,)), ((), ())),
                             preferred_element_type=jnp.float32)
    d = logits[:, 0:1] - logits[:, 1:2]
    gate = 1.0 / (1.0 + jnp.exp(-jnp.abs(d)))
    xg = xb * gate
    x0_ref[...] = jnp.where(d >= 0.0, xg, jnp.float32(0.0))
    x1_ref[...] = jnp.where(d < 0.0, xg, jnp.float32(0.0))


def _tc_call(x, wg):
    grid = (T // TC_R,)
    return pl.pallas_call(
        _tc_body,
        grid=grid,
        in_specs=[
            pl.BlockSpec((TC_R, D), lambda i: (i, 0)),
            pl.BlockSpec((D, 2), lambda i: (0, 0)),
        ],
        out_specs=[
            pl.BlockSpec((TC_R, D), lambda i: (i, 0)),
            pl.BlockSpec((TC_R, D), lambda i: (i, 0)),
        ],
        out_shape=[
            jax.ShapeDtypeStruct((T, D), jnp.float32),
            jax.ShapeDtypeStruct((T, D), jnp.float32),
        ],
    )(x, wg)


@jax.jit
def _run(x, wg, wgt):
    mesh = plsc.VectorSubcoreMesh(core_axis_name="c", subcore_axis_name="s")
    sc = functools.partial(
        pl.kernel,
        mesh=mesh,
        out_type=jax.ShapeDtypeStruct((T, D), jnp.float32),
        scratch_types=[
            pltpu.VMEM((2, D), jnp.float32),
            pltpu.VMEM((D,), jnp.float32),
            [pltpu.VMEM((C, D), jnp.float32) for _ in range(NBUF)],
            [pltpu.SemaphoreType.DMA for _ in range(NBUF)],
            [pltpu.SemaphoreType.DMA for _ in range(NBUF)],
        ],
    )(_sc_body)
    x0, x1 = _tc_call(x, wg)
    xo = sc(x, wgt)
    return x0, x1, xo


def kernel(x, Wg):
    wgt = Wg.T
    x0, x1, xo = _run(x, Wg, wgt)
    return (x0, x1, xo)

# --- scband reference (transcript-rebuilt; emitter-appended) ---
"""Pipeline reference for scband-router-model-53970559042116 (READ-ONLY COPY).

The authoritative reference and input builder live on the scoring server;
editing this copy changes nothing except your own understanding.
"""

import jax, jax.numpy as jnp
import numpy as np


def setup_inputs(seed: int = 0) -> dict:
    key = jax.random.key(seed)
    k1, k2 = jax.random.split(key)
    x = jax.random.normal(k1, (16384, 4096), dtype=jnp.float32)
    Wg = jax.random.normal(k2, (4096, 2), dtype=jnp.float32) * 0.02
    return {"x": x, "Wg": Wg}


def reference(x, Wg):
    # ScatterRouter: route_func = linear gate + softmax, route_method = top-1
    logits = x @ Wg                                   # [T, 2]
    scores = jax.nn.softmax(logits, axis=-1)          # [T, 2]
    dst = jnp.argmax(scores, axis=-1)                 # [T] top-1 destination
    gate = jnp.take_along_axis(scores, dst[:, None], axis=-1)  # [T, 1]
    mask0 = (dst == 0)[:, None].astype(x.dtype)
    mask1 = (dst == 1)[:, None].astype(x.dtype)
    # dense-mask equivalent of scatter-to-expert (static shapes for jit)
    x_0 = x * gate * mask0                            # expert1 = Identity
    x_1 = x * gate * mask1                            # expert2 = Identity
    # GatherRouter(sparse=False): sum the expert branches back together
    x_out = x_0 + x_1
    return (x_0, x_1, x_out)

if __name__ == "__main__":
    import jax
    _d = setup_inputs()
    print(jax.jit(kernel)(*tuple(_d.values())))

</pallas_src>

<mosaic_0001>
#map = affine_map<(d0, d1) -> (0, 0)>
module attributes {stable_mosaic.version = 14 : i64} {
  func.func @_sc_body(%arg0: i32, %arg1: i32, %arg2: memref<16384x4096xf32, #tpu.memory_space<hbm>>, %arg3: memref<2x4096xf32, #tpu.memory_space<hbm>>, %arg4: memref<16384x4096xf32, #tpu.memory_space<hbm>>, %arg5: memref<2x4096xf32, #tpu.memory_space<vmem>>, %arg6: memref<4096xf32, #tpu.memory_space<vmem>>, %arg7: memref<8x4096xf32, #tpu.memory_space<vmem>>, %arg8: memref<8x4096xf32, #tpu.memory_space<vmem>>, %arg9: memref<8x4096xf32, #tpu.memory_space<vmem>>, %arg10: memref<!tpu.dma_semaphore, #tpu.memory_space<semaphore_mem>>, %arg11: memref<!tpu.dma_semaphore, #tpu.memory_space<semaphore_mem>>, %arg12: memref<!tpu.dma_semaphore, #tpu.memory_space<semaphore_mem>>, %arg13: memref<!tpu.dma_semaphore, #tpu.memory_space<semaphore_mem>>, %arg14: memref<!tpu.dma_semaphore, #tpu.memory_space<semaphore_mem>>, %arg15: memref<!tpu.dma_semaphore, #tpu.memory_space<semaphore_mem>>) attributes {dimension_semantics = [#tpu.dimension_semantics<core_parallel>, #tpu.dimension_semantics<subcore_parallel>], iteration_bounds = array<i64: 2, 16>, scalar_prefetch = 0 : i64, scratch_operands = 11 : i64, tpu.core_type = #tpu.core_type<sc_vector_subcore>, window_params = [{transform_indices = #map}, {transform_indices = #map}, {transform_indices = #map}]} {
    %mul3A = arith.constant 2 : i32
    %mul3A_0 = arith.muli %arg1, %mul3A : i32
    %add3A = arith.addi %mul3A_0, %arg0 : i32
    %mul3A_1 = arith.constant 512 : i32
    %mul3A_2 = arith.muli %add3A, %mul3A_1 : i32
    "tpu.region"() ({
      %run_scoped3A = tpu.sem_alloc : memref<!tpu.dma_semaphore, #tpu.memory_space<semaphore_mem>>
      tpu.enqueue_dma source(%arg3 : memref<2x4096xf32, #tpu.memory_space<hbm>>) target(%arg5 : memref<2x4096xf32, #tpu.memory_space<vmem>>) target_semaphore(%run_scoped3A : memref<!tpu.dma_semaphore, #tpu.memory_space<semaphore_mem>>)
      tpu.wait_dma2 semaphore(%run_scoped3A : memref<!tpu.dma_semaphore, #tpu.memory_space<semaphore_mem>>) src(%arg3 : memref<2x4096xf32, #tpu.memory_space<hbm>>) dst(%arg5 : memref<2x4096xf32, #tpu.memory_space<vmem>>)
      tpu.yield
    }) : () -> ()
    %parallel_loop3A = arith.constant 0 : i32
    %parallel_loop3A_3 = arith.constant 256 : i32
    %parallel_loop3A_4 = arith.constant 1 : i32
    %parallel_loop3A_5 = arith.constant 0 : i32
    %parallel_loop3A_6 = scf.for %parallel_loop3A_540 = %parallel_loop3A to %parallel_loop3A_3 step %parallel_loop3A_4 iter_args(%parallel_loop3A_541 = %parallel_loop3A_5) -> (i32)  : i32 {
      %parallel_loop3A_542 = arith.constant 16 : i32
      %parallel_loop3A_543 = arith.muli %parallel_loop3A_540, %parallel_loop3A_542 : i32
      %parallel_loop3A_544 = arith.constant 0 : i32
      %parallel_loop3A_545 = arith.index_cast %parallel_loop3A_544 : i32 to index
      %parallel_loop3A_546 = arith.index_cast %parallel_loop3A_543 : i32 to index
      %parallel_loop3A_547 = tpu.vector_load %arg5[%parallel_loop3A_545, %parallel_loop3A_546] {strides = array<i32>} : memref<2x4096xf32, #tpu.memory_space<vmem>>, vector<1x16xf32>,
      %parallel_loop3A_548 = vector.shape_cast %parallel_loop3A_547 : vector<1x16xf32> to vector<16xf32>
      %parallel_loop3A_549 = arith.constant 1 : i32
      %parallel_loop3A_550 = arith.index_cast %parallel_loop3A_549 : i32 to index
      %parallel_loop3A_551 = arith.index_cast %parallel_loop3A_543 : i32 to index
      %parallel_loop3A_552 = tpu.vector_load %arg5[%parallel_loop3A_550, %parallel_loop3A_551] {strides = array<i32>} : memref<2x4096xf32, #tpu.memory_space<vmem>>, vector<1x16xf32>,
      %parallel_loop3A_553 = vector.shape_cast %parallel_loop3A_552 : vector<1x16xf32> to vector<16xf32>
      %parallel_loop3A_554 = arith.subf %parallel_loop3A_548, %parallel_loop3A_553 : vector<16xf32>
      %parallel_loop3A_555 = arith.index_cast %parallel_loop3A_543 : i32 to index
      %parallel_loop3A_556 = tpu.vector_load %arg6[%parallel_loop3A_555] {strides = array<i32>} : memref<4096xf32, #tpu.memory_space<vmem>>, vector<16xf32>,
      %parallel_loop3A_557 = vector.shape_cast %parallel_loop3A_556 : vector<16xf32> to vector<16xf32>
      %parallel_loop3A_558 = vector.shape_cast %parallel_loop3A_554 : vector<16xf32> to vector<16xf32>
      tpu.vector_store %arg6[%parallel_loop3A_555], %parallel_loop3A_558 {strides = array<i32>} : memref<4096xf32, #tpu.memory_space<vmem>>, vector<16xf32>,
      scf.yield %parallel_loop3A_541 : i32
    } {sc.loop_unroll_factor = 8 : i64, sc.parallel_access}
    %add3A_7 = arith.constant 0 : i32
    %add3A_8 = arith.addi %mul3A_2, %add3A_7 : i32
    %dma_start3A = arith.constant 0 : i32
    %dma_start3A_9 = tpu.memref_slice %arg2[%add3A_8, %dma_start3A] : memref<16384x4096xf32, #tpu.memory_space<hbm>> -> memref<8x4096xf32, #tpu.memory_space<hbm>>
    %dma_start3A_10 = arith.constant 0 : i32
    %dma_start3A_11 = tpu.memref_slice %arg2[%add3A_8, %dma_start3A_10] : memref<16384x4096xf32, #tpu.memory_space<hbm>> -> memref<8x4096xf32, #tpu.memory_space<hbm>>
    tpu.enqueue_dma source(%dma_start3A_11 : memref<8x4096xf32, #tpu.memory_space<hbm>>) target(%arg7 : memref<8x4096xf32, #tpu.memory_space<vmem>>) target_semaphore(%arg10 : memref<!tpu.dma_semaphore, #tpu.memory_space<semaphore_mem>>)
    %add3A_12 = arith.constant 8 : i32
    %add3A_13 = arith.addi %mul3A_2, %add3A_12 : i32
    %dma_start3A_14 = arith.constant 0 : i32
    %dma_start3A_15 = tpu.memref_slice %arg2[%add3A_13, %dma_start3A_14] : memref<16384x4096xf32, #tpu.memory_space<hbm>> -> memref<8x4096xf32, #tpu.memory_space<hbm>>
    %dma_start3A_16 = arith.constant 0 : i32
    %dma_start3A_17 = tpu.memref_slice %arg2[%add3A_13, %dma_start3A_16] : memref<16384x4096xf32, #tpu.memory_space<hbm>> -> memref<8x4096xf32, #tpu.memory_space<hbm>>
    tpu.enqueue_dma source(%dma_start3A_17 : memref<8x4096xf32, #tpu.memory_space<hbm>>) target(%arg8 : memref<8x4096xf32, #tpu.memory_space<vmem>>) target_semaphore(%arg11 : memref<!tpu.dma_semaphore, #tpu.memory_space<semaphore_mem>>)
    %add3A_18 = arith.constant 16 : i32
    %add3A_19 = arith.addi %mul3A_2, %add3A_18 : i32
    %dma_start3A_20 = arith.constant 0 : i32
    %dma_start3A_21 = tpu.memref_slice %arg2[%add3A_19, %dma_start3A_20] : memref<16384x4096xf32, #tpu.memory_space<hbm>> -> memref<8x4096xf32, #tpu.memory_space<hbm>>
    %dma_start3A_22 = arith.constant 0 : i32
    %dma_start3A_23 = tpu.memref_slice %arg2[%add3A_19, %dma_start3A_22] : memref<16384x4096xf32, #tpu.memory_space<hbm>> -> memref<8x4096xf32, #tpu.memory_space<hbm>>
    tpu.enqueue_dma source(%dma_start3A_23 : memref<8x4096xf32, #tpu.memory_space<hbm>>) target(%arg9 : memref<8x4096xf32, #tpu.memory_space<vmem>>) target_semaphore(%arg12 : memref<!tpu.dma_semaphore, #tpu.memory_space<semaphore_mem>>)
    %scan3A = arith.constant 0 : i32
    %scan3A_24 = arith.constant 0 : i32
    %scan3A_25 = arith.constant 21 : i32
    %scan3A_26 = arith.addi %scan3A_24, %scan3A_25 : i32
    %scan3A_27 = arith.constant 1 : i32
    scf.for %scan3A_540 = %scan3A_24 to %scan3A_26 step %scan3A_27  : i32 {
      %mul3A_541 = arith.constant 3 : i32
      %mul3A_542 = arith.muli %scan3A_540, %mul3A_541 : i32
      %add3A_543 = arith.constant 0 : i32
      %add3A_544 = arith.addi %mul3A_542, %add3A_543 : i32
      %add3A_545 = arith.constant 1 : i32
      %add3A_546 = arith.addi %add3A_544, %add3A_545 : i32
      %ge3A = arith.constant 3 : i32
      %ge3A_547 = arith.cmpi sge, %add3A_546, %ge3A : i32
      %lt3A = arith.constant 64 : i32
      %lt3A_548 = arith.cmpi slt, %add3A_546, %lt3A : i32
      %and3A = arith.andi %ge3A_547, %lt3A_548 : i1
      %convert_element_type3A = arith.extui %and3A : i1 to i32
      %cond3A = arith.constant 0 : i32
      %cond3A_549 = arith.cmpi ne, %convert_element_type3A, %cond3A : i32
      scf.if %cond3A_549 {
        %dma_wait3A_2098 = arith.constant 0 : i32
        %dma_wait3A_2099 = tpu.memref_slice %arg4[%mul3A_2, %dma_wait3A_2098] : memref<16384x4096xf32, #tpu.memory_space<hbm>> -> memref<8x4096xf32, #tpu.memory_space<hbm>>
        %dma_wait3A_2100 = arith.constant 0 : i32
        %dma_wait3A_2101 = tpu.memref_slice %arg4[%mul3A_2, %dma_wait3A_2100] : memref<16384x4096xf32, #tpu.memory_space<hbm>> -> memref<8x4096xf32, #tpu.memory_space<hbm>>
        tpu.wait_dma2 semaphore(%arg14 : memref<!tpu.dma_semaphore, #tpu.memory_space<semaphore_mem>>) src(%arg8 : memref<8x4096xf32, #tpu.memory_space<vmem>>) dst(%dma_wait3A_2101 : memref<8x4096xf32, #tpu.memory_space<hbm>>)
        %mul3A_2102 = arith.constant 8 : i32
        %mul3A_2103 = arith.muli %add3A_546, %mul3A_2102 : i32
        %add3A_2104 = arith.addi %mul3A_2, %mul3A_2103 : i32
        %dma_start3A_2105 = arith.constant 0 : i32
        %dma_start3A_2106 = tpu.memref_slice %arg2[%add3A_2104, %dma_start3A_2105] : memref<16384x4096xf32, #tpu.memory_space<hbm>> -> memref<8x4096xf32, #tpu.memory_space<hbm>>
        %dma_start3A_2107 = arith.constant 0 : i32
        %dma_start3A_2108 = tpu.memref_slice %arg2[%add3A_2104, %dma_start3A_2107] : memref<16384x4096xf32, #tpu.memory_space<hbm>> -> memref<8x4096xf32, #tpu.memory_space<hbm>>
        tpu.enqueue_dma source(%dma_start3A_2108 : memref<8x4096xf32, #tpu.memory_space<hbm>>) target(%arg8 : memref<8x4096xf32, #tpu.memory_space<vmem>>) target_semaphore(%arg11 : memref<!tpu.dma_semaphore, #tpu.memory_space<semaphore_mem>>)
      } else {
      }
      %dma_wait3A_550 = arith.constant 0 : i32
      %dma_wait3A_551 = tpu.memref_slice %arg2[%mul3A_2, %dma_wait3A_550] : memref<16384x4096xf32, #tpu.memory_space<hbm>> -> memref<8x4096xf32, #tpu.memory_space<hbm>>
      %dma_wait3A_552 = arith.constant 0 : i32
      %dma_wait3A_553 = tpu.memref_slice %arg2[%mul3A_2, %dma_wait3A_552] : memref<16384x4096xf32, #tpu.memory_space<hbm>> -> memref<8x4096xf32, #tpu.memory_space<hbm>>
      tpu.wait_dma2 semaphore(%arg10 : memref<!tpu.dma_semaphore, #tpu.memory_space<semaphore_mem>>) src(%dma_wait3A_553 : memref<8x4096xf32, #tpu.memory_space<hbm>>) dst(%arg7 : memref<8x4096xf32, #tpu.memory_space<vmem>>)
      %broadcast_in_dim3A_554 = arith.constant 0.000000e+00 : f32
      %broadcast_in_dim3A_555 = vector.broadcast %broadcast_in_dim3A_554 : f32 to vector<16xf32>
      %broadcast_in_dim3A_556 = arith.constant 0.000000e+00 : f32
      %broadcast_in_dim3A_557 = vector.broadcast %broadcast_in_dim3A_556 : f32 to vector<16xf32>
      %broadcast_in_dim3A_558 = arith.constant 0.000000e+00 : f32
      %broadcast_in_dim3A_559 = vector.broadcast %broadcast_in_dim3A_558 : f32 to vector<16xf32>
      %broadcast_in_dim3A_560 = arith.constant 0.000000e+00 : f32
      %broadcast_in_dim3A_561 = vector.broadcast %broadcast_in_dim3A_560 : f32 to vector<16xf32>
      %broadcast_in_dim3A_562 = arith.constant 0.000000e+00 : f32
      %broadcast_in_dim3A_563 = vector.broadcast %broadcast_in_dim3A_562 : f32 to vector<16xf32>
      %broadcast_in_dim3A_564 = arith.constant 0.000000e+00 : f32
      %broadcast_in_dim3A_565 = vector.broadcast %broadcast_in_dim3A_564 : f32 to vector<16xf32>
      %broadcast_in_dim3A_566 = arith.constant 0.000000e+00 : f32
      %broadcast_in_dim3A_567 = vector.broadcast %broadcast_in_dim3A_566 : f32 to vector<16xf32>
      %broadcast_in_dim3A_568 = arith.constant 0.000000e+00 : f32
      %broadcast_in_dim3A_569 = vector.broadcast %broadcast_in_dim3A_568 : f32 to vector<16xf32>
      %parallel_loop3A_570 = arith.constant 0 : i32
      %parallel_loop3A_571 = arith.constant 256 : i32
      %parallel_loop3A_572 = arith.constant 1 : i32
      %parallel_loop3A_573:8 = scf.for %parallel_loop3A_2098 = %parallel_loop3A_570 to %parallel_loop3A_571 step %parallel_loop3A_572 iter_args(%parallel_loop3A_2099 = %broadcast_in_dim3A_555, %parallel_loop3A_2100 = %broadcast_in_dim3A_557, %parallel_loop3A_2101 = %broadcast_in_dim3A_559, %parallel_loop3A_2102 = %broadcast_in_dim3A_561, %parallel_loop3A_2103 = %broadcast_in_dim3A_563, %parallel_loop3A_2104 = %broadcast_in_dim3A_565, %parallel_loop3A_2105 = %broadcast_in_dim3A_567, %parallel_loop3A_2106 = %broadcast_in_dim3A_569) -> (vector<16xf32>, vector<16xf32>, vector<16xf32>, vector<16xf32>, vector<16xf32>, vector<16xf32>, vector<16xf32>, vector<16xf32>)  : i32 {
        %parallel_loop3A_2107 = arith.constant 16 : i32
        %parallel_loop3A_2108 = arith.muli %parallel_loop3A_2098, %parallel_loop3A_2107 : i32
        %parallel_loop3A_2109 = arith.index_cast %parallel_loop3A_2108 : i32 to index
        %parallel_loop3A_2110 = tpu.vector_load %arg6[%parallel_loop3A_2109] {strides = array<i32>} : memref<4096xf32, #tpu.memory_space<vmem>>, vector<16xf32>,
        %parallel_loop3A_2111 = vector.shape_cast %parallel_loop3A_2110 : vector<16xf32> to vector<16xf32>
        %parallel_loop3A_2112 = arith.constant 0 : i32
        %parallel_loop3A_2113 = arith.index_cast %parallel_loop3A_2112 : i32 to index
        %parallel_loop3A_2114 = arith.index_cast %parallel_loop3A_2108 : i32 to index
        %parallel_loop3A_2115 = tpu.vector_load %arg7[%parallel_loop3A_2113, %parallel_loop3A_2114] {strides = array<i32>} : memref<8x4096xf32, #tpu.memory_space<vmem>>, vector<1x16xf32>,
        %parallel_loop3A_2116 = vector.shape_cast %parallel_loop3A_2115 : vector<1x16xf32> to vector<16xf32>
        %parallel_loop3A_2117 = arith.mulf %parallel_loop3A_2116, %parallel_loop3A_2111 : vector<16xf32>
        %parallel_loop3A_2118 = arith.addf %parallel_loop3A_2099, %parallel_loop3A_2117 : vector<16xf32>
        %parallel_loop3A_2119 = arith.constant 1 : i32
        %parallel_loop3A_2120 = arith.index_cast %parallel_loop3A_2119 : i32 to index
        %parallel_loop3A_2121 = arith.index_cast %parallel_loop3A_2108 : i32 to index
        %parallel_loop3A_2122 = tpu.vector_load %arg7[%parallel_loop3A_2120, %parallel_loop3A_2121] {strides = array<i32>} : memref<8x4096xf32, #tpu.memory_space<vmem>>, vector<1x16xf32>,
        %parallel_loop3A_2123 = vector.shape_cast %parallel_loop3A_2122 : vector<1x16xf32> to vector<16xf32>
        %parallel_loop3A_2124 = arith.mulf %parallel_loop3A_2123, %parallel_loop3A_2111 : vector<16xf32>
        %parallel_loop3A_2125 = arith.addf %parallel_loop3A_2100, %parallel_loop3A_2124 : vector<16xf32>
        %parallel_loop3A_2126 = arith.constant 2 : i32
        %parallel_loop3A_2127 = arith.index_cast %parallel_loop3A_2126 : i32 to index
        %parallel_loop3A_2128 = arith.index_cast %parallel_loop3A_2108 : i32 to index
        %parallel_loop3A_2129 = tpu.vector_load %arg7[%parallel_loop3A_2127, %parallel_loop3A_2128] {strides = array<i32>} : memref<8x4096xf32, #tpu.memory_space<vmem>>, vector<1x16xf32>,
        %parallel_loop3A_2130 = vector.shape_cast %parallel_loop3A_2129 : vector<1x16xf32> to vector<16xf32>
        %parallel_loop3A_2131 = arith.mulf %parallel_loop3A_2130, %parallel_loop3A_2111 : vector<16xf32>
        %parallel_loop3A_2132 = arith.addf %parallel_loop3A_2101, %parallel_loop3A_2131 : vector<16xf32>
        %parallel_loop3A_2133 = arith.constant 3 : i32
        %parallel_loop3A_2134 = arith.index_cast %parallel_loop3A_2133 : i32 to index
        %parallel_loop3A_2135 = arith.index_cast %parallel_loop3A_2108 : i32 to index
        %parallel_loop3A_2136 = tpu.vector_load %arg7[%parallel_loop3A_2134, %parallel_loop3A_2135] {strides = array<i32>} : memref<8x4096xf32, #tpu.memory_space<vmem>>, vector<1x16xf32>,
        %parallel_loop3A_2137 = vector.shape_cast %parallel_loop3A_2136 : vector<1x16xf32> to vector<16xf32>
        %parallel_loop3A_2138 = arith.mulf %parallel_loop3A_2137, %parallel_loop3A_2111 : vector<16xf32>
        %parallel_loop3A_2139 = arith.addf %parallel_loop3A_2102, %parallel_loop3A_2138 : vector<16xf32>
        %parallel_loop3A_2140 = arith.constant 4 : i32
        %parallel_loop3A_2141 = arith.index_cast %parallel_loop3A_2140 : i32 to index
        %parallel_loop3A_2142 = arith.index_cast %parallel_loop3A_2108 : i32 to index
        %parallel_loop3A_2143 = tpu.vector_load %arg7[%parallel_loop3A_2141, %parallel_loop3A_2142] {strides = array<i32>} : memref<8x4096xf32, #tpu.memory_space<vmem>>, vector<1x16xf32>,
        %parallel_loop3A_2144 = vector.shape_cast %parallel_loop3A_2143 : vector<1x16xf32> to vector<16xf32>
        %parallel_loop3A_2145 = arith.mulf %parallel_loop3A_2144, %parallel_loop3A_2111 : vector<16xf32>
        %parallel_loop3A_2146 = arith.addf %parallel_loop3A_2103, %parallel_loop3A_2145 : vector<16xf32>
        %parallel_loop3A_2147 = arith.constant 5 : i32
        %parallel_loop3A_2148 = arith.index_cast %parallel_loop3A_2147 : i32 to index
        %parallel_loop3A_2149 = arith.index_cast %parallel_loop3A_2108 : i32 to index
        %parallel_loop3A_2150 = tpu.vector_load %arg7[%parallel_loop3A_2148, %parallel_loop3A_2149] {strides = array<i32>} : memref<8x4096xf32, #tpu.memory_space<vmem>>, vector<1x16xf32>,
        %parallel_loop3A_2151 = vector.shape_cast %parallel_loop3A_2150 : vector<1x16xf32> to vector<16xf32>
        %parallel_loop3A_2152 = arith.mulf %parallel_loop3A_2151, %parallel_loop3A_2111 : vector<16xf32>
        %parallel_loop3A_2153 = arith.addf %parallel_loop3A_2104, %parallel_loop3A_2152 : vector<16xf32>
        %parallel_loop3A_2154 = arith.constant 6 : i32
        %parallel_loop3A_2155 = arith.index_cast %parallel_loop3A_2154 : i32 to index
        %parallel_loop3A_2156 = arith.index_cast %parallel_loop3A_2108 : i32 to index
        %parallel_loop3A_2157 = tpu.vector_load %arg7[%parallel_loop3A_2155, %parallel_loop3A_2156] {strides = array<i32>} : memref<8x4096xf32, #tpu.memory_space<vmem>>, vector<1x16xf32>,
        %parallel_loop3A_2158 = vector.shape_cast %parallel_loop3A_2157 : vector<1x16xf32> to vector<16xf32>
        %parallel_loop3A_2159 = arith.mulf %parallel_loop3A_2158, %parallel_loop3A_2111 : vector<16xf32>
        %parallel_loop3A_2160 = arith.addf %parallel_loop3A_2105, %parallel_loop3A_2159 : vector<16xf32>
        %parallel_loop3A_2161 = arith.constant 7 : i32
        %parallel_loop3A_2162 = arith.index_cast %parallel_loop3A_2161 : i32 to index
        %parallel_loop3A_2163 = arith.index_cast %parallel_loop3A_2108 : i32 to index
        %parallel_loop3A_2164 = tpu.vector_load %arg7[%parallel_loop3A_2162, %parallel_loop3A_2163] {strides = array<i32>} : memref<8x4096xf32, #tpu.memory_space<vmem>>, vector<1x16xf32>,
        %parallel_loop3A_2165 = vector.shape_cast %parallel_loop3A_2164 : vector<1x16xf32> to vector<16xf32>
        %parallel_loop3A_2166 = arith.mulf %parallel_loop3A_2165, %parallel_loop3A_2111 : vector<16xf32>
        %parallel_loop3A_2167 = arith.addf %parallel_loop3A_2106, %parallel_loop3A_2166 : vector<16xf32>
        scf.yield %parallel_loop3A_2118, %parallel_loop3A_2125, %parallel_loop3A_2132, %parallel_loop3A_2139, %parallel_loop3A_2146, %parallel_loop3A_2153, %parallel_loop3A_2160, %parallel_loop3A_2167 : vector<16xf32>, vector<16xf32>, vector<16xf32>, vector<16xf32>, vector<16xf32>, vector<16xf32>, vector<16xf32>, vector<16xf32>
      } {sc.loop_unroll_factor = 4 : i64, sc.parallel_access}
      %slice3A_574 = vector.extract_strided_slice %parallel_loop3A_573#0 {offsets = [0], sizes = [1], strides = [1]} : vector<16xf32> to vector<1xf32>
      %squeeze3A_575 = vector.extract %slice3A_574[0] : f32 from vector<1xf32>
      %slice3A_576 = vector.extract_strided_slice %parallel_loop3A_573#0 {offsets = [1], sizes = [1], strides = [1]} : vector<16xf32> to vector<1xf32>
      %squeeze3A_577 = vector.extract %slice3A_576[0] : f32 from vector<1xf32>
      %slice3A_578 = vector.extract_strided_slice %parallel_loop3A_573#0 {offsets = [2], sizes = [1], strides = [1]} : vector<16xf32> to vector<1xf32>
      %squeeze3A_579 = vector.extract %slice3A_578[0] : f32 from vector<1xf32>
      %slice3A_580 = vector.extract_strided_slice %parallel_loop3A_573#0 {offsets = [3], sizes = [1], strides = [1]} : vector<16xf32> to vector<1xf32>
      %squeeze3A_581 = vector.extract %slice3A_580[0] : f32 from vector<1xf32>
      %slice3A_582 = vector.extract_strided_slice %parallel_loop3A_573#0 {offsets = [4], sizes = [1], strides = [1]} : vector<16xf32> to vector<1xf32>
      %squeeze3A_583 = vector.extract %slice3A_582[0] : f32 from vector<1xf32>
      %slice3A_584 = vector.extract_strided_slice %parallel_loop3A_573#0 {offsets = [5], sizes = [1], strides = [1]} : vector<16xf32> to vector<1xf32>
      %squeeze3A_585 = vector.extract %slice3A_584[0] : f32 from vector<1xf32>
      %slice3A_586 = vector.extract_strided_slice %parallel_loop3A_573#0 {offsets = [6], sizes = [1], strides = [1]} : vector<16xf32> to vector<1xf32>
      %squeeze3A_587 = vector.extract %slice3A_586[0] : f32 from vector<1xf32>
      %slice3A_588 = vector.extract_strided_slice %parallel_loop3A_573#0 {offsets = [7], sizes = [1], strides = [1]} : vector<16xf32> to vector<1xf32>
      %squeeze3A_589 = vector.extract %slice3A_588[0] : f32 from vector<1xf32>
      %slice3A_590 = vector.extract_strided_slice %parallel_loop3A_573#0 {offsets = [8], sizes = [1], strides = [1]} : vector<16xf32> to vector<1xf32>
      %squeeze3A_591 = vector.extract %slice3A_590[0] : f32 from vector<1xf32>
      %slice3A_592 = vector.extract_strided_slice %parallel_loop3A_573#0 {offsets = [9], sizes = [1], strides = [1]} : vector<16xf32> to vector<1xf32>
      %squeeze3A_593 = vector.extract %slice3A_592[0] : f32 from vector<1xf32>
      %slice3A_594 = vector.extract_strided_slice %parallel_loop3A_573#0 {offsets = [10], sizes = [1], strides = [1]} : vector<16xf32> to vector<1xf32>
      %squeeze3A_595 = vector.extract %slice3A_594[0] : f32 from vector<1xf32>
      %slice3A_596 = vector.extract_strided_slice %parallel_loop3A_573#0 {offsets = [11], sizes = [1], strides = [1]} : vector<16xf32> to vector<1xf32>
      %squeeze3A_597 = vector.extract %slice3A_596[0] : f32 from vector<1xf32>
      %slice3A_598 = vector.extract_strided_slice %parallel_loop3A_573#0 {offsets = [12], sizes = [1], strides = [1]} : vector<16xf32> to vector<1xf32>
      %squeeze3A_599 = vector.extract %slice3A_598[0] : f32 from vector<1xf32>
      %slice3A_600 = vector.extract_strided_slice %parallel_loop3A_573#0 {offsets = [13], sizes = [1], strides = [1]} : vector<16xf32> to vector<1xf32>
      %squeeze3A_601 = vector.extract %slice3A_600[0] : f32 from vector<1xf32>
      %slice3A_602 = vector.extract_strided_slice %parallel_loop3A_573#0 {offsets = [14], sizes = [1], strides = [1]} : vector<16xf32> to vector<1xf32>
      %squeeze3A_603 = vector.extract %slice3A_602[0] : f32 from vector<1xf32>
      %slice3A_604 = vector.extract_strided_slice %parallel_loop3A_573#0 {offsets = [15], sizes = [1], strides = [1]} : vector<16xf32> to vector<1xf32>
      %squeeze3A_605 = vector.extract %slice3A_604[0] : f32 from vector<1xf32>
      %add3A_606 = arith.addf %squeeze3A_575, %squeeze3A_577 : f32
      %add3A_607 = arith.addf %squeeze3A_579, %squeeze3A_581 : f32
      %add3A_608 = arith.addf %squeeze3A_583, %squeeze3A_585 : f32
      %add3A_609 = arith.addf %squeeze3A_587, %squeeze3A_589 : f32
      %add3A_610 = arith.addf %squeeze3A_591, %squeeze3A_593 : f32
      %add3A_611 = arith.addf %squeeze3A_595, %squeeze3A_597 : f32
      %add3A_612 = arith.addf %squeeze3A_599, %squeeze3A_601 : f32
      %add3A_613 = arith.addf %squeeze3A_603, %squeeze3A_605 : f32
      %add3A_614 = arith.addf %add3A_606, %add3A_607 : f32
      %add3A_615 = arith.addf %add3A_608, %add3A_609 : f32
      %add3A_616 = arith.addf %add3A_610, %add3A_611 : f32
      %add3A_617 = arith.addf %add3A_612, %add3A_613 : f32
      %add3A_618 = arith.addf %add3A_614, %add3A_615 : f32
      %add3A_619 = arith.addf %add3A_616, %add3A_617 : f32
      %add3A_620 = arith.addf %add3A_618, %add3A_619 : f32
      %broadcast_in_dim3A_621 = vector.broadcast %add3A_620 : f32 to vector<16xf32>
      %abs3A_622 = math.absf %broadcast_in_dim3A_621 : vector<16xf32>
      %neg3A_623 = arith.constant 0.000000e+00 : f32
      %neg3A_624 = vector.broadcast %neg3A_623 : f32 to vector<16xf32>
      %neg3A_625 = arith.subf %neg3A_624, %abs3A_622 : vector<16xf32>
      %exp3A_626 = math.exp %neg3A_625 : vector<16xf32>
      %add3A_627 = arith.constant 1.000000e+00 : f32
      %add3A_628 = vector.broadcast %add3A_627 : f32 to vector<16xf32>
      %add3A_629 = arith.addf %add3A_628, %exp3A_626 : vector<16xf32>
      %div3A_630 = arith.constant 1.000000e+00 : f32
      %div3A_631 = vector.broadcast %div3A_630 : f32 to vector<16xf32>
      %div3A_632 = arith.divf %div3A_631, %add3A_629 : vector<16xf32>
      %slice3A_633 = vector.extract_strided_slice %parallel_loop3A_573#1 {offsets = [0], sizes = [1], strides = [1]} : vector<16xf32> to vector<1xf32>
      %squeeze3A_634 = vector.extract %slice3A_633[0] : f32 from vector<1xf32>
      %slice3A_635 = vector.extract_strided_slice %parallel_loop3A_573#1 {offsets = [1], sizes = [1], strides = [1]} : vector<16xf32> to vector<1xf32>
      %squeeze3A_636 = vector.extract %slice3A_635[0] : f32 from vector<1xf32>
      %slice3A_637 = vector.extract_strided_slice %parallel_loop3A_573#1 {offsets = [2], sizes = [1], strides = [1]} : vector<16xf32> to vector<1xf32>
      %squeeze3A_638 = vector.extract %slice3A_637[0] : f32 from vector<1xf32>
      %slice3A_639 = vector.extract_strided_slice %parallel_loop3A_573#1 {offsets = [3], sizes = [1], strides = [1]} : vector<16xf32> to vector<1xf32>
      %squeeze3A_640 = vector.extract %slice3A_639[0] : f32 from vector<1xf32>
      %slice3A_641 = vector.extract_strided_slice %parallel_loop3A_573#1 {offsets = [4], sizes = [1], strides = [1]} : vector<16xf32> to vector<1xf32>
      %squeeze3A_642 = vector.extract %slice3A_641[0] : f32 from vector<1xf32>
      %slice3A_643 = vector.extract_strided_slice %parallel_loop3A_573#1 {offsets = [5], sizes = [1], strides = [1]} : vector<16xf32> to vector<1xf32>
      %squeeze3A_644 = vector.extract %slice3A_643[0] : f32 from vector<1xf32>
      %slice3A_645 = vector.extract_strided_slice %parallel_loop3A_573#1 {offsets = [6], sizes = [1], strides = [1]} : vector<16xf32> to vector<1xf32>
      %squeeze3A_646 = vector.extract %slice3A_645[0] : f32 from vector<1xf32>
      %slice3A_647 = vector.extract_strided_slice %parallel_loop3A_573#1 {offsets = [7], sizes = [1], strides = [1]} : vector<16xf32> to vector<1xf32>
      %squeeze3A_648 = vector.extract %slice3A_647[0] : f32 from vector<1xf32>
      %slice3A_649 = vector.extract_strided_slice %parallel_loop3A_573#1 {offsets = [8], sizes = [1], strides = [1]} : vector<16xf32> to vector<1xf32>
      %squeeze3A_650 = vector.extract %slice3A_649[0] : f32 from vector<1xf32>
      %slice3A_651 = vector.extract_strided_slice %parallel_loop3A_573#1 {offsets = [9], sizes = [1], strides = [1]} : vector<16xf32> to vector<1xf32>
      %squeeze3A_652 = vector.extract %slice3A_651[0] : f32 from vector<1xf32>
      %slice3A_653 = vector.extract_strided_slice %parallel_loop3A_573#1 {offsets = [10], sizes = [1], strides = [1]} : vector<16xf32> to vector<1xf32>
      %squeeze3A_654 = vector.extract %slice3A_653[0] : f32 from vector<1xf32>
      %slice3A_655 = vector.extract_strided_slice %parallel_loop3A_573#1 {offsets = [11], sizes = [1], strides = [1]} : vector<16xf32> to vector<1xf32>
      %squeeze3A_656 = vector.extract %slice3A_655[0] : f32 from vector<1xf32>
      %slice3A_657 = vector.extract_strided_slice %parallel_loop3A_573#1 {offsets = [12], sizes = [1], strides = [1]} : vector<16xf32> to vector<1xf32>
      %squeeze3A_658 = vector.extract %slice3A_657[0] : f32 from vector<1xf32>
      %slice3A_659 = vector.extract_strided_slice %parallel_loop3A_573#1 {offsets = [13], sizes = [1], strides = [1]} : vector<16xf32> to vector<1xf32>
      %squeeze3A_660 = vector.extract %slice3A_659[0] : f32 from vector<1xf32>
      %slice3A_661 = vector.extract_strided_slice %parallel_loop3A_573#1 {offsets = [14], sizes = [1], strides = [1]} : vector<16xf32> to vector<1xf32>
      %squeeze3A_662 = vector.extract %slice3A_661[0] : f32 from vector<1xf32>
      %slice3A_663 = vector.extract_strided_slice %parallel_loop3A_573#1 {offsets = [15], sizes = [1], strides = [1]} : vector<16xf32> to vector<1xf32>
      %squeeze3A_664 = vector.extract %slice3A_663[0] : f32 from vector<1xf32>
      %add3A_665 = arith.addf %squeeze3A_634, %squeeze3A_636 : f32
      %add3A_666 = arith.addf %squeeze3A_638, %squeeze3A_640 : f32
      %add3A_667 = arith.addf %squeeze3A_642, %squeeze3A_644 : f32
      %add3A_668 = arith.addf %squeeze3A_646, %squeeze3A_648 : f32
      %add3A_669 = arith.addf %squeeze3A_650, %squeeze3A_652 : f32
      %add3A_670 = arith.addf %squeeze3A_654, %squeeze3A_656 : f32
      %add3A_671 = arith.addf %squeeze3A_658, %squeeze3A_660 : f32
      %add3A_672 = arith.addf %squeeze3A_662, %squeeze3A_664 : f32
      %add3A_673 = arith.addf %add3A_665, %add3A_666 : f32
      %add3A_674 = arith.addf %add3A_667, %add3A_668 : f32
      %add3A_675 = arith.addf %add3A_669, %add3A_670 : f32
      %add3A_676 = arith.addf %add3A_671, %add3A_672 : f32
      %add3A_677 = arith.addf %add3A_673, %add3A_674 : f32
      %add3A_678 = arith.addf %add3A_675, %add3A_676 : f32
      %add3A_679 = arith.addf %add3A_677, %add3A_678 : f32
      %broadcast_in_dim3A_680 = vector.broadcast %add3A_679 : f32 to vector<16xf32>
      %abs3A_681 = math.absf %broadcast_in_dim3A_680 : vector<16xf32>
      %neg3A_682 = arith.constant 0.000000e+00 : f32
      %neg3A_683 = vector.broadcast %neg3A_682 : f32 to vector<16xf32>
      %neg3A_684 = arith.subf %neg3A_683, %abs3A_681 : vector<16xf32>
      %exp3A_685 = math.exp %neg3A_684 : vector<16xf32>
      %add3A_686 = arith.constant 1.000000e+00 : f32
      %add3A_687 = vector.broadcast %add3A_686 : f32 to vector<16xf32>
      %add3A_688 = arith.addf %add3A_687, %exp3A_685 : vector<16xf32>
      %div3A_689 = arith.constant 1.000000e+00 : f32
      %div3A_690 = vector.broadcast %div3A_689 : f32 to vector<16xf32>
      %div3A_691 = arith.divf %div3A_690, %add3A_688 : vector<16xf32>
      %slice3A_692 = vector.extract_strided_slice %parallel_loop3A_573#2 {offsets = [0], sizes = [1], strides = [1]} : vector<16xf32> to vector<1xf32>
      %squeeze3A_693 = vector.extract %slice3A_692[0] : f32 from vector<1xf32>
      %slice3A_694 = vector.extract_strided_slice %parallel_loop3A_573#2 {offsets = [1], sizes = [1], strides = [1]} : vector<16xf32> to vector<1xf32>
      %squeeze3A_695 = vector.extract %slice3A_694[0] : f32 from vector<1xf32>
      %slice3A_696 = vector.extract_strided_slice %parallel_loop3A_573#2 {offsets = [2], sizes = [1], strides = [1]} : vector<16xf32> to vector<1xf32>
      %squeeze3A_697 = vector.extract %slice3A_696[0] : f32 from vector<1xf32>
      %slice3A_698 = vector.extract_strided_slice %parallel_loop3A_573#2 {offsets = [3], sizes = [1], strides = [1]} : vector<16xf32> to vector<1xf32>
      %squeeze3A_699 = vector.extract %slice3A_698[0] : f32 from vector<1xf32>
      %slice3A_700 = vector.extract_strided_slice %parallel_loop3A_573#2 {offsets = [4], sizes = [1], strides = [1]} : vector<16xf32> to vector<1xf32>
      %squeeze3A_701 = vector.extract %slice3A_700[0] : f32 from vector<1xf32>
      %slice3A_702 = vector.extract_strided_slice %parallel_loop3A_573#2 {offsets = [5], sizes = [1], strides = [1]} : vector<16xf32> to vector<1xf32>
      %squeeze3A_703 = vector.extract %slice3A_702[0] : f32 from vector<1xf32>
      %slice3A_704 = vector.extract_strided_slice %parallel_loop3A_573#2 {offsets = [6], sizes = [1], strides = [1]} : vector<16xf32> to vector<1xf32>
      %squeeze3A_705 = vector.extract %slice3A_704[0] : f32 from vector<1xf32>
      %slice3A_706 = vector.extract_strided_slice %parallel_loop3A_573#2 {offsets = [7], sizes = [1], strides = [1]} : vector<16xf32> to vector<1xf32>
      %squeeze3A_707 = vector.extract %slice3A_706[0] : f32 from vector<1xf32>
      %slice3A_708 = vector.extract_strided_slice %parallel_loop3A_573#2 {offsets = [8], sizes = [1], strides = [1]} : vector<16xf32> to vector<1xf32>
      %squeeze3A_709 = vector.extract %slice3A_708[0] : f32 from vector<1xf32>
      %slice3A_710 = vector.extract_strided_slice %parallel_loop3A_573#2 {offsets = [9], sizes = [1], strides = [1]} : vector<16xf32> to vector<1xf32>
      %squeeze3A_711 = vector.extract %slice3A_710[0] : f32 from vector<1xf32>
      %slice3A_712 = vector.extract_strided_slice %parallel_loop3A_573#2 {offsets = [10], sizes = [1], strides = [1]} : vector<16xf32> to vector<1xf32>
      %squeeze3A_713 = vector.extract %slice3A_712[0] : f32 from vector<1xf32>
      %slice3A_714 = vector.extract_strided_slice %parallel_loop3A_573#2 {offsets = [11], sizes = [1], strides = [1]} : vector<16xf32> to vector<1xf32>
      %squeeze3A_715 = vector.extract %slice3A_714[0] : f32 from vector<1xf32>
      %slice3A_716 = vector.extract_strided_slice %parallel_loop3A_573#2 {offsets = [12], sizes = [1], strides = [1]} : vector<16xf32> to vector<1xf32>
      %squeeze3A_717 = vector.extract %slice3A_716[0] : f32 from vector<1xf32>
      %slice3A_718 = vector.extract_strided_slice %parallel_loop3A_573#2 {offsets = [13], sizes = [1], strides = [1]} : vector<16xf32> to vector<1xf32>
      %squeeze3A_719 = vector.extract %slice3A_718[0] : f32 from vector<1xf32>
      %slice3A_720 = vector.extract_strided_slice %parallel_loop3A_573#2 {offsets = [14], sizes = [1], strides = [1]} : vector<16xf32> to vector<1xf32>
      %squeeze3A_721 = vector.extract %slice3A_720[0] : f32 from vector<1xf32>
      %slice3A_722 = vector.extract_strided_slice %parallel_loop3A_573#2 {offsets = [15], sizes = [1], strides = [1]} : vector<16xf32> to vector<1xf32>
      %squeeze3A_723 = vector.extract %slice3A_722[0] : f32 from vector<1xf32>
      %add3A_724 = arith.addf %squeeze3A_693, %squeeze3A_695 : f32
      %add3A_725 = arith.addf %squeeze3A_697, %squeeze3A_699 : f32
      %add3A_726 = arith.addf %squeeze3A_701, %squeeze3A_703 : f32
      %add3A_727 = arith.addf %squeeze3A_705, %squeeze3A_707 : f32
      %add3A_728 = arith.addf %squeeze3A_709, %squeeze3A_711 : f32
      %add3A_729 = arith.addf %squeeze3A_713, %squeeze3A_715 : f32
      %add3A_730 = arith.addf %squeeze3A_717, %squeeze3A_719 : f32
      %add3A_731 = arith.addf %squeeze3A_721, %squeeze3A_723 : f32
      %add3A_732 = arith.addf %add3A_724, %add3A_725 : f32
      %add3A_733 = arith.addf %add3A_726, %add3A_727 : f32
      %add3A_734 = arith.addf %add3A_728, %add3A_729 : f32
      %add3A_735 = arith.addf %add3A_730, %add3A_731 : f32
      %add3A_736 = arith.addf %add3A_732, %add3A_733 : f32
      %add3A_737 = arith.addf %add3A_734, %add3A_735 : f32
      %add3A_738 = arith.addf %add3A_736, %add3A_737 : f32
      %broadcast_in_dim3A_739 = vector.broadcast %add3A_738 : f32 to vector<16xf32>
      %abs3A_740 = math.absf %broadcast_in_dim3A_739 : vector<16xf32>
      %neg3A_741 = arith.constant 0.000000e+00 : f32
      %neg3A_742 = vector.broadcast %neg3A_741 : f32 to vector<16xf32>
      %neg3A_743 = arith.subf %neg3A_742, %abs3A_740 : vector<16xf32>
      %exp3A_744 = math.exp %neg3A_743 : vector<16xf32>
      %add3A_745 = arith.constant 1.000000e+00 : f32
      %add3A_746 = vector.broadcast %add3A_745 : f32 to vector<16xf32>
      %add3A_747 = arith.addf %add3A_746, %exp3A_744 : vector<16xf32>
      %div3A_748 = arith.constant 1.000000e+00 : f32
      %div3A_749 = vector.broadcast %div3A_748 : f32 to vector<16xf32>
      %div3A_750 = arith.divf %div3A_749, %add3A_747 : vector<16xf32>
      %slice3A_751 = vector.extract_strided_slice %parallel_loop3A_573#3 {offsets = [0], sizes = [1], strides = [1]} : vector<16xf32> to vector<1xf32>
      %squeeze3A_752 = vector.extract %slice3A_751[0] : f32 from vector<1xf32>
      %slice3A_753 = vector.extract_strided_slice %parallel_loop3A_573#3 {offsets = [1], sizes = [1], strides = [1]} : vector<16xf32> to vector<1xf32>
      %squeeze3A_754 = vector.extract %slice3A_753[0] : f32 from vector<1xf32>
      %slice3A_755 = vector.extract_strided_slice %parallel_loop3A_573#3 {offsets = [2], sizes = [1], strides = [1]} : vector<16xf32> to vector<1xf32>
      %squeeze3A_756 = vector.extract %slice3A_755[0] : f32 from vector<1xf32>
      %slice3A_757 = vector.extract_strided_slice %parallel_loop3A_573#3 {offsets = [3], sizes = [1], strides = [1]} : vector<16xf32> to vector<1xf32>
      %squeeze3A_758 = vector.extract %slice3A_757[0] : f32 from vector<1xf32>
      %slice3A_759 = vector.extract_strided_slice %parallel_loop3A_573#3 {offsets = [4], sizes = [1], strides = [1]} : vector<16xf32> to vector<1xf32>
      %squeeze3A_760 = vector.extract %slice3A_759[0] : f32 from vector<1xf32>
      %slice3A_761 = vector.extract_strided_slice %parallel_loop3A_573#3 {offsets = [5], sizes = [1], strides = [1]} : vector<16xf32> to vector<1xf32>
      %squeeze3A_762 = vector.extract %slice3A_761[0] : f32 from vector<1xf32>
      %slice3A_763 = vector.extract_strided_slice %parallel_loop3A_573#3 {offsets = [6], sizes = [1], strides = [1]} : vector<16xf32> to vector<1xf32>
      %squeeze3A_764 = vector.extract %slice3A_763[0] : f32 from vector<1xf32>
      %slice3A_765 = vector.extract_strided_slice %parallel_loop3A_573#3 {offsets = [7], sizes = [1], strides = [1]} : vector<16xf32> to vector<1xf32>
      %squeeze3A_766 = vector.extract %slice3A_765[0] : f32 from vector<1xf32>
      %slice3A_767 = vector.extract_strided_slice %parallel_loop3A_573#3 {offsets = [8], sizes = [1], strides = [1]} : vector<16xf32> to vector<1xf32>
      %squeeze3A_768 = vector.extract %slice3A_767[0] : f32 from vector<1xf32>
      %slice3A_769 = vector.extract_strided_slice %parallel_loop3A_573#3 {offsets = [9], sizes = [1], strides = [1]} : vector<16xf32> to vector<1xf32>
      %squeeze3A_770 = vector.extract %slice3A_769[0] : f32 from vector<1xf32>
      %slice3A_771 = vector.extract_strided_slice %parallel_loop3A_573#3 {offsets = [10], sizes = [1], strides = [1]} : vector<16xf32> to vector<1xf32>
      %squeeze3A_772 = vector.extract %slice3A_771[0] : f32 from vector<1xf32>
      %slice3A_773 = vector.extract_strided_slice %parallel_loop3A_573#3 {offsets = [11], sizes = [1], strides = [1]} : vector<16xf32> to vector<1xf32>
      %squeeze3A_774 = vector.extract %slice3A_773[0] : f32 from vector<1xf32>
      %slice3A_775 = vector.extract_strided_slice %parallel_loop3A_573#3 {offsets = [12], sizes = [1], strides = [1]} : vector<16xf32> to vector<1xf32>
      %squeeze3A_776 = vector.extract %slice3A_775[0] : f32 from vector<1xf32>
      %slice3A_777 = vector.extract_strided_slice %parallel_loop3A_573#3 {offsets = [13], sizes = [1], strides = [1]} : vector<16xf32> to vector<1xf32>
      %squeeze3A_778 = vector.extract %slice3A_777[0] : f32 from vector<1xf32>
      %slice3A_779 = vector.extract_strided_slice %parallel_loop3A_573#3 {offsets = [14], sizes = [1], strides = [1]} : vector<16xf32> to vector<1xf32>
      %squeeze3A_780 = vector.extract %slice3A_779[0] : f32 from vector<1xf32>
      %slice3A_781 = vector.extract_strided_slice %parallel_loop3A_573#3 {offsets = [15], sizes = [1], strides = [1]} : vector<16xf32> to vector<1xf32>
      %squeeze3A_782 = vector.extract %slice3A_781[0] : f32 from vector<1xf32>
      %add3A_783 = arith.addf %squeeze3A_752, %squeeze3A_754 : f32
      %add3A_784 = arith.addf %squeeze3A_756, %squeeze3A_758 : f32
      %add3A_785 = arith.addf %squeeze3A_760, %squeeze3A_762 : f32
      %add3A_786 = arith.addf %squeeze3A_764, %squeeze3A_766 : f32
      %add3A_787 = arith.addf %squeeze3A_768, %squeeze3A_770 : f32
      %add3A_788 = arith.addf %squeeze3A_772, %squeeze3A_774 : f32
      %add3A_789 = arith.addf %squeeze3A_776, %squeeze3A_778 : f32
      %add3A_790 = arith.addf %squeeze3A_780, %squeeze3A_782 : f32
      %add3A_791 = arith.addf %add3A_783, %add3A_784 : f32
      %add3A_792 = arith.addf %add3A_785, %add3A_786 : f32
      %add3A_793 = arith.addf %add3A_787, %add3A_788 : f32
      %add3A_794 = arith.addf %add3A_789, %add3A_790 : f32
      %add3A_795 = arith.addf %add3A_791, %add3A_792 : f32
      %add3A_796 = arith.addf %add3A_793, %add3A_794 : f32
      %add3A_797 = arith.addf %add3A_795, %add3A_796 : f32
      %broadcast_in_dim3A_798 = vector.broadcast %add3A_797 : f32 to vector<16xf32>
      %abs3A_799 = math.absf %broadcast_in_dim3A_798 : vector<16xf32>
      %neg3A_800 = arith.constant 0.000000e+00 : f32
      %neg3A_801 = vector.broadcast %neg3A_800 : f32 to vector<16xf32>
      %neg3A_802 = arith.subf %neg3A_801, %abs3A_799 : vector<16xf32>
      %exp3A_803 = math.exp %neg3A_802 : vector<16xf32>
      %add3A_804 = arith.constant 1.000000e+00 : f32
      %add3A_805 = vector.broadcast %add3A_804 : f32 to vector<16xf32>
      %add3A_806 = arith.addf %add3A_805, %exp3A_803 : vector<16xf32>
      %div3A_807 = arith.constant 1.000000e+00 : f32
      %div3A_808 = vector.broadcast %div3A_807 : f32 to vector<16xf32>
      %div3A_809 = arith.divf %div3A_808, %add3A_806 : vector<16xf32>
      %slice3A_810 = vector.extract_strided_slice %parallel_loop3A_573#4 {offsets = [0], sizes = [1], strides = [1]} : vector<16xf32> to vector<1xf32>
      %squeeze3A_811 = vector.extract %slice3A_810[0] : f32 from vector<1xf32>
      %slice3A_812 = vector.extract_strided_slice %parallel_loop3A_573#4 {offsets = [1], sizes = [1], strides = [1]} : vector<16xf32> to vector<1xf32>
      %squeeze3A_813 = vector.extract %slice3A_812[0] : f32 from vector<1xf32>
      %slice3A_814 = vector.extract_strided_slice %parallel_loop3A_573#4 {offsets = [2], sizes = [1], strides = [1]} : vector<16xf32> to vector<1xf32>
      %squeeze3A_815 = vector.extract %slice3A_814[0] : f32 from vector<1xf32>
      %slice3A_816 = vector.extract_strided_slice %parallel_loop3A_573#4 {offsets = [3], sizes = [1], strides = [1]} : vector<16xf32> to vector<1xf32>
      %squeeze3A_817 = vector.extract %slice3A_816[0] : f32 from vector<1xf32>
      %slice3A_818 = vector.extract_strided_slice %parallel_loop3A_573#4 {offsets = [4], sizes = [1], strides = [1]} : vector<16xf32> to vector<1xf32>
      %squeeze3A_819 = vector.extract %slice3A_818[0] : f32 from vector<1xf32>
      %slice3A_820 = vector.extract_strided_slice %parallel_loop3A_573#4 {offsets = [5], sizes = [1], strides = [1]} : vector<16xf32> to vector<1xf32>
      %squeeze3A_821 = vector.extract %slice3A_820[0] : f32 from vector<1xf32>
      %slice3A_822 = vector.extract_strided_slice %parallel_loop3A_573#4 {offsets = [6], sizes = [1], strides = [1]} : vector<16xf32> to vector<1xf32>
      %squeeze3A_823 = vector.extract %slice3A_822[0] : f32 from vector<1xf32>
      %slice3A_824 = vector.extract_strided_slice %parallel_loop3A_573#4 {offsets = [7], sizes = [1], strides = [1]} : vector<16xf32> to vector<1xf32>
      %squeeze3A_825 = vector.extract %slice3A_824[0] : f32 from vector<1xf32>
      %slice3A_826 = vector.extract_strided_slice %parallel_loop3A_573#4 {offsets = [8], sizes = [1], strides = [1]} : vector<16xf32> to vector<1xf32>
      %squeeze3A_827 = vector.extract %slice3A_826[0] : f32 from vector<1xf32>
      %slice3A_828 = vector.extract_strided_slice %parallel_loop3A_573#4 {offsets = [9], sizes = [1], strides = [1]} : vector<16xf32> to vector<1xf32>
      %squeeze3A_829 = vector.extract %slice3A_828[0] : f32 from vector<1xf32>
      %slice3A_830 = vector.extract_strided_slice %parallel_loop3A_573#4 {offsets = [10], sizes = [1], strides = [1]} : vector<16xf32> to vector<1xf32>
      %squeeze3A_831 = vector.extract %slice3A_830[0] : f32 from vector<1xf32>
      %slice3A_832 = vector.extract_strided_slice %parallel_loop3A_573#4 {offsets = [11], sizes = [1], strides = [1]} : vector<16xf32> to vector<1xf32>
      %squeeze3A_833 = vector.extract %slice3A_832[0] : f32 from vector<1xf32>
      %slice3A_834 = vector.extract_strided_slice %parallel_loop3A_573#4 {offsets = [12], sizes = [1], strides = [1]} : vector<16xf32> to vector<1xf32>
      %squeeze3A_835 = vector.extract %slice3A_834[0] : f32 from vector<1xf32>
      %slice3A_836 = vector.extract_strided_slice %parallel_loop3A_573#4 {offsets = [13], sizes = [1], strides = [1]} : vector<16xf32> to vector<1xf32>
      %squeeze3A_837 = vector.extract %slice3A_836[0] : f32 from vector<1xf32>
      %slice3A_838 = vector.extract_strided_slice %parallel_loop3A_573#4 {offsets = [14], sizes = [1], strides = [1]} : vector<16xf32> to vector<1xf32>
      %squeeze3A_839 = vector.extract %slice3A_838[0] : f32 from vector<1xf32>
      %slice3A_840 = vector.extract_strided_slice %parallel_loop3A_573#4 {offsets = [15], sizes = [1], strides = [1]} : vector<16xf32> to vector<1xf32>
      %squeeze3A_841 = vector.extract %slice3A_840[0] : f32 from vector<1xf32>
      %add3A_842 = arith.addf %squeeze3A_811, %squeeze3A_813 : f32
      %add3A_843 = arith.addf %squeeze3A_815, %squeeze3A_817 : f32
      %add3A_844 = arith.addf %squeeze3A_819, %squeeze3A_821 : f32
      %add3A_845 = arith.addf %squeeze3A_823, %squeeze3A_825 : f32
      %add3A_846 = arith.addf %squeeze3A_827, %squeeze3A_829 : f32
      %add3A_847 = arith.addf %squeeze3A_831, %squeeze3A_833 : f32
      %add3A_848 = arith.addf %squeeze3A_835, %squeeze3A_837 : f32
      %add3A_849 = arith.addf %squeeze3A_839, %squeeze3A_841 : f32
      %add3A_850 = arith.addf %add3A_842, %add3A_843 : f32
      %add3A_851 = arith.addf %add3A_844, %add3A_845 : f32
      %add3A_852 = arith.addf %add3A_846, %add3A_847 : f32
      %add3A_853 = arith.addf %add3A_848, %add3A_849 : f32
      %add3A_854 = arith.addf %add3A_850, %add3A_851 : f32
      %add3A_855 = arith.addf %add3A_852, %add3A_853 : f32
      %add3A_856 = arith.addf %add3A_854, %add3A_855 : f32
      %broadcast_in_dim3A_857 = vector.broadcast %add3A_856 : f32 to vector<16xf32>
      %abs3A_858 = math.absf %broadcast_in_dim3A_857 : vector<16xf32>
      %neg3A_859 = arith.constant 0.000000e+00 : f32
      %neg3A_860 = vector.broadcast %neg3A_859 : f32 to vector<16xf32>
      %neg3A_861 = arith.subf %neg3A_860, %abs3A_858 : vector<16xf32>
      %exp3A_862 = math.exp %neg3A_861 : vector<16xf32>
      %add3A_863 = arith.constant 1.000000e+00 : f32
      %add3A_864 = vector.broadcast %add3A_863 : f32 to vector<16xf32>
      %add3A_865 = arith.addf %add3A_864, %exp3A_862 : vector<16xf32>
      %div3A_866 = arith.constant 1.000000e+00 : f32
      %div3A_867 = vector.broadcast %div3A_866 : f32 to vector<16xf32>
      %div3A_868 = arith.divf %div3A_867, %add3A_865 : vector<16xf32>
      %slice3A_869 = vector.extract_strided_slice %parallel_loop3A_573#5 {offsets = [0], sizes = [1], strides = [1]} : vector<16xf32> to vector<1xf32>
      %squeeze3A_870 = vector.extract %slice3A_869[0] : f32 from vector<1xf32>
      %slice3A_871 = vector.extract_strided_slice %parallel_loop3A_573#5 {offsets = [1], sizes = [1], strides = [1]} : vector<16xf32> to vector<1xf32>
      %squeeze3A_872 = vector.extract %slice3A_871[0] : f32 from vector<1xf32>
      %slice3A_873 = vector.extract_strided_slice %parallel_loop3A_573#5 {offsets = [2], sizes = [1], strides = [1]} : vector<16xf32> to vector<1xf32>
      %squeeze3A_874 = vector.extract %slice3A_873[0] : f32 from vector<1xf32>
      %slice3A_875 = vector.extract_strided_slice %parallel_loop3A_573#5 {offsets = [3], sizes = [1], strides = [1]} : vector<16xf32> to vector<1xf32>
      %squeeze3A_876 = vector.extract %slice3A_875[0] : f32 from vector<1xf32>
      %slice3A_877 = vector.extract_strided_slice %parallel_loop3A_573#5 {offsets = [4], sizes = [1], strides = [1]} : vector<16xf32> to vector<1xf32>
      %squeeze3A_878 = vector.extract %slice3A_877[0] : f32 from vector<1xf32>
      %slice3A_879 = vector.extract_strided_slice %parallel_loop3A_573#5 {offsets = [5], sizes = [1], strides = [1]} : vector<16xf32> to vector<1xf32>
      %squeeze3A_880 = vector.extract %slice3A_879[0] : f32 from vector<1xf32>
      %slice3A_881 = vector.extract_strided_slice %parallel_loop3A_573#5 {offsets = [6], sizes = [1], strides = [1]} : vector<16xf32> to vector<1xf32>
      %squeeze3A_882 = vector.extract %slice3A_881[0] : f32 from vector<1xf32>
      %slice3A_883 = vector.extract_strided_slice %parallel_loop3A_573#5 {offsets = [7], sizes = [1], strides = [1]} : vector<16xf32> to vector<1xf32>
      %squeeze3A_884 = vector.extract %slice3A_883[0] : f32 from vector<1xf32>
      %slice3A_885 = vector.extract_strided_slice %parallel_loop3A_573#5 {offsets = [8], sizes = [1], strides = [1]} : vector<16xf32> to vector<1xf32>
      %squeeze3A_886 = vector.extract %slice3A_885[0] : f32 from vector<1xf32>
      %slice3A_887 = vector.extract_strided_slice %parallel_loop3A_573#5 {offsets = [9], sizes = [1], strides = [1]} : vector<16xf32> to vector<1xf32>
      %squeeze3A_888 = vector.extract %slice3A_887[0] : f32 from vector<1xf32>
      %slice3A_889 = vector.extract_strided_slice %parallel_loop3A_573#5 {offsets = [10], sizes = [1], strides = [1]} : vector<16xf32> to vector<1xf32>
      %squeeze3A_890 = vector.extract %slice3A_889[0] : f32 from vector<1xf32>
      %slice3A_891 = vector.extract_strided_slice %parallel_loop3A_573#5 {offsets = [11], sizes = [1], strides = [1]} : vector<16xf32> to vector<1xf32>
      %squeeze3A_892 = vector.extract %slice3A_891[0] : f32 from vector<1xf32>
      %slice3A_893 = vector.extract_strided_slice %parallel_loop3A_573#5 {offsets = [12], sizes = [1], strides = [1]} : vector<16xf32> to vector<1xf32>
      %squeeze3A_894 = vector.extract %slice3A_893[0] : f32 from vector<1xf32>
      %slice3A_895 = vector.extract_strided_slice %parallel_loop3A_573#5 {offsets = [13], sizes = [1], strides = [1]} : vector<16xf32> to vector<1xf32>
      %squeeze3A_896 = vector.extract %slice3A_895[0] : f32 from vector<1xf32>
      %slice3A_897 = vector.extract_strided_slice %parallel_loop3A_573#5 {offsets = [14], sizes = [1], strides = [1]} : vector<16xf32> to vector<1xf32>
      %squeeze3A_898 = vector.extract %slice3A_897[0] : f32 from vector<1xf32>
      %slice3A_899 = vector.extract_strided_slice %parallel_loop3A_573#5 {offsets = [15], sizes = [1], strides = [1]} : vector<16xf32> to vector<1xf32>
      %squeeze3A_900 = vector.extract %slice3A_899[0] : f32 from vector<1xf32>
      %add3A_901 = arith.addf %squeeze3A_870, %squeeze3A_872 : f32
      %add3A_902 = arith.addf %squeeze3A_874, %squeeze3A_876 : f32
      %add3A_903 = arith.addf %squeeze3A_878, %squeeze3A_880 : f32
      %add3A_904 = arith.addf %squeeze3A_882, %squeeze3A_884 : f32
      %add3A_905 = arith.addf %squeeze3A_886, %squeeze3A_888 : f32
      %add3A_906 = arith.addf %squeeze3A_890, %squeeze3A_892 : f32
      %add3A_907 = arith.addf %squeeze3A_894, %squeeze3A_896 : f32
      %add3A_908 = arith.addf %squeeze3A_898, %squeeze3A_900 : f32
      %add3A_909 = arith.addf %add3A_901, %add3A_902 : f32
      %add3A_910 = arith.addf %add3A_903, %add3A_904 : f32
      %add3A_911 = arith.addf %add3A_905, %add3A_906 : f32
      %add3A_912 = arith.addf %add3A_907, %add3A_908 : f32
      %add3A_913 = arith.addf %add3A_909, %add3A_910 : f32
      %add3A_914 = arith.addf %add3A_911, %add3A_912 : f32
      %add3A_915 = arith.addf %add3A_913, %add3A_914 : f32
      %broadcast_in_dim3A_916 = vector.broadcast %add3A_915 : f32 to vector<16xf32>
      %abs3A_917 = math.absf %broadcast_in_dim3A_916 : vector<16xf32>
      %neg3A_918 = arith.constant 0.000000e+00 : f32
      %neg3A_919 = vector.broadcast %neg3A_918 : f32 to vector<16xf32>
      %neg3A_920 = arith.subf %neg3A_919, %abs3A_917 : vector<16xf32>
      %exp3A_921 = math.exp %neg3A_920 : vector<16xf32>
      %add3A_922 = arith.constant 1.000000e+00 : f32
      %add3A_923 = vector.broadcast %add3A_922 : f32 to vector<16xf32>
      %add3A_924 = arith.addf %add3A_923, %exp3A_921 : vector<16xf32>
      %div3A_925 = arith.constant 1.000000e+00 : f32
      %div3A_926 = vector.broadcast %div3A_925 : f32 to vector<16xf32>
      %div3A_927 = arith.divf %div3A_926, %add3A_924 : vector<16xf32>
      %slice3A_928 = vector.extract_strided_slice %parallel_loop3A_573#6 {offsets = [0], sizes = [1], strides = [1]} : vector<16xf32> to vector<1xf32>
      %squeeze3A_929 = vector.extract %slice3A_928[0] : f32 from vector<1xf32>
      %slice3A_930 = vector.extract_strided_slice %parallel_loop3A_573#6 {offsets = [1], sizes = [1], strides = [1]} : vector<16xf32> to vector<1xf32>
      %squeeze3A_931 = vector.extract %slice3A_930[0] : f32 from vector<1xf32>
      %slice3A_932 = vector.extract_strided_slice %parallel_loop3A_573#6 {offsets = [2], sizes = [1], strides = [1]} : vector<16xf32> to vector<1xf32>
      %squeeze3A_933 = vector.extract %slice3A_932[0] : f32 from vector<1xf32>
      %slice3A_934 = vector.extract_strided_slice %parallel_loop3A_573#6 {offsets = [3], sizes = [1], strides = [1]} : vector<16xf32> to vector<1xf32>
      %squeeze3A_935 = vector.extract %slice3A_934[0] : f32 from vector<1xf32>
      %slice3A_936 = vector.extract_strided_slice %parallel_loop3A_573#6 {offsets = [4], sizes = [1], strides = [1]} : vector<16xf32> to vector<1xf32>
      %squeeze3A_937 = vector.extract %slice3A_936[0] : f32 from vector<1xf32>
      %slice3A_938 = vector.extract_strided_slice %parallel_loop3A_573#6 {offsets = [5], sizes = [1], strides = [1]} : vector<16xf32> to vector<1xf32>
      %squeeze3A_939 = vector.extract %slice3A_938[0] : f32 from vector<1xf32>
      %slice3A_940 = vector.extract_strided_slice %parallel_loop3A_573#6 {offsets = [6], sizes = [1], strides = [1]} : vector<16xf32> to vector<1xf32>
      %squeeze3A_941 = vector.extract %slice3A_940[0] : f32 from vector<1xf32>
      %slice3A_942 = vector.extract_strided_slice %parallel_loop3A_573#6 {offsets = [7], sizes = [1], strides = [1]} : vector<16xf32> to vector<1xf32>
      %squeeze3A_943 = vector.extract %slice3A_942[0] : f32 from vector<1xf32>
      %slice3A_944 = vector.extract_strided_slice %parallel_loop3A_573#6 {offsets = [8], sizes = [1], strides = [1]} : vector<16xf32> to vector<1xf32>
      %squeeze3A_945 = vector.extract %slice3A_944[0] : f32 from vector<1xf32>
      %slice3A_946 = vector.extract_strided_slice %parallel_loop3A_573#6 {offsets = [9], sizes = [1], strides = [1]} : vector<16xf32> to vector<1xf32>
      %squeeze3A_947 = vector.extract %slice3A_946[0] : f32 from vector<1xf32>
      %slice3A_948 = vector.extract_strided_slice %parallel_loop3A_573#6 {offsets = [10], sizes = [1], strides = [1]} : vector<16xf32> to vector<1xf32>
      %squeeze3A_949 = vector.extract %slice3A_948[0] : f32 from vector<1xf32>
      %slice3A_950 = vector.extract_strided_slice %parallel_loop3A_573#6 {offsets = [11], sizes = [1], strides = [1]} : vector<16xf32> to vector<1xf32>
      %squeeze3A_951 = vector.extract %slice3A_950[0] : f32 from vector<1xf32>
      %slice3A_952 = vector.extract_strided_slice %parallel_loop3A_573#6 {offsets = [12], sizes = [1], strides = [1]} : vector<16xf32> to vector<1xf32>
      %squeeze3A_953 = vector.extract %slice3A_952[0] : f32 from vector<1xf32>
      %slice3A_954 = vector.extract_strided_slice %parallel_loop3A_573#6 {offsets = [13], sizes = [1], strides = [1]} : vector<16xf32> to vector<1xf32>
      %squeeze3A_955 = vector.extract %slice3A_954[0] : f32 from vector<1xf32>
      %slice3A_956 = vector.extract_strided_slice %parallel_loop3A_573#6 {offsets = [14], sizes = [1], strides = [1]} : vector<16xf32> to vector<1xf32>
      %squeeze3A_957 = vector.extract %slice3A_956[0] : f32 from vector<1xf32>
      %slice3A_958 = vector.extract_strided_slice %parallel_loop3A_573#6 {offsets = [15], sizes = [1], strides = [1]} : vector<16xf32> to vector<1xf32>
      %squeeze3A_959 = vector.extract %slice3A_958[0] : f32 from vector<1xf32>
      %add3A_960 = arith.addf %squeeze3A_929, %squeeze3A_931 : f32
      %add3A_961 = arith.addf %squeeze3A_933, %squeeze3A_935 : f32
      %add3A_962 = arith.addf %squeeze3A_937, %squeeze3A_939 : f32
      %add3A_963 = arith.addf %squeeze3A_941, %squeeze3A_943 : f32
      %add3A_964 = arith.addf %squeeze3A_945, %squeeze3A_947 : f32
      %add3A_965 = arith.addf %squeeze3A_949, %squeeze3A_951 : f32
      %add3A_966 = arith.addf %squeeze3A_953, %squeeze3A_955 : f32
      %add3A_967 = arith.addf %squeeze3A_957, %squeeze3A_959 : f32
      %add3A_968 = arith.addf %add3A_960, %add3A_961 : f32
      %add3A_969 = arith.addf %add3A_962, %add3A_963 : f32
      %add3A_970 = arith.addf %add3A_964, %add3A_965 : f32
      %add3A_971 = arith.addf %add3A_966, %add3A_967 : f32
      %add3A_972 = arith.addf %add3A_968, %add3A_969 : f32
      %add3A_973 = arith.addf %add3A_970, %add3A_971 : f32
      %add3A_974 = arith.addf %add3A_972, %add3A_973 : f32
      %broadcast_in_dim3A_975 = vector.broadcast %add3A_974 : f32 to vector<16xf32>
      %abs3A_976 = math.absf %broadcast_in_dim3A_975 : vector<16xf32>
      %neg3A_977 = arith.constant 0.000000e+00 : f32
      %neg3A_978 = vector.broadcast %neg3A_977 : f32 to vector<16xf32>
      %neg3A_979 = arith.subf %neg3A_978, %abs3A_976 : vector<16xf32>
      %exp3A_980 = math.exp %neg3A_979 : vector<16xf32>
      %add3A_981 = arith.constant 1.000000e+00 : f32
      %add3A_982 = vector.broadcast %add3A_981 : f32 to vector<16xf32>
      %add3A_983 = arith.addf %add3A_982, %exp3A_980 : vector<16xf32>
      %div3A_984 = arith.constant 1.000000e+00 : f32
      %div3A_985 = vector.broadcast %div3A_984 : f32 to vector<16xf32>
      %div3A_986 = arith.divf %div3A_985, %add3A_983 : vector<16xf32>
      %slice3A_987 = vector.extract_strided_slice %parallel_loop3A_573#7 {offsets = [0], sizes = [1], strides = [1]} : vector<16xf32> to vector<1xf32>
      %squeeze3A_988 = vector.extract %slice3A_987[0] : f32 from vector<1xf32>
      %slice3A_989 = vector.extract_strided_slice %parallel_loop3A_573#7 {offsets = [1], sizes = [1], strides = [1]} : vector<16xf32> to vector<1xf32>
      %squeeze3A_990 = vector.extract %slice3A_989[0] : f32 from vector<1xf32>
      %slice3A_991 = vector.extract_strided_slice %parallel_loop3A_573#7 {offsets = [2], sizes = [1], strides = [1]} : vector<16xf32> to vector<1xf32>
      %squeeze3A_992 = vector.extract %slice3A_991[0] : f32 from vector<1xf32>
      %slice3A_993 = vector.extract_strided_slice %parallel_loop3A_573#7 {offsets = [3], sizes = [1], strides = [1]} : vector<16xf32> to vector<1xf32>
      %squeeze3A_994 = vector.extract %slice3A_993[0] : f32 from vector<1xf32>
      %slice3A_995 = vector.extract_strided_slice %parallel_loop3A_573#7 {offsets = [4], sizes = [1], strides = [1]} : vector<16xf32> to vector<1xf32>
      %squeeze3A_996 = vector.extract %slice3A_995[0] : f32 from vector<1xf32>
      %slice3A_997 = vector.extract_strided_slice %parallel_loop3A_573#7 {offsets = [5], sizes = [1], strides = [1]} : vector<16xf32> to vector<1xf32>
      %squeeze3A_998 = vector.extract %slice3A_997[0] : f32 from vector<1xf32>
      %slice3A_999 = vector.extract_strided_slice %parallel_loop3A_573#7 {offsets = [6], sizes = [1], strides = [1]} : vector<16xf32> to vector<1xf32>
      %squeeze3A_1000 = vector.extract %slice3A_999[0] : f32 from vector<1xf32>
      %slice3A_1001 = vector.extract_strided_slice %parallel_loop3A_573#7 {offsets = [7], sizes = [1], strides = [1]} : vector<16xf32> to vector<1xf32>
      %squeeze3A_1002 = vector.extract %slice3A_1001[0] : f32 from vector<1xf32>
      %slice3A_1003 = vector.extract_strided_slice %parallel_loop3A_573#7 {offsets = [8], sizes = [1], strides = [1]} : vector<16xf32> to vector<1xf32>
      %squeeze3A_1004 = vector.extract %slice3A_1003[0] : f32 from vector<1xf32>
      %slice3A_1005 = vector.extract_strided_slice %parallel_loop3A_573#7 {offsets = [9], sizes = [1], strides = [1]} : vector<16xf32> to vector<1xf32>
      %squeeze3A_1006 = vector.extract %slice3A_1005[0] : f32 from vector<1xf32>
      %slice3A_1007 = vector.extract_strided_slice %parallel_loop3A_573#7 {offsets = [10], sizes = [1], strides = [1]} : vector<16xf32> to vector<1xf32>
      %squeeze3A_1008 = vector.extract %slice3A_1007[0] : f32 from vector<1xf32>
      %slice3A_1009 = vector.extract_strided_slice %parallel_loop3A_573#7 {offsets = [11], sizes = [1], strides = [1]} : vector<16xf32> to vector<1xf32>
      %squeeze3A_1010 = vector.extract %slice3A_1009[0] : f32 from vector<1xf32>
      %slice3A_1011 = vector.extract_strided_slice %parallel_loop3A_573#7 {offsets = [12], sizes = [1], strides = [1]} : vector<16xf32> to vector<1xf32>
      %squeeze3A_1012 = vector.extract %slice3A_1011[0] : f32 from vector<1xf32>
      %slice3A_1013 = vector.extract_strided_slice %parallel_loop3A_573#7 {offsets = [13], sizes = [1], strides = [1]} : vector<16xf32> to vector<1xf32>
      %squeeze3A_1014 = vector.extract %slice3A_1013[0] : f32 from vector<1xf32>
      %slice3A_1015 = vector.extract_strided_slice %parallel_loop3A_573#7 {offsets = [14], sizes = [1], strides = [1]} : vector<16xf32> to vector<1xf32>
      %squeeze3A_1016 = vector.extract %slice3A_1015[0] : f32 from vector<1xf32>
      %slice3A_1017 = vector.extract_strided_slice %parallel_loop3A_573#7 {offsets = [15], sizes = [1], strides = [1]} : vector<16xf32> to vector<1xf32>
      %squeeze3A_1018 = vector.extract %slice3A_1017[0] : f32 from vector<1xf32>
      %add3A_1019 = arith.addf %squeeze3A_988, %squeeze3A_990 : f32
      %add3A_1020 = arith.addf %squeeze3A_992, %squeeze3A_994 : f32
      %add3A_1021 = arith.addf %squeeze3A_996, %squeeze3A_998 : f32
      %add3A_1022 = arith.addf %squeeze3A_1000, %squeeze3A_1002 : f32
      %add3A_1023 = arith.addf %squeeze3A_1004, %squeeze3A_1006 : f32
      %add3A_1024 = arith.addf %squeeze3A_1008, %squeeze3A_1010 : f32
      %add3A_1025 = arith.addf %squeeze3A_1012, %squeeze3A_1014 : f32
      %add3A_1026 = arith.addf %squeeze3A_1016, %squeeze3A_1018 : f32
      %add3A_1027 = arith.addf %add3A_1019, %add3A_1020 : f32
      %add3A_1028 = arith.addf %add3A_1021, %add3A_1022 : f32
      %add3A_1029 = arith.addf %add3A_1023, %add3A_1024 : f32
      %add3A_1030 = arith.addf %add3A_1025, %add3A_1026 : f32
      %add3A_1031 = arith.addf %add3A_1027, %add3A_1028 : f32
      %add3A_1032 = arith.addf %add3A_1029, %add3A_1030 : f32
      %add3A_1033 = arith.addf %add3A_1031, %add3A_1032 : f32
      %broadcast_in_dim3A_1034 = vector.broadcast %add3A_1033 : f32 to vector<16xf32>
      %abs3A_1035 = math.absf %broadcast_in_dim3A_1034 : vector<16xf32>
      %neg3A_1036 = arith.constant 0.000000e+00 : f32
      %neg3A_1037 = vector.broadcast %neg3A_1036 : f32 to vector<16xf32>
      %neg3A_1038 = arith.subf %neg3A_1037, %abs3A_1035 : vector<16xf32>
      %exp3A_1039 = math.exp %neg3A_1038 : vector<16xf32>
      %add3A_1040 = arith.constant 1.000000e+00 : f32
      %add3A_1041 = vector.broadcast %add3A_1040 : f32 to vector<16xf32>
      %add3A_1042 = arith.addf %add3A_1041, %exp3A_1039 : vector<16xf32>
      %div3A_1043 = arith.constant 1.000000e+00 : f32
      %div3A_1044 = vector.broadcast %div3A_1043 : f32 to vector<16xf32>
      %div3A_1045 = arith.divf %div3A_1044, %add3A_1042 : vector<16xf32>
      %parallel_loop3A_1046 = arith.constant 0 : i32
      %parallel_loop3A_1047 = arith.constant 256 : i32
      %parallel_loop3A_1048 = arith.constant 1 : i32
      %parallel_loop3A_1049 = arith.constant 0 : i32
      %parallel_loop3A_1050 = scf.for %parallel_loop3A_2098 = %parallel_loop3A_1046 to %parallel_loop3A_1047 step %parallel_loop3A_1048 iter_args(%parallel_loop3A_2099 = %parallel_loop3A_1049) -> (i32)  : i32 {
        %parallel_loop3A_2100 = arith.constant 16 : i32
        %parallel_loop3A_2101 = arith.muli %parallel_loop3A_2098, %parallel_loop3A_2100 : i32
        %parallel_loop3A_2102 = arith.constant 0 : i32
        %parallel_loop3A_2103 = arith.index_cast %parallel_loop3A_2102 : i32 to index
        %parallel_loop3A_2104 = arith.index_cast %parallel_loop3A_2101 : i32 to index
        %parallel_loop3A_2105 = tpu.vector_load %arg7[%parallel_loop3A_2103, %parallel_loop3A_2104] {strides = array<i32>} : memref<8x4096xf32, #tpu.memory_space<vmem>>, vector<1x16xf32>,
        %parallel_loop3A_2106 = vector.shape_cast %parallel_loop3A_2105 : vector<1x16xf32> to vector<16xf32>
        %parallel_loop3A_2107 = arith.mulf %parallel_loop3A_2106, %div3A_632 : vector<16xf32>
        %parallel_loop3A_2108 = arith.constant 0 : i32
        %parallel_loop3A_2109 = arith.index_cast %parallel_loop3A_2108 : i32 to index
        %parallel_loop3A_2110 = arith.index_cast %parallel_loop3A_2101 : i32 to index
        %parallel_loop3A_2111 = tpu.vector_load %arg7[%parallel_loop3A_2109, %parallel_loop3A_2110] {strides = array<i32>} : memref<8x4096xf32, #tpu.memory_space<vmem>>, vector<1x16xf32>,
        %parallel_loop3A_2112 = vector.shape_cast %parallel_loop3A_2111 : vector<1x16xf32> to vector<16xf32>
        %parallel_loop3A_2113 = vector.shape_cast %parallel_loop3A_2107 : vector<16xf32> to vector<1x16xf32>
        tpu.vector_store %arg7[%parallel_loop3A_2109, %parallel_loop3A_2110], %parallel_loop3A_2113 {strides = array<i32>} : memref<8x4096xf32, #tpu.memory_space<vmem>>, vector<1x16xf32>,
        %parallel_loop3A_2114 = arith.constant 1 : i32
        %parallel_loop3A_2115 = arith.index_cast %parallel_loop3A_2114 : i32 to index
        %parallel_loop3A_2116 = arith.index_cast %parallel_loop3A_2101 : i32 to index
        %parallel_loop3A_2117 = tpu.vector_load %arg7[%parallel_loop3A_2115, %parallel_loop3A_2116] {strides = array<i32>} : memref<8x4096xf32, #tpu.memory_space<vmem>>, vector<1x16xf32>,
        %parallel_loop3A_2118 = vector.shape_cast %parallel_loop3A_2117 : vector<1x16xf32> to vector<16xf32>
        %parallel_loop3A_2119 = arith.mulf %parallel_loop3A_2118, %div3A_691 : vector<16xf32>
        %parallel_loop3A_2120 = arith.constant 1 : i32
        %parallel_loop3A_2121 = arith.index_cast %parallel_loop3A_2120 : i32 to index
        %parallel_loop3A_2122 = arith.index_cast %parallel_loop3A_2101 : i32 to index
        %parallel_loop3A_2123 = tpu.vector_load %arg7[%parallel_loop3A_2121, %parallel_loop3A_2122] {strides = array<i32>} : memref<8x4096xf32, #tpu.memory_space<vmem>>, vector<1x16xf32>,
        %parallel_loop3A_2124 = vector.shape_cast %parallel_loop3A_2123 : vector<1x16xf32> to vector<16xf32>
        %parallel_loop3A_2125 = vector.shape_cast %parallel_loop3A_2119 : vector<16xf32> to vector<1x16xf32>
        tpu.vector_store %arg7[%parallel_loop3A_2121, %parallel_loop3A_2122], %parallel_loop3A_2125 {strides = array<i32>} : memref<8x4096xf32, #tpu.memory_space<vmem>>, vector<1x16xf32>,
        %parallel_loop3A_2126 = arith.constant 2 : i32
        %parallel_loop3A_2127 = arith.index_cast %parallel_loop3A_2126 : i32 to index
        %parallel_loop3A_2128 = arith.index_cast %parallel_loop3A_2101 : i32 to index
        %parallel_loop3A_2129 = tpu.vector_load %arg7[%parallel_loop3A_2127, %parallel_loop3A_2128] {strides = array<i32>} : memref<8x4096xf32, #tpu.memory_space<vmem>>, vector<1x16xf32>,
        %parallel_loop3A_2130 = vector.shape_cast %parallel_loop3A_2129 : vector<1x16xf32> to vector<16xf32>
        %parallel_loop3A_2131 = arith.mulf %parallel_loop3A_2130, %div3A_750 : vector<16xf32>
        %parallel_loop3A_2132 = arith.constant 2 : i32
        %parallel_loop3A_2133 = arith.index_cast %parallel_loop3A_2132 : i32 to index
        %parallel_loop3A_2134 = arith.index_cast %parallel_loop3A_2101 : i32 to index
        %parallel_loop3A_2135 = tpu.vector_load %arg7[%parallel_loop3A_2133, %parallel_loop3A_2134] {strides = array<i32>} : memref<8x4096xf32, #tpu.memory_space<vmem>>, vector<1x16xf32>,
        %parallel_loop3A_2136 = vector.shape_cast %parallel_loop3A_2135 : vector<1x16xf32> to vector<16xf32>
        %parallel_loop3A_2137 = vector.shape_cast %parallel_loop3A_2131 : vector<16xf32> to vector<1x16xf32>
        tpu.vector_store %arg7[%parallel_loop3A_2133, %parallel_loop3A_2134], %parallel_loop3A_2137 {strides = array<i32>} : memref<8x4096xf32, #tpu.memory_space<vmem>>, vector<1x16xf32>,
        %parallel_loop3A_2138 = arith.constant 3 : i32
        %parallel_loop3A_2139 = arith.index_cast %parallel_loop3A_2138 : i32 to index
        %parallel_loop3A_2140 = arith.index_cast %parallel_loop3A_2101 : i32 to index
        %parallel_loop3A_2141 = tpu.vector_load %arg7[%parallel_loop3A_2139, %parallel_loop3A_2140] {strides = array<i32>} : memref<8x4096xf32, #tpu.memory_space<vmem>>, vector<1x16xf32>,
        %parallel_loop3A_2142 = vector.shape_cast %parallel_loop3A_2141 : vector<1x16xf32> to vector<16xf32>
        %parallel_loop3A_2143 = arith.mulf %parallel_loop3A_2142, %div3A_809 : vector<16xf32>
        %parallel_loop3A_2144 = arith.constant 3 : i32
        %parallel_loop3A_2145 = arith.index_cast %parallel_loop3A_2144 : i32 to index
        %parallel_loop3A_2146 = arith.index_cast %parallel_loop3A_2101 : i32 to index
        %parallel_loop3A_2147 = tpu.vector_load %arg7[%parallel_loop3A_2145, %parallel_loop3A_2146] {strides = array<i32>} : memref<8x4096xf32, #tpu.memory_space<vmem>>, vector<1x16xf32>,
        %parallel_loop3A_2148 = vector.shape_cast %parallel_loop3A_2147 : vector<1x16xf32> to vector<16xf32>
        %parallel_loop3A_2149 = vector.shape_cast %parallel_loop3A_2143 : vector<16xf32> to vector<1x16xf32>
        tpu.vector_store %arg7[%parallel_loop3A_2145, %parallel_loop3A_2146], %parallel_loop3A_2149 {strides = array<i32>} : memref<8x4096xf32, #tpu.memory_space<vmem>>, vector<1x16xf32>,
        %parallel_loop3A_2150 = arith.constant 4 : i32
        %parallel_loop3A_2151 = arith.index_cast %parallel_loop3A_2150 : i32 to index
        %parallel_loop3A_2152 = arith.index_cast %parallel_loop3A_2101 : i32 to index
        %parallel_loop3A_2153 = tpu.vector_load %arg7[%parallel_loop3A_2151, %parallel_loop3A_2152] {strides = array<i32>} : memref<8x4096xf32, #tpu.memory_space<vmem>>, vector<1x16xf32>,
        %parallel_loop3A_2154 = vector.shape_cast %parallel_loop3A_2153 : vector<1x16xf32> to vector<16xf32>
        %parallel_loop3A_2155 = arith.mulf %parallel_loop3A_2154, %div3A_868 : vector<16xf32>
        %parallel_loop3A_2156 = arith.constant 4 : i32
        %parallel_loop3A_2157 = arith.index_cast %parallel_loop3A_2156 : i32 to index
        %parallel_loop3A_2158 = arith.index_cast %parallel_loop3A_2101 : i32 to index
        %parallel_loop3A_2159 = tpu.vector_load %arg7[%parallel_loop3A_2157, %parallel_loop3A_2158] {strides = array<i32>} : memref<8x4096xf32, #tpu.memory_space<vmem>>, vector<1x16xf32>,
        %parallel_loop3A_2160 = vector.shape_cast %parallel_loop3A_2159 : vector<1x16xf32> to vector<16xf32>
        %parallel_loop3A_2161 = vector.shape_cast %parallel_loop3A_2155 : vector<16xf32> to vector<1x16xf32>
        tpu.vector_store %arg7[%parallel_loop3A_2157, %parallel_loop3A_2158], %parallel_loop3A_2161 {strides = array<i32>} : memref<8x4096xf32, #tpu.memory_space<vmem>>, vector<1x16xf32>,
        %parallel_loop3A_2162 = arith.constant 5 : i32
        %parallel_loop3A_2163 = arith.index_cast %parallel_loop3A_2162 : i32 to index
        %parallel_loop3A_2164 = arith.index_cast %parallel_loop3A_2101 : i32 to index
        %parallel_loop3A_2165 = tpu.vector_load %arg7[%parallel_loop3A_2163, %parallel_loop3A_2164] {strides = array<i32>} : memref<8x4096xf32, #tpu.memory_space<vmem>>, vector<1x16xf32>,
        %parallel_loop3A_2166 = vector.shape_cast %parallel_loop3A_2165 : vector<1x16xf32> to vector<16xf32>
        %parallel_loop3A_2167 = arith.mulf %parallel_loop3A_2166, %div3A_927 : vector<16xf32>
        %parallel_loop3A_2168 = arith.constant 5 : i32
        %parallel_loop3A_2169 = arith.index_cast %parallel_loop3A_2168 : i32 to index
        %parallel_loop3A_2170 = arith.index_cast %parallel_loop3A_2101 : i32 to index
        %parallel_loop3A_2171 = tpu.vector_load %arg7[%parallel_loop3A_2169, %parallel_loop3A_2170] {strides = array<i32>} : memref<8x4096xf32, #tpu.memory_space<vmem>>, vector<1x16xf32>,
        %parallel_loop3A_2172 = vector.shape_cast %parallel_loop3A_2171 : vector<1x16xf32> to vector<16xf32>
        %parallel_loop3A_2173 = vector.shape_cast %parallel_loop3A_2167 : vector<16xf32> to vector<1x16xf32>
        tpu.vector_store %arg7[%parallel_loop3A_2169, %parallel_loop3A_2170], %parallel_loop3A_2173 {strides = array<i32>} : memref<8x4096xf32, #tpu.memory_space<vmem>>, vector<1x16xf32>,
        %parallel_loop3A_2174 = arith.constant 6 : i32
        %parallel_loop3A_2175 = arith.index_cast %parallel_loop3A_2174 : i32 to index
        %parallel_loop3A_2176 = arith.index_cast %parallel_loop3A_2101 : i32 to index
        %parallel_loop3A_2177 = tpu.vector_load %arg7[%parallel_loop3A_2175, %parallel_loop3A_2176] {strides = array<i32>} : memref<8x4096xf32, #tpu.memory_space<vmem>>, vector<1x16xf32>,
        %parallel_loop3A_2178 = vector.shape_cast %parallel_loop3A_2177 : vector<1x16xf32> to vector<16xf32>
        %parallel_loop3A_2179 = arith.mulf %parallel_loop3A_2178, %div3A_986 : vector<16xf32>
        %parallel_loop3A_2180 = arith.constant 6 : i32
        %parallel_loop3A_2181 = arith.index_cast %parallel_loop3A_2180 : i32 to index
        %parallel_loop3A_2182 = arith.index_cast %parallel_loop3A_2101 : i32 to index
        %parallel_loop3A_2183 = tpu.vector_load %arg7[%parallel_loop3A_2181, %parallel_loop3A_2182] {strides = array<i32>} : memref<8x4096xf32, #tpu.memory_space<vmem>>, vector<1x16xf32>,
        %parallel_loop3A_2184 = vector.shape_cast %parallel_loop3A_2183 : vector<1x16xf32> to vector<16xf32>
        %parallel_loop3A_2185 = vector.shape_cast %parallel_loop3A_2179 : vector<16xf32> to vector<1x16xf32>
        tpu.vector_store %arg7[%parallel_loop3A_2181, %parallel_loop3A_2182], %parallel_loop3A_2185 {strides = array<i32>} : memref<8x4096xf32, #tpu.memory_space<vmem>>, vector<1x16xf32>,
        %parallel_loop3A_2186 = arith.constant 7 : i32
        %parallel_loop3A_2187 = arith.index_cast %parallel_loop3A_2186 : i32 to index
        %parallel_loop3A_2188 = arith.index_cast %parallel_loop3A_2101 : i32 to index
        %parallel_loop3A_2189 = tpu.vector_load %arg7[%parallel_loop3A_2187, %parallel_loop3A_2188] {strides = array<i32>} : memref<8x4096xf32, #tpu.memory_space<vmem>>, vector<1x16xf32>,
        %parallel_loop3A_2190 = vector.shape_cast %parallel_loop3A_2189 : vector<1x16xf32> to vector<16xf32>
        %parallel_loop3A_2191 = arith.mulf %parallel_loop3A_2190, %div3A_1045 : vector<16xf32>
        %parallel_loop3A_2192 = arith.constant 7 : i32
        %parallel_loop3A_2193 = arith.index_cast %parallel_loop3A_2192 : i32 to index
        %parallel_loop3A_2194 = arith.index_cast %parallel_loop3A_2101 : i32 to index
        %parallel_loop3A_2195 = tpu.vector_load %arg7[%parallel_loop3A_2193, %parallel_loop3A_2194] {strides = array<i32>} : memref<8x4096xf32, #tpu.memory_space<vmem>>, vector<1x16xf32>,
        %parallel_loop3A_2196 = vector.shape_cast %parallel_loop3A_2195 : vector<1x16xf32> to vector<16xf32>
        %parallel_loop3A_2197 = vector.shape_cast %parallel_loop3A_2191 : vector<16xf32> to vector<1x16xf32>
        tpu.vector_store %arg7[%parallel_loop3A_2193, %parallel_loop3A_2194], %parallel_loop3A_2197 {strides = array<i32>} : memref<8x4096xf32, #tpu.memory_space<vmem>>, vector<1x16xf32>,
        scf.yield %parallel_loop3A_2099 : i32
      } {sc.loop_unroll_factor = 4 : i64, sc.parallel_access}
      %mul3A_1051 = arith.constant 8 : i32
      %mul3A_1052 = arith.muli %add3A_544, %mul3A_1051 : i32
      %add3A_1053 = arith.addi %mul3A_2, %mul3A_1052 : i32
      %dma_start3A_1054 = arith.constant 0 : i32
      %dma_start3A_1055 = tpu.memref_slice %arg4[%add3A_1053, %dma_start3A_1054] : memref<16384x4096xf32, #tpu.memory_space<hbm>> -> memref<8x4096xf32, #tpu.memory_space<hbm>>
      %dma_start3A_1056 = arith.constant 0 : i32
      %dma_start3A_1057 = tpu.memref_slice %arg4[%add3A_1053, %dma_start3A_1056] : memref<16384x4096xf32, #tpu.memory_space<hbm>> -> memref<8x4096xf32, #tpu.memory_space<hbm>>
      tpu.enqueue_dma source(%arg7 : memref<8x4096xf32, #tpu.memory_space<vmem>>) target(%dma_start3A_1057 : memref<8x4096xf32, #tpu.memory_space<hbm>>) target_semaphore(%arg13 : memref<!tpu.dma_semaphore, #tpu.memory_space<semaphore_mem>>)
      %add3A_1058 = arith.constant 1 : i32
      %add3A_1059 = arith.addi %mul3A_542, %add3A_1058 : i32
      %add3A_1060 = arith.constant 1 : i32
      %add3A_1061 = arith.addi %add3A_1059, %add3A_1060 : i32
      %ge3A_1062 = arith.constant 3 : i32
      %ge3A_1063 = arith.cmpi sge, %add3A_1061, %ge3A_1062 : i32
      %lt3A_1064 = arith.constant 64 : i32
      %lt3A_1065 = arith.cmpi slt, %add3A_1061, %lt3A_1064 : i32
      %and3A_1066 = arith.andi %ge3A_1063, %lt3A_1065 : i1
      %convert_element_type3A_1067 = arith.extui %and3A_1066 : i1 to i32
      %cond3A_1068 = arith.constant 0 : i32
      %cond3A_1069 = arith.cmpi ne, %convert_element_type3A_1067, %cond3A_1068 : i32
      scf.if %cond3A_1069 {
        %dma_wait3A_2098 = arith.constant 0 : i32
        %dma_wait3A_2099 = tpu.memref_slice %arg4[%mul3A_2, %dma_wait3A_2098] : memref<16384x4096xf32, #tpu.memory_space<hbm>> -> memref<8x4096xf32, #tpu.memory_space<hbm>>
        %dma_wait3A_2100 = arith.constant 0 : i32
        %dma_wait3A_2101 = tpu.memref_slice %arg4[%mul3A_2, %dma_wait3A_2100] : memref<16384x4096xf32, #tpu.memory_space<hbm>> -> memref<8x4096xf32, #tpu.memory_space<hbm>>
        tpu.wait_dma2 semaphore(%arg15 : memref<!tpu.dma_semaphore, #tpu.memory_space<semaphore_mem>>) src(%arg9 : memref<8x4096xf32, #tpu.memory_space<vmem>>) dst(%dma_wait3A_2101 : memref<8x4096xf32, #tpu.memory_space<hbm>>)
        %mul3A_2102 = arith.constant 8 : i32
        %mul3A_2103 = arith.muli %add3A_1061, %mul3A_2102 : i32
        %add3A_2104 = arith.addi %mul3A_2, %mul3A_2103 : i32
        %dma_start3A_2105 = arith.constant 0 : i32
        %dma_start3A_2106 = tpu.memref_slice %arg2[%add3A_2104, %dma_start3A_2105] : memref<16384x4096xf32, #tpu.memory_space<hbm>> -> memref<8x4096xf32, #tpu.memory_space<hbm>>
        %dma_start3A_2107 = arith.constant 0 : i32
        %dma_start3A_2108 = tpu.memref_slice %arg2[%add3A_2104, %dma_start3A_2107] : memref<16384x4096xf32, #tpu.memory_space<hbm>> -> memref<8x4096xf32, #tpu.memory_space<hbm>>
        tpu.enqueue_dma source(%dma_start3A_2108 : memref<8x4096xf32, #tpu.memory_space<hbm>>) target(%arg9 : memref<8x4096xf32, #tpu.memory_space<vmem>>) target_semaphore(%arg12 : memref<!tpu.dma_semaphore, #tpu.memory_space<semaphore_mem>>)
      } else {
      }
      %dma_wait3A_1070 = arith.constant 0 : i32
      %dma_wait3A_1071 = tpu.memref_slice %arg2[%mul3A_2, %dma_wait3A_1070] : memref<16384x4096xf32, #tpu.memory_space<hbm>> -> memref<8x4096xf32, #tpu.memory_space<hbm>>
      %dma_wait3A_1072 = arith.constant 0 : i32
      %dma_wait3A_1073 = tpu.memref_slice %arg2[%mul3A_2, %dma_wait3A_1072] : memref<16384x4096xf32, #tpu.memory_space<hbm>> -> memref<8x4096xf32, #tpu.memory_space<hbm>>
      tpu.wait_dma2 semaphore(%arg11 : memref<!tpu.dma_semaphore, #tpu.memory_space<semaphore_mem>>) src(%dma_wait3A_1073 : memref<8x4096xf32, #tpu.memory_space<hbm>>) dst(%arg8 : memref<8x4096xf32, #tpu.memory_space<vmem>>)
      %broadcast_in_dim3A_1074 = arith.constant 0.000000e+00 : f32
      %broadcast_in_dim3A_1075 = vector.broadcast %broadcast_in_dim3A_1074 : f32 to vector<16xf32>
      %broadcast_in_dim3A_1076 = arith.constant 0.000000e+00 : f32
      %broadcast_in_dim3A_1077 = vector.broadcast %broadcast_in_dim3A_1076 : f32 to vector<16xf32>
      %broadcast_in_dim3A_1078 = arith.constant 0.000000e+00 : f32
      %broadcast_in_dim3A_1079 = vector.broadcast %broadcast_in_dim3A_1078 : f32 to vector<16xf32>
      %broadcast_in_dim3A_1080 = arith.constant 0.000000e+00 : f32
      %broadcast_in_dim3A_1081 = vector.broadcast %broadcast_in_dim3A_1080 : f32 to vector<16xf32>
      %broadcast_in_dim3A_1082 = arith.constant 0.000000e+00 : f32
      %broadcast_in_dim3A_1083 = vector.broadcast %broadcast_in_dim3A_1082 : f32 to vector<16xf32>
      %broadcast_in_dim3A_1084 = arith.constant 0.000000e+00 : f32
      %broadcast_in_dim3A_1085 = vector.broadcast %broadcast_in_dim3A_1084 : f32 to vector<16xf32>
      %broadcast_in_dim3A_1086 = arith.constant 0.000000e+00 : f32
      %broadcast_in_dim3A_1087 = vector.broadcast %broadcast_in_dim3A_1086 : f32 to vector<16xf32>
      %broadcast_in_dim3A_1088 = arith.constant 0.000000e+00 : f32
      %broadcast_in_dim3A_1089 = vector.broadcast %broadcast_in_dim3A_1088 : f32 to vector<16xf32>
      %parallel_loop3A_1090 = arith.constant 0 : i32
      %parallel_loop3A_1091 = arith.constant 256 : i32
      %parallel_loop3A_1092 = arith.constant 1 : i32
      %parallel_loop3A_1093:8 = scf.for %parallel_loop3A_2098 = %parallel_loop3A_1090 to %parallel_loop3A_1091 step %parallel_loop3A_1092 iter_args(%parallel_loop3A_2099 = %broadcast_in_dim3A_1075, %parallel_loop3A_2100 = %broadcast_in_dim3A_1077, %parallel_loop3A_2101 = %broadcast_in_dim3A_1079, %parallel_loop3A_2102 = %broadcast_in_dim3A_1081, %parallel_loop3A_2103 = %broadcast_in_dim3A_1083, %parallel_loop3A_2104 = %broadcast_in_dim3A_1085, %parallel_loop3A_2105 = %broadcast_in_dim3A_1087, %parallel_loop3A_2106 = %broadcast_in_dim3A_1089) -> (vector<16xf32>, vector<16xf32>, vector<16xf32>, vector<16xf32>, vector<16xf32>, vector<16xf32>, vector<16xf32>, vector<16xf32>)  : i32 {
        %parallel_loop3A_2107 = arith.constant 16 : i32
        %parallel_loop3A_2108 = arith.muli %parallel_loop3A_2098, %parallel_loop3A_2107 : i32
        %parallel_loop3A_2109 = arith.index_cast %parallel_loop3A_2108 : i32 to index
        %parallel_loop3A_2110 = tpu.vector_load %arg6[%parallel_loop3A_2109] {strides = array<i32>} : memref<4096xf32, #tpu.memory_space<vmem>>, vector<16xf32>,
        %parallel_loop3A_2111 = vector.shape_cast %parallel_loop3A_2110 : vector<16xf32> to vector<16xf32>
        %parallel_loop3A_2112 = arith.constant 0 : i32
        %parallel_loop3A_2113 = arith.index_cast %parallel_loop3A_2112 : i32 to index
        %parallel_loop3A_2114 = arith.index_cast %parallel_loop3A_2108 : i32 to index
        %parallel_loop3A_2115 = tpu.vector_load %arg8[%parallel_loop3A_2113, %parallel_loop3A_2114] {strides = array<i32>} : memref<8x4096xf32, #tpu.memory_space<vmem>>, vector<1x16xf32>,
        %parallel_loop3A_2116 = vector.shape_cast %parallel_loop3A_2115 : vector<1x16xf32> to vector<16xf32>
        %parallel_loop3A_2117 = arith.mulf %parallel_loop3A_2116, %parallel_loop3A_2111 : vector<16xf32>
        %parallel_loop3A_2118 = arith.addf %parallel_loop3A_2099, %parallel_loop3A_2117 : vector<16xf32>
        %parallel_loop3A_2119 = arith.constant 1 : i32
        %parallel_loop3A_2120 = arith.index_cast %parallel_loop3A_2119 : i32 to index
        %parallel_loop3A_2121 = arith.index_cast %parallel_loop3A_2108 : i32 to index
        %parallel_loop3A_2122 = tpu.vector_load %arg8[%parallel_loop3A_2120, %parallel_loop3A_2121] {strides = array<i32>} : memref<8x4096xf32, #tpu.memory_space<vmem>>, vector<1x16xf32>,
        %parallel_loop3A_2123 = vector.shape_cast %parallel_loop3A_2122 : vector<1x16xf32> to vector<16xf32>
        %parallel_loop3A_2124 = arith.mulf %parallel_loop3A_2123, %parallel_loop3A_2111 : vector<16xf32>
        %parallel_loop3A_2125 = arith.addf %parallel_loop3A_2100, %parallel_loop3A_2124 : vector<16xf32>
        %parallel_loop3A_2126 = arith.constant 2 : i32
        %parallel_loop3A_2127 = arith.index_cast %parallel_loop3A_2126 : i32 to index
        %parallel_loop3A_2128 = arith.index_cast %parallel_loop3A_2108 : i32 to index
        %parallel_loop3A_2129 = tpu.vector_load %arg8[%parallel_loop3A_2127, %parallel_loop3A_2128] {strides = array<i32>} : memref<8x4096xf32, #tpu.memory_space<vmem>>, vector<1x16xf32>,
        %parallel_loop3A_2130 = vector.shape_cast %parallel_loop3A_2129 : vector<1x16xf32> to vector<16xf32>
        %parallel_loop3A_2131 = arith.mulf %parallel_loop3A_2130, %parallel_loop3A_2111 : vector<16xf32>
        %parallel_loop3A_2132 = arith.addf %parallel_loop3A_2101, %parallel_loop3A_2131 : vector<16xf32>
        %parallel_loop3A_2133 = arith.constant 3 : i32
        %parallel_loop3A_2134 = arith.index_cast %parallel_loop3A_2133 : i32 to index
        %parallel_loop3A_2135 = arith.index_cast %parallel_loop3A_2108 : i32 to index
        %parallel_loop3A_2136 = tpu.vector_load %arg8[%parallel_loop3A_2134, %parallel_loop3A_2135] {strides = array<i32>} : memref<8x4096xf32, #tpu.memory_space<vmem>>, vector<1x16xf32>,
        %parallel_loop3A_2137 = vector.shape_cast %parallel_loop3A_2136 : vector<1x16xf32> to vector<16xf32>
        %parallel_loop3A_2138 = arith.mulf %parallel_loop3A_2137, %parallel_loop3A_2111 : vector<16xf32>
        %parallel_loop3A_2139 = arith.addf %parallel_loop3A_2102, %parallel_loop3A_2138 : vector<16xf32>
        %parallel_loop3A_2140 = arith.constant 4 : i32
        %parallel_loop3A_2141 = arith.index_cast %parallel_loop3A_2140 : i32 to index
        %parallel_loop3A_2142 = arith.index_cast %parallel_loop3A_2108 : i32 to index
        %parallel_loop3A_2143 = tpu.vector_load %arg8[%parallel_loop3A_2141, %parallel_loop3A_2142] {strides = array<i32>} : memref<8x4096xf32, #tpu.memory_space<vmem>>, vector<1x16xf32>,
        %parallel_loop3A_2144 = vector.shape_cast %parallel_loop3A_2143 : vector<1x16xf32> to vector<16xf32>
        %parallel_loop3A_2145 = arith.mulf %parallel_loop3A_2144, %parallel_loop3A_2111 : vector<16xf32>
        %parallel_loop3A_2146 = arith.addf %parallel_loop3A_2103, %parallel_loop3A_2145 : vector<16xf32>
        %parallel_loop3A_2147 = arith.constant 5 : i32
        %parallel_loop3A_2148 = arith.index_cast %parallel_loop3A_2147 : i32 to index
        %parallel_loop3A_2149 = arith.index_cast %parallel_loop3A_2108 : i32 to index
        %parallel_loop3A_2150 = tpu.vector_load %arg8[%parallel_loop3A_2148, %parallel_loop3A_2149] {strides = array<i32>} : memref<8x4096xf32, #tpu.memory_space<vmem>>, vector<1x16xf32>,
        %parallel_loop3A_2151 = vector.shape_cast %parallel_loop3A_2150 : vector<1x16xf32> to vector<16xf32>
        %parallel_loop3A_2152 = arith.mulf %parallel_loop3A_2151, %parallel_loop3A_2111 : vector<16xf32>
        %parallel_loop3A_2153 = arith.addf %parallel_loop3A_2104, %parallel_loop3A_2152 : vector<16xf32>
        %parallel_loop3A_2154 = arith.constant 6 : i32
        %parallel_loop3A_2155 = arith.index_cast %parallel_loop3A_2154 : i32 to index
        %parallel_loop3A_2156 = arith.index_cast %parallel_loop3A_2108 : i32 to index
        %parallel_loop3A_2157 = tpu.vector_load %arg8[%parallel_loop3A_2155, %parallel_loop3A_2156] {strides = array<i32>} : memref<8x4096xf32, #tpu.memory_space<vmem>>, vector<1x16xf32>,
        %parallel_loop3A_2158 = vector.shape_cast %parallel_loop3A_2157 : vector<1x16xf32> to vector<16xf32>
        %parallel_loop3A_2159 = arith.mulf %parallel_loop3A_2158, %parallel_loop3A_2111 : vector<16xf32>
        %parallel_loop3A_2160 = arith.addf %parallel_loop3A_2105, %parallel_loop3A_2159 : vector<16xf32>
        %parallel_loop3A_2161 = arith.constant 7 : i32
        %parallel_loop3A_2162 = arith.index_cast %parallel_loop3A_2161 : i32 to index
        %parallel_loop3A_2163 = arith.index_cast %parallel_loop3A_2108 : i32 to index
        %parallel_loop3A_2164 = tpu.vector_load %arg8[%parallel_loop3A_2162, %parallel_loop3A_2163] {strides = array<i32>} : memref<8x4096xf32, #tpu.memory_space<vmem>>, vector<1x16xf32>,
        %parallel_loop3A_2165 = vector.shape_cast %parallel_loop3A_2164 : vector<1x16xf32> to vector<16xf32>
        %parallel_loop3A_2166 = arith.mulf %parallel_loop3A_2165, %parallel_loop3A_2111 : vector<16xf32>
        %parallel_loop3A_2167 = arith.addf %parallel_loop3A_2106, %parallel_loop3A_2166 : vector<16xf32>
        scf.yield %parallel_loop3A_2118, %parallel_loop3A_2125, %parallel_loop3A_2132, %parallel_loop3A_2139, %parallel_loop3A_2146, %parallel_loop3A_2153, %parallel_loop3A_2160, %parallel_loop3A_2167 : vector<16xf32>, vector<16xf32>, vector<16xf32>, vector<16xf32>, vector<16xf32>, vector<16xf32>, vector<16xf32>, vector<16xf32>
      } {sc.loop_unroll_factor = 4 : i64, sc.parallel_access}
      %slice3A_1094 = vector.extract_strided_slice %parallel_loop3A_1093#0 {offsets = [0], sizes = [1], strides = [1]} : vector<16xf32> to vector<1xf32>
      %squeeze3A_1095 = vector.extract %slice3A_1094[0] : f32 from vector<1xf32>
      %slice3A_1096 = vector.extract_strided_slice %parallel_loop3A_1093#0 {offsets = [1], sizes = [1], strides = [1]} : vector<16xf32> to vector<1xf32>
      %squeeze3A_1097 = vector.extract %slice3A_1096[0] : f32 from vector<1xf32>
      %slice3A_1098 = vector.extract_strided_slice %parallel_loop3A_1093#0 {offsets = [2], sizes = [1], strides = [1]} : vector<16xf32> to vector<1xf32>
      %squeeze3A_1099 = vector.extract %slice3A_1098[0] : f32 from vector<1xf32>
      %slice3A_1100 = vector.extract_strided_slice %parallel_loop3A_1093#0 {offsets = [3], sizes = [1], strides = [1]} : vector<16xf32> to vector<1xf32>
      %squeeze3A_1101 = vector.extract %slice3A_1100[0] : f32 from vector<1xf32>
      %slice3A_1102 = vector.extract_strided_slice %parallel_loop3A_1093#0 {offsets = [4], sizes = [1], strides = [1]} : vector<16xf32> to vector<1xf32>
      %squeeze3A_1103 = vector.extract %slice3A_1102[0] : f32 from vector<1xf32>
      %slice3A_1104 = vector.extract_strided_slice %parallel_loop3A_1093#0 {offsets = [5], sizes = [1], strides = [1]} : vector<16xf32> to vector<1xf32>
      %squeeze3A_1105 = vector.extract %slice3A_1104[0] : f32 from vector<1xf32>
      %slice3A_1106 = vector.extract_strided_slice %parallel_loop3A_1093#0 {offsets = [6], sizes = [1], strides = [1]} : vector<16xf32> to vector<1xf32>
      %squeeze3A_1107 = vector.extract %slice3A_1106[0] : f32 from vector<1xf32>
      %slice3A_1108 = vector.extract_strided_slice %parallel_loop3A_1093#0 {offsets = [7], sizes = [1], strides = [1]} : vector<16xf32> to vector<1xf32>
      %squeeze3A_1109 = vector.extract %slice3A_1108[0] : f32 from vector<1xf32>
      %slice3A_1110 = vector.extract_strided_slice %parallel_loop3A_1093#0 {offsets = [8], sizes = [1], strides = [1]} : vector<16xf32> to vector<1xf32>
      %squeeze3A_1111 = vector.extract %slice3A_1110[0] : f32 from vector<1xf32>
      %slice3A_1112 = vector.extract_strided_slice %parallel_loop3A_1093#0 {offsets = [9], sizes = [1], strides = [1]} : vector<16xf32> to vector<1xf32>
      %squeeze3A_1113 = vector.extract %slice3A_1112[0] : f32 from vector<1xf32>
      %slice3A_1114 = vector.extract_strided_slice %parallel_loop3A_1093#0 {offsets = [10], sizes = [1], strides = [1]} : vector<16xf32> to vector<1xf32>
      %squeeze3A_1115 = vector.extract %slice3A_1114[0] : f32 from vector<1xf32>
      %slice3A_1116 = vector.extract_strided_slice %parallel_loop3A_1093#0 {offsets = [11], sizes = [1], strides = [1]} : vector<16xf32> to vector<1xf32>
      %squeeze3A_1117 = vector.extract %slice3A_1116[0] : f32 from vector<1xf32>
      %slice3A_1118 = vector.extract_strided_slice %parallel_loop3A_1093#0 {offsets = [12], sizes = [1], strides = [1]} : vector<16xf32> to vector<1xf32>
      %squeeze3A_1119 = vector.extract %slice3A_1118[0] : f32 from vector<1xf32>
      %slice3A_1120 = vector.extract_strided_slice %parallel_loop3A_1093#0 {offsets = [13], sizes = [1], strides = [1]} : vector<16xf32> to vector<1xf32>
      %squeeze3A_1121 = vector.extract %slice3A_1120[0] : f32 from vector<1xf32>
      %slice3A_1122 = vector.extract_strided_slice %parallel_loop3A_1093#0 {offsets = [14], sizes = [1], strides = [1]} : vector<16xf32> to vector<1xf32>
      %squeeze3A_1123 = vector.extract %slice3A_1122[0] : f32 from vector<1xf32>
      %slice3A_1124 = vector.extract_strided_slice %parallel_loop3A_1093#0 {offsets = [15], sizes = [1], strides = [1]} : vector<16xf32> to vector<1xf32>
      %squeeze3A_1125 = vector.extract %slice3A_1124[0] : f32 from vector<1xf32>
      %add3A_1126 = arith.addf %squeeze3A_1095, %squeeze3A_1097 : f32
      %add3A_1127 = arith.addf %squeeze3A_1099, %squeeze3A_1101 : f32
      %add3A_1128 = arith.addf %squeeze3A_1103, %squeeze3A_1105 : f32
      %add3A_1129 = arith.addf %squeeze3A_1107, %squeeze3A_1109 : f32
      %add3A_1130 = arith.addf %squeeze3A_1111, %squeeze3A_1113 : f32
      %add3A_1131 = arith.addf %squeeze3A_1115, %squeeze3A_1117 : f32
      %add3A_1132 = arith.addf %squeeze3A_1119, %squeeze3A_1121 : f32
      %add3A_1133 = arith.addf %squeeze3A_1123, %squeeze3A_1125 : f32
      %add3A_1134 = arith.addf %add3A_1126, %add3A_1127 : f32
      %add3A_1135 = arith.addf %add3A_1128, %add3A_1129 : f32
      %add3A_1136 = arith.addf %add3A_1130, %add3A_1131 : f32
      %add3A_1137 = arith.addf %add3A_1132, %add3A_1133 : f32
      %add3A_1138 = arith.addf %add3A_1134, %add3A_1135 : f32
      %add3A_1139 = arith.addf %add3A_1136, %add3A_1137 : f32
      %add3A_1140 = arith.addf %add3A_1138, %add3A_1139 : f32
      %broadcast_in_dim3A_1141 = vector.broadcast %add3A_1140 : f32 to vector<16xf32>
      %abs3A_1142 = math.absf %broadcast_in_dim3A_1141 : vector<16xf32>
      %neg3A_1143 = arith.constant 0.000000e+00 : f32
      %neg3A_1144 = vector.broadcast %neg3A_1143 : f32 to vector<16xf32>
      %neg3A_1145 = arith.subf %neg3A_1144, %abs3A_1142 : vector<16xf32>
      %exp3A_1146 = math.exp %neg3A_1145 : vector<16xf32>
      %add3A_1147 = arith.constant 1.000000e+00 : f32
      %add3A_1148 = vector.broadcast %add3A_1147 : f32 to vector<16xf32>
      %add3A_1149 = arith.addf %add3A_1148, %exp3A_1146 : vector<16xf32>
      %div3A_1150 = arith.constant 1.000000e+00 : f32
      %div3A_1151 = vector.broadcast %div3A_1150 : f32 to vector<16xf32>
      %div3A_1152 = arith.divf %div3A_1151, %add3A_1149 : vector<16xf32>
      %slice3A_1153 = vector.extract_strided_slice %parallel_loop3A_1093#1 {offsets = [0], sizes = [1], strides = [1]} : vector<16xf32> to vector<1xf32>
      %squeeze3A_1154 = vector.extract %slice3A_1153[0] : f32 from vector<1xf32>
      %slice3A_1155 = vector.extract_strided_slice %parallel_loop3A_1093#1 {offsets = [1], sizes = [1], strides = [1]} : vector<16xf32> to vector<1xf32>
      %squeeze3A_1156 = vector.extract %slice3A_1155[0] : f32 from vector<1xf32>
      %slice3A_1157 = vector.extract_strided_slice %parallel_loop3A_1093#1 {offsets = [2], sizes = [1], strides = [1]} : vector<16xf32> to vector<1xf32>
      %squeeze3A_1158 = vector.extract %slice3A_1157[0] : f32 from vector<1xf32>
      %slice3A_1159 = vector.extract_strided_slice %parallel_loop3A_1093#1 {offsets = [3], sizes = [1], strides = [1]} : vector<16xf32> to vector<1xf32>
      %squeeze3A_1160 = vector.extract %slice3A_1159[0] : f32 from vector<1xf32>
      %slice3A_1161 = vector.extract_strided_slice %parallel_loop3A_1093#1 {offsets = [4], sizes = [1], strides = [1]} : vector<16xf32> to vector<1xf32>
      %squeeze3A_1162 = vector.extract %slice3A_1161[0] : f32 from vector<1xf32>
      %slice3A_1163 = vector.extract_strided_slice %parallel_loop3A_1093#1 {offsets = [5], sizes = [1], strides = [1]} : vector<16xf32> to vector<1xf32>
      %squeeze3A_1164 = vector.extract %slice3A_1163[0] : f32 from vector<1xf32>
      %slice3A_1165 = vector.extract_strided_slice %parallel_loop3A_1093#1 {offsets = [6], sizes = [1], strides = [1]} : vector<16xf32> to vector<1xf32>
      %squeeze3A_1166 = vector.extract %slice3A_1165[0] : f32 from vector<1xf32>
      %slice3A_1167 = vector.extract_strided_slice %parallel_loop3A_1093#1 {offsets = [7], sizes = [1], strides = [1]} : vector<16xf32> to vector<1xf32>
      %squeeze3A_1168 = vector.extract %slice3A_1167[0] : f32 from vector<1xf32>
      %slice3A_1169 = vector.extract_strided_slice %parallel_loop3A_1093#1 {offsets = [8], sizes = [1], strides = [1]} : vector<16xf32> to vector<1xf32>
      %squeeze3A_1170 = vector.extract %slice3A_1169[0] : f32 from vector<1xf32>
      %slice3A_1171 = vector.extract_strided_slice %parallel_loop3A_1093#1 {offsets = [9], sizes = [1], strides = [1]} : vector<16xf32> to vector<1xf32>
      %squeeze3A_1172 = vector.extract %slice3A_1171[0] : f32 from vector<1xf32>
      %slice3A_1173 = vector.extract_strided_slice %parallel_loop3A_1093#1 {offsets = [10], sizes = [1], strides = [1]} : vector<16xf32> to vector<1xf32>
      %squeeze3A_1174 = vector.extract %slice3A_1173[0] : f32 from vector<1xf32>
      %slice3A_1175 = vector.extract_strided_slice %parallel_loop3A_1093#1 {offsets = [11], sizes = [1], strides = [1]} : vector<16xf32> to vector<1xf32>
      %squeeze3A_1176 = vector.extract %slice3A_1175[0] : f32 from vector<1xf32>
      %slice3A_1177 = vector.extract_strided_slice %parallel_loop3A_1093#1 {offsets = [12], sizes = [1], strides = [1]} : vector<16xf32> to vector<1xf32>
      %squeeze3A_1178 = vector.extract %slice3A_1177[0] : f32 from vector<1xf32>
      %slice3A_1179 = vector.extract_strided_slice %parallel_loop3A_1093#1 {offsets = [13], sizes = [1], strides = [1]} : vector<16xf32> to vector<1xf32>
      %squeeze3A_1180 = vector.extract %slice3A_1179[0] : f32 from vector<1xf32>
      %slice3A_1181 = vector.extract_strided_slice %parallel_loop3A_1093#1 {offsets = [14], sizes = [1], strides = [1]} : vector<16xf32> to vector<1xf32>
      %squeeze3A_1182 = vector.extract %slice3A_1181[0] : f32 from vector<1xf32>
      %slice3A_1183 = vector.extract_strided_slice %parallel_loop3A_1093#1 {offsets = [15], sizes = [1], strides = [1]} : vector<16xf32> to vector<1xf32>
      %squeeze3A_1184 = vector.extract %slice3A_1183[0] : f32 from vector<1xf32>
      %add3A_1185 = arith.addf %squeeze3A_1154, %squeeze3A_1156 : f32
      %add3A_1186 = arith.addf %squeeze3A_1158, %squeeze3A_1160 : f32
      %add3A_1187 = arith.addf %squeeze3A_1162, %squeeze3A_1164 : f32
      %add3A_1188 = arith.addf %squeeze3A_1166, %squeeze3A_1168 : f32
      %add3A_1189 = arith.addf %squeeze3A_1170, %squeeze3A_1172 : f32
      %add3A_1190 = arith.addf %squeeze3A_1174, %squeeze3A_1176 : f32
      %add3A_1191 = arith.addf %squeeze3A_1178, %squeeze3A_1180 : f32
      %add3A_1192 = arith.addf %squeeze3A_1182, %squeeze3A_1184 : f32
      %add3A_1193 = arith.addf %add3A_1185, %add3A_1186 : f32
      %add3A_1194 = arith.addf %add3A_1187, %add3A_1188 : f32
      %add3A_1195 = arith.addf %add3A_1189, %add3A_1190 : f32
      %add3A_1196 = arith.addf %add3A_1191, %add3A_1192 : f32
      %add3A_1197 = arith.addf %add3A_1193, %add3A_1194 : f32
      %add3A_1198 = arith.addf %add3A_1195, %add3A_1196 : f32
      %add3A_1199 = arith.addf %add3A_1197, %add3A_1198 : f32
      %broadcast_in_dim3A_1200 = vector.broadcast %add3A_1199 : f32 to vector<16xf32>
      %abs3A_1201 = math.absf %broadcast_in_dim3A_1200 : vector<16xf32>
      %neg3A_1202 = arith.constant 0.000000e+00 : f32
      %neg3A_1203 = vector.broadcast %neg3A_1202 : f32 to vector<16xf32>
      %neg3A_1204 = arith.subf %neg3A_1203, %abs3A_1201 : vector<16xf32>
      %exp3A_1205 = math.exp %neg3A_1204 : vector<16xf32>
      %add3A_1206 = arith.constant 1.000000e+00 : f32
      %add3A_1207 = vector.broadcast %add3A_1206 : f32 to vector<16xf32>
      %add3A_1208 = arith.addf %add3A_1207, %exp3A_1205 : vector<16xf32>
      %div3A_1209 = arith.constant 1.000000e+00 : f32
      %div3A_1210 = vector.broadcast %div3A_1209 : f32 to vector<16xf32>
      %div3A_1211 = arith.divf %div3A_1210, %add3A_1208 : vector<16xf32>
      %slice3A_1212 = vector.extract_strided_slice %parallel_loop3A_1093#2 {offsets = [0], sizes = [1], strides = [1]} : vector<16xf32> to vector<1xf32>
      %squeeze3A_1213 = vector.extract %slice3A_1212[0] : f32 from vector<1xf32>
      %slice3A_1214 = vector.extract_strided_slice %parallel_loop3A_1093#2 {offsets = [1], sizes = [1], strides = [1]} : vector<16xf32> to vector<1xf32>
      %squeeze3A_1215 = vector.extract %slice3A_1214[0] : f32 from vector<1xf32>
      %slice3A_1216 = vector.extract_strided_slice %parallel_loop3A_1093#2 {offsets = [2], sizes = [1], strides = [1]} : vector<16xf32> to vector<1xf32>
      %squeeze3A_1217 = vector.extract %slice3A_1216[0] : f32 from vector<1xf32>
      %slice3A_1218 = vector.extract_strided_slice %parallel_loop3A_1093#2 {offsets = [3], sizes = [1], strides = [1]} : vector<16xf32> to vector<1xf32>
      %squeeze3A_1219 = vector.extract %slice3A_1218[0] : f32 from vector<1xf32>
      %slice3A_1220 = vector.extract_strided_slice %parallel_loop3A_1093#2 {offsets = [4], sizes = [1], strides = [1]} : vector<16xf32> to vector<1xf32>
      %squeeze3A_1221 = vector.extract %slice3A_1220[0] : f32 from vector<1xf32>
      %slice3A_1222 = vector.extract_strided_slice %parallel_loop3A_1093#2 {offsets = [5], sizes = [1], strides = [1]} : vector<16xf32> to vector<1xf32>
      %squeeze3A_1223 = vector.extract %slice3A_1222[0] : f32 from vector<1xf32>
      %slice3A_1224 = vector.extract_strided_slice %parallel_loop3A_1093#2 {offsets = [6], sizes = [1], strides = [1]} : vector<16xf32> to vector<1xf32>
      %squeeze3A_1225 = vector.extract %slice3A_1224[0] : f32 from vector<1xf32>
      %slice3A_1226 = vector.extract_strided_slice %parallel_loop3A_1093#2 {offsets = [7], sizes = [1], strides = [1]} : vector<16xf32> to vector<1xf32>
      %squeeze3A_1227 = vector.extract %slice3A_1226[0] : f32 from vector<1xf32>
      %slice3A_1228 = vector.extract_strided_slice %parallel_loop3A_1093#2 {offsets = [8], sizes = [1], strides = [1]} : vector<16xf32> to vector<1xf32>
      %squeeze3A_1229 = vector.extract %slice3A_1228[0] : f32 from vector<1xf32>
      %slice3A_1230 = vector.extract_strided_slice %parallel_loop3A_1093#2 {offsets = [9], sizes = [1], strides = [1]} : vector<16xf32> to vector<1xf32>
      %squeeze3A_1231 = vector.extract %slice3A_1230[0] : f32 from vector<1xf32>
      %slice3A_1232 = vector.extract_strided_slice %parallel_loop3A_1093#2 {offsets = [10], sizes = [1], strides = [1]} : vector<16xf32> to vector<1xf32>
      %squeeze3A_1233 = vector.extract %slice3A_1232[0] : f32 from vector<1xf32>
      %slice3A_1234 = vector.extract_strided_slice %parallel_loop3A_1093#2 {offsets = [11], sizes = [1], strides = [1]} : vector<16xf32> to vector<1xf32>
      %squeeze3A_1235 = vector.extract %slice3A_1234[0] : f32 from vector<1xf32>
      %slice3A_1236 = vector.extract_strided_slice %parallel_loop3A_1093#2 {offsets = [12], sizes = [1], strides = [1]} : vector<16xf32> to vector<1xf32>
      %squeeze3A_1237 = vector.extract %slice3A_1236[0] : f32 from vector<1xf32>
      %slice3A_1238 = vector.extract_strided_slice %parallel_loop3A_1093#2 {offsets = [13], sizes = [1], strides = [1]} : vector<16xf32> to vector<1xf32>
      %squeeze3A_1239 = vector.extract %slice3A_1238[0] : f32 from vector<1xf32>
      %slice3A_1240 = vector.extract_strided_slice %parallel_loop3A_1093#2 {offsets = [14], sizes = [1], strides = [1]} : vector<16xf32> to vector<1xf32>
      %squeeze3A_1241 = vector.extract %slice3A_1240[0] : f32 from vector<1xf32>
      %slice3A_1242 = vector.extract_strided_slice %parallel_loop3A_1093#2 {offsets = [15], sizes = [1], strides = [1]} : vector<16xf32> to vector<1xf32>
      %squeeze3A_1243 = vector.extract %slice3A_1242[0] : f32 from vector<1xf32>
      %add3A_1244 = arith.addf %squeeze3A_1213, %squeeze3A_1215 : f32
      %add3A_1245 = arith.addf %squeeze3A_1217, %squeeze3A_1219 : f32
      %add3A_1246 = arith.addf %squeeze3A_1221, %squeeze3A_1223 : f32
      %add3A_1247 = arith.addf %squeeze3A_1225, %squeeze3A_1227 : f32
      %add3A_1248 = arith.addf %squeeze3A_1229, %squeeze3A_1231 : f32
      %add3A_1249 = arith.addf %squeeze3A_1233, %squeeze3A_1235 : f32
      %add3A_1250 = arith.addf %squeeze3A_1237, %squeeze3A_1239 : f32
      %add3A_1251 = arith.addf %squeeze3A_1241, %squeeze3A_1243 : f32
      %add3A_1252 = arith.addf %add3A_1244, %add3A_1245 : f32
      %add3A_1253 = arith.addf %add3A_1246, %add3A_1247 : f32
      %add3A_1254 = arith.addf %add3A_1248, %add3A_1249 : f32
      %add3A_1255 = arith.addf %add3A_1250, %add3A_1251 : f32
      %add3A_1256 = arith.addf %add3A_1252, %add3A_1253 : f32
      %add3A_1257 = arith.addf %add3A_1254, %add3A_1255 : f32
      %add3A_1258 = arith.addf %add3A_1256, %add3A_1257 : f32
      %broadcast_in_dim3A_1259 = vector.broadcast %add3A_1258 : f32 to vector<16xf32>
      %abs3A_1260 = math.absf %broadcast_in_dim3A_1259 : vector<16xf32>
      %neg3A_1261 = arith.constant 0.000000e+00 : f32
      %neg3A_1262 = vector.broadcast %neg3A_1261 : f32 to vector<16xf32>
      %neg3A_1263 = arith.subf %neg3A_1262, %abs3A_1260 : vector<16xf32>
      %exp3A_1264 = math.exp %neg3A_1263 : vector<16xf32>
      %add3A_1265 = arith.constant 1.000000e+00 : f32
      %add3A_1266 = vector.broadcast %add3A_1265 : f32 to vector<16xf32>
      %add3A_1267 = arith.addf %add3A_1266, %exp3A_1264 : vector<16xf32>
      %div3A_1268 = arith.constant 1.000000e+00 : f32
      %div3A_1269 = vector.broadcast %div3A_1268 : f32 to vector<16xf32>
      %div3A_1270 = arith.divf %div3A_1269, %add3A_1267 : vector<16xf32>
      %slice3A_1271 = vector.extract_strided_slice %parallel_loop3A_1093#3 {offsets = [0], sizes = [1], strides = [1]} : vector<16xf32> to vector<1xf32>
      %squeeze3A_1272 = vector.extract %slice3A_1271[0] : f32 from vector<1xf32>
      %slice3A_1273 = vector.extract_strided_slice %parallel_loop3A_1093#3 {offsets = [1], sizes = [1], strides = [1]} : vector<16xf32> to vector<1xf32>
      %squeeze3A_1274 = vector.extract %slice3A_1273[0] : f32 from vector<1xf32>
      %slice3A_1275 = vector.extract_strided_slice %parallel_loop3A_1093#3 {offsets = [2], sizes = [1], strides = [1]} : vector<16xf32> to vector<1xf32>
      %squeeze3A_1276 = vector.extract %slice3A_1275[0] : f32 from vector<1xf32>
      %slice3A_1277 = vector.extract_strided_slice %parallel_loop3A_1093#3 {offsets = [3], sizes = [1], strides = [1]} : vector<16xf32> to vector<1xf32>
      %squeeze3A_1278 = vector.extract %slice3A_1277[0] : f32 from vector<1xf32>
      %slice3A_1279 = vector.extract_strided_slice %parallel_loop3A_1093#3 {offsets = [4], sizes = [1], strides = [1]} : vector<16xf32> to vector<1xf32>
      %squeeze3A_1280 = vector.extract %slice3A_1279[0] : f32 from vector<1xf32>
      %slice3A_1281 = vector.extract_strided_slice %parallel_loop3A_1093#3 {offsets = [5], sizes = [1], strides = [1]} : vector<16xf32> to vector<1xf32>
      %squeeze3A_1282 = vector.extract %slice3A_1281[0] : f32 from vector<1xf32>
      %slice3A_1283 = vector.extract_strided_slice %parallel_loop3A_1093#3 {offsets = [6], sizes = [1], strides = [1]} : vector<16xf32> to vector<1xf32>
      %squeeze3A_1284 = vector.extract %slice3A_1283[0] : f32 from vector<1xf32>
      %slice3A_1285 = vector.extract_strided_slice %parallel_loop3A_1093#3 {offsets = [7], sizes = [1], strides = [1]} : vector<16xf32> to vector<1xf32>
      %squeeze3A_1286 = vector.extract %slice3A_1285[0] : f32 from vector<1xf32>
      %slice3A_1287 = vector.extract_strided_slice %parallel_loop3A_1093#3 {offsets = [8], sizes = [1], strides = [1]} : vector<16xf32> to vector<1xf32>
      %squeeze3A_1288 = vector.extract %slice3A_1287[0] : f32 from vector<1xf32>
      %slice3A_1289 = vector.extract_strided_slice %parallel_loop3A_1093#3 {offsets = [9], sizes = [1], strides = [1]} : vector<16xf32> to vector<1xf32>
      %squeeze3A_1290 = vector.extract %slice3A_1289[0] : f32 from vector<1xf32>
      %slice3A_1291 = vector.extract_strided_slice %parallel_loop3A_1093#3 {offsets = [10], sizes = [1], strides = [1]} : vector<16xf32> to vector<1xf32>
      %squeeze3A_1292 = vector.extract %slice3A_1291[0] : f32 from vector<1xf32>
      %slice3A_1293 = vector.extract_strided_slice %parallel_loop3A_1093#3 {offsets = [11], sizes = [1], strides = [1]} : vector<16xf32> to vector<1xf32>
      %squeeze3A_1294 = vector.extract %slice3A_1293[0] : f32 from vector<1xf32>
      %slice3A_1295 = vector.extract_strided_slice %parallel_loop3A_1093#3 {offsets = [12], sizes = [1], strides = [1]} : vector<16xf32> to vector<1xf32>
      %squeeze3A_1296 = vector.extract %slice3A_1295[0] : f32 from vector<1xf32>
      %slice3A_1297 = vector.extract_strided_slice %parallel_loop3A_1093#3 {offsets = [13], sizes = [1], strides = [1]} : vector<16xf32> to vector<1xf32>
      %squeeze3A_1298 = vector.extract %slice3A_1297[0] : f32 from vector<1xf32>
      %slice3A_1299 = vector.extract_strided_slice %parallel_loop3A_1093#3 {offsets = [14], sizes = [1], strides = [1]} : vector<16xf32> to vector<1xf32>
      %squeeze3A_1300 = vector.extract %slice3A_1299[0] : f32 from vector<1xf32>
      %slice3A_1301 = vector.extract_strided_slice %parallel_loop3A_1093#3 {offsets = [15], sizes = [1], strides = [1]} : vector<16xf32> to vector<1xf32>
      %squeeze3A_1302 = vector.extract %slice3A_1301[0] : f32 from vector<1xf32>
      %add3A_1303 = arith.addf %squeeze3A_1272, %squeeze3A_1274 : f32
      %add3A_1304 = arith.addf %squeeze3A_1276, %squeeze3A_1278 : f32
      %add3A_1305 = arith.addf %squeeze3A_1280, %squeeze3A_1282 : f32
      %add3A_1306 = arith.addf %squeeze3A_1284, %squeeze3A_1286 : f32
      %add3A_1307 = arith.addf %squeeze3A_1288, %squeeze3A_1290 : f32
      %add3A_1308 = arith.addf %squeeze3A_1292, %squeeze3A_1294 : f32
      %add3A_1309 = arith.addf %squeeze3A_1296, %squeeze3A_1298 : f32
      %add3A_1310 = arith.addf %squeeze3A_1300, %squeeze3A_1302 : f32
      %add3A_1311 = arith.addf %add3A_1303, %add3A_1304 : f32
      %add3A_1312 = arith.addf %add3A_1305, %add3A_1306 : f32
      %add3A_1313 = arith.addf %add3A_1307, %add3A_1308 : f32
      %add3A_1314 = arith.addf %add3A_1309, %add3A_1310 : f32
      %add3A_1315 = arith.addf %add3A_1311, %add3A_1312 : f32
      %add3A_1316 = arith.addf %add3A_1313, %add3A_1314 : f32
      %add3A_1317 = arith.addf %add3A_1315, %add3A_1316 : f32
      %broadcast_in_dim3A_1318 = vector.broadcast %add3A_1317 : f32 to vector<16xf32>
      %abs3A_1319 = math.absf %broadcast_in_dim3A_1318 : vector<16xf32>
      %neg3A_1320 = arith.constant 0.000000e+00 : f32
      %neg3A_1321 = vector.broadcast %neg3A_1320 : f32 to vector<16xf32>
      %neg3A_1322 = arith.subf %neg3A_1321, %abs3A_1319 : vector<16xf32>
      %exp3A_1323 = math.exp %neg3A_1322 : vector<16xf32>
      %add3A_1324 = arith.constant 1.000000e+00 : f32
      %add3A_1325 = vector.broadcast %add3A_1324 : f32 to vector<16xf32>
      %add3A_1326 = arith.addf %add3A_1325, %exp3A_1323 : vector<16xf32>
      %div3A_1327 = arith.constant 1.000000e+00 : f32
      %div3A_1328 = vector.broadcast %div3A_1327 : f32 to vector<16xf32>
      %div3A_1329 = arith.divf %div3A_1328, %add3A_1326 : vector<16xf32>
      %slice3A_1330 = vector.extract_strided_slice %parallel_loop3A_1093#4 {offsets = [0], sizes = [1], strides = [1]} : vector<16xf32> to vector<1xf32>
      %squeeze3A_1331 = vector.extract %slice3A_1330[0] : f32 from vector<1xf32>
      %slice3A_1332 = vector.extract_strided_slice %parallel_loop3A_1093#4 {offsets = [1], sizes = [1], strides = [1]} : vector<16xf32> to vector<1xf32>
      %squeeze3A_1333 = vector.extract %slice3A_1332[0] : f32 from vector<1xf32>
      %slice3A_1334 = vector.extract_strided_slice %parallel_loop3A_1093#4 {offsets = [2], sizes = [1], strides = [1]} : vector<16xf32> to vector<1xf32>
      %squeeze3A_1335 = vector.extract %slice3A_1334[0] : f32 from vector<1xf32>
      %slice3A_1336 = vector.extract_strided_slice %parallel_loop3A_1093#4 {offsets = [3], sizes = [1], strides = [1]} : vector<16xf32> to vector<1xf32>
      %squeeze3A_1337 = vector.extract %slice3A_1336[0] : f32 from vector<1xf32>
      %slice3A_1338 = vector.extract_strided_slice %parallel_loop3A_1093#4 {offsets = [4], sizes = [1], strides = [1]} : vector<16xf32> to vector<1xf32>
      %squeeze3A_1339 = vector.extract %slice3A_1338[0] : f32 from vector<1xf32>
      %slice3A_1340 = vector.extract_strided_slice %parallel_loop3A_1093#4 {offsets = [5], sizes = [1], strides = [1]} : vector<16xf32> to vector<1xf32>
      %squeeze3A_1341 = vector.extract %slice3A_1340[0] : f32 from vector<1xf32>
      %slice3A_1342 = vector.extract_strided_slice %parallel_loop3A_1093#4 {offsets = [6], sizes = [1], strides = [1]} : vector<16xf32> to vector<1xf32>
      %squeeze3A_1343 = vector.extract %slice3A_1342[0] : f32 from vector<1xf32>
      %slice3A_1344 = vector.extract_strided_slice %parallel_loop3A_1093#4 {offsets = [7], sizes = [1], strides = [1]} : vector<16xf32> to vector<1xf32>
      %squeeze3A_1345 = vector.extract %slice3A_1344[0] : f32 from vector<1xf32>
      %slice3A_1346 = vector.extract_strided_slice %parallel_loop3A_1093#4 {offsets = [8], sizes = [1], strides = [1]} : vector<16xf32> to vector<1xf32>
      %squeeze3A_1347 = vector.extract %slice3A_1346[0] : f32 from vector<1xf32>
      %slice3A_1348 = vector.extract_strided_slice %parallel_loop3A_1093#4 {offsets = [9], sizes = [1], strides = [1]} : vector<16xf32> to vector<1xf32>
      %squeeze3A_1349 = vector.extract %slice3A_1348[0] : f32 from vector<1xf32>
      %slice3A_1350 = vector.extract_strided_slice %parallel_loop3A_1093#4 {offsets = [10], sizes = [1], strides = [1]} : vector<16xf32> to vector<1xf32>
      %squeeze3A_1351 = vector.extract %slice3A_1350[0] : f32 from vector<1xf32>
      %slice3A_1352 = vector.extract_strided_slice %parallel_loop3A_1093#4 {offsets = [11], sizes = [1], strides = [1]} : vector<16xf32> to vector<1xf32>
      %squeeze3A_1353 = vector.extract %slice3A_1352[0] : f32 from vector<1xf32>
      %slice3A_1354 = vector.extract_strided_slice %parallel_loop3A_1093#4 {offsets = [12], sizes = [1], strides = [1]} : vector<16xf32> to vector<1xf32>
      %squeeze3A_1355 = vector.extract %slice3A_1354[0] : f32 from vector<1xf32>
      %slice3A_1356 = vector.extract_strided_slice %parallel_loop3A_1093#4 {offsets = [13], sizes = [1], strides = [1]} : vector<16xf32> to vector<1xf32>
      %squeeze3A_1357 = vector.extract %slice3A_1356[0] : f32 from vector<1xf32>
      %slice3A_1358 = vector.extract_strided_slice %parallel_loop3A_1093#4 {offsets = [14], sizes = [1], strides = [1]} : vector<16xf32> to vector<1xf32>
      %squeeze3A_1359 = vector.extract %slice3A_1358[0] : f32 from vector<1xf32>
      %slice3A_1360 = vector.extract_strided_slice %parallel_loop3A_1093#4 {offsets = [15], sizes = [1], strides = [1]} : vector<16xf32> to vector<1xf32>
      %squeeze3A_1361 = vector.extract %slice3A_1360[0] : f32 from vector<1xf32>
      %add3A_1362 = arith.addf %squeeze3A_1331, %squeeze3A_1333 : f32
      %add3A_1363 = arith.addf %squeeze3A_1335, %squeeze3A_1337 : f32
      %add3A_1364 = arith.addf %squeeze3A_1339, %squeeze3A_1341 : f32
      %add3A_1365 = arith.addf %squeeze3A_1343, %squeeze3A_1345 : f32
      %add3A_1366 = arith.addf %squeeze3A_1347, %squeeze3A_1349 : f32
      %add3A_1367 = arith.addf %squeeze3A_1351, %squeeze3A_1353 : f32
      %add3A_1368 = arith.addf %squeeze3A_1355, %squeeze3A_1357 : f32
      %add3A_1369 = arith.addf %squeeze3A_1359, %squeeze3A_1361 : f32
      %add3A_1370 = arith.addf %add3A_1362, %add3A_1363 : f32
      %add3A_1371 = arith.addf %add3A_1364, %add3A_1365 : f32
      %add3A_1372 = arith.addf %add3A_1366, %add3A_1367 : f32
      %add3A_1373 = arith.addf %add3A_1368, %add3A_1369 : f32
      %add3A_1374 = arith.addf %add3A_1370, %add3A_1371 : f32
      %add3A_1375 = arith.addf %add3A_1372, %add3A_1373 : f32
      %add3A_1376 = arith.addf %add3A_1374, %add3A_1375 : f32
      %broadcast_in_dim3A_1377 = vector.broadcast %add3A_1376 : f32 to vector<16xf32>
      %abs3A_1378 = math.absf %broadcast_in_dim3A_1377 : vector<16xf32>
      %neg3A_1379 = arith.constant 0.000000e+00 : f32
      %neg3A_1380 = vector.broadcast %neg3A_1379 : f32 to vector<16xf32>
      %neg3A_1381 = arith.subf %neg3A_1380, %abs3A_1378 : vector<16xf32>
      %exp3A_1382 = math.exp %neg3A_1381 : vector<16xf32>
      %add3A_1383 = arith.constant 1.000000e+00 : f32
      %add3A_1384 = vector.broadcast %add3A_1383 : f32 to vector<16xf32>
      %add3A_1385 = arith.addf %add3A_1384, %exp3A_1382 : vector<16xf32>
      %div3A_1386 = arith.constant 1.000000e+00 : f32
      %div3A_1387 = vector.broadcast %div3A_1386 : f32 to vector<16xf32>
      %div3A_1388 = arith.divf %div3A_1387, %add3A_1385 : vector<16xf32>
      %slice3A_1389 = vector.extract_strided_slice %parallel_loop3A_1093#5 {offsets = [0], sizes = [1], strides = [1]} : vector<16xf32> to vector<1xf32>
      %squeeze3A_1390 = vector.extract %slice3A_1389[0] : f32 from vector<1xf32>
      %slice3A_1391 = vector.extract_strided_slice %parallel_loop3A_1093#5 {offsets = [1], sizes = [1], strides = [1]} : vector<16xf32> to vector<1xf32>
      %squeeze3A_1392 = vector.extract %slice3A_1391[0] : f32 from vector<1xf32>
      %slice3A_1393 = vector.extract_strided_slice %parallel_loop3A_1093#5 {offsets = [2], sizes = [1], strides = [1]} : vector<16xf32> to vector<1xf32>
      %squeeze3A_1394 = vector.extract %slice3A_1393[0] : f32 from vector<1xf32>
      %slice3A_1395 = vector.extract_strided_slice %parallel_loop3A_1093#5 {offsets = [3], sizes = [1], strides = [1]} : vector<16xf32> to vector<1xf32>
      %squeeze3A_1396 = vector.extract %slice3A_1395[0] : f32 from vector<1xf32>
      %slice3A_1397 = vector.extract_strided_slice %parallel_loop3A_1093#5 {offsets = [4], sizes = [1], strides = [1]} : vector<16xf32> to vector<1xf32>
      %squeeze3A_1398 = vector.extract %slice3A_1397[0] : f32 from vector<1xf32>
      %slice3A_1399 = vector.extract_strided_slice %parallel_loop3A_1093#5 {offsets = [5], sizes = [1], strides = [1]} : vector<16xf32> to vector<1xf32>
      %squeeze3A_1400 = vector.extract %slice3A_1399[0] : f32 from vector<1xf32>
      %slice3A_1401 = vector.extract_strided_slice %parallel_loop3A_1093#5 {offsets = [6], sizes = [1], strides = [1]} : vector<16xf32> to vector<1xf32>
      %squeeze3A_1402 = vector.extract %slice3A_1401[0] : f32 from vector<1xf32>
      %slice3A_1403 = vector.extract_strided_slice %parallel_loop3A_1093#5 {offsets = [7], sizes = [1], strides = [1]} : vector<16xf32> to vector<1xf32>
      %squeeze3A_1404 = vector.extract %slice3A_1403[0] : f32 from vector<1xf32>
      %slice3A_1405 = vector.extract_strided_slice %parallel_loop3A_1093#5 {offsets = [8], sizes = [1], strides = [1]} : vector<16xf32> to vector<1xf32>
      %squeeze3A_1406 = vector.extract %slice3A_1405[0] : f32 from vector<1xf32>
      %slice3A_1407 = vector.extract_strided_slice %parallel_loop3A_1093#5 {offsets = [9], sizes = [1], strides = [1]} : vector<16xf32> to vector<1xf32>
      %squeeze3A_1408 = vector.extract %slice3A_1407[0] : f32 from vector<1xf32>
      %slice3A_1409 = vector.extract_strided_slice %parallel_loop3A_1093#5 {offsets = [10], sizes = [1], strides = [1]} : vector<16xf32> to vector<1xf32>
      %squeeze3A_1410 = vector.extract %slice3A_1409[0] : f32 from vector<1xf32>
      %slice3A_1411 = vector.extract_strided_slice %parallel_loop3A_1093#5 {offsets = [11], sizes = [1], strides = [1]} : vector<16xf32> to vector<1xf32>
      %squeeze3A_1412 = vector.extract %slice3A_1411[0] : f32 from vector<1xf32>
      %slice3A_1413 = vector.extract_strided_slice %parallel_loop3A_1093#5 {offsets = [12], sizes = [1], strides = [1]} : vector<16xf32> to vector<1xf32>
      %squeeze3A_1414 = vector.extract %slice3A_1413[0] : f32 from vector<1xf32>
      %slice3A_1415 = vector.extract_strided_slice %parallel_loop3A_1093#5 {offsets = [13], sizes = [1], strides = [1]} : vector<16xf32> to vector<1xf32>
      %squeeze3A_1416 = vector.extract %slice3A_1415[0] : f32 from vector<1xf32>
      %slice3A_1417 = vector.extract_strided_slice %parallel_loop3A_1093#5 {offsets = [14], sizes = [1], strides = [1]} : vector<16xf32> to vector<1xf32>
      %squeeze3A_1418 = vector.extract %slice3A_1417[0] : f32 from vector<1xf32>
      %slice3A_1419 = vector.extract_strided_slice %parallel_loop3A_1093#5 {offsets = [15], sizes = [1], strides = [1]} : vector<16xf32> to vector<1xf32>
      %squeeze3A_1420 = vector.extract %slice3A_1419[0] : f32 from vector<1xf32>
      %add3A_1421 = arith.addf %squeeze3A_1390, %squeeze3A_1392 : f32
      %add3A_1422 = arith.addf %squeeze3A_1394, %squeeze3A_1396 : f32
      %add3A_1423 = arith.addf %squeeze3A_1398, %squeeze3A_1400 : f32
      %add3A_1424 = arith.addf %squeeze3A_1402, %squeeze3A_1404 : f32
      %add3A_1425 = arith.addf %squeeze3A_1406, %squeeze3A_1408 : f32
      %add3A_1426 = arith.addf %squeeze3A_1410, %squeeze3A_1412 : f32
      %add3A_1427 = arith.addf %squeeze3A_1414, %squeeze3A_1416 : f32
      %add3A_1428 = arith.addf %squeeze3A_1418, %squeeze3A_1420 : f32
      %add3A_1429 = arith.addf %add3A_1421, %add3A_1422 : f32
      %add3A_1430 = arith.addf %add3A_1423, %add3A_1424 : f32
      %add3A_1431 = arith.addf %add3A_1425, %add3A_1426 : f32
      %add3A_1432 = arith.addf %add3A_1427, %add3A_1428 : f32
      %add3A_1433 = arith.addf %add3A_1429, %add3A_1430 : f32
      %add3A_1434 = arith.addf %add3A_1431, %add3A_1432 : f32
      %add3A_1435 = arith.addf %add3A_1433, %add3A_1434 : f32
      %broadcast_in_dim3A_1436 = vector.broadcast %add3A_1435 : f32 to vector<16xf32>
      %abs3A_1437 = math.absf %broadcast_in_dim3A_1436 : vector<16xf32>
      %neg3A_1438 = arith.constant 0.000000e+00 : f32
      %neg3A_1439 = vector.broadcast %neg3A_1438 : f32 to vector<16xf32>
      %neg3A_1440 = arith.subf %neg3A_1439, %abs3A_1437 : vector<16xf32>
      %exp3A_1441 = math.exp %neg3A_1440 : vector<16xf32>
      %add3A_1442 = arith.constant 1.000000e+00 : f32
      %add3A_1443 = vector.broadcast %add3A_1442 : f32 to vector<16xf32>
      %add3A_1444 = arith.addf %add3A_1443, %exp3A_1441 : vector<16xf32>
      %div3A_1445 = arith.constant 1.000000e+00 : f32
      %div3A_1446 = vector.broadcast %div3A_1445 : f32 to vector<16xf32>
      %div3A_1447 = arith.divf %div3A_1446, %add3A_1444 : vector<16xf32>
      %slice3A_1448 = vector.extract_strided_slice %parallel_loop3A_1093#6 {offsets = [0], sizes = [1], strides = [1]} : vector<16xf32> to vector<1xf32>
      %squeeze3A_1449 = vector.extract %slice3A_1448[0] : f32 from vector<1xf32>
      %slice3A_1450 = vector.extract_strided_slice %parallel_loop3A_1093#6 {offsets = [1], sizes = [1], strides = [1]} : vector<16xf32> to vector<1xf32>
      %squeeze3A_1451 = vector.extract %slice3A_1450[0] : f32 from vector<1xf32>
      %slice3A_1452 = vector.extract_strided_slice %parallel_loop3A_1093#6 {offsets = [2], sizes = [1], strides = [1]} : vector<16xf32> to vector<1xf32>
      %squeeze3A_1453 = vector.extract %slice3A_1452[0] : f32 from vector<1xf32>
      %slice3A_1454 = vector.extract_strided_slice %parallel_loop3A_1093#6 {offsets = [3], sizes = [1], strides = [1]} : vector<16xf32> to vector<1xf32>
      %squeeze3A_1455 = vector.extract %slice3A_1454[0] : f32 from vector<1xf32>
      %slice3A_1456 = vector.extract_strided_slice %parallel_loop3A_1093#6 {offsets = [4], sizes = [1], strides = [1]} : vector<16xf32> to vector<1xf32>
      %squeeze3A_1457 = vector.extract %slice3A_1456[0] : f32 from vector<1xf32>
      %slice3A_1458 = vector.extract_strided_slice %parallel_loop3A_1093#6 {offsets = [5], sizes = [1], strides = [1]} : vector<16xf32> to vector<1xf32>
      %squeeze3A_1459 = vector.extract %slice3A_1458[0] : f32 from vector<1xf32>
      %slice3A_1460 = vector.extract_strided_slice %parallel_loop3A_1093#6 {offsets = [6], sizes = [1], strides = [1]} : vector<16xf32> to vector<1xf32>
      %squeeze3A_1461 = vector.extract %slice3A_1460[0] : f32 from vector<1xf32>
      %slice3A_1462 = vector.extract_strided_slice %parallel_loop3A_1093#6 {offsets = [7], sizes = [1], strides = [1]} : vector<16xf32> to vector<1xf32>
      %squeeze3A_1463 = vector.extract %slice3A_1462[0] : f32 from vector<1xf32>
      %slice3A_1464 = vector.extract_strided_slice %parallel_loop3A_1093#6 {offsets = [8], sizes = [1], strides = [1]} : vector<16xf32> to vector<1xf32>
      %squeeze3A_1465 = vector.extract %slice3A_1464[0] : f32 from vector<1xf32>
      %slice3A_1466 = vector.extract_strided_slice %parallel_loop3A_1093#6 {offsets = [9], sizes = [1], strides = [1]} : vector<16xf32> to vector<1xf32>
      %squeeze3A_1467 = vector.extract %slice3A_1466[0] : f32 from vector<1xf32>
      %slice3A_1468 = vector.extract_strided_slice %parallel_loop3A_1093#6 {offsets = [10], sizes = [1], strides = [1]} : vector<16xf32> to vector<1xf32>
      %squeeze3A_1469 = vector.extract %slice3A_1468[0] : f32 from vector<1xf32>
      %slice3A_1470 = vector.extract_strided_slice %parallel_loop3A_1093#6 {offsets = [11], sizes = [1], strides = [1]} : vector<16xf32> to vector<1xf32>
      %squeeze3A_1471 = vector.extract %slice3A_1470[0] : f32 from vector<1xf32>
      %slice3A_1472 = vector.extract_strided_slice %parallel_loop3A_1093#6 {offsets = [12], sizes = [1], strides = [1]} : vector<16xf32> to vector<1xf32>
      %squeeze3A_1473 = vector.extract %slice3A_1472[0] : f32 from vector<1xf32>
      %slice3A_1474 = vector.extract_strided_slice %parallel_loop3A_1093#6 {offsets = [13], sizes = [1], strides = [1]} : vector<16xf32> to vector<1xf32>
      %squeeze3A_1475 = vector.extract %slice3A_1474[0] : f32 from vector<1xf32>
      %slice3A_1476 = vector.extract_strided_slice %parallel_loop3A_1093#6 {offsets = [14], sizes = [1], strides = [1]} : vector<16xf32> to vector<1xf32>
      %squeeze3A_1477 = vector.extract %slice3A_1476[0] : f32 from vector<1xf32>
      %slice3A_1478 = vector.extract_strided_slice %parallel_loop3A_1093#6 {offsets = [15], sizes = [1], strides = [1]} : vector<16xf32> to vector<1xf32>
      %squeeze3A_1479 = vector.extract %slice3A_1478[0] : f32 from vector<1xf32>
      %add3A_1480 = arith.addf %squeeze3A_1449, %squeeze3A_1451 : f32
      %add3A_1481 = arith.addf %squeeze3A_1453, %squeeze3A_1455 : f32
      %add3A_1482 = arith.addf %squeeze3A_1457, %squeeze3A_1459 : f32
      %add3A_1483 = arith.addf %squeeze3A_1461, %squeeze3A_1463 : f32
      %add3A_1484 = arith.addf %squeeze3A_1465, %squeeze3A_1467 : f32
      %add3A_1485 = arith.addf %squeeze3A_1469, %squeeze3A_1471 : f32
      %add3A_1486 = arith.addf %squeeze3A_1473, %squeeze3A_1475 : f32
      %add3A_1487 = arith.addf %squeeze3A_1477, %squeeze3A_1479 : f32
      %add3A_1488 = arith.addf %add3A_1480, %add3A_1481 : f32
      %add3A_1489 = arith.addf %add3A_1482, %add3A_1483 : f32
      %add3A_1490 = arith.addf %add3A_1484, %add3A_1485 : f32
      %add3A_1491 = arith.addf %add3A_1486, %add3A_1487 : f32
      %add3A_1492 = arith.addf %add3A_1488, %add3A_1489 : f32
      %add3A_1493 = arith.addf %add3A_1490, %add3A_1491 : f32
      %add3A_1494 = arith.addf %add3A_1492, %add3A_1493 : f32
      %broadcast_in_dim3A_1495 = vector.broadcast %add3A_1494 : f32 to vector<16xf32>
      %abs3A_1496 = math.absf %broadcast_in_dim3A_1495 : vector<16xf32>
      %neg3A_1497 = arith.constant 0.000000e+00 : f32
      %neg3A_1498 = vector.broadcast %neg3A_1497 : f32 to vector<16xf32>
      %neg3A_1499 = arith.subf %neg3A_1498, %abs3A_1496 : vector<16xf32>
      %exp3A_1500 = math.exp %neg3A_1499 : vector<16xf32>
      %add3A_1501 = arith.constant 1.000000e+00 : f32
      %add3A_1502 = vector.broadcast %add3A_1501 : f32 to vector<16xf32>
      %add3A_1503 = arith.addf %add3A_1502, %exp3A_1500 : vector<16xf32>
      %div3A_1504 = arith.constant 1.000000e+00 : f32
      %div3A_1505 = vector.broadcast %div3A_1504 : f32 to vector<16xf32>
      %div3A_1506 = arith.divf %div3A_1505, %add3A_1503 : vector<16xf32>
      %slice3A_1507 = vector.extract_strided_slice %parallel_loop3A_1093#7 {offsets = [0], sizes = [1], strides = [1]} : vector<16xf32> to vector<1xf32>
      %squeeze3A_1508 = vector.extract %slice3A_1507[0] : f32 from vector<1xf32>
      %slice3A_1509 = vector.extract_strided_slice %parallel_loop3A_1093#7 {offsets = [1], sizes = [1], strides = [1]} : vector<16xf32> to vector<1xf32>
      %squeeze3A_1510 = vector.extract %slice3A_1509[0] : f32 from vector<1xf32>
      %slice3A_1511 = vector.extract_strided_slice %parallel_loop3A_1093#7 {offsets = [2], sizes = [1], strides = [1]} : vector<16xf32> to vector<1xf32>
      %squeeze3A_1512 = vector.extract %slice3A_1511[0] : f32 from vector<1xf32>
      %slice3A_1513 = vector.extract_strided_slice %parallel_loop3A_1093#7 {offsets = [3], sizes = [1], strides = [1]} : vector<16xf32> to vector<1xf32>
      %squeeze3A_1514 = vector.extract %slice3A_1513[0] : f32 from vector<1xf32>
      %slice3A_1515 = vector.extract_strided_slice %parallel_loop3A_1093#7 {offsets = [4], sizes = [1], strides = [1]} : vector<16xf32> to vector<1xf32>
      %squeeze3A_1516 = vector.extract %slice3A_1515[0] : f32 from vector<1xf32>
      %slice3A_1517 = vector.extract_strided_slice %parallel_loop3A_1093#7 {offsets = [5], sizes = [1], strides = [1]} : vector<16xf32> to vector<1xf32>
      %squeeze3A_1518 = vector.extract %slice3A_1517[0] : f32 from vector<1xf32>
      %slice3A_1519 = vector.extract_strided_slice %parallel_loop3A_1093#7 {offsets = [6], sizes = [1], strides = [1]} : vector<16xf32> to vector<1xf32>
      %squeeze3A_1520 = vector.extract %slice3A_1519[0] : f32 from vector<1xf32>
      %slice3A_1521 = vector.extract_strided_slice %parallel_loop3A_1093#7 {offsets = [7], sizes = [1], strides = [1]} : vector<16xf32> to vector<1xf32>
      %squeeze3A_1522 = vector.extract %slice3A_1521[0] : f32 from vector<1xf32>
      %slice3A_1523 = vector.extract_strided_slice %parallel_loop3A_1093#7 {offsets = [8], sizes = [1], strides = [1]} : vector<16xf32> to vector<1xf32>
      %squeeze3A_1524 = vector.extract %slice3A_1523[0] : f32 from vector<1xf32>
      %slice3A_1525 = vector.extract_strided_slice %parallel_loop3A_1093#7 {offsets = [9], sizes = [1], strides = [1]} : vector<16xf32> to vector<1xf32>
      %squeeze3A_1526 = vector.extract %slice3A_1525[0] : f32 from vector<1xf32>
      %slice3A_1527 = vector.extract_strided_slice %parallel_loop3A_1093#7 {offsets = [10], sizes = [1], strides = [1]} : vector<16xf32> to vector<1xf32>
      %squeeze3A_1528 = vector.extract %slice3A_1527[0] : f32 from vector<1xf32>
      %slice3A_1529 = vector.extract_strided_slice %parallel_loop3A_1093#7 {offsets = [11], sizes = [1], strides = [1]} : vector<16xf32> to vector<1xf32>
      %squeeze3A_1530 = vector.extract %slice3A_1529[0] : f32 from vector<1xf32>
      %slice3A_1531 = vector.extract_strided_slice %parallel_loop3A_1093#7 {offsets = [12], sizes = [1], strides = [1]} : vector<16xf32> to vector<1xf32>
      %squeeze3A_1532 = vector.extract %slice3A_1531[0] : f32 from vector<1xf32>
      %slice3A_1533 = vector.extract_strided_slice %parallel_loop3A_1093#7 {offsets = [13], sizes = [1], strides = [1]} : vector<16xf32> to vector<1xf32>
      %squeeze3A_1534 = vector.extract %slice3A_1533[0] : f32 from vector<1xf32>
      %slice3A_1535 = vector.extract_strided_slice %parallel_loop3A_1093#7 {offsets = [14], sizes = [1], strides = [1]} : vector<16xf32> to vector<1xf32>
      %squeeze3A_1536 = vector.extract %slice3A_1535[0] : f32 from vector<1xf32>
      %slice3A_1537 = vector.extract_strided_slice %parallel_loop3A_1093#7 {offsets = [15], sizes = [1], strides = [1]} : vector<16xf32> to vector<1xf32>
      %squeeze3A_1538 = vector.extract %slice3A_1537[0] : f32 from vector<1xf32>
      %add3A_1539 = arith.addf %squeeze3A_1508, %squeeze3A_1510 : f32
      %add3A_1540 = arith.addf %squeeze3A_1512, %squeeze3A_1514 : f32
      %add3A_1541 = arith.addf %squeeze3A_1516, %squeeze3A_1518 : f32
      %add3A_1542 = arith.addf %squeeze3A_1520, %squeeze3A_1522 : f32
      %add3A_1543 = arith.addf %squeeze3A_1524, %squeeze3A_1526 : f32
      %add3A_1544 = arith.addf %squeeze3A_1528, %squeeze3A_1530 : f32
      %add3A_1545 = arith.addf %squeeze3A_1532, %squeeze3A_1534 : f32
      %add3A_1546 = arith.addf %squeeze3A_1536, %squeeze3A_1538 : f32
      %add3A_1547 = arith.addf %add3A_1539, %add3A_1540 : f32
      %add3A_1548 = arith.addf %add3A_1541, %add3A_1542 : f32
      %add3A_1549 = arith.addf %add3A_1543, %add3A_1544 : f32
      %add3A_1550 = arith.addf %add3A_1545, %add3A_1546 : f32
      %add3A_1551 = arith.addf %add3A_1547, %add3A_1548 : f32
      %add3A_1552 = arith.addf %add3A_1549, %add3A_1550 : f32
      %add3A_1553 = arith.addf %add3A_1551, %add3A_1552 : f32
      %broadcast_in_dim3A_1554 = vector.broadcast %add3A_1553 : f32 to vector<16xf32>
      %abs3A_1555 = math.absf %broadcast_in_dim3A_1554 : vector<16xf32>
      %neg3A_1556 = arith.constant 0.000000e+00 : f32
      %neg3A_1557 = vector.broadcast %neg3A_1556 : f32 to vector<16xf32>
      %neg3A_1558 = arith.subf %neg3A_1557, %abs3A_1555 : vector<16xf32>
      %exp3A_1559 = math.exp %neg3A_1558 : vector<16xf32>
      %add3A_1560 = arith.constant 1.000000e+00 : f32
      %add3A_1561 = vector.broadcast %add3A_1560 : f32 to vector<16xf32>
      %add3A_1562 = arith.addf %add3A_1561, %exp3A_1559 : vector<16xf32>
      %div3A_1563 = arith.constant 1.000000e+00 : f32
      %div3A_1564 = vector.broadcast %div3A_1563 : f32 to vector<16xf32>
      %div3A_1565 = arith.divf %div3A_1564, %add3A_1562 : vector<16xf32>
      %parallel_loop3A_1566 = arith.constant 0 : i32
      %parallel_loop3A_1567 = arith.constant 256 : i32
      %parallel_loop3A_1568 = arith.constant 1 : i32
      %parallel_loop3A_1569 = arith.constant 0 : i32
      %parallel_loop3A_1570 = scf.for %parallel_loop3A_2098 = %parallel_loop3A_1566 to %parallel_loop3A_1567 step %parallel_loop3A_1568 iter_args(%parallel_loop3A_2099 = %parallel_loop3A_1569) -> (i32)  : i32 {
        %parallel_loop3A_2100 = arith.constant 16 : i32
        %parallel_loop3A_2101 = arith.muli %parallel_loop3A_2098, %parallel_loop3A_2100 : i32
        %parallel_loop3A_2102 = arith.constant 0 : i32
        %parallel_loop3A_2103 = arith.index_cast %parallel_loop3A_2102 : i32 to index
        %parallel_loop3A_2104 = arith.index_cast %parallel_loop3A_2101 : i32 to index
        %parallel_loop3A_2105 = tpu.vector_load %arg8[%parallel_loop3A_2103, %parallel_loop3A_2104] {strides = array<i32>} : memref<8x4096xf32, #tpu.memory_space<vmem>>, vector<1x16xf32>,
        %parallel_loop3A_2106 = vector.shape_cast %parallel_loop3A_2105 : vector<1x16xf32> to vector<16xf32>
        %parallel_loop3A_2107 = arith.mulf %parallel_loop3A_2106, %div3A_1152 : vector<16xf32>
        %parallel_loop3A_2108 = arith.constant 0 : i32
        %parallel_loop3A_2109 = arith.index_cast %parallel_loop3A_2108 : i32 to index
        %parallel_loop3A_2110 = arith.index_cast %parallel_loop3A_2101 : i32 to index
        %parallel_loop3A_2111 = tpu.vector_load %arg8[%parallel_loop3A_2109, %parallel_loop3A_2110] {strides = array<i32>} : memref<8x4096xf32, #tpu.memory_space<vmem>>, vector<1x16xf32>,
        %parallel_loop3A_2112 = vector.shape_cast %parallel_loop3A_2111 : vector<1x16xf32> to vector<16xf32>
        %parallel_loop3A_2113 = vector.shape_cast %parallel_loop3A_2107 : vector<16xf32> to vector<1x16xf32>
        tpu.vector_store %arg8[%parallel_loop3A_2109, %parallel_loop3A_2110], %parallel_loop3A_2113 {strides = array<i32>} : memref<8x4096xf32, #tpu.memory_space<vmem>>, vector<1x16xf32>,
        %parallel_loop3A_2114 = arith.constant 1 : i32
        %parallel_loop3A_2115 = arith.index_cast %parallel_loop3A_2114 : i32 to index
        %parallel_loop3A_2116 = arith.index_cast %parallel_loop3A_2101 : i32 to index
        %parallel_loop3A_2117 = tpu.vector_load %arg8[%parallel_loop3A_2115, %parallel_loop3A_2116] {strides = array<i32>} : memref<8x4096xf32, #tpu.memory_space<vmem>>, vector<1x16xf32>,
        %parallel_loop3A_2118 = vector.shape_cast %parallel_loop3A_2117 : vector<1x16xf32> to vector<16xf32>
        %parallel_loop3A_2119 = arith.mulf %parallel_loop3A_2118, %div3A_1211 : vector<16xf32>
        %parallel_loop3A_2120 = arith.constant 1 : i32
        %parallel_loop3A_2121 = arith.index_cast %parallel_loop3A_2120 : i32 to index
        %parallel_loop3A_2122 = arith.index_cast %parallel_loop3A_2101 : i32 to index
        %parallel_loop3A_2123 = tpu.vector_load %arg8[%parallel_loop3A_2121, %parallel_loop3A_2122] {strides = array<i32>} : memref<8x4096xf32, #tpu.memory_space<vmem>>, vector<1x16xf32>,
        %parallel_loop3A_2124 = vector.shape_cast %parallel_loop3A_2123 : vector<1x16xf32> to vector<16xf32>
        %parallel_loop3A_2125 = vector.shape_cast %parallel_loop3A_2119 : vector<16xf32> to vector<1x16xf32>
        tpu.vector_store %arg8[%parallel_loop3A_2121, %parallel_loop3A_2122], %parallel_loop3A_2125 {strides = array<i32>} : memref<8x4096xf32, #tpu.memory_space<vmem>>, vector<1x16xf32>,
        %parallel_loop3A_2126 = arith.constant 2 : i32
        %parallel_loop3A_2127 = arith.index_cast %parallel_loop3A_2126 : i32 to index
        %parallel_loop3A_2128 = arith.index_cast %parallel_loop3A_2101 : i32 to index
        %parallel_loop3A_2129 = tpu.vector_load %arg8[%parallel_loop3A_2127, %parallel_loop3A_2128] {strides = array<i32>} : memref<8x4096xf32, #tpu.memory_space<vmem>>, vector<1x16xf32>,
        %parallel_loop3A_2130 = vector.shape_cast %parallel_loop3A_2129 : vector<1x16xf32> to vector<16xf32>
        %parallel_loop3A_2131 = arith.mulf %parallel_loop3A_2130, %div3A_1270 : vector<16xf32>
        %parallel_loop3A_2132 = arith.constant 2 : i32
        %parallel_loop3A_2133 = arith.index_cast %parallel_loop3A_2132 : i32 to index
        %parallel_loop3A_2134 = arith.index_cast %parallel_loop3A_2101 : i32 to index
        %parallel_loop3A_2135 = tpu.vector_load %arg8[%parallel_loop3A_2133, %parallel_loop3A_2134] {strides = array<i32>} : memref<8x4096xf32, #tpu.memory_space<vmem>>, vector<1x16xf32>,
        %parallel_loop3A_2136 = vector.shape_cast %parallel_loop3A_2135 : vector<1x16xf32> to vector<16xf32>
        %parallel_loop3A_2137 = vector.shape_cast %parallel_loop3A_2131 : vector<16xf32> to vector<1x16xf32>
        tpu.vector_store %arg8[%parallel_loop3A_2133, %parallel_loop3A_2134], %parallel_loop3A_2137 {strides = array<i32>} : memref<8x4096xf32, #tpu.memory_space<vmem>>, vector<1x16xf32>,
        %parallel_loop3A_2138 = arith.constant 3 : i32
        %parallel_loop3A_2139 = arith.index_cast %parallel_loop3A_2138 : i32 to index
        %parallel_loop3A_2140 = arith.index_cast %parallel_loop3A_2101 : i32 to index
        %parallel_loop3A_2141 = tpu.vector_load %arg8[%parallel_loop3A_2139, %parallel_loop3A_2140] {strides = array<i32>} : memref<8x4096xf32, #tpu.memory_space<vmem>>, vector<1x16xf32>,
        %parallel_loop3A_2142 = vector.shape_cast %parallel_loop3A_2141 : vector<1x16xf32> to vector<16xf32>
        %parallel_loop3A_2143 = arith.mulf %parallel_loop3A_2142, %div3A_1329 : vector<16xf32>
        %parallel_loop3A_2144 = arith.constant 3 : i32
        %parallel_loop3A_2145 = arith.index_cast %parallel_loop3A_2144 : i32 to index
        %parallel_loop3A_2146 = arith.index_cast %parallel_loop3A_2101 : i32 to index
        %parallel_loop3A_2147 = tpu.vector_load %arg8[%parallel_loop3A_2145, %parallel_loop3A_2146] {strides = array<i32>} : memref<8x4096xf32, #tpu.memory_space<vmem>>, vector<1x16xf32>,
        %parallel_loop3A_2148 = vector.shape_cast %parallel_loop3A_2147 : vector<1x16xf32> to vector<16xf32>
        %parallel_loop3A_2149 = vector.shape_cast %parallel_loop3A_2143 : vector<16xf32> to vector<1x16xf32>
        tpu.vector_store %arg8[%parallel_loop3A_2145, %parallel_loop3A_2146], %parallel_loop3A_2149 {strides = array<i32>} : memref<8x4096xf32, #tpu.memory_space<vmem>>, vector<1x16xf32>,
        %parallel_loop3A_2150 = arith.constant 4 : i32
        %parallel_loop3A_2151 = arith.index_cast %parallel_loop3A_2150 : i32 to index
        %parallel_loop3A_2152 = arith.index_cast %parallel_loop3A_2101 : i32 to index
        %parallel_loop3A_2153 = tpu.vector_load %arg8[%parallel_loop3A_2151, %parallel_loop3A_2152] {strides = array<i32>} : memref<8x4096xf32, #tpu.memory_space<vmem>>, vector<1x16xf32>,
        %parallel_loop3A_2154 = vector.shape_cast %parallel_loop3A_2153 : vector<1x16xf32> to vector<16xf32>
        %parallel_loop3A_2155 = arith.mulf %parallel_loop3A_2154, %div3A_1388 : vector<16xf32>
        %parallel_loop3A_2156 = arith.constant 4 : i32
        %parallel_loop3A_2157 = arith.index_cast %parallel_loop3A_2156 : i32 to index
        %parallel_loop3A_2158 = arith.index_cast %parallel_loop3A_2101 : i32 to index
        %parallel_loop3A_2159 = tpu.vector_load %arg8[%parallel_loop3A_2157, %parallel_loop3A_2158] {strides = array<i32>} : memref<8x4096xf32, #tpu.memory_space<vmem>>, vector<1x16xf32>,
        %parallel_loop3A_2160 = vector.shape_cast %parallel_loop3A_2159 : vector<1x16xf32> to vector<16xf32>
        %parallel_loop3A_2161 = vector.shape_cast %parallel_loop3A_2155 : vector<16xf32> to vector<1x16xf32>
        tpu.vector_store %arg8[%parallel_loop3A_2157, %parallel_loop3A_2158], %parallel_loop3A_2161 {strides = array<i32>} : memref<8x4096xf32, #tpu.memory_space<vmem>>, vector<1x16xf32>,
        %parallel_loop3A_2162 = arith.constant 5 : i32
        %parallel_loop3A_2163 = arith.index_cast %parallel_loop3A_2162 : i32 to index
        %parallel_loop3A_2164 = arith.index_cast %parallel_loop3A_2101 : i32 to index
        %parallel_loop3A_2165 = tpu.vector_load %arg8[%parallel_loop3A_2163, %parallel_loop3A_2164] {strides = array<i32>} : memref<8x4096xf32, #tpu.memory_space<vmem>>, vector<1x16xf32>,
        %parallel_loop3A_2166 = vector.shape_cast %parallel_loop3A_2165 : vector<1x16xf32> to vector<16xf32>
        %parallel_loop3A_2167 = arith.mulf %parallel_loop3A_2166, %div3A_1447 : vector<16xf32>
        %parallel_loop3A_2168 = arith.constant 5 : i32
        %parallel_loop3A_2169 = arith.index_cast %parallel_loop3A_2168 : i32 to index
        %parallel_loop3A_2170 = arith.index_cast %parallel_loop3A_2101 : i32 to index
        %parallel_loop3A_2171 = tpu.vector_load %arg8[%parallel_loop3A_2169, %parallel_loop3A_2170] {strides = array<i32>} : memref<8x4096xf32, #tpu.memory_space<vmem>>, vector<1x16xf32>,
        %parallel_loop3A_2172 = vector.shape_cast %parallel_loop3A_2171 : vector<1x16xf32> to vector<16xf32>
        %parallel_loop3A_2173 = vector.shape_cast %parallel_loop3A_2167 : vector<16xf32> to vector<1x16xf32>
        tpu.vector_store %arg8[%parallel_loop3A_2169, %parallel_loop3A_2170], %parallel_loop3A_2173 {strides = array<i32>} : memref<8x4096xf32, #tpu.memory_space<vmem>>, vector<1x16xf32>,
        %parallel_loop3A_2174 = arith.constant 6 : i32
        %parallel_loop3A_2175 = arith.index_cast %parallel_loop3A_2174 : i32 to index
        %parallel_loop3A_2176 = arith.index_cast %parallel_loop3A_2101 : i32 to index
        %parallel_loop3A_2177 = tpu.vector_load %arg8[%parallel_loop3A_2175, %parallel_loop3A_2176] {strides = array<i32>} : memref<8x4096xf32, #tpu.memory_space<vmem>>, vector<1x16xf32>,
        %parallel_loop3A_2178 = vector.shape_cast %parallel_loop3A_2177 : vector<1x16xf32> to vector<16xf32>
        %parallel_loop3A_2179 = arith.mulf %parallel_loop3A_2178, %div3A_1506 : vector<16xf32>
        %parallel_loop3A_2180 = arith.constant 6 : i32
        %parallel_loop3A_2181 = arith.index_cast %parallel_loop3A_2180 : i32 to index
        %parallel_loop3A_2182 = arith.index_cast %parallel_loop3A_2101 : i32 to index
        %parallel_loop3A_2183 = tpu.vector_load %arg8[%parallel_loop3A_2181, %parallel_loop3A_2182] {strides = array<i32>} : memref<8x4096xf32, #tpu.memory_space<vmem>>, vector<1x16xf32>,
        %parallel_loop3A_2184 = vector.shape_cast %parallel_loop3A_2183 : vector<1x16xf32> to vector<16xf32>
        %parallel_loop3A_2185 = vector.shape_cast %parallel_loop3A_2179 : vector<16xf32> to vector<1x16xf32>
        tpu.vector_store %arg8[%parallel_loop3A_2181, %parallel_loop3A_2182], %parallel_loop3A_2185 {strides = array<i32>} : memref<8x4096xf32, #tpu.memory_space<vmem>>, vector<1x16xf32>,
        %parallel_loop3A_2186 = arith.constant 7 : i32
        %parallel_loop3A_2187 = arith.index_cast %parallel_loop3A_2186 : i32 to index
        %parallel_loop3A_2188 = arith.index_cast %parallel_loop3A_2101 : i32 to index
        %parallel_loop3A_2189 = tpu.vector_load %arg8[%parallel_loop3A_2187, %parallel_loop3A_2188] {strides = array<i32>} : memref<8x4096xf32, #tpu.memory_space<vmem>>, vector<1x16xf32>,
        %parallel_loop3A_2190 = vector.shape_cast %parallel_loop3A_2189 : vector<1x16xf32> to vector<16xf32>
        %parallel_loop3A_2191 = arith.mulf %parallel_loop3A_2190, %div3A_1565 : vector<16xf32>
        %parallel_loop3A_2192 = arith.constant 7 : i32
        %parallel_loop3A_2193 = arith.index_cast %parallel_loop3A_2192 : i32 to index
        %parallel_loop3A_2194 = arith.index_cast %parallel_loop3A_2101 : i32 to index
        %parallel_loop3A_2195 = tpu.vector_load %arg8[%parallel_loop3A_2193, %parallel_loop3A_2194] {strides = array<i32>} : memref<8x4096xf32, #tpu.memory_space<vmem>>, vector<1x16xf32>,
        %parallel_loop3A_2196 = vector.shape_cast %parallel_loop3A_2195 : vector<1x16xf32> to vector<16xf32>
        %parallel_loop3A_2197 = vector.shape_cast %parallel_loop3A_2191 : vector<16xf32> to vector<1x16xf32>
        tpu.vector_store %arg8[%parallel_loop3A_2193, %parallel_loop3A_2194], %parallel_loop3A_2197 {strides = array<i32>} : memref<8x4096xf32, #tpu.memory_space<vmem>>, vector<1x16xf32>,
        scf.yield %parallel_loop3A_2099 : i32
      } {sc.loop_unroll_factor = 4 : i64, sc.parallel_access}
      %mul3A_1571 = arith.constant 8 : i32
      %mul3A_1572 = arith.muli %add3A_1059, %mul3A_1571 : i32
      %add3A_1573 = arith.addi %mul3A_2, %mul3A_1572 : i32
      %dma_start3A_1574 = arith.constant 0 : i32
      %dma_start3A_1575 = tpu.memref_slice %arg4[%add3A_1573, %dma_start3A_1574] : memref<16384x4096xf32, #tpu.memory_space<hbm>> -> memref<8x4096xf32, #tpu.memory_space<hbm>>
      %dma_start3A_1576 = arith.constant 0 : i32
      %dma_start3A_1577 = tpu.memref_slice %arg4[%add3A_1573, %dma_start3A_1576] : memref<16384x4096xf32, #tpu.memory_space<hbm>> -> memref<8x4096xf32, #tpu.memory_space<hbm>>
      tpu.enqueue_dma source(%arg8 : memref<8x4096xf32, #tpu.memory_space<vmem>>) target(%dma_start3A_1577 : memref<8x4096xf32, #tpu.memory_space<hbm>>) target_semaphore(%arg14 : memref<!tpu.dma_semaphore, #tpu.memory_space<semaphore_mem>>)
      %add3A_1578 = arith.constant 2 : i32
      %add3A_1579 = arith.addi %mul3A_542, %add3A_1578 : i32
      %add3A_1580 = arith.constant 1 : i32
      %add3A_1581 = arith.addi %add3A_1579, %add3A_1580 : i32
      %ge3A_1582 = arith.constant 3 : i32
      %ge3A_1583 = arith.cmpi sge, %add3A_1581, %ge3A_1582 : i32
      %lt3A_1584 = arith.constant 64 : i32
      %lt3A_1585 = arith.cmpi slt, %add3A_1581, %lt3A_1584 : i32
      %and3A_1586 = arith.andi %ge3A_1583, %lt3A_1585 : i1
      %convert_element_type3A_1587 = arith.extui %and3A_1586 : i1 to i32
      %cond3A_1588 = arith.constant 0 : i32
      %cond3A_1589 = arith.cmpi ne, %convert_element_type3A_1587, %cond3A_1588 : i32
      scf.if %cond3A_1589 {
        %dma_wait3A_2098 = arith.constant 0 : i32
        %dma_wait3A_2099 = tpu.memref_slice %arg4[%mul3A_2, %dma_wait3A_2098] : memref<16384x4096xf32, #tpu.memory_space<hbm>> -> memref<8x4096xf32, #tpu.memory_space<hbm>>
        %dma_wait3A_2100 = arith.constant 0 : i32
        %dma_wait3A_2101 = tpu.memref_slice %arg4[%mul3A_2, %dma_wait3A_2100] : memref<16384x4096xf32, #tpu.memory_space<hbm>> -> memref<8x4096xf32, #tpu.memory_space<hbm>>
        tpu.wait_dma2 semaphore(%arg13 : memref<!tpu.dma_semaphore, #tpu.memory_space<semaphore_mem>>) src(%arg7 : memref<8x4096xf32, #tpu.memory_space<vmem>>) dst(%dma_wait3A_2101 : memref<8x4096xf32, #tpu.memory_space<hbm>>)
        %mul3A_2102 = arith.constant 8 : i32
        %mul3A_2103 = arith.muli %add3A_1581, %mul3A_2102 : i32
        %add3A_2104 = arith.addi %mul3A_2, %mul3A_2103 : i32
        %dma_start3A_2105 = arith.constant 0 : i32
        %dma_start3A_2106 = tpu.memref_slice %arg2[%add3A_2104, %dma_start3A_2105] : memref<16384x4096xf32, #tpu.memory_space<hbm>> -> memref<8x4096xf32, #tpu.memory_space<hbm>>
        %dma_start3A_2107 = arith.constant 0 : i32
        %dma_start3A_2108 = tpu.memref_slice %arg2[%add3A_2104, %dma_start3A_2107] : memref<16384x4096xf32, #tpu.memory_space<hbm>> -> memref<8x4096xf32, #tpu.memory_space<hbm>>
        tpu.enqueue_dma source(%dma_start3A_2108 : memref<8x4096xf32, #tpu.memory_space<hbm>>) target(%arg7 : memref<8x4096xf32, #tpu.memory_space<vmem>>) target_semaphore(%arg10 : memref<!tpu.dma_semaphore, #tpu.memory_space<semaphore_mem>>)
      } else {
      }
      %dma_wait3A_1590 = arith.constant 0 : i32
      %dma_wait3A_1591 = tpu.memref_slice %arg2[%mul3A_2, %dma_wait3A_1590] : memref<16384x4096xf32, #tpu.memory_space<hbm>> -> memref<8x4096xf32, #tpu.memory_space<hbm>>
      %dma_wait3A_1592 = arith.constant 0 : i32
      %dma_wait3A_1593 = tpu.memref_slice %arg2[%mul3A_2, %dma_wait3A_1592] : memref<16384x4096xf32, #tpu.memory_space<hbm>> -> memref<8x4096xf32, #tpu.memory_space<hbm>>
      tpu.wait_dma2 semaphore(%arg12 : memref<!tpu.dma_semaphore, #tpu.memory_space<semaphore_mem>>) src(%dma_wait3A_1593 : memref<8x4096xf32, #tpu.memory_space<hbm>>) dst(%arg9 : memref<8x4096xf32, #tpu.memory_space<vmem>>)
      %broadcast_in_dim3A_1594 = arith.constant 0.000000e+00 : f32
      %broadcast_in_dim3A_1595 = vector.broadcast %broadcast_in_dim3A_1594 : f32 to vector<16xf32>
      %broadcast_in_dim3A_1596 = arith.constant 0.000000e+00 : f32
      %broadcast_in_dim3A_1597 = vector.broadcast %broadcast_in_dim3A_1596 : f32 to vector<16xf32>
      %broadcast_in_dim3A_1598 = arith.constant 0.000000e+00 : f32
      %broadcast_in_dim3A_1599 = vector.broadcast %broadcast_in_dim3A_1598 : f32 to vector<16xf32>
      %broadcast_in_dim3A_1600 = arith.constant 0.000000e+00 : f32
      %broadcast_in_dim3A_1601 = vector.broadcast %broadcast_in_dim3A_1600 : f32 to vector<16xf32>
      %broadcast_in_dim3A_1602 = arith.constant 0.000000e+00 : f32
      %broadcast_in_dim3A_1603 = vector.broadcast %broadcast_in_dim3A_1602 : f32 to vector<16xf32>
      %broadcast_in_dim3A_1604 = arith.constant 0.000000e+00 : f32
      %broadcast_in_dim3A_1605 = vector.broadcast %broadcast_in_dim3A_1604 : f32 to vector<16xf32>
      %broadcast_in_dim3A_1606 = arith.constant 0.000000e+00 : f32
      %broadcast_in_dim3A_1607 = vector.broadcast %broadcast_in_dim3A_1606 : f32 to vector<16xf32>
      %broadcast_in_dim3A_1608 = arith.constant 0.000000e+00 : f32
      %broadcast_in_dim3A_1609 = vector.broadcast %broadcast_in_dim3A_1608 : f32 to vector<16xf32>
      %parallel_loop3A_1610 = arith.constant 0 : i32
      %parallel_loop3A_1611 = arith.constant 256 : i32
      %parallel_loop3A_1612 = arith.constant 1 : i32
      %parallel_loop3A_1613:8 = scf.for %parallel_loop3A_2098 = %parallel_loop3A_1610 to %parallel_loop3A_1611 step %parallel_loop3A_1612 iter_args(%parallel_loop3A_2099 = %broadcast_in_dim3A_1595, %parallel_loop3A_2100 = %broadcast_in_dim3A_1597, %parallel_loop3A_2101 = %broadcast_in_dim3A_1599, %parallel_loop3A_2102 = %broadcast_in_dim3A_1601, %parallel_loop3A_2103 = %broadcast_in_dim3A_1603, %parallel_loop3A_2104 = %broadcast_in_dim3A_1605, %parallel_loop3A_2105 = %broadcast_in_dim3A_1607, %parallel_loop3A_2106 = %broadcast_in_dim3A_1609) -> (vector<16xf32>, vector<16xf32>, vector<16xf32>, vector<16xf32>, vector<16xf32>, vector<16xf32>, vector<16xf32>, vector<16xf32>)  : i32 {
        %parallel_loop3A_2107 = arith.constant 16 : i32
        %parallel_loop3A_2108 = arith.muli %parallel_loop3A_2098, %parallel_loop3A_2107 : i32
        %parallel_loop3A_2109 = arith.index_cast %parallel_loop3A_2108 : i32 to index
        %parallel_loop3A_2110 = tpu.vector_load %arg6[%parallel_loop3A_2109] {strides = array<i32>} : memref<4096xf32, #tpu.memory_space<vmem>>, vector<16xf32>,
        %parallel_loop3A_2111 = vector.shape_cast %parallel_loop3A_2110 : vector<16xf32> to vector<16xf32>
        %parallel_loop3A_2112 = arith.constant 0 : i32
        %parallel_loop3A_2113 = arith.index_cast %parallel_loop3A_2112 : i32 to index
        %parallel_loop3A_2114 = arith.index_cast %parallel_loop3A_2108 : i32 to index
        %parallel_loop3A_2115 = tpu.vector_load %arg9[%parallel_loop3A_2113, %parallel_loop3A_2114] {strides = array<i32>} : memref<8x4096xf32, #tpu.memory_space<vmem>>, vector<1x16xf32>,
        %parallel_loop3A_2116 = vector.shape_cast %parallel_loop3A_2115 : vector<1x16xf32> to vector<16xf32>
        %parallel_loop3A_2117 = arith.mulf %parallel_loop3A_2116, %parallel_loop3A_2111 : vector<16xf32>
        %parallel_loop3A_2118 = arith.addf %parallel_loop3A_2099, %parallel_loop3A_2117 : vector<16xf32>
        %parallel_loop3A_2119 = arith.constant 1 : i32
        %parallel_loop3A_2120 = arith.index_cast %parallel_loop3A_2119 : i32 to index
        %parallel_loop3A_2121 = arith.index_cast %parallel_loop3A_2108 : i32 to index
        %parallel_loop3A_2122 = tpu.vector_load %arg9[%parallel_loop3A_2120, %parallel_loop3A_2121] {strides = array<i32>} : memref<8x4096xf32, #tpu.memory_space<vmem>>, vector<1x16xf32>,
        %parallel_loop3A_2123 = vector.shape_cast %parallel_loop3A_2122 : vector<1x16xf32> to vector<16xf32>
        %parallel_loop3A_2124 = arith.mulf %parallel_loop3A_2123, %parallel_loop3A_2111 : vector<16xf32>
        %parallel_loop3A_2125 = arith.addf %parallel_loop3A_2100, %parallel_loop3A_2124 : vector<16xf32>
        %parallel_loop3A_2126 = arith.constant 2 : i32
        %parallel_loop3A_2127 = arith.index_cast %parallel_loop3A_2126 : i32 to index
        %parallel_loop3A_2128 = arith.index_cast %parallel_loop3A_2108 : i32 to index
        %parallel_loop3A_2129 = tpu.vector_load %arg9[%parallel_loop3A_2127, %parallel_loop3A_2128] {strides = array<i32>} : memref<8x4096xf32, #tpu.memory_space<vmem>>, vector<1x16xf32>,
        %parallel_loop3A_2130 = vector.shape_cast %parallel_loop3A_2129 : vector<1x16xf32> to vector<16xf32>
        %parallel_loop3A_2131 = arith.mulf %parallel_loop3A_2130, %parallel_loop3A_2111 : vector<16xf32>
        %parallel_loop3A_2132 = arith.addf %parallel_loop3A_2101, %parallel_loop3A_2131 : vector<16xf32>
        %parallel_loop3A_2133 = arith.constant 3 : i32
        %parallel_loop3A_2134 = arith.index_cast %parallel_loop3A_2133 : i32 to index
        %parallel_loop3A_2135 = arith.index_cast %parallel_loop3A_2108 : i32 to index
        %parallel_loop3A_2136 = tpu.vector_load %arg9[%parallel_loop3A_2134, %parallel_loop3A_2135] {strides = array<i32>} : memref<8x4096xf32, #tpu.memory_space<vmem>>, vector<1x16xf32>,
        %parallel_loop3A_2137 = vector.shape_cast %parallel_loop3A_2136 : vector<1x16xf32> to vector<16xf32>
        %parallel_loop3A_2138 = arith.mulf %parallel_loop3A_2137, %parallel_loop3A_2111 : vector<16xf32>
        %parallel_loop3A_2139 = arith.addf %parallel_loop3A_2102, %parallel_loop3A_2138 : vector<16xf32>
        %parallel_loop3A_2140 = arith.constant 4 : i32
        %parallel_loop3A_2141 = arith.index_cast %parallel_loop3A_2140 : i32 to index
        %parallel_loop3A_2142 = arith.index_cast %parallel_loop3A_2108 : i32 to index
        %parallel_loop3A_2143 = tpu.vector_load %arg9[%parallel_loop3A_2141, %parallel_loop3A_2142] {strides = array<i32>} : memref<8x4096xf32, #tpu.memory_space<vmem>>, vector<1x16xf32>,
        %parallel_loop3A_2144 = vector.shape_cast %parallel_loop3A_2143 : vector<1x16xf32> to vector<16xf32>
        %parallel_loop3A_2145 = arith.mulf %parallel_loop3A_2144, %parallel_loop3A_2111 : vector<16xf32>
        %parallel_loop3A_2146 = arith.addf %parallel_loop3A_2103, %parallel_loop3A_2145 : vector<16xf32>
        %parallel_loop3A_2147 = arith.constant 5 : i32
        %parallel_loop3A_2148 = arith.index_cast %parallel_loop3A_2147 : i32 to index
        %parallel_loop3A_2149 = arith.index_cast %parallel_loop3A_2108 : i32 to index
        %parallel_loop3A_2150 = tpu.vector_load %arg9[%parallel_loop3A_2148, %parallel_loop3A_2149] {strides = array<i32>} : memref<8x4096xf32, #tpu.memory_space<vmem>>, vector<1x16xf32>,
        %parallel_loop3A_2151 = vector.shape_cast %parallel_loop3A_2150 : vector<1x16xf32> to vector<16xf32>
        %parallel_loop3A_2152 = arith.mulf %parallel_loop3A_2151, %parallel_loop3A_2111 : vector<16xf32>
        %parallel_loop3A_2153 = arith.addf %parallel_loop3A_2104, %parallel_loop3A_2152 : vector<16xf32>
        %parallel_loop3A_2154 = arith.constant 6 : i32
        %parallel_loop3A_2155 = arith.index_cast %parallel_loop3A_2154 : i32 to index
        %parallel_loop3A_2156 = arith.index_cast %parallel_loop3A_2108 : i32 to index
        %parallel_loop3A_2157 = tpu.vector_load %arg9[%parallel_loop3A_2155, %parallel_loop3A_2156] {strides = array<i32>} : memref<8x4096xf32, #tpu.memory_space<vmem>>, vector<1x16xf32>,
        %parallel_loop3A_2158 = vector.shape_cast %parallel_loop3A_2157 : vector<1x16xf32> to vector<16xf32>
        %parallel_loop3A_2159 = arith.mulf %parallel_loop3A_2158, %parallel_loop3A_2111 : vector<16xf32>
        %parallel_loop3A_2160 = arith.addf %parallel_loop3A_2105, %parallel_loop3A_2159 : vector<16xf32>
        %parallel_loop3A_2161 = arith.constant 7 : i32
        %parallel_loop3A_2162 = arith.index_cast %parallel_loop3A_2161 : i32 to index
        %parallel_loop3A_2163 = arith.index_cast %parallel_loop3A_2108 : i32 to index
        %parallel_loop3A_2164 = tpu.vector_load %arg9[%parallel_loop3A_2162, %parallel_loop3A_2163] {strides = array<i32>} : memref<8x4096xf32, #tpu.memory_space<vmem>>, vector<1x16xf32>,
        %parallel_loop3A_2165 = vector.shape_cast %parallel_loop3A_2164 : vector<1x16xf32> to vector<16xf32>
        %parallel_loop3A_2166 = arith.mulf %parallel_loop3A_2165, %parallel_loop3A_2111 : vector<16xf32>
        %parallel_loop3A_2167 = arith.addf %parallel_loop3A_2106, %parallel_loop3A_2166 : vector<16xf32>
        scf.yield %parallel_loop3A_2118, %parallel_loop3A_2125, %parallel_loop3A_2132, %parallel_loop3A_2139, %parallel_loop3A_2146, %parallel_loop3A_2153, %parallel_loop3A_2160, %parallel_loop3A_2167 : vector<16xf32>, vector<16xf32>, vector<16xf32>, vector<16xf32>, vector<16xf32>, vector<16xf32>, vector<16xf32>, vector<16xf32>
      } {sc.loop_unroll_factor = 4 : i64, sc.parallel_access}
      %slice3A_1614 = vector.extract_strided_slice %parallel_loop3A_1613#0 {offsets = [0], sizes = [1], strides = [1]} : vector<16xf32> to vector<1xf32>
      %squeeze3A_1615 = vector.extract %slice3A_1614[0] : f32 from vector<1xf32>
      %slice3A_1616 = vector.extract_strided_slice %parallel_loop3A_1613#0 {offsets = [1], sizes = [1], strides = [1]} : vector<16xf32> to vector<1xf32>
      %squeeze3A_1617 = vector.extract %slice3A_1616[0] : f32 from vector<1xf32>
      %slice3A_1618 = vector.extract_strided_slice %parallel_loop3A_1613#0 {offsets = [2], sizes = [1], strides = [1]} : vector<16xf32> to vector<1xf32>
      %squeeze3A_1619 = vector.extract %slice3A_1618[0] : f32 from vector<1xf32>
      %slice3A_1620 = vector.extract_strided_slice %parallel_loop3A_1613#0 {offsets = [3], sizes = [1], strides = [1]} : vector<16xf32> to vector<1xf32>
      %squeeze3A_1621 = vector.extract %slice3A_1620[0] : f32 from vector<1xf32>
      %slice3A_1622 = vector.extract_strided_slice %parallel_loop3A_1613#0 {offsets = [4], sizes = [1], strides = [1]} : vector<16xf32> to vector<1xf32>
      %squeeze3A_1623 = vector.extract %slice3A_1622[0] : f32 from vector<1xf32>
      %slice3A_1624 = vector.extract_strided_slice %parallel_loop3A_1613#0 {offsets = [5], sizes = [1], strides = [1]} : vector<16xf32> to vector<1xf32>
      %squeeze3A_1625 = vector.extract %slice3A_1624[0] : f32 from vector<1xf32>
      %slice3A_1626 = vector.extract_strided_slice %parallel_loop3A_1613#0 {offsets = [6], sizes = [1], strides = [1]} : vector<16xf32> to vector<1xf32>
      %squeeze3A_1627 = vector.extract %slice3A_1626[0] : f32 from vector<1xf32>
      %slice3A_1628 = vector.extract_strided_slice %parallel_loop3A_1613#0 {offsets = [7], sizes = [1], strides = [1]} : vector<16xf32> to vector<1xf32>
      %squeeze3A_1629 = vector.extract %slice3A_1628[0] : f32 from vector<1xf32>
      %slice3A_1630 = vector.extract_strided_slice %parallel_loop3A_1613#0 {offsets = [8], sizes = [1], strides = [1]} : vector<16xf32> to vector<1xf32>
      %squeeze3A_1631 = vector.extract %slice3A_1630[0] : f32 from vector<1xf32>
      %slice3A_1632 = vector.extract_strided_slice %parallel_loop3A_1613#0 {offsets = [9], sizes = [1], strides = [1]} : vector<16xf32> to vector<1xf32>
      %squeeze3A_1633 = vector.extract %slice3A_1632[0] : f32 from vector<1xf32>
      %slice3A_1634 = vector.extract_strided_slice %parallel_loop3A_1613#0 {offsets = [10], sizes = [1], strides = [1]} : vector<16xf32> to vector<1xf32>
      %squeeze3A_1635 = vector.extract %slice3A_1634[0] : f32 from vector<1xf32>
      %slice3A_1636 = vector.extract_strided_slice %parallel_loop3A_1613#0 {offsets = [11], sizes = [1], strides = [1]} : vector<16xf32> to vector<1xf32>
      %squeeze3A_1637 = vector.extract %slice3A_1636[0] : f32 from vector<1xf32>
      %slice3A_1638 = vector.extract_strided_slice %parallel_loop3A_1613#0 {offsets = [12], sizes = [1], strides = [1]} : vector<16xf32> to vector<1xf32>
      %squeeze3A_1639 = vector.extract %slice3A_1638[0] : f32 from vector<1xf32>
      %slice3A_1640 = vector.extract_strided_slice %parallel_loop3A_1613#0 {offsets = [13], sizes = [1], strides = [1]} : vector<16xf32> to vector<1xf32>
      %squeeze3A_1641 = vector.extract %slice3A_1640[0] : f32 from vector<1xf32>
      %slice3A_1642 = vector.extract_strided_slice %parallel_loop3A_1613#0 {offsets = [14], sizes = [1], strides = [1]} : vector<16xf32> to vector<1xf32>
      %squeeze3A_1643 = vector.extract %slice3A_1642[0] : f32 from vector<1xf32>
      %slice3A_1644 = vector.extract_strided_slice %parallel_loop3A_1613#0 {offsets = [15], sizes = [1], strides = [1]} : vector<16xf32> to vector<1xf32>
      %squeeze3A_1645 = vector.extract %slice3A_1644[0] : f32 from vector<1xf32>
      %add3A_1646 = arith.addf %squeeze3A_1615, %squeeze3A_1617 : f32
      %add3A_1647 = arith.addf %squeeze3A_1619, %squeeze3A_1621 : f32
      %add3A_1648 = arith.addf %squeeze3A_1623, %squeeze3A_1625 : f32
      %add3A_1649 = arith.addf %squeeze3A_1627, %squeeze3A_1629 : f32
      %add3A_1650 = arith.addf %squeeze3A_1631, %squeeze3A_1633 : f32
      %add3A_1651 = arith.addf %squeeze3A_1635, %squeeze3A_1637 : f32
      %add3A_1652 = arith.addf %squeeze3A_1639, %squeeze3A_1641 : f32
      %add3A_1653 = arith.addf %squeeze3A_1643, %squeeze3A_1645 : f32
      %add3A_1654 = arith.addf %add3A_1646, %add3A_1647 : f32
      %add3A_1655 = arith.addf %add3A_1648, %add3A_1649 : f32
      %add3A_1656 = arith.addf %add3A_1650, %add3A_1651 : f32
      %add3A_1657 = arith.addf %add3A_1652, %add3A_1653 : f32
      %add3A_1658 = arith.addf %add3A_1654, %add3A_1655 : f32
      %add3A_1659 = arith.addf %add3A_1656, %add3A_1657 : f32
      %add3A_1660 = arith.addf %add3A_1658, %add3A_1659 : f32
      %broadcast_in_dim3A_1661 = vector.broadcast %add3A_1660 : f32 to vector<16xf32>
      %abs3A_1662 = math.absf %broadcast_in_dim3A_1661 : vector<16xf32>
      %neg3A_1663 = arith.constant 0.000000e+00 : f32
      %neg3A_1664 = vector.broadcast %neg3A_1663 : f32 to vector<16xf32>
      %neg3A_1665 = arith.subf %neg3A_1664, %abs3A_1662 : vector<16xf32>
      %exp3A_1666 = math.exp %neg3A_1665 : vector<16xf32>
      %add3A_1667 = arith.constant 1.000000e+00 : f32
      %add3A_1668 = vector.broadcast %add3A_1667 : f32 to vector<16xf32>
      %add3A_1669 = arith.addf %add3A_1668, %exp3A_1666 : vector<16xf32>
      %div3A_1670 = arith.constant 1.000000e+00 : f32
      %div3A_1671 = vector.broadcast %div3A_1670 : f32 to vector<16xf32>
      %div3A_1672 = arith.divf %div3A_1671, %add3A_1669 : vector<16xf32>
      %slice3A_1673 = vector.extract_strided_slice %parallel_loop3A_1613#1 {offsets = [0], sizes = [1], strides = [1]} : vector<16xf32> to vector<1xf32>
      %squeeze3A_1674 = vector.extract %slice3A_1673[0] : f32 from vector<1xf32>
      %slice3A_1675 = vector.extract_strided_slice %parallel_loop3A_1613#1 {offsets = [1], sizes = [1], strides = [1]} : vector<16xf32> to vector<1xf32>
      %squeeze3A_1676 = vector.extract %slice3A_1675[0] : f32 from vector<1xf32>
      %slice3A_1677 = vector.extract_strided_slice %parallel_loop3A_1613#1 {offsets = [2], sizes = [1], strides = [1]} : vector<16xf32> to vector<1xf32>
      %squeeze3A_1678 = vector.extract %slice3A_1677[0] : f32 from vector<1xf32>
      %slice3A_1679 = vector.extract_strided_slice %parallel_loop3A_1613#1 {offsets = [3], sizes = [1], strides = [1]} : vector<16xf32> to vector<1xf32>
      %squeeze3A_1680 = vector.extract %slice3A_1679[0] : f32 from vector<1xf32>
      %slice3A_1681 = vector.extract_strided_slice %parallel_loop3A_1613#1 {offsets = [4], sizes = [1], strides = [1]} : vector<16xf32> to vector<1xf32>
      %squeeze3A_1682 = vector.extract %slice3A_1681[0] : f32 from vector<1xf32>
      %slice3A_1683 = vector.extract_strided_slice %parallel_loop3A_1613#1 {offsets = [5], sizes = [1], strides = [1]} : vector<16xf32> to vector<1xf32>
      %squeeze3A_1684 = vector.extract %slice3A_1683[0] : f32 from vector<1xf32>
      %slice3A_1685 = vector.extract_strided_slice %parallel_loop3A_1613#1 {offsets = [6], sizes = [1], strides = [1]} : vector<16xf32> to vector<1xf32>
      %squeeze3A_1686 = vector.extract %slice3A_1685[0] : f32 from vector<1xf32>
      %slice3A_1687 = vector.extract_strided_slice %parallel_loop3A_1613#1 {offsets = [7], sizes = [1], strides = [1]} : vector<16xf32> to vector<1xf32>
      %squeeze3A_1688 = vector.extract %slice3A_1687[0] : f32 from vector<1xf32>
      %slice3A_1689 = vector.extract_strided_slice %parallel_loop3A_1613#1 {offsets = [8], sizes = [1], strides = [1]} : vector<16xf32> to vector<1xf32>
      %squeeze3A_1690 = vector.extract %slice3A_1689[0] : f32 from vector<1xf32>
      %slice3A_1691 = vector.extract_strided_slice %parallel_loop3A_1613#1 {offsets = [9], sizes = [1], strides = [1]} : vector<16xf32> to vector<1xf32>
      %squeeze3A_1692 = vector.extract %slice3A_1691[0] : f32 from vector<1xf32>
      %slice3A_1693 = vector.extract_strided_slice %parallel_loop3A_1613#1 {offsets = [10], sizes = [1], strides = [1]} : vector<16xf32> to vector<1xf32>
      %squeeze3A_1694 = vector.extract %slice3A_1693[0] : f32 from vector<1xf32>
      %slice3A_1695 = vector.extract_strided_slice %parallel_loop3A_1613#1 {offsets = [11], sizes = [1], strides = [1]} : vector<16xf32> to vector<1xf32>
      %squeeze3A_1696 = vector.extract %slice3A_1695[0] : f32 from vector<1xf32>
      %slice3A_1697 = vector.extract_strided_slice %parallel_loop3A_1613#1 {offsets = [12], sizes = [1], strides = [1]} : vector<16xf32> to vector<1xf32>
      %squeeze3A_1698 = vector.extract %slice3A_1697[0] : f32 from vector<1xf32>
      %slice3A_1699 = vector.extract_strided_slice %parallel_loop3A_1613#1 {offsets = [13], sizes = [1], strides = [1]} : vector<16xf32> to vector<1xf32>
      %squeeze3A_1700 = vector.extract %slice3A_1699[0] : f32 from vector<1xf32>
      %slice3A_1701 = vector.extract_strided_slice %parallel_loop3A_1613#1 {offsets = [14], sizes = [1], strides = [1]} : vector<16xf32> to vector<1xf32>
      %squeeze3A_1702 = vector.extract %slice3A_1701[0] : f32 from vector<1xf32>
      %slice3A_1703 = vector.extract_strided_slice %parallel_loop3A_1613#1 {offsets = [15], sizes = [1], strides = [1]} : vector<16xf32> to vector<1xf32>
      %squeeze3A_1704 = vector.extract %slice3A_1703[0] : f32 from vector<1xf32>
      %add3A_1705 = arith.addf %squeeze3A_1674, %squeeze3A_1676 : f32
      %add3A_1706 = arith.addf %squeeze3A_1678, %squeeze3A_1680 : f32
      %add3A_1707 = arith.addf %squeeze3A_1682, %squeeze3A_1684 : f32
      %add3A_1708 = arith.addf %squeeze3A_1686, %squeeze3A_1688 : f32
      %add3A_1709 = arith.addf %squeeze3A_1690, %squeeze3A_1692 : f32
      %add3A_1710 = arith.addf %squeeze3A_1694, %squeeze3A_1696 : f32
      %add3A_1711 = arith.addf %squeeze3A_1698, %squeeze3A_1700 : f32
      %add3A_1712 = arith.addf %squeeze3A_1702, %squeeze3A_1704 : f32
      %add3A_1713 = arith.addf %add3A_1705, %add3A_1706 : f32
      %add3A_1714 = arith.addf %add3A_1707, %add3A_1708 : f32
      %add3A_1715 = arith.addf %add3A_1709, %add3A_1710 : f32
      %add3A_1716 = arith.addf %add3A_1711, %add3A_1712 : f32
      %add3A_1717 = arith.addf %add3A_1713, %add3A_1714 : f32
      %add3A_1718 = arith.addf %add3A_1715, %add3A_1716 : f32
      %add3A_1719 = arith.addf %add3A_1717, %add3A_1718 : f32
      %broadcast_in_dim3A_1720 = vector.broadcast %add3A_1719 : f32 to vector<16xf32>
      %abs3A_1721 = math.absf %broadcast_in_dim3A_1720 : vector<16xf32>
      %neg3A_1722 = arith.constant 0.000000e+00 : f32
      %neg3A_1723 = vector.broadcast %neg3A_1722 : f32 to vector<16xf32>
      %neg3A_1724 = arith.subf %neg3A_1723, %abs3A_1721 : vector<16xf32>
      %exp3A_1725 = math.exp %neg3A_1724 : vector<16xf32>
      %add3A_1726 = arith.constant 1.000000e+00 : f32
      %add3A_1727 = vector.broadcast %add3A_1726 : f32 to vector<16xf32>
      %add3A_1728 = arith.addf %add3A_1727, %exp3A_1725 : vector<16xf32>
      %div3A_1729 = arith.constant 1.000000e+00 : f32
      %div3A_1730 = vector.broadcast %div3A_1729 : f32 to vector<16xf32>
      %div3A_1731 = arith.divf %div3A_1730, %add3A_1728 : vector<16xf32>
      %slice3A_1732 = vector.extract_strided_slice %parallel_loop3A_1613#2 {offsets = [0], sizes = [1], strides = [1]} : vector<16xf32> to vector<1xf32>
      %squeeze3A_1733 = vector.extract %slice3A_1732[0] : f32 from vector<1xf32>
      %slice3A_1734 = vector.extract_strided_slice %parallel_loop3A_1613#2 {offsets = [1], sizes = [1], strides = [1]} : vector<16xf32> to vector<1xf32>
      %squeeze3A_1735 = vector.extract %slice3A_1734[0] : f32 from vector<1xf32>
      %slice3A_1736 = vector.extract_strided_slice %parallel_loop3A_1613#2 {offsets = [2], sizes = [1], strides = [1]} : vector<16xf32> to vector<1xf32>
      %squeeze3A_1737 = vector.extract %slice3A_1736[0] : f32 from vector<1xf32>
      %slice3A_1738 = vector.extract_strided_slice %parallel_loop3A_1613#2 {offsets = [3], sizes = [1], strides = [1]} : vector<16xf32> to vector<1xf32>
      %squeeze3A_1739 = vector.extract %slice3A_1738[0] : f32 from vector<1xf32>
      %slice3A_1740 = vector.extract_strided_slice %parallel_loop3A_1613#2 {offsets = [4], sizes = [1], strides = [1]} : vector<16xf32> to vector<1xf32>
      %squeeze3A_1741 = vector.extract %slice3A_1740[0] : f32 from vector<1xf32>
      %slice3A_1742 = vector.extract_strided_slice %parallel_loop3A_1613#2 {offsets = [5], sizes = [1], strides = [1]} : vector<16xf32> to vector<1xf32>
      %squeeze3A_1743 = vector.extract %slice3A_1742[0] : f32 from vector<1xf32>
      %slice3A_1744 = vector.extract_strided_slice %parallel_loop3A_1613#2 {offsets = [6], sizes = [1], strides = [1]} : vector<16xf32> to vector<1xf32>
      %squeeze3A_1745 = vector.extract %slice3A_1744[0] : f32 from vector<1xf32>
      %slice3A_1746 = vector.extract_strided_slice %parallel_loop3A_1613#2 {offsets = [7], sizes = [1], strides = [1]} : vector<16xf32> to vector<1xf32>
      %squeeze3A_1747 = vector.extract %slice3A_1746[0] : f32 from vector<1xf32>
      %slice3A_1748 = vector.extract_strided_slice %parallel_loop3A_1613#2 {offsets = [8], sizes = [1], strides = [1]} : vector<16xf32> to vector<1xf32>
      %squeeze3A_1749 = vector.extract %slice3A_1748[0] : f32 from vector<1xf32>
      %slice3A_1750 = vector.extract_strided_slice %parallel_loop3A_1613#2 {offsets = [9], sizes = [1], strides = [1]} : vector<16xf32> to vector<1xf32>
      %squeeze3A_1751 = vector.extract %slice3A_1750[0] : f32 from vector<1xf32>
      %slice3A_1752 = vector.extract_strided_slice %parallel_loop3A_1613#2 {offsets = [10], sizes = [1], strides = [1]} : vector<16xf32> to vector<1xf32>
      %squeeze3A_1753 = vector.extract %slice3A_1752[0] : f32 from vector<1xf32>
      %slice3A_1754 = vector.extract_strided_slice %parallel_loop3A_1613#2 {offsets = [11], sizes = [1], strides = [1]} : vector<16xf32> to vector<1xf32>
      %squeeze3A_1755 = vector.extract %slice3A_1754[0] : f32 from vector<1xf32>
      %slice3A_1756 = vector.extract_strided_slice %parallel_loop3A_1613#2 {offsets = [12], sizes = [1], strides = [1]} : vector<16xf32> to vector<1xf32>
      %squeeze3A_1757 = vector.extract %slice3A_1756[0] : f32 from vector<1xf32>
      %slice3A_1758 = vector.extract_strided_slice %parallel_loop3A_1613#2 {offsets = [13], sizes = [1], strides = [1]} : vector<16xf32> to vector<1xf32>
      %squeeze3A_1759 = vector.extract %slice3A_1758[0] : f32 from vector<1xf32>
      %slice3A_1760 = vector.extract_strided_slice %parallel_loop3A_1613#2 {offsets = [14], sizes = [1], strides = [1]} : vector<16xf32> to vector<1xf32>
      %squeeze3A_1761 = vector.extract %slice3A_1760[0] : f32 from vector<1xf32>
      %slice3A_1762 = vector.extract_strided_slice %parallel_loop3A_1613#2 {offsets = [15], sizes = [1], strides = [1]} : vector<16xf32> to vector<1xf32>
      %squeeze3A_1763 = vector.extract %slice3A_1762[0] : f32 from vector<1xf32>
      %add3A_1764 = arith.addf %squeeze3A_1733, %squeeze3A_1735 : f32
      %add3A_1765 = arith.addf %squeeze3A_1737, %squeeze3A_1739 : f32
      %add3A_1766 = arith.addf %squeeze3A_1741, %squeeze3A_1743 : f32
      %add3A_1767 = arith.addf %squeeze3A_1745, %squeeze3A_1747 : f32
      %add3A_1768 = arith.addf %squeeze3A_1749, %squeeze3A_1751 : f32
      %add3A_1769 = arith.addf %squeeze3A_1753, %squeeze3A_1755 : f32
      %add3A_1770 = arith.addf %squeeze3A_1757, %squeeze3A_1759 : f32
      %add3A_1771 = arith.addf %squeeze3A_1761, %squeeze3A_1763 : f32
      %add3A_1772 = arith.addf %add3A_1764, %add3A_1765 : f32
      %add3A_1773 = arith.addf %add3A_1766, %add3A_1767 : f32
      %add3A_1774 = arith.addf %add3A_1768, %add3A_1769 : f32
      %add3A_1775 = arith.addf %add3A_1770, %add3A_1771 : f32
      %add3A_1776 = arith.addf %add3A_1772, %add3A_1773 : f32
      %add3A_1777 = arith.addf %add3A_1774, %add3A_1775 : f32
      %add3A_1778 = arith.addf %add3A_1776, %add3A_1777 : f32
      %broadcast_in_dim3A_1779 = vector.broadcast %add3A_1778 : f32 to vector<16xf32>
      %abs3A_1780 = math.absf %broadcast_in_dim3A_1779 : vector<16xf32>
      %neg3A_1781 = arith.constant 0.000000e+00 : f32
      %neg3A_1782 = vector.broadcast %neg3A_1781 : f32 to vector<16xf32>
      %neg3A_1783 = arith.subf %neg3A_1782, %abs3A_1780 : vector<16xf32>
      %exp3A_1784 = math.exp %neg3A_1783 : vector<16xf32>
      %add3A_1785 = arith.constant 1.000000e+00 : f32
      %add3A_1786 = vector.broadcast %add3A_1785 : f32 to vector<16xf32>
      %add3A_1787 = arith.addf %add3A_1786, %exp3A_1784 : vector<16xf32>
      %div3A_1788 = arith.constant 1.000000e+00 : f32
      %div3A_1789 = vector.broadcast %div3A_1788 : f32 to vector<16xf32>
      %div3A_1790 = arith.divf %div3A_1789, %add3A_1787 : vector<16xf32>
      %slice3A_1791 = vector.extract_strided_slice %parallel_loop3A_1613#3 {offsets = [0], sizes = [1], strides = [1]} : vector<16xf32> to vector<1xf32>
      %squeeze3A_1792 = vector.extract %slice3A_1791[0] : f32 from vector<1xf32>
      %slice3A_1793 = vector.extract_strided_slice %parallel_loop3A_1613#3 {offsets = [1], sizes = [1], strides = [1]} : vector<16xf32> to vector<1xf32>
      %squeeze3A_1794 = vector.extract %slice3A_1793[0] : f32 from vector<1xf32>
      %slice3A_1795 = vector.extract_strided_slice %parallel_loop3A_1613#3 {offsets = [2], sizes = [1], strides = [1]} : vector<16xf32> to vector<1xf32>
      %squeeze3A_1796 = vector.extract %slice3A_1795[0] : f32 from vector<1xf32>
      %slice3A_1797 = vector.extract_strided_slice %parallel_loop3A_1613#3 {offsets = [3], sizes = [1], strides = [1]} : vector<16xf32> to vector<1xf32>
      %squeeze3A_1798 = vector.extract %slice3A_1797[0] : f32 from vector<1xf32>
      %slice3A_1799 = vector.extract_strided_slice %parallel_loop3A_1613#3 {offsets = [4], sizes = [1], strides = [1]} : vector<16xf32> to vector<1xf32>
      %squeeze3A_1800 = vector.extract %slice3A_1799[0] : f32 from vector<1xf32>
      %slice3A_1801 = vector.extract_strided_slice %parallel_loop3A_1613#3 {offsets = [5], sizes = [1], strides = [1]} : vector<16xf32> to vector<1xf32>
      %squeeze3A_1802 = vector.extract %slice3A_1801[0] : f32 from vector<1xf32>
      %slice3A_1803 = vector.extract_strided_slice %parallel_loop3A_1613#3 {offsets = [6], sizes = [1], strides = [1]} : vector<16xf32> to vector<1xf32>
      %squeeze3A_1804 = vector.extract %slice3A_1803[0] : f32 from vector<1xf32>
      %slice3A_1805 = vector.extract_strided_slice %parallel_loop3A_1613#3 {offsets = [7], sizes = [1], strides = [1]} : vector<16xf32> to vector<1xf32>
      %squeeze3A_1806 = vector.extract %slice3A_1805[0] : f32 from vector<1xf32>
      %slice3A_1807 = vector.extract_strided_slice %parallel_loop3A_1613#3 {offsets = [8], sizes = [1], strides = [1]} : vector<16xf32> to vector<1xf32>
      %squeeze3A_1808 = vector.extract %slice3A_1807[0] : f32 from vector<1xf32>
      %slice3A_1809 = vector.extract_strided_slice %parallel_loop3A_1613#3 {offsets = [9], sizes = [1], strides = [1]} : vector<16xf32> to vector<1xf32>
      %squeeze3A_1810 = vector.extract %slice3A_1809[0] : f32 from vector<1xf32>
      %slice3A_1811 = vector.extract_strided_slice %parallel_loop3A_1613#3 {offsets = [10], sizes = [1], strides = [1]} : vector<16xf32> to vector<1xf32>
      %squeeze3A_1812 = vector.extract %slice3A_1811[0] : f32 from vector<1xf32>
      %slice3A_1813 = vector.extract_strided_slice %parallel_loop3A_1613#3 {offsets = [11], sizes = [1], strides = [1]} : vector<16xf32> to vector<1xf32>
      %squeeze3A_1814 = vector.extract %slice3A_1813[0] : f32 from vector<1xf32>
      %slice3A_1815 = vector.extract_strided_slice %parallel_loop3A_1613#3 {offsets = [12], sizes = [1], strides = [1]} : vector<16xf32> to vector<1xf32>
      %squeeze3A_1816 = vector.extract %slice3A_1815[0] : f32 from vector<1xf32>
      %slice3A_1817 = vector.extract_strided_slice %parallel_loop3A_1613#3 {offsets = [13], sizes = [1], strides = [1]} : vector<16xf32> to vector<1xf32>
      %squeeze3A_1818 = vector.extract %slice3A_1817[0] : f32 from vector<1xf32>
      %slice3A_1819 = vector.extract_strided_slice %parallel_loop3A_1613#3 {offsets = [14], sizes = [1], strides = [1]} : vector<16xf32> to vector<1xf32>
      %squeeze3A_1820 = vector.extract %slice3A_1819[0] : f32 from vector<1xf32>
      %slice3A_1821 = vector.extract_strided_slice %parallel_loop3A_1613#3 {offsets = [15], sizes = [1], strides = [1]} : vector<16xf32> to vector<1xf32>
      %squeeze3A_1822 = vector.extract %slice3A_1821[0] : f32 from vector<1xf32>
      %add3A_1823 = arith.addf %squeeze3A_1792, %squeeze3A_1794 : f32
      %add3A_1824 = arith.addf %squeeze3A_1796, %squeeze3A_1798 : f32
      %add3A_1825 = arith.addf %squeeze3A_1800, %squeeze3A_1802 : f32
      %add3A_1826 = arith.addf %squeeze3A_1804, %squeeze3A_1806 : f32
      %add3A_1827 = arith.addf %squeeze3A_1808, %squeeze3A_1810 : f32
      %add3A_1828 = arith.addf %squeeze3A_1812, %squeeze3A_1814 : f32
      %add3A_1829 = arith.addf %squeeze3A_1816, %squeeze3A_1818 : f32
      %add3A_1830 = arith.addf %squeeze3A_1820, %squeeze3A_1822 : f32
      %add3A_1831 = arith.addf %add3A_1823, %add3A_1824 : f32
      %add3A_1832 = arith.addf %add3A_1825, %add3A_1826 : f32
      %add3A_1833 = arith.addf %add3A_1827, %add3A_1828 : f32
      %add3A_1834 = arith.addf %add3A_1829, %add3A_1830 : f32
      %add3A_1835 = arith.addf %add3A_1831, %add3A_1832 : f32
      %add3A_1836 = arith.addf %add3A_1833, %add3A_1834 : f32
      %add3A_1837 = arith.addf %add3A_1835, %add3A_1836 : f32
      %broadcast_in_dim3A_1838 = vector.broadcast %add3A_1837 : f32 to vector<16xf32>
      %abs3A_1839 = math.absf %broadcast_in_dim3A_1838 : vector<16xf32>
      %neg3A_1840 = arith.constant 0.000000e+00 : f32
      %neg3A_1841 = vector.broadcast %neg3A_1840 : f32 to vector<16xf32>
      %neg3A_1842 = arith.subf %neg3A_1841, %abs3A_1839 : vector<16xf32>
      %exp3A_1843 = math.exp %neg3A_1842 : vector<16xf32>
      %add3A_1844 = arith.constant 1.000000e+00 : f32
      %add3A_1845 = vector.broadcast %add3A_1844 : f32 to vector<16xf32>
      %add3A_1846 = arith.addf %add3A_1845, %exp3A_1843 : vector<16xf32>
      %div3A_1847 = arith.constant 1.000000e+00 : f32
      %div3A_1848 = vector.broadcast %div3A_1847 : f32 to vector<16xf32>
      %div3A_1849 = arith.divf %div3A_1848, %add3A_1846 : vector<16xf32>
      %slice3A_1850 = vector.extract_strided_slice %parallel_loop3A_1613#4 {offsets = [0], sizes = [1], strides = [1]} : vector<16xf32> to vector<1xf32>
      %squeeze3A_1851 = vector.extract %slice3A_1850[0] : f32 from vector<1xf32>
      %slice3A_1852 = vector.extract_strided_slice %parallel_loop3A_1613#4 {offsets = [1], sizes = [1], strides = [1]} : vector<16xf32> to vector<1xf32>
      %squeeze3A_1853 = vector.extract %slice3A_1852[0] : f32 from vector<1xf32>
      %slice3A_1854 = vector.extract_strided_slice %parallel_loop3A_1613#4 {offsets = [2], sizes = [1], strides = [1]} : vector<16xf32> to vector<1xf32>
      %squeeze3A_1855 = vector.extract %slice3A_1854[0] : f32 from vector<1xf32>
      %slice3A_1856 = vector.extract_strided_slice %parallel_loop3A_1613#4 {offsets = [3], sizes = [1], strides = [1]} : vector<16xf32> to vector<1xf32>
      %squeeze3A_1857 = vector.extract %slice3A_1856[0] : f32 from vector<1xf32>
      %slice3A_1858 = vector.extract_strided_slice %parallel_loop3A_1613#4 {offsets = [4], sizes = [1], strides = [1]} : vector<16xf32> to vector<1xf32>
      %squeeze3A_1859 = vector.extract %slice3A_1858[0] : f32 from vector<1xf32>
      %slice3A_1860 = vector.extract_strided_slice %parallel_loop3A_1613#4 {offsets = [5], sizes = [1], strides = [1]} : vector<16xf32> to vector<1xf32>
      %squeeze3A_1861 = vector.extract %slice3A_1860[0] : f32 from vector<1xf32>
      %slice3A_1862 = vector.extract_strided_slice %parallel_loop3A_1613#4 {offsets = [6], sizes = [1], strides = [1]} : vector<16xf32> to vector<1xf32>
      %squeeze3A_1863 = vector.extract %slice3A_1862[0] : f32 from vector<1xf32>
      %slice3A_1864 = vector.extract_strided_slice %parallel_loop3A_1613#4 {offsets = [7], sizes = [1], strides = [1]} : vector<16xf32> to vector<1xf32>
      %squeeze3A_1865 = vector.extract %slice3A_1864[0] : f32 from vector<1xf32>
      %slice3A_1866 = vector.extract_strided_slice %parallel_loop3A_1613#4 {offsets = [8], sizes = [1], strides = [1]} : vector<16xf32> to vector<1xf32>
      %squeeze3A_1867 = vector.extract %slice3A_1866[0] : f32 from vector<1xf32>
      %slice3A_1868 = vector.extract_strided_slice %parallel_loop3A_1613#4 {offsets = [9], sizes = [1], strides = [1]} : vector<16xf32> to vector<1xf32>
      %squeeze3A_1869 = vector.extract %slice3A_1868[0] : f32 from vector<1xf32>
      %slice3A_1870 = vector.extract_strided_slice %parallel_loop3A_1613#4 {offsets = [10], sizes = [1], strides = [1]} : vector<16xf32> to vector<1xf32>
      %squeeze3A_1871 = vector.extract %slice3A_1870[0] : f32 from vector<1xf32>
      %slice3A_1872 = vector.extract_strided_slice %parallel_loop3A_1613#4 {offsets = [11], sizes = [1], strides = [1]} : vector<16xf32> to vector<1xf32>
      %squeeze3A_1873 = vector.extract %slice3A_1872[0] : f32 from vector<1xf32>
      %slice3A_1874 = vector.extract_strided_slice %parallel_loop3A_1613#4 {offsets = [12], sizes = [1], strides = [1]} : vector<16xf32> to vector<1xf32>
      %squeeze3A_1875 = vector.extract %slice3A_1874[0] : f32 from vector<1xf32>
      %slice3A_1876 = vector.extract_strided_slice %parallel_loop3A_1613#4 {offsets = [13], sizes = [1], strides = [1]} : vector<16xf32> to vector<1xf32>
      %squeeze3A_1877 = vector.extract %slice3A_1876[0] : f32 from vector<1xf32>
      %slice3A_1878 = vector.extract_strided_slice %parallel_loop3A_1613#4 {offsets = [14], sizes = [1], strides = [1]} : vector<16xf32> to vector<1xf32>
      %squeeze3A_1879 = vector.extract %slice3A_1878[0] : f32 from vector<1xf32>
      %slice3A_1880 = vector.extract_strided_slice %parallel_loop3A_1613#4 {offsets = [15], sizes = [1], strides = [1]} : vector<16xf32> to vector<1xf32>
      %squeeze3A_1881 = vector.extract %slice3A_1880[0] : f32 from vector<1xf32>
      %add3A_1882 = arith.addf %squeeze3A_1851, %squeeze3A_1853 : f32
      %add3A_1883 = arith.addf %squeeze3A_1855, %squeeze3A_1857 : f32
      %add3A_1884 = arith.addf %squeeze3A_1859, %squeeze3A_1861 : f32
      %add3A_1885 = arith.addf %squeeze3A_1863, %squeeze3A_1865 : f32
      %add3A_1886 = arith.addf %squeeze3A_1867, %squeeze3A_1869 : f32
      %add3A_1887 = arith.addf %squeeze3A_1871, %squeeze3A_1873 : f32
      %add3A_1888 = arith.addf %squeeze3A_1875, %squeeze3A_1877 : f32
      %add3A_1889 = arith.addf %squeeze3A_1879, %squeeze3A_1881 : f32
      %add3A_1890 = arith.addf %add3A_1882, %add3A_1883 : f32
      %add3A_1891 = arith.addf %add3A_1884, %add3A_1885 : f32
      %add3A_1892 = arith.addf %add3A_1886, %add3A_1887 : f32
      %add3A_1893 = arith.addf %add3A_1888, %add3A_1889 : f32
      %add3A_1894 = arith.addf %add3A_1890, %add3A_1891 : f32
      %add3A_1895 = arith.addf %add3A_1892, %add3A_1893 : f32
      %add3A_1896 = arith.addf %add3A_1894, %add3A_1895 : f32
      %broadcast_in_dim3A_1897 = vector.broadcast %add3A_1896 : f32 to vector<16xf32>
      %abs3A_1898 = math.absf %broadcast_in_dim3A_1897 : vector<16xf32>
      %neg3A_1899 = arith.constant 0.000000e+00 : f32
      %neg3A_1900 = vector.broadcast %neg3A_1899 : f32 to vector<16xf32>
      %neg3A_1901 = arith.subf %neg3A_1900, %abs3A_1898 : vector<16xf32>
      %exp3A_1902 = math.exp %neg3A_1901 : vector<16xf32>
      %add3A_1903 = arith.constant 1.000000e+00 : f32
      %add3A_1904 = vector.broadcast %add3A_1903 : f32 to vector<16xf32>
      %add3A_1905 = arith.addf %add3A_1904, %exp3A_1902 : vector<16xf32>
      %div3A_1906 = arith.constant 1.000000e+00 : f32
      %div3A_1907 = vector.broadcast %div3A_1906 : f32 to vector<16xf32>
      %div3A_1908 = arith.divf %div3A_1907, %add3A_1905 : vector<16xf32>
      %slice3A_1909 = vector.extract_strided_slice %parallel_loop3A_1613#5 {offsets = [0], sizes = [1], strides = [1]} : vector<16xf32> to vector<1xf32>
      %squeeze3A_1910 = vector.extract %slice3A_1909[0] : f32 from vector<1xf32>
      %slice3A_1911 = vector.extract_strided_slice %parallel_loop3A_1613#5 {offsets = [1], sizes = [1], strides = [1]} : vector<16xf32> to vector<1xf32>
      %squeeze3A_1912 = vector.extract %slice3A_1911[0] : f32 from vector<1xf32>
      %slice3A_1913 = vector.extract_strided_slice %parallel_loop3A_1613#5 {offsets = [2], sizes = [1], strides = [1]} : vector<16xf32> to vector<1xf32>
      %squeeze3A_1914 = vector.extract %slice3A_1913[0] : f32 from vector<1xf32>
      %slice3A_1915 = vector.extract_strided_slice %parallel_loop3A_1613#5 {offsets = [3], sizes = [1], strides = [1]} : vector<16xf32> to vector<1xf32>
      %squeeze3A_1916 = vector.extract %slice3A_1915[0] : f32 from vector<1xf32>
      %slice3A_1917 = vector.extract_strided_slice %parallel_loop3A_1613#5 {offsets = [4], sizes = [1], strides = [1]} : vector<16xf32> to vector<1xf32>
      %squeeze3A_1918 = vector.extract %slice3A_1917[0] : f32 from vector<1xf32>
      %slice3A_1919 = vector.extract_strided_slice %parallel_loop3A_1613#5 {offsets = [5], sizes = [1], strides = [1]} : vector<16xf32> to vector<1xf32>
      %squeeze3A_1920 = vector.extract %slice3A_1919[0] : f32 from vector<1xf32>
      %slice3A_1921 = vector.extract_strided_slice %parallel_loop3A_1613#5 {offsets = [6], sizes = [1], strides = [1]} : vector<16xf32> to vector<1xf32>
      %squeeze3A_1922 = vector.extract %slice3A_1921[0] : f32 from vector<1xf32>
      %slice3A_1923 = vector.extract_strided_slice %parallel_loop3A_1613#5 {offsets = [7], sizes = [1], strides = [1]} : vector<16xf32> to vector<1xf32>
      %squeeze3A_1924 = vector.extract %slice3A_1923[0] : f32 from vector<1xf32>
      %slice3A_1925 = vector.extract_strided_slice %parallel_loop3A_1613#5 {offsets = [8], sizes = [1], strides = [1]} : vector<16xf32> to vector<1xf32>
      %squeeze3A_1926 = vector.extract %slice3A_1925[0] : f32 from vector<1xf32>
      %slice3A_1927 = vector.extract_strided_slice %parallel_loop3A_1613#5 {offsets = [9], sizes = [1], strides = [1]} : vector<16xf32> to vector<1xf32>
      %squeeze3A_1928 = vector.extract %slice3A_1927[0] : f32 from vector<1xf32>
      %slice3A_1929 = vector.extract_strided_slice %parallel_loop3A_1613#5 {offsets = [10], sizes = [1], strides = [1]} : vector<16xf32> to vector<1xf32>
      %squeeze3A_1930 = vector.extract %slice3A_1929[0] : f32 from vector<1xf32>
      %slice3A_1931 = vector.extract_strided_slice %parallel_loop3A_1613#5 {offsets = [11], sizes = [1], strides = [1]} : vector<16xf32> to vector<1xf32>
      %squeeze3A_1932 = vector.extract %slice3A_1931[0] : f32 from vector<1xf32>
      %slice3A_1933 = vector.extract_strided_slice %parallel_loop3A_1613#5 {offsets = [12], sizes = [1], strides = [1]} : vector<16xf32> to vector<1xf32>
      %squeeze3A_1934 = vector.extract %slice3A_1933[0] : f32 from vector<1xf32>
      %slice3A_1935 = vector.extract_strided_slice %parallel_loop3A_1613#5 {offsets = [13], sizes = [1], strides = [1]} : vector<16xf32> to vector<1xf32>
      %squeeze3A_1936 = vector.extract %slice3A_1935[0] : f32 from vector<1xf32>
      %slice3A_1937 = vector.extract_strided_slice %parallel_loop3A_1613#5 {offsets = [14], sizes = [1], strides = [1]} : vector<16xf32> to vector<1xf32>
      %squeeze3A_1938 = vector.extract %slice3A_1937[0] : f32 from vector<1xf32>
      %slice3A_1939 = vector.extract_strided_slice %parallel_loop3A_1613#5 {offsets = [15], sizes = [1], strides = [1]} : vector<16xf32> to vector<1xf32>
      %squeeze3A_1940 = vector.extract %slice3A_1939[0] : f32 from vector<1xf32>
      %add3A_1941 = arith.addf %squeeze3A_1910, %squeeze3A_1912 : f32
      %add3A_1942 = arith.addf %squeeze3A_1914, %squeeze3A_1916 : f32
      %add3A_1943 = arith.addf %squeeze3A_1918, %squeeze3A_1920 : f32
      %add3A_1944 = arith.addf %squeeze3A_1922, %squeeze3A_1924 : f32
      %add3A_1945 = arith.addf %squeeze3A_1926, %squeeze3A_1928 : f32
      %add3A_1946 = arith.addf %squeeze3A_1930, %squeeze3A_1932 : f32
      %add3A_1947 = arith.addf %squeeze3A_1934, %squeeze3A_1936 : f32
      %add3A_1948 = arith.addf %squeeze3A_1938, %squeeze3A_1940 : f32
      %add3A_1949 = arith.addf %add3A_1941, %add3A_1942 : f32
      %add3A_1950 = arith.addf %add3A_1943, %add3A_1944 : f32
      %add3A_1951 = arith.addf %add3A_1945, %add3A_1946 : f32
      %add3A_1952 = arith.addf %add3A_1947, %add3A_1948 : f32
      %add3A_1953 = arith.addf %add3A_1949, %add3A_1950 : f32
      %add3A_1954 = arith.addf %add3A_1951, %add3A_1952 : f32
      %add3A_1955 = arith.addf %add3A_1953, %add3A_1954 : f32
      %broadcast_in_dim3A_1956 = vector.broadcast %add3A_1955 : f32 to vector<16xf32>
      %abs3A_1957 = math.absf %broadcast_in_dim3A_1956 : vector<16xf32>
      %neg3A_1958 = arith.constant 0.000000e+00 : f32
      %neg3A_1959 = vector.broadcast %neg3A_1958 : f32 to vector<16xf32>
      %neg3A_1960 = arith.subf %neg3A_1959, %abs3A_1957 : vector<16xf32>
      %exp3A_1961 = math.exp %neg3A_1960 : vector<16xf32>
      %add3A_1962 = arith.constant 1.000000e+00 : f32
      %add3A_1963 = vector.broadcast %add3A_1962 : f32 to vector<16xf32>
      %add3A_1964 = arith.addf %add3A_1963, %exp3A_1961 : vector<16xf32>
      %div3A_1965 = arith.constant 1.000000e+00 : f32
      %div3A_1966 = vector.broadcast %div3A_1965 : f32 to vector<16xf32>
      %div3A_1967 = arith.divf %div3A_1966, %add3A_1964 : vector<16xf32>
      %slice3A_1968 = vector.extract_strided_slice %parallel_loop3A_1613#6 {offsets = [0], sizes = [1], strides = [1]} : vector<16xf32> to vector<1xf32>
      %squeeze3A_1969 = vector.extract %slice3A_1968[0] : f32 from vector<1xf32>
      %slice3A_1970 = vector.extract_strided_slice %parallel_loop3A_1613#6 {offsets = [1], sizes = [1], strides = [1]} : vector<16xf32> to vector<1xf32>
      %squeeze3A_1971 = vector.extract %slice3A_1970[0] : f32 from vector<1xf32>
      %slice3A_1972 = vector.extract_strided_slice %parallel_loop3A_1613#6 {offsets = [2], sizes = [1], strides = [1]} : vector<16xf32> to vector<1xf32>
      %squeeze3A_1973 = vector.extract %slice3A_1972[0] : f32 from vector<1xf32>
      %slice3A_1974 = vector.extract_strided_slice %parallel_loop3A_1613#6 {offsets = [3], sizes = [1], strides = [1]} : vector<16xf32> to vector<1xf32>
      %squeeze3A_1975 = vector.extract %slice3A_1974[0] : f32 from vector<1xf32>
      %slice3A_1976 = vector.extract_strided_slice %parallel_loop3A_1613#6 {offsets = [4], sizes = [1], strides = [1]} : vector<16xf32> to vector<1xf32>
      %squeeze3A_1977 = vector.extract %slice3A_1976[0] : f32 from vector<1xf32>
      %slice3A_1978 = vector.extract_strided_slice %parallel_loop3A_1613#6 {offsets = [5], sizes = [1], strides = [1]} : vector<16xf32> to vector<1xf32>
      %squeeze3A_1979 = vector.extract %slice3A_1978[0] : f32 from vector<1xf32>
      %slice3A_1980 = vector.extract_strided_slice %parallel_loop3A_1613#6 {offsets = [6], sizes = [1], strides = [1]} : vector<16xf32> to vector<1xf32>
      %squeeze3A_1981 = vector.extract %slice3A_1980[0] : f32 from vector<1xf32>
      %slice3A_1982 = vector.extract_strided_slice %parallel_loop3A_1613#6 {offsets = [7], sizes = [1], strides = [1]} : vector<16xf32> to vector<1xf32>
      %squeeze3A_1983 = vector.extract %slice3A_1982[0] : f32 from vector<1xf32>
      %slice3A_1984 = vector.extract_strided_slice %parallel_loop3A_1613#6 {offsets = [8], sizes = [1], strides = [1]} : vector<16xf32> to vector<1xf32>
      %squeeze3A_1985 = vector.extract %slice3A_1984[0] : f32 from vector<1xf32>
      %slice3A_1986 = vector.extract_strided_slice %parallel_loop3A_1613#6 {offsets = [9], sizes = [1], strides = [1]} : vector<16xf32> to vector<1xf32>
      %squeeze3A_1987 = vector.extract %slice3A_1986[0] : f32 from vector<1xf32>
      %slice3A_1988 = vector.extract_strided_slice %parallel_loop3A_1613#6 {offsets = [10], sizes = [1], strides = [1]} : vector<16xf32> to vector<1xf32>
      %squeeze3A_1989 = vector.extract %slice3A_1988[0] : f32 from vector<1xf32>
      %slice3A_1990 = vector.extract_strided_slice %parallel_loop3A_1613#6 {offsets = [11], sizes = [1], strides = [1]} : vector<16xf32> to vector<1xf32>
      %squeeze3A_1991 = vector.extract %slice3A_1990[0] : f32 from vector<1xf32>
      %slice3A_1992 = vector.extract_strided_slice %parallel_loop3A_1613#6 {offsets = [12], sizes = [1], strides = [1]} : vector<16xf32> to vector<1xf32>
      %squeeze3A_1993 = vector.extract %slice3A_1992[0] : f32 from vector<1xf32>
      %slice3A_1994 = vector.extract_strided_slice %parallel_loop3A_1613#6 {offsets = [13], sizes = [1], strides = [1]} : vector<16xf32> to vector<1xf32>
      %squeeze3A_1995 = vector.extract %slice3A_1994[0] : f32 from vector<1xf32>
      %slice3A_1996 = vector.extract_strided_slice %parallel_loop3A_1613#6 {offsets = [14], sizes = [1], strides = [1]} : vector<16xf32> to vector<1xf32>
      %squeeze3A_1997 = vector.extract %slice3A_1996[0] : f32 from vector<1xf32>
      %slice3A_1998 = vector.extract_strided_slice %parallel_loop3A_1613#6 {offsets = [15], sizes = [1], strides = [1]} : vector<16xf32> to vector<1xf32>
      %squeeze3A_1999 = vector.extract %slice3A_1998[0] : f32 from vector<1xf32>
      %add3A_2000 = arith.addf %squeeze3A_1969, %squeeze3A_1971 : f32
      %add3A_2001 = arith.addf %squeeze3A_1973, %squeeze3A_1975 : f32
      %add3A_2002 = arith.addf %squeeze3A_1977, %squeeze3A_1979 : f32
      %add3A_2003 = arith.addf %squeeze3A_1981, %squeeze3A_1983 : f32
      %add3A_2004 = arith.addf %squeeze3A_1985, %squeeze3A_1987 : f32
      %add3A_2005 = arith.addf %squeeze3A_1989, %squeeze3A_1991 : f32
      %add3A_2006 = arith.addf %squeeze3A_1993, %squeeze3A_1995 : f32
      %add3A_2007 = arith.addf %squeeze3A_1997, %squeeze3A_1999 : f32
      %add3A_2008 = arith.addf %add3A_2000, %add3A_2001 : f32
      %add3A_2009 = arith.addf %add3A_2002, %add3A_2003 : f32
      %add3A_2010 = arith.addf %add3A_2004, %add3A_2005 : f32
      %add3A_2011 = arith.addf %add3A_2006, %add3A_2007 : f32
      %add3A_2012 = arith.addf %add3A_2008, %add3A_2009 : f32
      %add3A_2013 = arith.addf %add3A_2010, %add3A_2011 : f32
      %add3A_2014 = arith.addf %add3A_2012, %add3A_2013 : f32
      %broadcast_in_dim3A_2015 = vector.broadcast %add3A_2014 : f32 to vector<16xf32>
      %abs3A_2016 = math.absf %broadcast_in_dim3A_2015 : vector<16xf32>
      %neg3A_2017 = arith.constant 0.000000e+00 : f32
      %neg3A_2018 = vector.broadcast %neg3A_2017 : f32 to vector<16xf32>
      %neg3A_2019 = arith.subf %neg3A_2018, %abs3A_2016 : vector<16xf32>
      %exp3A_2020 = math.exp %neg3A_2019 : vector<16xf32>
      %add3A_2021 = arith.constant 1.000000e+00 : f32
      %add3A_2022 = vector.broadcast %add3A_2021 : f32 to vector<16xf32>
      %add3A_2023 = arith.addf %add3A_2022, %exp3A_2020 : vector<16xf32>
      %div3A_2024 = arith.constant 1.000000e+00 : f32
      %div3A_2025 = vector.broadcast %div3A_2024 : f32 to vector<16xf32>
      %div3A_2026 = arith.divf %div3A_2025, %add3A_2023 : vector<16xf32>
      %slice3A_2027 = vector.extract_strided_slice %parallel_loop3A_1613#7 {offsets = [0], sizes = [1], strides = [1]} : vector<16xf32> to vector<1xf32>
      %squeeze3A_2028 = vector.extract %slice3A_2027[0] : f32 from vector<1xf32>
      %slice3A_2029 = vector.extract_strided_slice %parallel_loop3A_1613#7 {offsets = [1], sizes = [1], strides = [1]} : vector<16xf32> to vector<1xf32>
      %squeeze3A_2030 = vector.extract %slice3A_2029[0] : f32 from vector<1xf32>
      %slice3A_2031 = vector.extract_strided_slice %parallel_loop3A_1613#7 {offsets = [2], sizes = [1], strides = [1]} : vector<16xf32> to vector<1xf32>
      %squeeze3A_2032 = vector.extract %slice3A_2031[0] : f32 from vector<1xf32>
      %slice3A_2033 = vector.extract_strided_slice %parallel_loop3A_1613#7 {offsets = [3], sizes = [1], strides = [1]} : vector<16xf32> to vector<1xf32>
      %squeeze3A_2034 = vector.extract %slice3A_2033[0] : f32 from vector<1xf32>
      %slice3A_2035 = vector.extract_strided_slice %parallel_loop3A_1613#7 {offsets = [4], sizes = [1], strides = [1]} : vector<16xf32> to vector<1xf32>
      %squeeze3A_2036 = vector.extract %slice3A_2035[0] : f32 from vector<1xf32>
      %slice3A_2037 = vector.extract_strided_slice %parallel_loop3A_1613#7 {offsets = [5], sizes = [1], strides = [1]} : vector<16xf32> to vector<1xf32>
      %squeeze3A_2038 = vector.extract %slice3A_2037[0] : f32 from vector<1xf32>
      %slice3A_2039 = vector.extract_strided_slice %parallel_loop3A_1613#7 {offsets = [6], sizes = [1], strides = [1]} : vector<16xf32> to vector<1xf32>
      %squeeze3A_2040 = vector.extract %slice3A_2039[0] : f32 from vector<1xf32>
      %slice3A_2041 = vector.extract_strided_slice %parallel_loop3A_1613#7 {offsets = [7], sizes = [1], strides = [1]} : vector<16xf32> to vector<1xf32>
      %squeeze3A_2042 = vector.extract %slice3A_2041[0] : f32 from vector<1xf32>
      %slice3A_2043 = vector.extract_strided_slice %parallel_loop3A_1613#7 {offsets = [8], sizes = [1], strides = [1]} : vector<16xf32> to vector<1xf32>
      %squeeze3A_2044 = vector.extract %slice3A_2043[0] : f32 from vector<1xf32>
      %slice3A_2045 = vector.extract_strided_slice %parallel_loop3A_1613#7 {offsets = [9], sizes = [1], strides = [1]} : vector<16xf32> to vector<1xf32>
      %squeeze3A_2046 = vector.extract %slice3A_2045[0] : f32 from vector<1xf32>
      %slice3A_2047 = vector.extract_strided_slice %parallel_loop3A_1613#7 {offsets = [10], sizes = [1], strides = [1]} : vector<16xf32> to vector<1xf32>
      %squeeze3A_2048 = vector.extract %slice3A_2047[0] : f32 from vector<1xf32>
      %slice3A_2049 = vector.extract_strided_slice %parallel_loop3A_1613#7 {offsets = [11], sizes = [1], strides = [1]} : vector<16xf32> to vector<1xf32>
      %squeeze3A_2050 = vector.extract %slice3A_2049[0] : f32 from vector<1xf32>
      %slice3A_2051 = vector.extract_strided_slice %parallel_loop3A_1613#7 {offsets = [12], sizes = [1], strides = [1]} : vector<16xf32> to vector<1xf32>
      %squeeze3A_2052 = vector.extract %slice3A_2051[0] : f32 from vector<1xf32>
      %slice3A_2053 = vector.extract_strided_slice %parallel_loop3A_1613#7 {offsets = [13], sizes = [1], strides = [1]} : vector<16xf32> to vector<1xf32>
      %squeeze3A_2054 = vector.extract %slice3A_2053[0] : f32 from vector<1xf32>
      %slice3A_2055 = vector.extract_strided_slice %parallel_loop3A_1613#7 {offsets = [14], sizes = [1], strides = [1]} : vector<16xf32> to vector<1xf32>
      %squeeze3A_2056 = vector.extract %slice3A_2055[0] : f32 from vector<1xf32>
      %slice3A_2057 = vector.extract_strided_slice %parallel_loop3A_1613#7 {offsets = [15], sizes = [1], strides = [1]} : vector<16xf32> to vector<1xf32>
      %squeeze3A_2058 = vector.extract %slice3A_2057[0] : f32 from vector<1xf32>
      %add3A_2059 = arith.addf %squeeze3A_2028, %squeeze3A_2030 : f32
      %add3A_2060 = arith.addf %squeeze3A_2032, %squeeze3A_2034 : f32
      %add3A_2061 = arith.addf %squeeze3A_2036, %squeeze3A_2038 : f32
      %add3A_2062 = arith.addf %squeeze3A_2040, %squeeze3A_2042 : f32
      %add3A_2063 = arith.addf %squeeze3A_2044, %squeeze3A_2046 : f32
      %add3A_2064 = arith.addf %squeeze3A_2048, %squeeze3A_2050 : f32
      %add3A_2065 = arith.addf %squeeze3A_2052, %squeeze3A_2054 : f32
      %add3A_2066 = arith.addf %squeeze3A_2056, %squeeze3A_2058 : f32
      %add3A_2067 = arith.addf %add3A_2059, %add3A_2060 : f32
      %add3A_2068 = arith.addf %add3A_2061, %add3A_2062 : f32
      %add3A_2069 = arith.addf %add3A_2063, %add3A_2064 : f32
      %add3A_2070 = arith.addf %add3A_2065, %add3A_2066 : f32
      %add3A_2071 = arith.addf %add3A_2067, %add3A_2068 : f32
      %add3A_2072 = arith.addf %add3A_2069, %add3A_2070 : f32
      %add3A_2073 = arith.addf %add3A_2071, %add3A_2072 : f32
      %broadcast_in_dim3A_2074 = vector.broadcast %add3A_2073 : f32 to vector<16xf32>
      %abs3A_2075 = math.absf %broadcast_in_dim3A_2074 : vector<16xf32>
      %neg3A_2076 = arith.constant 0.000000e+00 : f32
      %neg3A_2077 = vector.broadcast %neg3A_2076 : f32 to vector<16xf32>
      %neg3A_2078 = arith.subf %neg3A_2077, %abs3A_2075 : vector<16xf32>
      %exp3A_2079 = math.exp %neg3A_2078 : vector<16xf32>
      %add3A_2080 = arith.constant 1.000000e+00 : f32
      %add3A_2081 = vector.broadcast %add3A_2080 : f32 to vector<16xf32>
      %add3A_2082 = arith.addf %add3A_2081, %exp3A_2079 : vector<16xf32>
      %div3A_2083 = arith.constant 1.000000e+00 : f32
      %div3A_2084 = vector.broadcast %div3A_2083 : f32 to vector<16xf32>
      %div3A_2085 = arith.divf %div3A_2084, %add3A_2082 : vector<16xf32>
      %parallel_loop3A_2086 = arith.constant 0 : i32
      %parallel_loop3A_2087 = arith.constant 256 : i32
      %parallel_loop3A_2088 = arith.constant 1 : i32
      %parallel_loop3A_2089 = arith.constant 0 : i32
      %parallel_loop3A_2090 = scf.for %parallel_loop3A_2098 = %parallel_loop3A_2086 to %parallel_loop3A_2087 step %parallel_loop3A_2088 iter_args(%parallel_loop3A_2099 = %parallel_loop3A_2089) -> (i32)  : i32 {
        %parallel_loop3A_2100 = arith.constant 16 : i32
        %parallel_loop3A_2101 = arith.muli %parallel_loop3A_2098, %parallel_loop3A_2100 : i32
        %parallel_loop3A_2102 = arith.constant 0 : i32
        %parallel_loop3A_2103 = arith.index_cast %parallel_loop3A_2102 : i32 to index
        %parallel_loop3A_2104 = arith.index_cast %parallel_loop3A_2101 : i32 to index
        %parallel_loop3A_2105 = tpu.vector_load %arg9[%parallel_loop3A_2103, %parallel_loop3A_2104] {strides = array<i32>} : memref<8x4096xf32, #tpu.memory_space<vmem>>, vector<1x16xf32>,
        %parallel_loop3A_2106 = vector.shape_cast %parallel_loop3A_2105 : vector<1x16xf32> to vector<16xf32>
        %parallel_loop3A_2107 = arith.mulf %parallel_loop3A_2106, %div3A_1672 : vector<16xf32>
        %parallel_loop3A_2108 = arith.constant 0 : i32
        %parallel_loop3A_2109 = arith.index_cast %parallel_loop3A_2108 : i32 to index
        %parallel_loop3A_2110 = arith.index_cast %parallel_loop3A_2101 : i32 to index
        %parallel_loop3A_2111 = tpu.vector_load %arg9[%parallel_loop3A_2109, %parallel_loop3A_2110] {strides = array<i32>} : memref<8x4096xf32, #tpu.memory_space<vmem>>, vector<1x16xf32>,
        %parallel_loop3A_2112 = vector.shape_cast %parallel_loop3A_2111 : vector<1x16xf32> to vector<16xf32>
        %parallel_loop3A_2113 = vector.shape_cast %parallel_loop3A_2107 : vector<16xf32> to vector<1x16xf32>
        tpu.vector_store %arg9[%parallel_loop3A_2109, %parallel_loop3A_2110], %parallel_loop3A_2113 {strides = array<i32>} : memref<8x4096xf32, #tpu.memory_space<vmem>>, vector<1x16xf32>,
        %parallel_loop3A_2114 = arith.constant 1 : i32
        %parallel_loop3A_2115 = arith.index_cast %parallel_loop3A_2114 : i32 to index
        %parallel_loop3A_2116 = arith.index_cast %parallel_loop3A_2101 : i32 to index
        %parallel_loop3A_2117 = tpu.vector_load %arg9[%parallel_loop3A_2115, %parallel_loop3A_2116] {strides = array<i32>} : memref<8x4096xf32, #tpu.memory_space<vmem>>, vector<1x16xf32>,
        %parallel_loop3A_2118 = vector.shape_cast %parallel_loop3A_2117 : vector<1x16xf32> to vector<16xf32>
        %parallel_loop3A_2119 = arith.mulf %parallel_loop3A_2118, %div3A_1731 : vector<16xf32>
        %parallel_loop3A_2120 = arith.constant 1 : i32
        %parallel_loop3A_2121 = arith.index_cast %parallel_loop3A_2120 : i32 to index
        %parallel_loop3A_2122 = arith.index_cast %parallel_loop3A_2101 : i32 to index
        %parallel_loop3A_2123 = tpu.vector_load %arg9[%parallel_loop3A_2121, %parallel_loop3A_2122] {strides = array<i32>} : memref<8x4096xf32, #tpu.memory_space<vmem>>, vector<1x16xf32>,
        %parallel_loop3A_2124 = vector.shape_cast %parallel_loop3A_2123 : vector<1x16xf32> to vector<16xf32>
        %parallel_loop3A_2125 = vector.shape_cast %parallel_loop3A_2119 : vector<16xf32> to vector<1x16xf32>
        tpu.vector_store %arg9[%parallel_loop3A_2121, %parallel_loop3A_2122], %parallel_loop3A_2125 {strides = array<i32>} : memref<8x4096xf32, #tpu.memory_space<vmem>>, vector<1x16xf32>,
        %parallel_loop3A_2126 = arith.constant 2 : i32
        %parallel_loop3A_2127 = arith.index_cast %parallel_loop3A_2126 : i32 to index
        %parallel_loop3A_2128 = arith.index_cast %parallel_loop3A_2101 : i32 to index
        %parallel_loop3A_2129 = tpu.vector_load %arg9[%parallel_loop3A_2127, %parallel_loop3A_2128] {strides = array<i32>} : memref<8x4096xf32, #tpu.memory_space<vmem>>, vector<1x16xf32>,
        %parallel_loop3A_2130 = vector.shape_cast %parallel_loop3A_2129 : vector<1x16xf32> to vector<16xf32>
        %parallel_loop3A_2131 = arith.mulf %parallel_loop3A_2130, %div3A_1790 : vector<16xf32>
        %parallel_loop3A_2132 = arith.constant 2 : i32
        %parallel_loop3A_2133 = arith.index_cast %parallel_loop3A_2132 : i32 to index
        %parallel_loop3A_2134 = arith.index_cast %parallel_loop3A_2101 : i32 to index
        %parallel_loop3A_2135 = tpu.vector_load %arg9[%parallel_loop3A_2133, %parallel_loop3A_2134] {strides = array<i32>} : memref<8x4096xf32, #tpu.memory_space<vmem>>, vector<1x16xf32>,
        %parallel_loop3A_2136 = vector.shape_cast %parallel_loop3A_2135 : vector<1x16xf32> to vector<16xf32>
        %parallel_loop3A_2137 = vector.shape_cast %parallel_loop3A_2131 : vector<16xf32> to vector<1x16xf32>
        tpu.vector_store %arg9[%parallel_loop3A_2133, %parallel_loop3A_2134], %parallel_loop3A_2137 {strides = array<i32>} : memref<8x4096xf32, #tpu.memory_space<vmem>>, vector<1x16xf32>,
        %parallel_loop3A_2138 = arith.constant 3 : i32
        %parallel_loop3A_2139 = arith.index_cast %parallel_loop3A_2138 : i32 to index
        %parallel_loop3A_2140 = arith.index_cast %parallel_loop3A_2101 : i32 to index
        %parallel_loop3A_2141 = tpu.vector_load %arg9[%parallel_loop3A_2139, %parallel_loop3A_2140] {strides = array<i32>} : memref<8x4096xf32, #tpu.memory_space<vmem>>, vector<1x16xf32>,
        %parallel_loop3A_2142 = vector.shape_cast %parallel_loop3A_2141 : vector<1x16xf32> to vector<16xf32>
        %parallel_loop3A_2143 = arith.mulf %parallel_loop3A_2142, %div3A_1849 : vector<16xf32>
        %parallel_loop3A_2144 = arith.constant 3 : i32
        %parallel_loop3A_2145 = arith.index_cast %parallel_loop3A_2144 : i32 to index
        %parallel_loop3A_2146 = arith.index_cast %parallel_loop3A_2101 : i32 to index
        %parallel_loop3A_2147 = tpu.vector_load %arg9[%parallel_loop3A_2145, %parallel_loop3A_2146] {strides = array<i32>} : memref<8x4096xf32, #tpu.memory_space<vmem>>, vector<1x16xf32>,
        %parallel_loop3A_2148 = vector.shape_cast %parallel_loop3A_2147 : vector<1x16xf32> to vector<16xf32>
        %parallel_loop3A_2149 = vector.shape_cast %parallel_loop3A_2143 : vector<16xf32> to vector<1x16xf32>
        tpu.vector_store %arg9[%parallel_loop3A_2145, %parallel_loop3A_2146], %parallel_loop3A_2149 {strides = array<i32>} : memref<8x4096xf32, #tpu.memory_space<vmem>>, vector<1x16xf32>,
        %parallel_loop3A_2150 = arith.constant 4 : i32
        %parallel_loop3A_2151 = arith.index_cast %parallel_loop3A_2150 : i32 to index
        %parallel_loop3A_2152 = arith.index_cast %parallel_loop3A_2101 : i32 to index
        %parallel_loop3A_2153 = tpu.vector_load %arg9[%parallel_loop3A_2151, %parallel_loop3A_2152] {strides = array<i32>} : memref<8x4096xf32, #tpu.memory_space<vmem>>, vector<1x16xf32>,
        %parallel_loop3A_2154 = vector.shape_cast %parallel_loop3A_2153 : vector<1x16xf32> to vector<16xf32>
        %parallel_loop3A_2155 = arith.mulf %parallel_loop3A_2154, %div3A_1908 : vector<16xf32>
        %parallel_loop3A_2156 = arith.constant 4 : i32
        %parallel_loop3A_2157 = arith.index_cast %parallel_loop3A_2156 : i32 to index
        %parallel_loop3A_2158 = arith.index_cast %parallel_loop3A_2101 : i32 to index
        %parallel_loop3A_2159 = tpu.vector_load %arg9[%parallel_loop3A_2157, %parallel_loop3A_2158] {strides = array<i32>} : memref<8x4096xf32, #tpu.memory_space<vmem>>, vector<1x16xf32>,
        %parallel_loop3A_2160 = vector.shape_cast %parallel_loop3A_2159 : vector<1x16xf32> to vector<16xf32>
        %parallel_loop3A_2161 = vector.shape_cast %parallel_loop3A_2155 : vector<16xf32> to vector<1x16xf32>
        tpu.vector_store %arg9[%parallel_loop3A_2157, %parallel_loop3A_2158], %parallel_loop3A_2161 {strides = array<i32>} : memref<8x4096xf32, #tpu.memory_space<vmem>>, vector<1x16xf32>,
        %parallel_loop3A_2162 = arith.constant 5 : i32
        %parallel_loop3A_2163 = arith.index_cast %parallel_loop3A_2162 : i32 to index
        %parallel_loop3A_2164 = arith.index_cast %parallel_loop3A_2101 : i32 to index
        %parallel_loop3A_2165 = tpu.vector_load %arg9[%parallel_loop3A_2163, %parallel_loop3A_2164] {strides = array<i32>} : memref<8x4096xf32, #tpu.memory_space<vmem>>, vector<1x16xf32>,
        %parallel_loop3A_2166 = vector.shape_cast %parallel_loop3A_2165 : vector<1x16xf32> to vector<16xf32>
        %parallel_loop3A_2167 = arith.mulf %parallel_loop3A_2166, %div3A_1967 : vector<16xf32>
        %parallel_loop3A_2168 = arith.constant 5 : i32
        %parallel_loop3A_2169 = arith.index_cast %parallel_loop3A_2168 : i32 to index
        %parallel_loop3A_2170 = arith.index_cast %parallel_loop3A_2101 : i32 to index
        %parallel_loop3A_2171 = tpu.vector_load %arg9[%parallel_loop3A_2169, %parallel_loop3A_2170] {strides = array<i32>} : memref<8x4096xf32, #tpu.memory_space<vmem>>, vector<1x16xf32>,
        %parallel_loop3A_2172 = vector.shape_cast %parallel_loop3A_2171 : vector<1x16xf32> to vector<16xf32>
        %parallel_loop3A_2173 = vector.shape_cast %parallel_loop3A_2167 : vector<16xf32> to vector<1x16xf32>
        tpu.vector_store %arg9[%parallel_loop3A_2169, %parallel_loop3A_2170], %parallel_loop3A_2173 {strides = array<i32>} : memref<8x4096xf32, #tpu.memory_space<vmem>>, vector<1x16xf32>,
        %parallel_loop3A_2174 = arith.constant 6 : i32
        %parallel_loop3A_2175 = arith.index_cast %parallel_loop3A_2174 : i32 to index
        %parallel_loop3A_2176 = arith.index_cast %parallel_loop3A_2101 : i32 to index
        %parallel_loop3A_2177 = tpu.vector_load %arg9[%parallel_loop3A_2175, %parallel_loop3A_2176] {strides = array<i32>} : memref<8x4096xf32, #tpu.memory_space<vmem>>, vector<1x16xf32>,
        %parallel_loop3A_2178 = vector.shape_cast %parallel_loop3A_2177 : vector<1x16xf32> to vector<16xf32>
        %parallel_loop3A_2179 = arith.mulf %parallel_loop3A_2178, %div3A_2026 : vector<16xf32>
        %parallel_loop3A_2180 = arith.constant 6 : i32
        %parallel_loop3A_2181 = arith.index_cast %parallel_loop3A_2180 : i32 to index
        %parallel_loop3A_2182 = arith.index_cast %parallel_loop3A_2101 : i32 to index
        %parallel_loop3A_2183 = tpu.vector_load %arg9[%parallel_loop3A_2181, %parallel_loop3A_2182] {strides = array<i32>} : memref<8x4096xf32, #tpu.memory_space<vmem>>, vector<1x16xf32>,
        %parallel_loop3A_2184 = vector.shape_cast %parallel_loop3A_2183 : vector<1x16xf32> to vector<16xf32>
        %parallel_loop3A_2185 = vector.shape_cast %parallel_loop3A_2179 : vector<16xf32> to vector<1x16xf32>
        tpu.vector_store %arg9[%parallel_loop3A_2181, %parallel_loop3A_2182], %parallel_loop3A_2185 {strides = array<i32>} : memref<8x4096xf32, #tpu.memory_space<vmem>>, vector<1x16xf32>,
        %parallel_loop3A_2186 = arith.constant 7 : i32
        %parallel_loop3A_2187 = arith.index_cast %parallel_loop3A_2186 : i32 to index
        %parallel_loop3A_2188 = arith.index_cast %parallel_loop3A_2101 : i32 to index
        %parallel_loop3A_2189 = tpu.vector_load %arg9[%parallel_loop3A_2187, %parallel_loop3A_2188] {strides = array<i32>} : memref<8x4096xf32, #tpu.memory_space<vmem>>, vector<1x16xf32>,
        %parallel_loop3A_2190 = vector.shape_cast %parallel_loop3A_2189 : vector<1x16xf32> to vector<16xf32>
        %parallel_loop3A_2191 = arith.mulf %parallel_loop3A_2190, %div3A_2085 : vector<16xf32>
        %parallel_loop3A_2192 = arith.constant 7 : i32
        %parallel_loop3A_2193 = arith.index_cast %parallel_loop3A_2192 : i32 to index
        %parallel_loop3A_2194 = arith.index_cast %parallel_loop3A_2101 : i32 to index
        %parallel_loop3A_2195 = tpu.vector_load %arg9[%parallel_loop3A_2193, %parallel_loop3A_2194] {strides = array<i32>} : memref<8x4096xf32, #tpu.memory_space<vmem>>, vector<1x16xf32>,
        %parallel_loop3A_2196 = vector.shape_cast %parallel_loop3A_2195 : vector<1x16xf32> to vector<16xf32>
        %parallel_loop3A_2197 = vector.shape_cast %parallel_loop3A_2191 : vector<16xf32> to vector<1x16xf32>
        tpu.vector_store %arg9[%parallel_loop3A_2193, %parallel_loop3A_2194], %parallel_loop3A_2197 {strides = array<i32>} : memref<8x4096xf32, #tpu.memory_space<vmem>>, vector<1x16xf32>,
        scf.yield %parallel_loop3A_2099 : i32
      } {sc.loop_unroll_factor = 4 : i64, sc.parallel_access}
      %mul3A_2091 = arith.constant 8 : i32
      %mul3A_2092 = arith.muli %add3A_1579, %mul3A_2091 : i32
      %add3A_2093 = arith.addi %mul3A_2, %mul3A_2092 : i32
      %dma_start3A_2094 = arith.constant 0 : i32
      %dma_start3A_2095 = tpu.memref_slice %arg4[%add3A_2093, %dma_start3A_2094] : memref<16384x4096xf32, #tpu.memory_space<hbm>> -> memref<8x4096xf32, #tpu.memory_space<hbm>>
      %dma_start3A_2096 = arith.constant 0 : i32
      %dma_start3A_2097 = tpu.memref_slice %arg4[%add3A_2093, %dma_start3A_2096] : memref<16384x4096xf32, #tpu.memory_space<hbm>> -> memref<8x4096xf32, #tpu.memory_space<hbm>>
      tpu.enqueue_dma source(%arg9 : memref<8x4096xf32, #tpu.memory_space<vmem>>) target(%dma_start3A_2097 : memref<8x4096xf32, #tpu.memory_space<hbm>>) target_semaphore(%arg15 : memref<!tpu.dma_semaphore, #tpu.memory_space<semaphore_mem>>)
    }
    %scan3A_28 = arith.constant 21 : i32
    %dma_wait3A = arith.constant 0 : i32
    %dma_wait3A_29 = tpu.memref_slice %arg2[%mul3A_2, %dma_wait3A] : memref<16384x4096xf32, #tpu.memory_space<hbm>> -> memref<8x4096xf32, #tpu.memory_space<hbm>>
    %dma_wait3A_30 = arith.constant 0 : i32
    %dma_wait3A_31 = tpu.memref_slice %arg2[%mul3A_2, %dma_wait3A_30] : memref<16384x4096xf32, #tpu.memory_space<hbm>> -> memref<8x4096xf32, #tpu.memory_space<hbm>>
    tpu.wait_dma2 semaphore(%arg10 : memref<!tpu.dma_semaphore, #tpu.memory_space<semaphore_mem>>) src(%dma_wait3A_31 : memref<8x4096xf32, #tpu.memory_space<hbm>>) dst(%arg7 : memref<8x4096xf32, #tpu.memory_space<vmem>>)
    %broadcast_in_dim3A = arith.constant 0.000000e+00 : f32
    %broadcast_in_dim3A_32 = vector.broadcast %broadcast_in_dim3A : f32 to vector<16xf32>
    %broadcast_in_dim3A_33 = arith.constant 0.000000e+00 : f32
    %broadcast_in_dim3A_34 = vector.broadcast %broadcast_in_dim3A_33 : f32 to vector<16xf32>
    %broadcast_in_dim3A_35 = arith.constant 0.000000e+00 : f32
    %broadcast_in_dim3A_36 = vector.broadcast %broadcast_in_dim3A_35 : f32 to vector<16xf32>
    %broadcast_in_dim3A_37 = arith.constant 0.000000e+00 : f32
    %broadcast_in_dim3A_38 = vector.broadcast %broadcast_in_dim3A_37 : f32 to vector<16xf32>
    %broadcast_in_dim3A_39 = arith.constant 0.000000e+00 : f32
    %broadcast_in_dim3A_40 = vector.broadcast %broadcast_in_dim3A_39 : f32 to vector<16xf32>
    %broadcast_in_dim3A_41 = arith.constant 0.000000e+00 : f32
    %broadcast_in_dim3A_42 = vector.broadcast %broadcast_in_dim3A_41 : f32 to vector<16xf32>
    %broadcast_in_dim3A_43 = arith.constant 0.000000e+00 : f32
    %broadcast_in_dim3A_44 = vector.broadcast %broadcast_in_dim3A_43 : f32 to vector<16xf32>
    %broadcast_in_dim3A_45 = arith.constant 0.000000e+00 : f32
    %broadcast_in_dim3A_46 = vector.broadcast %broadcast_in_dim3A_45 : f32 to vector<16xf32>
    %parallel_loop3A_47 = arith.constant 0 : i32
    %parallel_loop3A_48 = arith.constant 256 : i32
    %parallel_loop3A_49 = arith.constant 1 : i32
    %parallel_loop3A_50:8 = scf.for %parallel_loop3A_540 = %parallel_loop3A_47 to %parallel_loop3A_48 step %parallel_loop3A_49 iter_args(%parallel_loop3A_541 = %broadcast_in_dim3A_32, %parallel_loop3A_542 = %broadcast_in_dim3A_34, %parallel_loop3A_543 = %broadcast_in_dim3A_36, %parallel_loop3A_544 = %broadcast_in_dim3A_38, %parallel_loop3A_545 = %broadcast_in_dim3A_40, %parallel_loop3A_546 = %broadcast_in_dim3A_42, %parallel_loop3A_547 = %broadcast_in_dim3A_44, %parallel_loop3A_548 = %broadcast_in_dim3A_46) -> (vector<16xf32>, vector<16xf32>, vector<16xf32>, vector<16xf32>, vector<16xf32>, vector<16xf32>, vector<16xf32>, vector<16xf32>)  : i32 {
      %parallel_loop3A_549 = arith.constant 16 : i32
      %parallel_loop3A_550 = arith.muli %parallel_loop3A_540, %parallel_loop3A_549 : i32
      %parallel_loop3A_551 = arith.index_cast %parallel_loop3A_550 : i32 to index
      %parallel_loop3A_552 = tpu.vector_load %arg6[%parallel_loop3A_551] {strides = array<i32>} : memref<4096xf32, #tpu.memory_space<vmem>>, vector<16xf32>,
      %parallel_loop3A_553 = vector.shape_cast %parallel_loop3A_552 : vector<16xf32> to vector<16xf32>
      %parallel_loop3A_554 = arith.constant 0 : i32
      %parallel_loop3A_555 = arith.index_cast %parallel_loop3A_554 : i32 to index
      %parallel_loop3A_556 = arith.index_cast %parallel_loop3A_550 : i32 to index
      %parallel_loop3A_557 = tpu.vector_load %arg7[%parallel_loop3A_555, %parallel_loop3A_556] {strides = array<i32>} : memref<8x4096xf32, #tpu.memory_space<vmem>>, vector<1x16xf32>,
      %parallel_loop3A_558 = vector.shape_cast %parallel_loop3A_557 : vector<1x16xf32> to vector<16xf32>
      %parallel_loop3A_559 = arith.mulf %parallel_loop3A_558, %parallel_loop3A_553 : vector<16xf32>
      %parallel_loop3A_560 = arith.addf %parallel_loop3A_541, %parallel_loop3A_559 : vector<16xf32>
      %parallel_loop3A_561 = arith.constant 1 : i32
      %parallel_loop3A_562 = arith.index_cast %parallel_loop3A_561 : i32 to index
      %parallel_loop3A_563 = arith.index_cast %parallel_loop3A_550 : i32 to index
      %parallel_loop3A_564 = tpu.vector_load %arg7[%parallel_loop3A_562, %parallel_loop3A_563] {strides = array<i32>} : memref<8x4096xf32, #tpu.memory_space<vmem>>, vector<1x16xf32>,
      %parallel_loop3A_565 = vector.shape_cast %parallel_loop3A_564 : vector<1x16xf32> to vector<16xf32>
      %parallel_loop3A_566 = arith.mulf %parallel_loop3A_565, %parallel_loop3A_553 : vector<16xf32>
      %parallel_loop3A_567 = arith.addf %parallel_loop3A_542, %parallel_loop3A_566 : vector<16xf32>
      %parallel_loop3A_568 = arith.constant 2 : i32
      %parallel_loop3A_569 = arith.index_cast %parallel_loop3A_568 : i32 to index
      %parallel_loop3A_570 = arith.index_cast %parallel_loop3A_550 : i32 to index
      %parallel_loop3A_571 = tpu.vector_load %arg7[%parallel_loop3A_569, %parallel_loop3A_570] {strides = array<i32>} : memref<8x4096xf32, #tpu.memory_space<vmem>>, vector<1x16xf32>,
      %parallel_loop3A_572 = vector.shape_cast %parallel_loop3A_571 : vector<1x16xf32> to vector<16xf32>
      %parallel_loop3A_573 = arith.mulf %parallel_loop3A_572, %parallel_loop3A_553 : vector<16xf32>
      %parallel_loop3A_574 = arith.addf %parallel_loop3A_543, %parallel_loop3A_573 : vector<16xf32>
      %parallel_loop3A_575 = arith.constant 3 : i32
      %parallel_loop3A_576 = arith.index_cast %parallel_loop3A_575 : i32 to index
      %parallel_loop3A_577 = arith.index_cast %parallel_loop3A_550 : i32 to index
      %parallel_loop3A_578 = tpu.vector_load %arg7[%parallel_loop3A_576, %parallel_loop3A_577] {strides = array<i32>} : memref<8x4096xf32, #tpu.memory_space<vmem>>, vector<1x16xf32>,
      %parallel_loop3A_579 = vector.shape_cast %parallel_loop3A_578 : vector<1x16xf32> to vector<16xf32>
      %parallel_loop3A_580 = arith.mulf %parallel_loop3A_579, %parallel_loop3A_553 : vector<16xf32>
      %parallel_loop3A_581 = arith.addf %parallel_loop3A_544, %parallel_loop3A_580 : vector<16xf32>
      %parallel_loop3A_582 = arith.constant 4 : i32
      %parallel_loop3A_583 = arith.index_cast %parallel_loop3A_582 : i32 to index
      %parallel_loop3A_584 = arith.index_cast %parallel_loop3A_550 : i32 to index
      %parallel_loop3A_585 = tpu.vector_load %arg7[%parallel_loop3A_583, %parallel_loop3A_584] {strides = array<i32>} : memref<8x4096xf32, #tpu.memory_space<vmem>>, vector<1x16xf32>,
      %parallel_loop3A_586 = vector.shape_cast %parallel_loop3A_585 : vector<1x16xf32> to vector<16xf32>
      %parallel_loop3A_587 = arith.mulf %parallel_loop3A_586, %parallel_loop3A_553 : vector<16xf32>
      %parallel_loop3A_588 = arith.addf %parallel_loop3A_545, %parallel_loop3A_587 : vector<16xf32>
      %parallel_loop3A_589 = arith.constant 5 : i32
      %parallel_loop3A_590 = arith.index_cast %parallel_loop3A_589 : i32 to index
      %parallel_loop3A_591 = arith.index_cast %parallel_loop3A_550 : i32 to index
      %parallel_loop3A_592 = tpu.vector_load %arg7[%parallel_loop3A_590, %parallel_loop3A_591] {strides = array<i32>} : memref<8x4096xf32, #tpu.memory_space<vmem>>, vector<1x16xf32>,
      %parallel_loop3A_593 = vector.shape_cast %parallel_loop3A_592 : vector<1x16xf32> to vector<16xf32>
      %parallel_loop3A_594 = arith.mulf %parallel_loop3A_593, %parallel_loop3A_553 : vector<16xf32>
      %parallel_loop3A_595 = arith.addf %parallel_loop3A_546, %parallel_loop3A_594 : vector<16xf32>
      %parallel_loop3A_596 = arith.constant 6 : i32
      %parallel_loop3A_597 = arith.index_cast %parallel_loop3A_596 : i32 to index
      %parallel_loop3A_598 = arith.index_cast %parallel_loop3A_550 : i32 to index
      %parallel_loop3A_599 = tpu.vector_load %arg7[%parallel_loop3A_597, %parallel_loop3A_598] {strides = array<i32>} : memref<8x4096xf32, #tpu.memory_space<vmem>>, vector<1x16xf32>,
      %parallel_loop3A_600 = vector.shape_cast %parallel_loop3A_599 : vector<1x16xf32> to vector<16xf32>
      %parallel_loop3A_601 = arith.mulf %parallel_loop3A_600, %parallel_loop3A_553 : vector<16xf32>
      %parallel_loop3A_602 = arith.addf %parallel_loop3A_547, %parallel_loop3A_601 : vector<16xf32>
      %parallel_loop3A_603 = arith.constant 7 : i32
      %parallel_loop3A_604 = arith.index_cast %parallel_loop3A_603 : i32 to index
      %parallel_loop3A_605 = arith.index_cast %parallel_loop3A_550 : i32 to index
      %parallel_loop3A_606 = tpu.vector_load %arg7[%parallel_loop3A_604, %parallel_loop3A_605] {strides = array<i32>} : memref<8x4096xf32, #tpu.memory_space<vmem>>, vector<1x16xf32>,
      %parallel_loop3A_607 = vector.shape_cast %parallel_loop3A_606 : vector<1x16xf32> to vector<16xf32>
      %parallel_loop3A_608 = arith.mulf %parallel_loop3A_607, %parallel_loop3A_553 : vector<16xf32>
      %parallel_loop3A_609 = arith.addf %parallel_loop3A_548, %parallel_loop3A_608 : vector<16xf32>
      scf.yield %parallel_loop3A_560, %parallel_loop3A_567, %parallel_loop3A_574, %parallel_loop3A_581, %parallel_loop3A_588, %parallel_loop3A_595, %parallel_loop3A_602, %parallel_loop3A_609 : vector<16xf32>, vector<16xf32>, vector<16xf32>, vector<16xf32>, vector<16xf32>, vector<16xf32>, vector<16xf32>, vector<16xf32>
    } {sc.loop_unroll_factor = 4 : i64, sc.parallel_access}
    %slice3A = vector.extract_strided_slice %parallel_loop3A_50#0 {offsets = [0], sizes = [1], strides = [1]} : vector<16xf32> to vector<1xf32>
    %squeeze3A = vector.extract %slice3A[0] : f32 from vector<1xf32>
    %slice3A_51 = vector.extract_strided_slice %parallel_loop3A_50#0 {offsets = [1], sizes = [1], strides = [1]} : vector<16xf32> to vector<1xf32>
    %squeeze3A_52 = vector.extract %slice3A_51[0] : f32 from vector<1xf32>
    %slice3A_53 = vector.extract_strided_slice %parallel_loop3A_50#0 {offsets = [2], sizes = [1], strides = [1]} : vector<16xf32> to vector<1xf32>
    %squeeze3A_54 = vector.extract %slice3A_53[0] : f32 from vector<1xf32>
    %slice3A_55 = vector.extract_strided_slice %parallel_loop3A_50#0 {offsets = [3], sizes = [1], strides = [1]} : vector<16xf32> to vector<1xf32>
    %squeeze3A_56 = vector.extract %slice3A_55[0] : f32 from vector<1xf32>
    %slice3A_57 = vector.extract_strided_slice %parallel_loop3A_50#0 {offsets = [4], sizes = [1], strides = [1]} : vector<16xf32> to vector<1xf32>
    %squeeze3A_58 = vector.extract %slice3A_57[0] : f32 from vector<1xf32>
    %slice3A_59 = vector.extract_strided_slice %parallel_loop3A_50#0 {offsets = [5], sizes = [1], strides = [1]} : vector<16xf32> to vector<1xf32>
    %squeeze3A_60 = vector.extract %slice3A_59[0] : f32 from vector<1xf32>
    %slice3A_61 = vector.extract_strided_slice %parallel_loop3A_50#0 {offsets = [6], sizes = [1], strides = [1]} : vector<16xf32> to vector<1xf32>
    %squeeze3A_62 = vector.extract %slice3A_61[0] : f32 from vector<1xf32>
    %slice3A_63 = vector.extract_strided_slice %parallel_loop3A_50#0 {offsets = [7], sizes = [1], strides = [1]} : vector<16xf32> to vector<1xf32>
    %squeeze3A_64 = vector.extract %slice3A_63[0] : f32 from vector<1xf32>
    %slice3A_65 = vector.extract_strided_slice %parallel_loop3A_50#0 {offsets = [8], sizes = [1], strides = [1]} : vector<16xf32> to vector<1xf32>
    %squeeze3A_66 = vector.extract %slice3A_65[0] : f32 from vector<1xf32>
    %slice3A_67 = vector.extract_strided_slice %parallel_loop3A_50#0 {offsets = [9], sizes = [1], strides = [1]} : vector<16xf32> to vector<1xf32>
    %squeeze3A_68 = vector.extract %slice3A_67[0] : f32 from vector<1xf32>
    %slice3A_69 = vector.extract_strided_slice %parallel_loop3A_50#0 {offsets = [10], sizes = [1], strides = [1]} : vector<16xf32> to vector<1xf32>
    %squeeze3A_70 = vector.extract %slice3A_69[0] : f32 from vector<1xf32>
    %slice3A_71 = vector.extract_strided_slice %parallel_loop3A_50#0 {offsets = [11], sizes = [1], strides = [1]} : vector<16xf32> to vector<1xf32>
    %squeeze3A_72 = vector.extract %slice3A_71[0] : f32 from vector<1xf32>
    %slice3A_73 = vector.extract_strided_slice %parallel_loop3A_50#0 {offsets = [12], sizes = [1], strides = [1]} : vector<16xf32> to vector<1xf32>
    %squeeze3A_74 = vector.extract %slice3A_73[0] : f32 from vector<1xf32>
    %slice3A_75 = vector.extract_strided_slice %parallel_loop3A_50#0 {offsets = [13], sizes = [1], strides = [1]} : vector<16xf32> to vector<1xf32>
    %squeeze3A_76 = vector.extract %slice3A_75[0] : f32 from vector<1xf32>
    %slice3A_77 = vector.extract_strided_slice %parallel_loop3A_50#0 {offsets = [14], sizes = [1], strides = [1]} : vector<16xf32> to vector<1xf32>
    %squeeze3A_78 = vector.extract %slice3A_77[0] : f32 from vector<1xf32>
    %slice3A_79 = vector.extract_strided_slice %parallel_loop3A_50#0 {offsets = [15], sizes = [1], strides = [1]} : vector<16xf32> to vector<1xf32>
    %squeeze3A_80 = vector.extract %slice3A_79[0] : f32 from vector<1xf32>
    %add3A_81 = arith.addf %squeeze3A, %squeeze3A_52 : f32
    %add3A_82 = arith.addf %squeeze3A_54, %squeeze3A_56 : f32
    %add3A_83 = arith.addf %squeeze3A_58, %squeeze3A_60 : f32
    %add3A_84 = arith.addf %squeeze3A_62, %squeeze3A_64 : f32
    %add3A_85 = arith.addf %squeeze3A_66, %squeeze3A_68 : f32
    %add3A_86 = arith.addf %squeeze3A_70, %squeeze3A_72 : f32
    %add3A_87 = arith.addf %squeeze3A_74, %squeeze3A_76 : f32
    %add3A_88 = arith.addf %squeeze3A_78, %squeeze3A_80 : f32
    %add3A_89 = arith.addf %add3A_81, %add3A_82 : f32
    %add3A_90 = arith.addf %add3A_83, %add3A_84 : f32
    %add3A_91 = arith.addf %add3A_85, %add3A_86 : f32
    %add3A_92 = arith.addf %add3A_87, %add3A_88 : f32
    %add3A_93 = arith.addf %add3A_89, %add3A_90 : f32
    %add3A_94 = arith.addf %add3A_91, %add3A_92 : f32
    %add3A_95 = arith.addf %add3A_93, %add3A_94 : f32
    %broadcast_in_dim3A_96 = vector.broadcast %add3A_95 : f32 to vector<16xf32>
    %abs3A = math.absf %broadcast_in_dim3A_96 : vector<16xf32>
    %neg3A = arith.constant 0.000000e+00 : f32
    %neg3A_97 = vector.broadcast %neg3A : f32 to vector<16xf32>
    %neg3A_98 = arith.subf %neg3A_97, %abs3A : vector<16xf32>
    %exp3A = math.exp %neg3A_98 : vector<16xf32>
    %add3A_99 = arith.constant 1.000000e+00 : f32
    %add3A_100 = vector.broadcast %add3A_99 : f32 to vector<16xf32>
    %add3A_101 = arith.addf %add3A_100, %exp3A : vector<16xf32>
    %div3A = arith.constant 1.000000e+00 : f32
    %div3A_102 = vector.broadcast %div3A : f32 to vector<16xf32>
    %div3A_103 = arith.divf %div3A_102, %add3A_101 : vector<16xf32>
    %slice3A_104 = vector.extract_strided_slice %parallel_loop3A_50#1 {offsets = [0], sizes = [1], strides = [1]} : vector<16xf32> to vector<1xf32>
    %squeeze3A_105 = vector.extract %slice3A_104[0] : f32 from vector<1xf32>
    %slice3A_106 = vector.extract_strided_slice %parallel_loop3A_50#1 {offsets = [1], sizes = [1], strides = [1]} : vector<16xf32> to vector<1xf32>
    %squeeze3A_107 = vector.extract %slice3A_106[0] : f32 from vector<1xf32>
    %slice3A_108 = vector.extract_strided_slice %parallel_loop3A_50#1 {offsets = [2], sizes = [1], strides = [1]} : vector<16xf32> to vector<1xf32>
    %squeeze3A_109 = vector.extract %slice3A_108[0] : f32 from vector<1xf32>
    %slice3A_110 = vector.extract_strided_slice %parallel_loop3A_50#1 {offsets = [3], sizes = [1], strides = [1]} : vector<16xf32> to vector<1xf32>
    %squeeze3A_111 = vector.extract %slice3A_110[0] : f32 from vector<1xf32>
    %slice3A_112 = vector.extract_strided_slice %parallel_loop3A_50#1 {offsets = [4], sizes = [1], strides = [1]} : vector<16xf32> to vector<1xf32>
    %squeeze3A_113 = vector.extract %slice3A_112[0] : f32 from vector<1xf32>
    %slice3A_114 = vector.extract_strided_slice %parallel_loop3A_50#1 {offsets = [5], sizes = [1], strides = [1]} : vector<16xf32> to vector<1xf32>
    %squeeze3A_115 = vector.extract %slice3A_114[0] : f32 from vector<1xf32>
    %slice3A_116 = vector.extract_strided_slice %parallel_loop3A_50#1 {offsets = [6], sizes = [1], strides = [1]} : vector<16xf32> to vector<1xf32>
    %squeeze3A_117 = vector.extract %slice3A_116[0] : f32 from vector<1xf32>
    %slice3A_118 = vector.extract_strided_slice %parallel_loop3A_50#1 {offsets = [7], sizes = [1], strides = [1]} : vector<16xf32> to vector<1xf32>
    %squeeze3A_119 = vector.extract %slice3A_118[0] : f32 from vector<1xf32>
    %slice3A_120 = vector.extract_strided_slice %parallel_loop3A_50#1 {offsets = [8], sizes = [1], strides = [1]} : vector<16xf32> to vector<1xf32>
    %squeeze3A_121 = vector.extract %slice3A_120[0] : f32 from vector<1xf32>
    %slice3A_122 = vector.extract_strided_slice %parallel_loop3A_50#1 {offsets = [9], sizes = [1], strides = [1]} : vector<16xf32> to vector<1xf32>
    %squeeze3A_123 = vector.extract %slice3A_122[0] : f32 from vector<1xf32>
    %slice3A_124 = vector.extract_strided_slice %parallel_loop3A_50#1 {offsets = [10], sizes = [1], strides = [1]} : vector<16xf32> to vector<1xf32>
    %squeeze3A_125 = vector.extract %slice3A_124[0] : f32 from vector<1xf32>
    %slice3A_126 = vector.extract_strided_slice %parallel_loop3A_50#1 {offsets = [11], sizes = [1], strides = [1]} : vector<16xf32> to vector<1xf32>
    %squeeze3A_127 = vector.extract %slice3A_126[0] : f32 from vector<1xf32>
    %slice3A_128 = vector.extract_strided_slice %parallel_loop3A_50#1 {offsets = [12], sizes = [1], strides = [1]} : vector<16xf32> to vector<1xf32>
    %squeeze3A_129 = vector.extract %slice3A_128[0] : f32 from vector<1xf32>
    %slice3A_130 = vector.extract_strided_slice %parallel_loop3A_50#1 {offsets = [13], sizes = [1], strides = [1]} : vector<16xf32> to vector<1xf32>
    %squeeze3A_131 = vector.extract %slice3A_130[0] : f32 from vector<1xf32>
    %slice3A_132 = vector.extract_strided_slice %parallel_loop3A_50#1 {offsets = [14], sizes = [1], strides = [1]} : vector<16xf32> to vector<1xf32>
    %squeeze3A_133 = vector.extract %slice3A_132[0] : f32 from vector<1xf32>
    %slice3A_134 = vector.extract_strided_slice %parallel_loop3A_50#1 {offsets = [15], sizes = [1], strides = [1]} : vector<16xf32> to vector<1xf32>
    %squeeze3A_135 = vector.extract %slice3A_134[0] : f32 from vector<1xf32>
    %add3A_136 = arith.addf %squeeze3A_105, %squeeze3A_107 : f32
    %add3A_137 = arith.addf %squeeze3A_109, %squeeze3A_111 : f32
    %add3A_138 = arith.addf %squeeze3A_113, %squeeze3A_115 : f32
    %add3A_139 = arith.addf %squeeze3A_117, %squeeze3A_119 : f32
    %add3A_140 = arith.addf %squeeze3A_121, %squeeze3A_123 : f32
    %add3A_141 = arith.addf %squeeze3A_125, %squeeze3A_127 : f32
    %add3A_142 = arith.addf %squeeze3A_129, %squeeze3A_131 : f32
    %add3A_143 = arith.addf %squeeze3A_133, %squeeze3A_135 : f32
    %add3A_144 = arith.addf %add3A_136, %add3A_137 : f32
    %add3A_145 = arith.addf %add3A_138, %add3A_139 : f32
    %add3A_146 = arith.addf %add3A_140, %add3A_141 : f32
    %add3A_147 = arith.addf %add3A_142, %add3A_143 : f32
    %add3A_148 = arith.addf %add3A_144, %add3A_145 : f32
    %add3A_149 = arith.addf %add3A_146, %add3A_147 : f32
    %add3A_150 = arith.addf %add3A_148, %add3A_149 : f32
    %broadcast_in_dim3A_151 = vector.broadcast %add3A_150 : f32 to vector<16xf32>
    %abs3A_152 = math.absf %broadcast_in_dim3A_151 : vector<16xf32>
    %neg3A_153 = arith.constant 0.000000e+00 : f32
    %neg3A_154 = vector.broadcast %neg3A_153 : f32 to vector<16xf32>
    %neg3A_155 = arith.subf %neg3A_154, %abs3A_152 : vector<16xf32>
    %exp3A_156 = math.exp %neg3A_155 : vector<16xf32>
    %add3A_157 = arith.constant 1.000000e+00 : f32
    %add3A_158 = vector.broadcast %add3A_157 : f32 to vector<16xf32>
    %add3A_159 = arith.addf %add3A_158, %exp3A_156 : vector<16xf32>
    %div3A_160 = arith.constant 1.000000e+00 : f32
    %div3A_161 = vector.broadcast %div3A_160 : f32 to vector<16xf32>
    %div3A_162 = arith.divf %div3A_161, %add3A_159 : vector<16xf32>
    %slice3A_163 = vector.extract_strided_slice %parallel_loop3A_50#2 {offsets = [0], sizes = [1], strides = [1]} : vector<16xf32> to vector<1xf32>
    %squeeze3A_164 = vector.extract %slice3A_163[0] : f32 from vector<1xf32>
    %slice3A_165 = vector.extract_strided_slice %parallel_loop3A_50#2 {offsets = [1], sizes = [1], strides = [1]} : vector<16xf32> to vector<1xf32>
    %squeeze3A_166 = vector.extract %slice3A_165[0] : f32 from vector<1xf32>
    %slice3A_167 = vector.extract_strided_slice %parallel_loop3A_50#2 {offsets = [2], sizes = [1], strides = [1]} : vector<16xf32> to vector<1xf32>
    %squeeze3A_168 = vector.extract %slice3A_167[0] : f32 from vector<1xf32>
    %slice3A_169 = vector.extract_strided_slice %parallel_loop3A_50#2 {offsets = [3], sizes = [1], strides = [1]} : vector<16xf32> to vector<1xf32>
    %squeeze3A_170 = vector.extract %slice3A_169[0] : f32 from vector<1xf32>
    %slice3A_171 = vector.extract_strided_slice %parallel_loop3A_50#2 {offsets = [4], sizes = [1], strides = [1]} : vector<16xf32> to vector<1xf32>
    %squeeze3A_172 = vector.extract %slice3A_171[0] : f32 from vector<1xf32>
    %slice3A_173 = vector.extract_strided_slice %parallel_loop3A_50#2 {offsets = [5], sizes = [1], strides = [1]} : vector<16xf32> to vector<1xf32>
    %squeeze3A_174 = vector.extract %slice3A_173[0] : f32 from vector<1xf32>
    %slice3A_175 = vector.extract_strided_slice %parallel_loop3A_50#2 {offsets = [6], sizes = [1], strides = [1]} : vector<16xf32> to vector<1xf32>
    %squeeze3A_176 = vector.extract %slice3A_175[0] : f32 from vector<1xf32>
    %slice3A_177 = vector.extract_strided_slice %parallel_loop3A_50#2 {offsets = [7], sizes = [1], strides = [1]} : vector<16xf32> to vector<1xf32>
    %squeeze3A_178 = vector.extract %slice3A_177[0] : f32 from vector<1xf32>
    %slice3A_179 = vector.extract_strided_slice %parallel_loop3A_50#2 {offsets = [8], sizes = [1], strides = [1]} : vector<16xf32> to vector<1xf32>
    %squeeze3A_180 = vector.extract %slice3A_179[0] : f32 from vector<1xf32>
    %slice3A_181 = vector.extract_strided_slice %parallel_loop3A_50#2 {offsets = [9], sizes = [1], strides = [1]} : vector<16xf32> to vector<1xf32>
    %squeeze3A_182 = vector.extract %slice3A_181[0] : f32 from vector<1xf32>
    %slice3A_183 = vector.extract_strided_slice %parallel_loop3A_50#2 {offsets = [10], sizes = [1], strides = [1]} : vector<16xf32> to vector<1xf32>
    %squeeze3A_184 = vector.extract %slice3A_183[0] : f32 from vector<1xf32>
    %slice3A_185 = vector.extract_strided_slice %parallel_loop3A_50#2 {offsets = [11], sizes = [1], strides = [1]} : vector<16xf32> to vector<1xf32>
    %squeeze3A_186 = vector.extract %slice3A_185[0] : f32 from vector<1xf32>
    %slice3A_187 = vector.extract_strided_slice %parallel_loop3A_50#2 {offsets = [12], sizes = [1], strides = [1]} : vector<16xf32> to vector<1xf32>
    %squeeze3A_188 = vector.extract %slice3A_187[0] : f32 from vector<1xf32>
    %slice3A_189 = vector.extract_strided_slice %parallel_loop3A_50#2 {offsets = [13], sizes = [1], strides = [1]} : vector<16xf32> to vector<1xf32>
    %squeeze3A_190 = vector.extract %slice3A_189[0] : f32 from vector<1xf32>
    %slice3A_191 = vector.extract_strided_slice %parallel_loop3A_50#2 {offsets = [14], sizes = [1], strides = [1]} : vector<16xf32> to vector<1xf32>
    %squeeze3A_192 = vector.extract %slice3A_191[0] : f32 from vector<1xf32>
    %slice3A_193 = vector.extract_strided_slice %parallel_loop3A_50#2 {offsets = [15], sizes = [1], strides = [1]} : vector<16xf32> to vector<1xf32>
    %squeeze3A_194 = vector.extract %slice3A_193[0] : f32 from vector<1xf32>
    %add3A_195 = arith.addf %squeeze3A_164, %squeeze3A_166 : f32
    %add3A_196 = arith.addf %squeeze3A_168, %squeeze3A_170 : f32
    %add3A_197 = arith.addf %squeeze3A_172, %squeeze3A_174 : f32
    %add3A_198 = arith.addf %squeeze3A_176, %squeeze3A_178 : f32
    %add3A_199 = arith.addf %squeeze3A_180, %squeeze3A_182 : f32
    %add3A_200 = arith.addf %squeeze3A_184, %squeeze3A_186 : f32
    %add3A_201 = arith.addf %squeeze3A_188, %squeeze3A_190 : f32
    %add3A_202 = arith.addf %squeeze3A_192, %squeeze3A_194 : f32
    %add3A_203 = arith.addf %add3A_195, %add3A_196 : f32
    %add3A_204 = arith.addf %add3A_197, %add3A_198 : f32
    %add3A_205 = arith.addf %add3A_199, %add3A_200 : f32
    %add3A_206 = arith.addf %add3A_201, %add3A_202 : f32
    %add3A_207 = arith.addf %add3A_203, %add3A_204 : f32
    %add3A_208 = arith.addf %add3A_205, %add3A_206 : f32
    %add3A_209 = arith.addf %add3A_207, %add3A_208 : f32
    %broadcast_in_dim3A_210 = vector.broadcast %add3A_209 : f32 to vector<16xf32>
    %abs3A_211 = math.absf %broadcast_in_dim3A_210 : vector<16xf32>
    %neg3A_212 = arith.constant 0.000000e+00 : f32
    %neg3A_213 = vector.broadcast %neg3A_212 : f32 to vector<16xf32>
    %neg3A_214 = arith.subf %neg3A_213, %abs3A_211 : vector<16xf32>
    %exp3A_215 = math.exp %neg3A_214 : vector<16xf32>
    %add3A_216 = arith.constant 1.000000e+00 : f32
    %add3A_217 = vector.broadcast %add3A_216 : f32 to vector<16xf32>
    %add3A_218 = arith.addf %add3A_217, %exp3A_215 : vector<16xf32>
    %div3A_219 = arith.constant 1.000000e+00 : f32
    %div3A_220 = vector.broadcast %div3A_219 : f32 to vector<16xf32>
    %div3A_221 = arith.divf %div3A_220, %add3A_218 : vector<16xf32>
    %slice3A_222 = vector.extract_strided_slice %parallel_loop3A_50#3 {offsets = [0], sizes = [1], strides = [1]} : vector<16xf32> to vector<1xf32>
    %squeeze3A_223 = vector.extract %slice3A_222[0] : f32 from vector<1xf32>
    %slice3A_224 = vector.extract_strided_slice %parallel_loop3A_50#3 {offsets = [1], sizes = [1], strides = [1]} : vector<16xf32> to vector<1xf32>
    %squeeze3A_225 = vector.extract %slice3A_224[0] : f32 from vector<1xf32>
    %slice3A_226 = vector.extract_strided_slice %parallel_loop3A_50#3 {offsets = [2], sizes = [1], strides = [1]} : vector<16xf32> to vector<1xf32>
    %squeeze3A_227 = vector.extract %slice3A_226[0] : f32 from vector<1xf32>
    %slice3A_228 = vector.extract_strided_slice %parallel_loop3A_50#3 {offsets = [3], sizes = [1], strides = [1]} : vector<16xf32> to vector<1xf32>
    %squeeze3A_229 = vector.extract %slice3A_228[0] : f32 from vector<1xf32>
    %slice3A_230 = vector.extract_strided_slice %parallel_loop3A_50#3 {offsets = [4], sizes = [1], strides = [1]} : vector<16xf32> to vector<1xf32>
    %squeeze3A_231 = vector.extract %slice3A_230[0] : f32 from vector<1xf32>
    %slice3A_232 = vector.extract_strided_slice %parallel_loop3A_50#3 {offsets = [5], sizes = [1], strides = [1]} : vector<16xf32> to vector<1xf32>
    %squeeze3A_233 = vector.extract %slice3A_232[0] : f32 from vector<1xf32>
    %slice3A_234 = vector.extract_strided_slice %parallel_loop3A_50#3 {offsets = [6], sizes = [1], strides = [1]} : vector<16xf32> to vector<1xf32>
    %squeeze3A_235 = vector.extract %slice3A_234[0] : f32 from vector<1xf32>
    %slice3A_236 = vector.extract_strided_slice %parallel_loop3A_50#3 {offsets = [7], sizes = [1], strides = [1]} : vector<16xf32> to vector<1xf32>
    %squeeze3A_237 = vector.extract %slice3A_236[0] : f32 from vector<1xf32>
    %slice3A_238 = vector.extract_strided_slice %parallel_loop3A_50#3 {offsets = [8], sizes = [1], strides = [1]} : vector<16xf32> to vector<1xf32>
    %squeeze3A_239 = vector.extract %slice3A_238[0] : f32 from vector<1xf32>
    %slice3A_240 = vector.extract_strided_slice %parallel_loop3A_50#3 {offsets = [9], sizes = [1], strides = [1]} : vector<16xf32> to vector<1xf32>
    %squeeze3A_241 = vector.extract %slice3A_240[0] : f32 from vector<1xf32>
    %slice3A_242 = vector.extract_strided_slice %parallel_loop3A_50#3 {offsets = [10], sizes = [1], strides = [1]} : vector<16xf32> to vector<1xf32>
    %squeeze3A_243 = vector.extract %slice3A_242[0] : f32 from vector<1xf32>
    %slice3A_244 = vector.extract_strided_slice %parallel_loop3A_50#3 {offsets = [11], sizes = [1], strides = [1]} : vector<16xf32> to vector<1xf32>
    %squeeze3A_245 = vector.extract %slice3A_244[0] : f32 from vector<1xf32>
    %slice3A_246 = vector.extract_strided_slice %parallel_loop3A_50#3 {offsets = [12], sizes = [1], strides = [1]} : vector<16xf32> to vector<1xf32>
    %squeeze3A_247 = vector.extract %slice3A_246[0] : f32 from vector<1xf32>
    %slice3A_248 = vector.extract_strided_slice %parallel_loop3A_50#3 {offsets = [13], sizes = [1], strides = [1]} : vector<16xf32> to vector<1xf32>
    %squeeze3A_249 = vector.extract %slice3A_248[0] : f32 from vector<1xf32>
    %slice3A_250 = vector.extract_strided_slice %parallel_loop3A_50#3 {offsets = [14], sizes = [1], strides = [1]} : vector<16xf32> to vector<1xf32>
    %squeeze3A_251 = vector.extract %slice3A_250[0] : f32 from vector<1xf32>
    %slice3A_252 = vector.extract_strided_slice %parallel_loop3A_50#3 {offsets = [15], sizes = [1], strides = [1]} : vector<16xf32> to vector<1xf32>
    %squeeze3A_253 = vector.extract %slice3A_252[0] : f32 from vector<1xf32>
    %add3A_254 = arith.addf %squeeze3A_223, %squeeze3A_225 : f32
    %add3A_255 = arith.addf %squeeze3A_227, %squeeze3A_229 : f32
    %add3A_256 = arith.addf %squeeze3A_231, %squeeze3A_233 : f32
    %add3A_257 = arith.addf %squeeze3A_235, %squeeze3A_237 : f32
    %add3A_258 = arith.addf %squeeze3A_239, %squeeze3A_241 : f32
    %add3A_259 = arith.addf %squeeze3A_243, %squeeze3A_245 : f32
    %add3A_260 = arith.addf %squeeze3A_247, %squeeze3A_249 : f32
    %add3A_261 = arith.addf %squeeze3A_251, %squeeze3A_253 : f32
    %add3A_262 = arith.addf %add3A_254, %add3A_255 : f32
    %add3A_263 = arith.addf %add3A_256, %add3A_257 : f32
    %add3A_264 = arith.addf %add3A_258, %add3A_259 : f32
    %add3A_265 = arith.addf %add3A_260, %add3A_261 : f32
    %add3A_266 = arith.addf %add3A_262, %add3A_263 : f32
    %add3A_267 = arith.addf %add3A_264, %add3A_265 : f32
    %add3A_268 = arith.addf %add3A_266, %add3A_267 : f32
    %broadcast_in_dim3A_269 = vector.broadcast %add3A_268 : f32 to vector<16xf32>
    %abs3A_270 = math.absf %broadcast_in_dim3A_269 : vector<16xf32>
    %neg3A_271 = arith.constant 0.000000e+00 : f32
    %neg3A_272 = vector.broadcast %neg3A_271 : f32 to vector<16xf32>
    %neg3A_273 = arith.subf %neg3A_272, %abs3A_270 : vector<16xf32>
    %exp3A_274 = math.exp %neg3A_273 : vector<16xf32>
    %add3A_275 = arith.constant 1.000000e+00 : f32
    %add3A_276 = vector.broadcast %add3A_275 : f32 to vector<16xf32>
    %add3A_277 = arith.addf %add3A_276, %exp3A_274 : vector<16xf32>
    %div3A_278 = arith.constant 1.000000e+00 : f32
    %div3A_279 = vector.broadcast %div3A_278 : f32 to vector<16xf32>
    %div3A_280 = arith.divf %div3A_279, %add3A_277 : vector<16xf32>
    %slice3A_281 = vector.extract_strided_slice %parallel_loop3A_50#4 {offsets = [0], sizes = [1], strides = [1]} : vector<16xf32> to vector<1xf32>
    %squeeze3A_282 = vector.extract %slice3A_281[0] : f32 from vector<1xf32>
    %slice3A_283 = vector.extract_strided_slice %parallel_loop3A_50#4 {offsets = [1], sizes = [1], strides = [1]} : vector<16xf32> to vector<1xf32>
    %squeeze3A_284 = vector.extract %slice3A_283[0] : f32 from vector<1xf32>
    %slice3A_285 = vector.extract_strided_slice %parallel_loop3A_50#4 {offsets = [2], sizes = [1], strides = [1]} : vector<16xf32> to vector<1xf32>
    %squeeze3A_286 = vector.extract %slice3A_285[0] : f32 from vector<1xf32>
    %slice3A_287 = vector.extract_strided_slice %parallel_loop3A_50#4 {offsets = [3], sizes = [1], strides = [1]} : vector<16xf32> to vector<1xf32>
    %squeeze3A_288 = vector.extract %slice3A_287[0] : f32 from vector<1xf32>
    %slice3A_289 = vector.extract_strided_slice %parallel_loop3A_50#4 {offsets = [4], sizes = [1], strides = [1]} : vector<16xf32> to vector<1xf32>
    %squeeze3A_290 = vector.extract %slice3A_289[0] : f32 from vector<1xf32>
    %slice3A_291 = vector.extract_strided_slice %parallel_loop3A_50#4 {offsets = [5], sizes = [1], strides = [1]} : vector<16xf32> to vector<1xf32>
    %squeeze3A_292 = vector.extract %slice3A_291[0] : f32 from vector<1xf32>
    %slice3A_293 = vector.extract_strided_slice %parallel_loop3A_50#4 {offsets = [6], sizes = [1], strides = [1]} : vector<16xf32> to vector<1xf32>
    %squeeze3A_294 = vector.extract %slice3A_293[0] : f32 from vector<1xf32>
    %slice3A_295 = vector.extract_strided_slice %parallel_loop3A_50#4 {offsets = [7], sizes = [1], strides = [1]} : vector<16xf32> to vector<1xf32>
    %squeeze3A_296 = vector.extract %slice3A_295[0] : f32 from vector<1xf32>
    %slice3A_297 = vector.extract_strided_slice %parallel_loop3A_50#4 {offsets = [8], sizes = [1], strides = [1]} : vector<16xf32> to vector<1xf32>
    %squeeze3A_298 = vector.extract %slice3A_297[0] : f32 from vector<1xf32>
    %slice3A_299 = vector.extract_strided_slice %parallel_loop3A_50#4 {offsets = [9], sizes = [1], strides = [1]} : vector<16xf32> to vector<1xf32>
    %squeeze3A_300 = vector.extract %slice3A_299[0] : f32 from vector<1xf32>
    %slice3A_301 = vector.extract_strided_slice %parallel_loop3A_50#4 {offsets = [10], sizes = [1], strides = [1]} : vector<16xf32> to vector<1xf32>
    %squeeze3A_302 = vector.extract %slice3A_301[0] : f32 from vector<1xf32>
    %slice3A_303 = vector.extract_strided_slice %parallel_loop3A_50#4 {offsets = [11], sizes = [1], strides = [1]} : vector<16xf32> to vector<1xf32>
    %squeeze3A_304 = vector.extract %slice3A_303[0] : f32 from vector<1xf32>
    %slice3A_305 = vector.extract_strided_slice %parallel_loop3A_50#4 {offsets = [12], sizes = [1], strides = [1]} : vector<16xf32> to vector<1xf32>
    %squeeze3A_306 = vector.extract %slice3A_305[0] : f32 from vector<1xf32>
    %slice3A_307 = vector.extract_strided_slice %parallel_loop3A_50#4 {offsets = [13], sizes = [1], strides = [1]} : vector<16xf32> to vector<1xf32>
    %squeeze3A_308 = vector.extract %slice3A_307[0] : f32 from vector<1xf32>
    %slice3A_309 = vector.extract_strided_slice %parallel_loop3A_50#4 {offsets = [14], sizes = [1], strides = [1]} : vector<16xf32> to vector<1xf32>
    %squeeze3A_310 = vector.extract %slice3A_309[0] : f32 from vector<1xf32>
    %slice3A_311 = vector.extract_strided_slice %parallel_loop3A_50#4 {offsets = [15], sizes = [1], strides = [1]} : vector<16xf32> to vector<1xf32>
    %squeeze3A_312 = vector.extract %slice3A_311[0] : f32 from vector<1xf32>
    %add3A_313 = arith.addf %squeeze3A_282, %squeeze3A_284 : f32
    %add3A_314 = arith.addf %squeeze3A_286, %squeeze3A_288 : f32
    %add3A_315 = arith.addf %squeeze3A_290, %squeeze3A_292 : f32
    %add3A_316 = arith.addf %squeeze3A_294, %squeeze3A_296 : f32
    %add3A_317 = arith.addf %squeeze3A_298, %squeeze3A_300 : f32
    %add3A_318 = arith.addf %squeeze3A_302, %squeeze3A_304 : f32
    %add3A_319 = arith.addf %squeeze3A_306, %squeeze3A_308 : f32
    %add3A_320 = arith.addf %squeeze3A_310, %squeeze3A_312 : f32
    %add3A_321 = arith.addf %add3A_313, %add3A_314 : f32
    %add3A_322 = arith.addf %add3A_315, %add3A_316 : f32
    %add3A_323 = arith.addf %add3A_317, %add3A_318 : f32
    %add3A_324 = arith.addf %add3A_319, %add3A_320 : f32
    %add3A_325 = arith.addf %add3A_321, %add3A_322 : f32
    %add3A_326 = arith.addf %add3A_323, %add3A_324 : f32
    %add3A_327 = arith.addf %add3A_325, %add3A_326 : f32
    %broadcast_in_dim3A_328 = vector.broadcast %add3A_327 : f32 to vector<16xf32>
    %abs3A_329 = math.absf %broadcast_in_dim3A_328 : vector<16xf32>
    %neg3A_330 = arith.constant 0.000000e+00 : f32
    %neg3A_331 = vector.broadcast %neg3A_330 : f32 to vector<16xf32>
    %neg3A_332 = arith.subf %neg3A_331, %abs3A_329 : vector<16xf32>
    %exp3A_333 = math.exp %neg3A_332 : vector<16xf32>
    %add3A_334 = arith.constant 1.000000e+00 : f32
    %add3A_335 = vector.broadcast %add3A_334 : f32 to vector<16xf32>
    %add3A_336 = arith.addf %add3A_335, %exp3A_333 : vector<16xf32>
    %div3A_337 = arith.constant 1.000000e+00 : f32
    %div3A_338 = vector.broadcast %div3A_337 : f32 to vector<16xf32>
    %div3A_339 = arith.divf %div3A_338, %add3A_336 : vector<16xf32>
    %slice3A_340 = vector.extract_strided_slice %parallel_loop3A_50#5 {offsets = [0], sizes = [1], strides = [1]} : vector<16xf32> to vector<1xf32>
    %squeeze3A_341 = vector.extract %slice3A_340[0] : f32 from vector<1xf32>
    %slice3A_342 = vector.extract_strided_slice %parallel_loop3A_50#5 {offsets = [1], sizes = [1], strides = [1]} : vector<16xf32> to vector<1xf32>
    %squeeze3A_343 = vector.extract %slice3A_342[0] : f32 from vector<1xf32>
    %slice3A_344 = vector.extract_strided_slice %parallel_loop3A_50#5 {offsets = [2], sizes = [1], strides = [1]} : vector<16xf32> to vector<1xf32>
    %squeeze3A_345 = vector.extract %slice3A_344[0] : f32 from vector<1xf32>
    %slice3A_346 = vector.extract_strided_slice %parallel_loop3A_50#5 {offsets = [3], sizes = [1], strides = [1]} : vector<16xf32> to vector<1xf32>
    %squeeze3A_347 = vector.extract %slice3A_346[0] : f32 from vector<1xf32>
    %slice3A_348 = vector.extract_strided_slice %parallel_loop3A_50#5 {offsets = [4], sizes = [1], strides = [1]} : vector<16xf32> to vector<1xf32>
    %squeeze3A_349 = vector.extract %slice3A_348[0] : f32 from vector<1xf32>
    %slice3A_350 = vector.extract_strided_slice %parallel_loop3A_50#5 {offsets = [5], sizes = [1], strides = [1]} : vector<16xf32> to vector<1xf32>
    %squeeze3A_351 = vector.extract %slice3A_350[0] : f32 from vector<1xf32>
    %slice3A_352 = vector.extract_strided_slice %parallel_loop3A_50#5 {offsets = [6], sizes = [1], strides = [1]} : vector<16xf32> to vector<1xf32>
    %squeeze3A_353 = vector.extract %slice3A_352[0] : f32 from vector<1xf32>
    %slice3A_354 = vector.extract_strided_slice %parallel_loop3A_50#5 {offsets = [7], sizes = [1], strides = [1]} : vector<16xf32> to vector<1xf32>
    %squeeze3A_355 = vector.extract %slice3A_354[0] : f32 from vector<1xf32>
    %slice3A_356 = vector.extract_strided_slice %parallel_loop3A_50#5 {offsets = [8], sizes = [1], strides = [1]} : vector<16xf32> to vector<1xf32>
    %squeeze3A_357 = vector.extract %slice3A_356[0] : f32 from vector<1xf32>
    %slice3A_358 = vector.extract_strided_slice %parallel_loop3A_50#5 {offsets = [9], sizes = [1], strides = [1]} : vector<16xf32> to vector<1xf32>
    %squeeze3A_359 = vector.extract %slice3A_358[0] : f32 from vector<1xf32>
    %slice3A_360 = vector.extract_strided_slice %parallel_loop3A_50#5 {offsets = [10], sizes = [1], strides = [1]} : vector<16xf32> to vector<1xf32>
    %squeeze3A_361 = vector.extract %slice3A_360[0] : f32 from vector<1xf32>
    %slice3A_362 = vector.extract_strided_slice %parallel_loop3A_50#5 {offsets = [11], sizes = [1], strides = [1]} : vector<16xf32> to vector<1xf32>
    %squeeze3A_363 = vector.extract %slice3A_362[0] : f32 from vector<1xf32>
    %slice3A_364 = vector.extract_strided_slice %parallel_loop3A_50#5 {offsets = [12], sizes = [1], strides = [1]} : vector<16xf32> to vector<1xf32>
    %squeeze3A_365 = vector.extract %slice3A_364[0] : f32 from vector<1xf32>
    %slice3A_366 = vector.extract_strided_slice %parallel_loop3A_50#5 {offsets = [13], sizes = [1], strides = [1]} : vector<16xf32> to vector<1xf32>
    %squeeze3A_367 = vector.extract %slice3A_366[0] : f32 from vector<1xf32>
    %slice3A_368 = vector.extract_strided_slice %parallel_loop3A_50#5 {offsets = [14], sizes = [1], strides = [1]} : vector<16xf32> to vector<1xf32>
    %squeeze3A_369 = vector.extract %slice3A_368[0] : f32 from vector<1xf32>
    %slice3A_370 = vector.extract_strided_slice %parallel_loop3A_50#5 {offsets = [15], sizes = [1], strides = [1]} : vector<16xf32> to vector<1xf32>
    %squeeze3A_371 = vector.extract %slice3A_370[0] : f32 from vector<1xf32>
    %add3A_372 = arith.addf %squeeze3A_341, %squeeze3A_343 : f32
    %add3A_373 = arith.addf %squeeze3A_345, %squeeze3A_347 : f32
    %add3A_374 = arith.addf %squeeze3A_349, %squeeze3A_351 : f32
    %add3A_375 = arith.addf %squeeze3A_353, %squeeze3A_355 : f32
    %add3A_376 = arith.addf %squeeze3A_357, %squeeze3A_359 : f32
    %add3A_377 = arith.addf %squeeze3A_361, %squeeze3A_363 : f32
    %add3A_378 = arith.addf %squeeze3A_365, %squeeze3A_367 : f32
    %add3A_379 = arith.addf %squeeze3A_369, %squeeze3A_371 : f32
    %add3A_380 = arith.addf %add3A_372, %add3A_373 : f32
    %add3A_381 = arith.addf %add3A_374, %add3A_375 : f32
    %add3A_382 = arith.addf %add3A_376, %add3A_377 : f32
    %add3A_383 = arith.addf %add3A_378, %add3A_379 : f32
    %add3A_384 = arith.addf %add3A_380, %add3A_381 : f32
    %add3A_385 = arith.addf %add3A_382, %add3A_383 : f32
    %add3A_386 = arith.addf %add3A_384, %add3A_385 : f32
    %broadcast_in_dim3A_387 = vector.broadcast %add3A_386 : f32 to vector<16xf32>
    %abs3A_388 = math.absf %broadcast_in_dim3A_387 : vector<16xf32>
    %neg3A_389 = arith.constant 0.000000e+00 : f32
    %neg3A_390 = vector.broadcast %neg3A_389 : f32 to vector<16xf32>
    %neg3A_391 = arith.subf %neg3A_390, %abs3A_388 : vector<16xf32>
    %exp3A_392 = math.exp %neg3A_391 : vector<16xf32>
    %add3A_393 = arith.constant 1.000000e+00 : f32
    %add3A_394 = vector.broadcast %add3A_393 : f32 to vector<16xf32>
    %add3A_395 = arith.addf %add3A_394, %exp3A_392 : vector<16xf32>
    %div3A_396 = arith.constant 1.000000e+00 : f32
    %div3A_397 = vector.broadcast %div3A_396 : f32 to vector<16xf32>
    %div3A_398 = arith.divf %div3A_397, %add3A_395 : vector<16xf32>
    %slice3A_399 = vector.extract_strided_slice %parallel_loop3A_50#6 {offsets = [0], sizes = [1], strides = [1]} : vector<16xf32> to vector<1xf32>
    %squeeze3A_400 = vector.extract %slice3A_399[0] : f32 from vector<1xf32>
    %slice3A_401 = vector.extract_strided_slice %parallel_loop3A_50#6 {offsets = [1], sizes = [1], strides = [1]} : vector<16xf32> to vector<1xf32>
    %squeeze3A_402 = vector.extract %slice3A_401[0] : f32 from vector<1xf32>
    %slice3A_403 = vector.extract_strided_slice %parallel_loop3A_50#6 {offsets = [2], sizes = [1], strides = [1]} : vector<16xf32> to vector<1xf32>
    %squeeze3A_404 = vector.extract %slice3A_403[0] : f32 from vector<1xf32>
    %slice3A_405 = vector.extract_strided_slice %parallel_loop3A_50#6 {offsets = [3], sizes = [1], strides = [1]} : vector<16xf32> to vector<1xf32>
    %squeeze3A_406 = vector.extract %slice3A_405[0] : f32 from vector<1xf32>
    %slice3A_407 = vector.extract_strided_slice %parallel_loop3A_50#6 {offsets = [4], sizes = [1], strides = [1]} : vector<16xf32> to vector<1xf32>
    %squeeze3A_408 = vector.extract %slice3A_407[0] : f32 from vector<1xf32>
    %slice3A_409 = vector.extract_strided_slice %parallel_loop3A_50#6 {offsets = [5], sizes = [1], strides = [1]} : vector<16xf32> to vector<1xf32>
    %squeeze3A_410 = vector.extract %slice3A_409[0] : f32 from vector<1xf32>
    %slice3A_411 = vector.extract_strided_slice %parallel_loop3A_50#6 {offsets = [6], sizes = [1], strides = [1]} : vector<16xf32> to vector<1xf32>
    %squeeze3A_412 = vector.extract %slice3A_411[0] : f32 from vector<1xf32>
    %slice3A_413 = vector.extract_strided_slice %parallel_loop3A_50#6 {offsets = [7], sizes = [1], strides = [1]} : vector<16xf32> to vector<1xf32>
    %squeeze3A_414 = vector.extract %slice3A_413[0] : f32 from vector<1xf32>
    %slice3A_415 = vector.extract_strided_slice %parallel_loop3A_50#6 {offsets = [8], sizes = [1], strides = [1]} : vector<16xf32> to vector<1xf32>
    %squeeze3A_416 = vector.extract %slice3A_415[0] : f32 from vector<1xf32>
    %slice3A_417 = vector.extract_strided_slice %parallel_loop3A_50#6 {offsets = [9], sizes = [1], strides = [1]} : vector<16xf32> to vector<1xf32>
    %squeeze3A_418 = vector.extract %slice3A_417[0] : f32 from vector<1xf32>
    %slice3A_419 = vector.extract_strided_slice %parallel_loop3A_50#6 {offsets = [10], sizes = [1], strides = [1]} : vector<16xf32> to vector<1xf32>
    %squeeze3A_420 = vector.extract %slice3A_419[0] : f32 from vector<1xf32>
    %slice3A_421 = vector.extract_strided_slice %parallel_loop3A_50#6 {offsets = [11], sizes = [1], strides = [1]} : vector<16xf32> to vector<1xf32>
    %squeeze3A_422 = vector.extract %slice3A_421[0] : f32 from vector<1xf32>
    %slice3A_423 = vector.extract_strided_slice %parallel_loop3A_50#6 {offsets = [12], sizes = [1], strides = [1]} : vector<16xf32> to vector<1xf32>
    %squeeze3A_424 = vector.extract %slice3A_423[0] : f32 from vector<1xf32>
    %slice3A_425 = vector.extract_strided_slice %parallel_loop3A_50#6 {offsets = [13], sizes = [1], strides = [1]} : vector<16xf32> to vector<1xf32>
    %squeeze3A_426 = vector.extract %slice3A_425[0] : f32 from vector<1xf32>
    %slice3A_427 = vector.extract_strided_slice %parallel_loop3A_50#6 {offsets = [14], sizes = [1], strides = [1]} : vector<16xf32> to vector<1xf32>
    %squeeze3A_428 = vector.extract %slice3A_427[0] : f32 from vector<1xf32>
    %slice3A_429 = vector.extract_strided_slice %parallel_loop3A_50#6 {offsets = [15], sizes = [1], strides = [1]} : vector<16xf32> to vector<1xf32>
    %squeeze3A_430 = vector.extract %slice3A_429[0] : f32 from vector<1xf32>
    %add3A_431 = arith.addf %squeeze3A_400, %squeeze3A_402 : f32
    %add3A_432 = arith.addf %squeeze3A_404, %squeeze3A_406 : f32
    %add3A_433 = arith.addf %squeeze3A_408, %squeeze3A_410 : f32
    %add3A_434 = arith.addf %squeeze3A_412, %squeeze3A_414 : f32
    %add3A_435 = arith.addf %squeeze3A_416, %squeeze3A_418 : f32
    %add3A_436 = arith.addf %squeeze3A_420, %squeeze3A_422 : f32
    %add3A_437 = arith.addf %squeeze3A_424, %squeeze3A_426 : f32
    %add3A_438 = arith.addf %squeeze3A_428, %squeeze3A_430 : f32
    %add3A_439 = arith.addf %add3A_431, %add3A_432 : f32
    %add3A_440 = arith.addf %add3A_433, %add3A_434 : f32
    %add3A_441 = arith.addf %add3A_435, %add3A_436 : f32
    %add3A_442 = arith.addf %add3A_437, %add3A_438 : f32
    %add3A_443 = arith.addf %add3A_439, %add3A_440 : f32
    %add3A_444 = arith.addf %add3A_441, %add3A_442 : f32
    %add3A_445 = arith.addf %add3A_443, %add3A_444 : f32
    %broadcast_in_dim3A_446 = vector.broadcast %add3A_445 : f32 to vector<16xf32>
    %abs3A_447 = math.absf %broadcast_in_dim3A_446 : vector<16xf32>
    %neg3A_448 = arith.constant 0.000000e+00 : f32
    %neg3A_449 = vector.broadcast %neg3A_448 : f32 to vector<16xf32>
    %neg3A_450 = arith.subf %neg3A_449, %abs3A_447 : vector<16xf32>
    %exp3A_451 = math.exp %neg3A_450 : vector<16xf32>
    %add3A_452 = arith.constant 1.000000e+00 : f32
    %add3A_453 = vector.broadcast %add3A_452 : f32 to vector<16xf32>
    %add3A_454 = arith.addf %add3A_453, %exp3A_451 : vector<16xf32>
    %div3A_455 = arith.constant 1.000000e+00 : f32
    %div3A_456 = vector.broadcast %div3A_455 : f32 to vector<16xf32>
    %div3A_457 = arith.divf %div3A_456, %add3A_454 : vector<16xf32>
    %slice3A_458 = vector.extract_strided_slice %parallel_loop3A_50#7 {offsets = [0], sizes = [1], strides = [1]} : vector<16xf32> to vector<1xf32>
    %squeeze3A_459 = vector.extract %slice3A_458[0] : f32 from vector<1xf32>
    %slice3A_460 = vector.extract_strided_slice %parallel_loop3A_50#7 {offsets = [1], sizes = [1], strides = [1]} : vector<16xf32> to vector<1xf32>
    %squeeze3A_461 = vector.extract %slice3A_460[0] : f32 from vector<1xf32>
    %slice3A_462 = vector.extract_strided_slice %parallel_loop3A_50#7 {offsets = [2], sizes = [1], strides = [1]} : vector<16xf32> to vector<1xf32>
    %squeeze3A_463 = vector.extract %slice3A_462[0] : f32 from vector<1xf32>
    %slice3A_464 = vector.extract_strided_slice %parallel_loop3A_50#7 {offsets = [3], sizes = [1], strides = [1]} : vector<16xf32> to vector<1xf32>
    %squeeze3A_465 = vector.extract %slice3A_464[0] : f32 from vector<1xf32>
    %slice3A_466 = vector.extract_strided_slice %parallel_loop3A_50#7 {offsets = [4], sizes = [1], strides = [1]} : vector<16xf32> to vector<1xf32>
    %squeeze3A_467 = vector.extract %slice3A_466[0] : f32 from vector<1xf32>
    %slice3A_468 = vector.extract_strided_slice %parallel_loop3A_50#7 {offsets = [5], sizes = [1], strides = [1]} : vector<16xf32> to vector<1xf32>
    %squeeze3A_469 = vector.extract %slice3A_468[0] : f32 from vector<1xf32>
    %slice3A_470 = vector.extract_strided_slice %parallel_loop3A_50#7 {offsets = [6], sizes = [1], strides = [1]} : vector<16xf32> to vector<1xf32>
    %squeeze3A_471 = vector.extract %slice3A_470[0] : f32 from vector<1xf32>
    %slice3A_472 = vector.extract_strided_slice %parallel_loop3A_50#7 {offsets = [7], sizes = [1], strides = [1]} : vector<16xf32> to vector<1xf32>
    %squeeze3A_473 = vector.extract %slice3A_472[0] : f32 from vector<1xf32>
    %slice3A_474 = vector.extract_strided_slice %parallel_loop3A_50#7 {offsets = [8], sizes = [1], strides = [1]} : vector<16xf32> to vector<1xf32>
    %squeeze3A_475 = vector.extract %slice3A_474[0] : f32 from vector<1xf32>
    %slice3A_476 = vector.extract_strided_slice %parallel_loop3A_50#7 {offsets = [9], sizes = [1], strides = [1]} : vector<16xf32> to vector<1xf32>
    %squeeze3A_477 = vector.extract %slice3A_476[0] : f32 from vector<1xf32>
    %slice3A_478 = vector.extract_strided_slice %parallel_loop3A_50#7 {offsets = [10], sizes = [1], strides = [1]} : vector<16xf32> to vector<1xf32>
    %squeeze3A_479 = vector.extract %slice3A_478[0] : f32 from vector<1xf32>
    %slice3A_480 = vector.extract_strided_slice %parallel_loop3A_50#7 {offsets = [11], sizes = [1], strides = [1]} : vector<16xf32> to vector<1xf32>
    %squeeze3A_481 = vector.extract %slice3A_480[0] : f32 from vector<1xf32>
    %slice3A_482 = vector.extract_strided_slice %parallel_loop3A_50#7 {offsets = [12], sizes = [1], strides = [1]} : vector<16xf32> to vector<1xf32>
    %squeeze3A_483 = vector.extract %slice3A_482[0] : f32 from vector<1xf32>
    %slice3A_484 = vector.extract_strided_slice %parallel_loop3A_50#7 {offsets = [13], sizes = [1], strides = [1]} : vector<16xf32> to vector<1xf32>
    %squeeze3A_485 = vector.extract %slice3A_484[0] : f32 from vector<1xf32>
    %slice3A_486 = vector.extract_strided_slice %parallel_loop3A_50#7 {offsets = [14], sizes = [1], strides = [1]} : vector<16xf32> to vector<1xf32>
    %squeeze3A_487 = vector.extract %slice3A_486[0] : f32 from vector<1xf32>
    %slice3A_488 = vector.extract_strided_slice %parallel_loop3A_50#7 {offsets = [15], sizes = [1], strides = [1]} : vector<16xf32> to vector<1xf32>
    %squeeze3A_489 = vector.extract %slice3A_488[0] : f32 from vector<1xf32>
    %add3A_490 = arith.addf %squeeze3A_459, %squeeze3A_461 : f32
    %add3A_491 = arith.addf %squeeze3A_463, %squeeze3A_465 : f32
    %add3A_492 = arith.addf %squeeze3A_467, %squeeze3A_469 : f32
    %add3A_493 = arith.addf %squeeze3A_471, %squeeze3A_473 : f32
    %add3A_494 = arith.addf %squeeze3A_475, %squeeze3A_477 : f32
    %add3A_495 = arith.addf %squeeze3A_479, %squeeze3A_481 : f32
    %add3A_496 = arith.addf %squeeze3A_483, %squeeze3A_485 : f32
    %add3A_497 = arith.addf %squeeze3A_487, %squeeze3A_489 : f32
    %add3A_498 = arith.addf %add3A_490, %add3A_491 : f32
    %add3A_499 = arith.addf %add3A_492, %add3A_493 : f32
    %add3A_500 = arith.addf %add3A_494, %add3A_495 : f32
    %add3A_501 = arith.addf %add3A_496, %add3A_497 : f32
    %add3A_502 = arith.addf %add3A_498, %add3A_499 : f32
    %add3A_503 = arith.addf %add3A_500, %add3A_501 : f32
    %add3A_504 = arith.addf %add3A_502, %add3A_503 : f32
    %broadcast_in_dim3A_505 = vector.broadcast %add3A_504 : f32 to vector<16xf32>
    %abs3A_506 = math.absf %broadcast_in_dim3A_505 : vector<16xf32>
    %neg3A_507 = arith.constant 0.000000e+00 : f32
    %neg3A_508 = vector.broadcast %neg3A_507 : f32 to vector<16xf32>
    %neg3A_509 = arith.subf %neg3A_508, %abs3A_506 : vector<16xf32>
    %exp3A_510 = math.exp %neg3A_509 : vector<16xf32>
    %add3A_511 = arith.constant 1.000000e+00 : f32
    %add3A_512 = vector.broadcast %add3A_511 : f32 to vector<16xf32>
    %add3A_513 = arith.addf %add3A_512, %exp3A_510 : vector<16xf32>
    %div3A_514 = arith.constant 1.000000e+00 : f32
    %div3A_515 = vector.broadcast %div3A_514 : f32 to vector<16xf32>
    %div3A_516 = arith.divf %div3A_515, %add3A_513 : vector<16xf32>
    %parallel_loop3A_517 = arith.constant 0 : i32
    %parallel_loop3A_518 = arith.constant 256 : i32
    %parallel_loop3A_519 = arith.constant 1 : i32
    %parallel_loop3A_520 = arith.constant 0 : i32
    %parallel_loop3A_521 = scf.for %parallel_loop3A_540 = %parallel_loop3A_517 to %parallel_loop3A_518 step %parallel_loop3A_519 iter_args(%parallel_loop3A_541 = %parallel_loop3A_520) -> (i32)  : i32 {
      %parallel_loop3A_542 = arith.constant 16 : i32
      %parallel_loop3A_543 = arith.muli %parallel_loop3A_540, %parallel_loop3A_542 : i32
      %parallel_loop3A_544 = arith.constant 0 : i32
      %parallel_loop3A_545 = arith.index_cast %parallel_loop3A_544 : i32 to index
      %parallel_loop3A_546 = arith.index_cast %parallel_loop3A_543 : i32 to index
      %parallel_loop3A_547 = tpu.vector_load %arg7[%parallel_loop3A_545, %parallel_loop3A_546] {strides = array<i32>} : memref<8x4096xf32, #tpu.memory_space<vmem>>, vector<1x16xf32>,
      %parallel_loop3A_548 = vector.shape_cast %parallel_loop3A_547 : vector<1x16xf32> to vector<16xf32>
      %parallel_loop3A_549 = arith.mulf %parallel_loop3A_548, %div3A_103 : vector<16xf32>
      %parallel_loop3A_550 = arith.constant 0 : i32
      %parallel_loop3A_551 = arith.index_cast %parallel_loop3A_550 : i32 to index
      %parallel_loop3A_552 = arith.index_cast %parallel_loop3A_543 : i32 to index
      %parallel_loop3A_553 = tpu.vector_load %arg7[%parallel_loop3A_551, %parallel_loop3A_552] {strides = array<i32>} : memref<8x4096xf32, #tpu.memory_space<vmem>>, vector<1x16xf32>,
      %parallel_loop3A_554 = vector.shape_cast %parallel_loop3A_553 : vector<1x16xf32> to vector<16xf32>
      %parallel_loop3A_555 = vector.shape_cast %parallel_loop3A_549 : vector<16xf32> to vector<1x16xf32>
      tpu.vector_store %arg7[%parallel_loop3A_551, %parallel_loop3A_552], %parallel_loop3A_555 {strides = array<i32>} : memref<8x4096xf32, #tpu.memory_space<vmem>>, vector<1x16xf32>,
      %parallel_loop3A_556 = arith.constant 1 : i32
      %parallel_loop3A_557 = arith.index_cast %parallel_loop3A_556 : i32 to index
      %parallel_loop3A_558 = arith.index_cast %parallel_loop3A_543 : i32 to index
      %parallel_loop3A_559 = tpu.vector_load %arg7[%parallel_loop3A_557, %parallel_loop3A_558] {strides = array<i32>} : memref<8x4096xf32, #tpu.memory_space<vmem>>, vector<1x16xf32>,
      %parallel_loop3A_560 = vector.shape_cast %parallel_loop3A_559 : vector<1x16xf32> to vector<16xf32>
      %parallel_loop3A_561 = arith.mulf %parallel_loop3A_560, %div3A_162 : vector<16xf32>
      %parallel_loop3A_562 = arith.constant 1 : i32
      %parallel_loop3A_563 = arith.index_cast %parallel_loop3A_562 : i32 to index
      %parallel_loop3A_564 = arith.index_cast %parallel_loop3A_543 : i32 to index
      %parallel_loop3A_565 = tpu.vector_load %arg7[%parallel_loop3A_563, %parallel_loop3A_564] {strides = array<i32>} : memref<8x4096xf32, #tpu.memory_space<vmem>>, vector<1x16xf32>,
      %parallel_loop3A_566 = vector.shape_cast %parallel_loop3A_565 : vector<1x16xf32> to vector<16xf32>
      %parallel_loop3A_567 = vector.shape_cast %parallel_loop3A_561 : vector<16xf32> to vector<1x16xf32>
      tpu.vector_store %arg7[%parallel_loop3A_563, %parallel_loop3A_564], %parallel_loop3A_567 {strides = array<i32>} : memref<8x4096xf32, #tpu.memory_space<vmem>>, vector<1x16xf32>,
      %parallel_loop3A_568 = arith.constant 2 : i32
      %parallel_loop3A_569 = arith.index_cast %parallel_loop3A_568 : i32 to index
      %parallel_loop3A_570 = arith.index_cast %parallel_loop3A_543 : i32 to index
      %parallel_loop3A_571 = tpu.vector_load %arg7[%parallel_loop3A_569, %parallel_loop3A_570] {strides = array<i32>} : memref<8x4096xf32, #tpu.memory_space<vmem>>, vector<1x16xf32>,
      %parallel_loop3A_572 = vector.shape_cast %parallel_loop3A_571 : vector<1x16xf32> to vector<16xf32>
      %parallel_loop3A_573 = arith.mulf %parallel_loop3A_572, %div3A_221 : vector<16xf32>
      %parallel_loop3A_574 = arith.constant 2 : i32
      %parallel_loop3A_575 = arith.index_cast %parallel_loop3A_574 : i32 to index
      %parallel_loop3A_576 = arith.index_cast %parallel_loop3A_543 : i32 to index
      %parallel_loop3A_577 = tpu.vector_load %arg7[%parallel_loop3A_575, %parallel_loop3A_576] {strides = array<i32>} : memref<8x4096xf32, #tpu.memory_space<vmem>>, vector<1x16xf32>,
      %parallel_loop3A_578 = vector.shape_cast %parallel_loop3A_577 : vector<1x16xf32> to vector<16xf32>
      %parallel_loop3A_579 = vector.shape_cast %parallel_loop3A_573 : vector<16xf32> to vector<1x16xf32>
      tpu.vector_store %arg7[%parallel_loop3A_575, %parallel_loop3A_576], %parallel_loop3A_579 {strides = array<i32>} : memref<8x4096xf32, #tpu.memory_space<vmem>>, vector<1x16xf32>,
      %parallel_loop3A_580 = arith.constant 3 : i32
      %parallel_loop3A_581 = arith.index_cast %parallel_loop3A_580 : i32 to index
      %parallel_loop3A_582 = arith.index_cast %parallel_loop3A_543 : i32 to index
      %parallel_loop3A_583 = tpu.vector_load %arg7[%parallel_loop3A_581, %parallel_loop3A_582] {strides = array<i32>} : memref<8x4096xf32, #tpu.memory_space<vmem>>, vector<1x16xf32>,
      %parallel_loop3A_584 = vector.shape_cast %parallel_loop3A_583 : vector<1x16xf32> to vector<16xf32>
      %parallel_loop3A_585 = arith.mulf %parallel_loop3A_584, %div3A_280 : vector<16xf32>
      %parallel_loop3A_586 = arith.constant 3 : i32
      %parallel_loop3A_587 = arith.index_cast %parallel_loop3A_586 : i32 to index
      %parallel_loop3A_588 = arith.index_cast %parallel_loop3A_543 : i32 to index
      %parallel_loop3A_589 = tpu.vector_load %arg7[%parallel_loop3A_587, %parallel_loop3A_588] {strides = array<i32>} : memref<8x4096xf32, #tpu.memory_space<vmem>>, vector<1x16xf32>,
      %parallel_loop3A_590 = vector.shape_cast %parallel_loop3A_589 : vector<1x16xf32> to vector<16xf32>
      %parallel_loop3A_591 = vector.shape_cast %parallel_loop3A_585 : vector<16xf32> to vector<1x16xf32>
      tpu.vector_store %arg7[%parallel_loop3A_587, %parallel_loop3A_588], %parallel_loop3A_591 {strides = array<i32>} : memref<8x4096xf32, #tpu.memory_space<vmem>>, vector<1x16xf32>,
      %parallel_loop3A_592 = arith.constant 4 : i32
      %parallel_loop3A_593 = arith.index_cast %parallel_loop3A_592 : i32 to index
      %parallel_loop3A_594 = arith.index_cast %parallel_loop3A_543 : i32 to index
      %parallel_loop3A_595 = tpu.vector_load %arg7[%parallel_loop3A_593, %parallel_loop3A_594] {strides = array<i32>} : memref<8x4096xf32, #tpu.memory_space<vmem>>, vector<1x16xf32>,
      %parallel_loop3A_596 = vector.shape_cast %parallel_loop3A_595 : vector<1x16xf32> to vector<16xf32>
      %parallel_loop3A_597 = arith.mulf %parallel_loop3A_596, %div3A_339 : vector<16xf32>
      %parallel_loop3A_598 = arith.constant 4 : i32
      %parallel_loop3A_599 = arith.index_cast %parallel_loop3A_598 : i32 to index
      %parallel_loop3A_600 = arith.index_cast %parallel_loop3A_543 : i32 to index
      %parallel_loop3A_601 = tpu.vector_load %arg7[%parallel_loop3A_599, %parallel_loop3A_600] {strides = array<i32>} : memref<8x4096xf32, #tpu.memory_space<vmem>>, vector<1x16xf32>,
      %parallel_loop3A_602 = vector.shape_cast %parallel_loop3A_601 : vector<1x16xf32> to vector<16xf32>
      %parallel_loop3A_603 = vector.shape_cast %parallel_loop3A_597 : vector<16xf32> to vector<1x16xf32>
      tpu.vector_store %arg7[%parallel_loop3A_599, %parallel_loop3A_600], %parallel_loop3A_603 {strides = array<i32>} : memref<8x4096xf32, #tpu.memory_space<vmem>>, vector<1x16xf32>,
      %parallel_loop3A_604 = arith.constant 5 : i32
      %parallel_loop3A_605 = arith.index_cast %parallel_loop3A_604 : i32 to index
      %parallel_loop3A_606 = arith.index_cast %parallel_loop3A_543 : i32 to index
      %parallel_loop3A_607 = tpu.vector_load %arg7[%parallel_loop3A_605, %parallel_loop3A_606] {strides = array<i32>} : memref<8x4096xf32, #tpu.memory_space<vmem>>, vector<1x16xf32>,
      %parallel_loop3A_608 = vector.shape_cast %parallel_loop3A_607 : vector<1x16xf32> to vector<16xf32>
      %parallel_loop3A_609 = arith.mulf %parallel_loop3A_608, %div3A_398 : vector<16xf32>
      %parallel_loop3A_610 = arith.constant 5 : i32
      %parallel_loop3A_611 = arith.index_cast %parallel_loop3A_610 : i32 to index
      %parallel_loop3A_612 = arith.index_cast %parallel_loop3A_543 : i32 to index
      %parallel_loop3A_613 = tpu.vector_load %arg7[%parallel_loop3A_611, %parallel_loop3A_612] {strides = array<i32>} : memref<8x4096xf32, #tpu.memory_space<vmem>>, vector<1x16xf32>,
      %parallel_loop3A_614 = vector.shape_cast %parallel_loop3A_613 : vector<1x16xf32> to vector<16xf32>
      %parallel_loop3A_615 = vector.shape_cast %parallel_loop3A_609 : vector<16xf32> to vector<1x16xf32>
      tpu.vector_store %arg7[%parallel_loop3A_611, %parallel_loop3A_612], %parallel_loop3A_615 {strides = array<i32>} : memref<8x4096xf32, #tpu.memory_space<vmem>>, vector<1x16xf32>,
      %parallel_loop3A_616 = arith.constant 6 : i32
      %parallel_loop3A_617 = arith.index_cast %parallel_loop3A_616 : i32 to index
      %parallel_loop3A_618 = arith.index_cast %parallel_loop3A_543 : i32 to index
      %parallel_loop3A_619 = tpu.vector_load %arg7[%parallel_loop3A_617, %parallel_loop3A_618] {strides = array<i32>} : memref<8x4096xf32, #tpu.memory_space<vmem>>, vector<1x16xf32>,
      %parallel_loop3A_620 = vector.shape_cast %parallel_loop3A_619 : vector<1x16xf32> to vector<16xf32>
      %parallel_loop3A_621 = arith.mulf %parallel_loop3A_620, %div3A_457 : vector<16xf32>
      %parallel_loop3A_622 = arith.constant 6 : i32
      %parallel_loop3A_623 = arith.index_cast %parallel_loop3A_622 : i32 to index
      %parallel_loop3A_624 = arith.index_cast %parallel_loop3A_543 : i32 to index
      %parallel_loop3A_625 = tpu.vector_load %arg7[%parallel_loop3A_623, %parallel_loop3A_624] {strides = array<i32>} : memref<8x4096xf32, #tpu.memory_space<vmem>>, vector<1x16xf32>,
      %parallel_loop3A_626 = vector.shape_cast %parallel_loop3A_625 : vector<1x16xf32> to vector<16xf32>
      %parallel_loop3A_627 = vector.shape_cast %parallel_loop3A_621 : vector<16xf32> to vector<1x16xf32>
      tpu.vector_store %arg7[%parallel_loop3A_623, %parallel_loop3A_624], %parallel_loop3A_627 {strides = array<i32>} : memref<8x4096xf32, #tpu.memory_space<vmem>>, vector<1x16xf32>,
      %parallel_loop3A_628 = arith.constant 7 : i32
      %parallel_loop3A_629 = arith.index_cast %parallel_loop3A_628 : i32 to index
      %parallel_loop3A_630 = arith.index_cast %parallel_loop3A_543 : i32 to index
      %parallel_loop3A_631 = tpu.vector_load %arg7[%parallel_loop3A_629, %parallel_loop3A_630] {strides = array<i32>} : memref<8x4096xf32, #tpu.memory_space<vmem>>, vector<1x16xf32>,
      %parallel_loop3A_632 = vector.shape_cast %parallel_loop3A_631 : vector<1x16xf32> to vector<16xf32>
      %parallel_loop3A_633 = arith.mulf %parallel_loop3A_632, %div3A_516 : vector<16xf32>
      %parallel_loop3A_634 = arith.constant 7 : i32
      %parallel_loop3A_635 = arith.index_cast %parallel_loop3A_634 : i32 to index
      %parallel_loop3A_636 = arith.index_cast %parallel_loop3A_543 : i32 to index
      %parallel_loop3A_637 = tpu.vector_load %arg7[%parallel_loop3A_635, %parallel_loop3A_636] {strides = array<i32>} : memref<8x4096xf32, #tpu.memory_space<vmem>>, vector<1x16xf32>,
      %parallel_loop3A_638 = vector.shape_cast %parallel_loop3A_637 : vector<1x16xf32> to vector<16xf32>
      %parallel_loop3A_639 = vector.shape_cast %parallel_loop3A_633 : vector<16xf32> to vector<1x16xf32>
      tpu.vector_store %arg7[%parallel_loop3A_635, %parallel_loop3A_636], %parallel_loop3A_639 {strides = array<i32>} : memref<8x4096xf32, #tpu.memory_space<vmem>>, vector<1x16xf32>,
      scf.yield %parallel_loop3A_541 : i32
    } {sc.loop_unroll_factor = 4 : i64, sc.parallel_access}
    %add3A_522 = arith.constant 504 : i32
    %add3A_523 = arith.addi %mul3A_2, %add3A_522 : i32
    %dma_start3A_524 = arith.constant 0 : i32
    %dma_start3A_525 = tpu.memref_slice %arg4[%add3A_523, %dma_start3A_524] : memref<16384x4096xf32, #tpu.memory_space<hbm>> -> memref<8x4096xf32, #tpu.memory_space<hbm>>
    %dma_start3A_526 = arith.constant 0 : i32
    %dma_start3A_527 = tpu.memref_slice %arg4[%add3A_523, %dma_start3A_526] : memref<16384x4096xf32, #tpu.memory_space<hbm>> -> memref<8x4096xf32, #tpu.memory_space<hbm>>
    tpu.enqueue_dma source(%arg7 : memref<8x4096xf32, #tpu.memory_space<vmem>>) target(%dma_start3A_527 : memref<8x4096xf32, #tpu.memory_space<hbm>>) target_semaphore(%arg13 : memref<!tpu.dma_semaphore, #tpu.memory_space<semaphore_mem>>)
    %dma_wait3A_528 = arith.constant 0 : i32
    %dma_wait3A_529 = tpu.memref_slice %arg4[%mul3A_2, %dma_wait3A_528] : memref<16384x4096xf32, #tpu.memory_space<hbm>> -> memref<8x4096xf32, #tpu.memory_space<hbm>>
    %dma_wait3A_530 = arith.constant 0 : i32
    %dma_wait3A_531 = tpu.memref_slice %arg4[%mul3A_2, %dma_wait3A_530] : memref<16384x4096xf32, #tpu.memory_space<hbm>> -> memref<8x4096xf32, #tpu.memory_space<hbm>>
    tpu.wait_dma2 semaphore(%arg13 : memref<!tpu.dma_semaphore, #tpu.memory_space<semaphore_mem>>) src(%arg7 : memref<8x4096xf32, #tpu.memory_space<vmem>>) dst(%dma_wait3A_531 : memref<8x4096xf32, #tpu.memory_space<hbm>>)
    %dma_wait3A_532 = arith.constant 0 : i32
    %dma_wait3A_533 = tpu.memref_slice %arg4[%mul3A_2, %dma_wait3A_532] : memref<16384x4096xf32, #tpu.memory_space<hbm>> -> memref<8x4096xf32, #tpu.memory_space<hbm>>
    %dma_wait3A_534 = arith.constant 0 : i32
    %dma_wait3A_535 = tpu.memref_slice %arg4[%mul3A_2, %dma_wait3A_534] : memref<16384x4096xf32, #tpu.memory_space<hbm>> -> memref<8x4096xf32, #tpu.memory_space<hbm>>
    tpu.wait_dma2 semaphore(%arg14 : memref<!tpu.dma_semaphore, #tpu.memory_space<semaphore_mem>>) src(%arg8 : memref<8x4096xf32, #tpu.memory_space<vmem>>) dst(%dma_wait3A_535 : memref<8x4096xf32, #tpu.memory_space<hbm>>)
    %dma_wait3A_536 = arith.constant 0 : i32
    %dma_wait3A_537 = tpu.memref_slice %arg4[%mul3A_2, %dma_wait3A_536] : memref<16384x4096xf32, #tpu.memory_space<hbm>> -> memref<8x4096xf32, #tpu.memory_space<hbm>>
    %dma_wait3A_538 = arith.constant 0 : i32
    %dma_wait3A_539 = tpu.memref_slice %arg4[%mul3A_2, %dma_wait3A_538] : memref<16384x4096xf32, #tpu.memory_space<hbm>> -> memref<8x4096xf32, #tpu.memory_space<hbm>>
    tpu.wait_dma2 semaphore(%arg15 : memref<!tpu.dma_semaphore, #tpu.memory_space<semaphore_mem>>) src(%arg9 : memref<8x4096xf32, #tpu.memory_space<vmem>>) dst(%dma_wait3A_539 : memref<8x4096xf32, #tpu.memory_space<hbm>>)
    return
  }
}

module attributes {stable_mosaic.version = 14 : i64} {
  func.func @_tc_body(%arg0: i32, %arg1: memref<256x4096xf32, #tpu.memory_space<vmem>>, %arg2: memref<4096x2xf32, #tpu.memory_space<vmem>>, %arg3: memref<256x4096xf32, #tpu.memory_space<vmem>>, %arg4: memref<256x4096xf32, #tpu.memory_space<vmem>>) attributes {dimension_semantics = [#tpu.dimension_semantics<arbitrary>], iteration_bounds = array<i64: 64>, scalar_prefetch = 0 : i64, scratch_operands = 0 : i64, tpu.core_type = #tpu.core_type<tc>, window_params = [{transform_indices = @transform_0, window_bounds = array<i64: 256, 4096>}, {pipeline_mode = #tpu.pipeline_mode<synchronous>, transform_indices = @transform_1, window_bounds = array<i64: 4096, 2>}, {transform_indices = @transform_2, window_bounds = array<i64: 256, 4096>}, {transform_indices = @transform_3, window_bounds = array<i64: 256, 4096>}]} {
    %get3A = arith.constant 0 : index
    %get3A_0 = arith.constant 0 : index
    %get3A_1 = vector.load %arg1[%get3A, %get3A_0] : memref<256x4096xf32, #tpu.memory_space<vmem>>, vector<256x4096xf32>
    %get3A_2 = arith.constant 0 : index
    %get3A_3 = arith.constant 0 : index
    %get3A_4 = vector.load %arg2[%get3A_2, %get3A_3] : memref<4096x2xf32, #tpu.memory_space<vmem>>, vector<4096x2xf32>
    %dot_general3A = arith.constant dense<0.000000e+00> : vector<256x2xf32>
    %dot_general3A_5 = tpu.matmul %get3A_1, %get3A_4, %dot_general3A {dimension_numbers = #tpu.dot_dimension_numbers<[1], [0], [0], [1], [0, 0, 1, 1], [], []>, transpose_lhs_hint = false} : vector<256x4096xf32>, vector<4096x2xf32>, vector<256x2xf32> -> vector<256x2xf32>
    %slice3A = vector.extract_strided_slice %dot_general3A_5 {offsets = [0, 0], sizes = [256, 1], strides = [1, 1]} : vector<256x2xf32> to vector<256x1xf32>
    %slice3A_6 = vector.extract_strided_slice %dot_general3A_5 {offsets = [0, 1], sizes = [256, 1], strides = [1, 1]} : vector<256x2xf32> to vector<256x1xf32>
    %sub3A = arith.subf %slice3A, %slice3A_6 : vector<256x1xf32>
    %abs3A = math.absf %sub3A : vector<256x1xf32>
    %neg3A = arith.constant 0.000000e+00 : f32
    %neg3A_7 = vector.broadcast %neg3A : f32 to vector<256x1xf32>
    %neg3A_8 = arith.subf %neg3A_7, %abs3A : vector<256x1xf32>
    %exp3A = math.exp %neg3A_8 : vector<256x1xf32>
    %add3A = arith.constant 1.000000e+00 : f32
    %add3A_9 = vector.broadcast %add3A : f32 to vector<256x1xf32>
    %add3A_10 = arith.addf %add3A_9, %exp3A : vector<256x1xf32>
    %div3A = arith.constant 1.000000e+00 : f32
    %div3A_11 = vector.broadcast %div3A : f32 to vector<256x1xf32>
    %div3A_12 = arith.divf %div3A_11, %add3A_10 : vector<256x1xf32>
    %mul3A = vector.broadcast %div3A_12 : vector<256x1xf32> to vector<256x4096xf32>
    %mul3A_13 = arith.mulf %get3A_1, %mul3A : vector<256x4096xf32>
    %ge3A = arith.constant 0.000000e+00 : f32
    %ge3A_14 = vector.broadcast %ge3A : f32 to vector<256x1xf32>
    %ge3A_15 = arith.cmpf oge, %sub3A, %ge3A_14 : vector<256x1xf32>
    %jit3A = arith.constant 0.000000e+00 : f32
    %broadcast_in_dim3A = vector.shape_cast %ge3A_15 : vector<256x1xi1> to vector<256x1xi1>
    %broadcast_in_dim3A_16 = vector.broadcast %broadcast_in_dim3A : vector<256x1xi1> to vector<256x4096xi1>
    %broadcast_in_dim3A_17 = vector.broadcast %jit3A : f32 to vector<256x4096xf32>
    %select_n3A = arith.select %broadcast_in_dim3A_16, %mul3A_13, %broadcast_in_dim3A_17 : vector<256x4096xi1>, vector<256x4096xf32>
    %swap3A = arith.constant 0 : index
    %swap3A_18 = arith.constant 0 : index
    %swap3A_19 = vector.load %arg3[%swap3A, %swap3A_18] : memref<256x4096xf32, #tpu.memory_space<vmem>>, vector<256x4096xf32>
    tpu.vector_store %arg3[%swap3A, %swap3A_18], %select_n3A {strides = array<i32>} : memref<256x4096xf32, #tpu.memory_space<vmem>>, vector<256x4096xf32>,
    %lt3A = arith.constant 0.000000e+00 : f32
    %lt3A_20 = vector.broadcast %lt3A : f32 to vector<256x1xf32>
    %lt3A_21 = arith.cmpf olt, %sub3A, %lt3A_20 : vector<256x1xf32>
    %jit3A_22 = arith.constant 0.000000e+00 : f32
    %broadcast_in_dim3A_23 = vector.shape_cast %lt3A_21 : vector<256x1xi1> to vector<256x1xi1>
    %broadcast_in_dim3A_24 = vector.broadcast %broadcast_in_dim3A_23 : vector<256x1xi1> to vector<256x4096xi1>
    %broadcast_in_dim3A_25 = vector.broadcast %jit3A_22 : f32 to vector<256x4096xf32>
    %select_n3A_26 = arith.select %broadcast_in_dim3A_24, %mul3A_13, %broadcast_in_dim3A_25 : vector<256x4096xi1>, vector<256x4096xf32>
    %swap3A_27 = arith.constant 0 : index
    %swap3A_28 = arith.constant 0 : index
    %swap3A_29 = vector.load %arg4[%swap3A_27, %swap3A_28] : memref<256x4096xf32, #tpu.memory_space<vmem>>, vector<256x4096xf32>
    tpu.vector_store %arg4[%swap3A_27, %swap3A_28], %select_n3A_26 {strides = array<i32>} : memref<256x4096xf32, #tpu.memory_space<vmem>>, vector<256x4096xf32>,
    return
  }
  func.func @transform_0(%arg0: i32) -> (i32, i32) {
    %c0_i32 = arith.constant 0 : i32
    %c0_i32_0 = arith.constant 0 : i32
    return %arg0, %c0_i32 : i32, i32
  }
  func.func @transform_1(%arg0: i32) -> (i32, i32) {
    %c0_i32 = arith.constant 0 : i32
    %c0_i32_0 = arith.constant 0 : i32
    %c0_i32_1 = arith.constant 0 : i32
    return %c0_i32, %c0_i32_0 : i32, i32
  }
  func.func @transform_2(%arg0: i32) -> (i32, i32) {
    %c0_i32 = arith.constant 0 : i32
    %c0_i32_0 = arith.constant 0 : i32
    return %arg0, %c0_i32 : i32, i32
  }
  func.func @transform_3(%arg0: i32) -> (i32, i32) {
    %c0_i32 = arith.constant 0 : i32
    %c0_i32_0 = arith.constant 0 : i32
    return %arg0, %c0_i32 : i32, i32
  }
}

</mosaic_0001>

<sc_bundles>
// kernel: _run.4.cloned.1.call-start
scs
__scs_entry_jumppad:
0x0: {  	(pc) =	sbr.rel $0x88, $3  }
0x1: {  	(tag) =	ssettag $0x0;
	lr =	simm.s32 $0x1  }
0x2: {  	[smem:$0x3F9E] =	sst lr;
	_ =	strace $0xD0000000  }
0x3: {  	_ = 	snop  }
0x4: {  	_ = 	snop  }
0x5: {  	_ = 	snop  }
0x6: {  	_ = 	snop  }
0x7: {  	_ = 	snop  }
__scs_overlays_trampoline_lowered:
0x8: {  	[smem:$0x3FAD] =	sst s0  }
0x9: {  	[smem:$0x3FAE] =	sst s1  }
0xa: {  	[smem:$0x3FAF] =	sst s2  }
0xb: {  	[smem:$0x3FB0] =	sst s3  }
0xc: {  	[smem:$0x3FB1] =	sst s4  }
0xd: {  	[smem:$0x3FB2] =	sst s5  }
0xe: {  	[smem:$0x3FB3] =	sst s6  }
0xf: {  	[smem:$0x3FB4] =	sst s7  }
0x10: {  	[smem:$0x3FB5] =	sst s8  }
0x11: {  	[smem:$0x3FB6] =	sst s9;
	s0 =	simm.s32 @!p0 $0x0  }
0x12: {  	s1 =	sld [smem:$0x3F9C];
	s0 =	simm.s32 @p0 $0x1  }
0x13: {  	[smem:$0x3FB7] =	sst s0;
	s0 =	simm.s32 @!p1 $0x0  }
0x14: {  	s2 =	sld [smem:$0x3F9B];
	s0 =	simm.s32 @p1 $0x1  }
0x15: {  	[smem:$0x3FB8] =	sst s0;
	s0 =	simm.s32 @!p2 $0x0  }
0x16: {  	s3 =	sld [smem:$0x3FDB];
	s0 =	simm.s32 @p2 $0x1  }
0x17: {  	s4 =	simm.s32 $0x1BF5;
	[smem:$0x3FBA] =	sst s0  }
0x18: {  	s0 =	sld [smem:$0x3F9D];
	_ =	swait.ge [sflag:s4], $0x0  }
0x19: {  	s7 =	sld [smem:$0x3F9E]  }
0x1a: {  	s8 =	sadd.s32 $0xFFFFE003, lr  }
0x1b: {  	s9 =	sadd.s32 $0xFFFFFEF7, lr;
	s5 =	simm.s32 $0xFFFFFFFF;
	p2 =	slt.u32 s8, $0xFFFFF086  }
0x1c: {  	p1 =	slt.u32 s9, $0xF7A;
	s5 =	simm.s32 @!p2 $0x0  }
0x1d: {  	s5 =	simm.s32 @p1 $0x1;
	p0 =	seq.s32 s7, s2  }
0x1e: {  	s7 =	smul.u32 @!p0 $0xF7A, s2;
	p2 =	seq.s32 @!p0 s5, $0x0  }
0x1f: {  	s9 =	smul.u32 $0xF7A, s1;
	s8 =	simm.s32 @!p0 $0x1BF5;
	p2 =	por !p2, p0  }
0x20: {  	[sflag:s8] =	ssyncset.s32 @!p0 $0xFFFFF086;
	s6 =	sadd.s32 @!p0 s3, s7;
	s7 =	simm.s32 @!p0 $0x108  }
0x21: {  	s3 =	sadd.s32 s3, s9;
	s6 =	sadd.s32 @!p0 $0x88, s6;
	s7 =	simm.s32 @p2 $0x1082  }
0x22: {  	[simem:s7], [sflag:s8] =	dma.local @!p0 [hbm:s6], $0xF7A  }
0x23: {  	s9 =	sor.u32 $0xD0000000, s2;
	s6 =	simm.s32 $0x108;
	_ =	swait.ge @!p0 [sflag:s8], $0x0  }
0x24: {  	s3 =	sadd.s32 $0x88, s3;
	s6 =	simm.s32 @!p1 $0x1082;
	[sflag:s4] =	ssyncset.s32 $0xFFFFF086  }
0x25: {  	[simem:s6], [sflag:s4] =	dma.local [hbm:s3], $0xF7A  }
0x26: {  	[smem:$0x3F9E] =	sst s1;
	(tag) =	ssettag s2;
	_ =	strace s9  }
0x27: {  	s1 =	sld [smem:$0x3FAE]  }
0x28: {  	s2 =	sld [smem:$0x3FAF]  }
0x29: {  	s4 =	sld [smem:$0x3FB1]  }
0x2a: {  	p0 =	seq.s32 s5, $0x0;
	s5 =	sld [smem:$0x3FB2]  }
0x2b: {  	s6 =	sld [smem:$0x3FB3]  }
0x2c: {  	s7 =	sld [smem:$0x3FB4]  }
0x2d: {  	s3 =	simm.s32 $0x108;
	s8 =	sld [smem:$0x3FB5]  }
0x2e: {  	s3 =	simm.s32 @!p0 $0x1082;
	s9 =	sld [smem:$0x3FB6]  }
0x2f: {  	lr =	sadd.s32 s0, s3;
	s0 =	sld [smem:$0x3FAD]  }
0x30: {  	s3 =	sld [smem:$0x3FB0]  }
0x31: {  	[smem:$0x3FB9] =	sst s10  }
0x32: {  	s10 =	sld [smem:$0x3FB7];
	_ =	sdelay $0x3  }
0x33: {  	p0 =	seq.s32 s10, $0x1;
	s10 =	sld [smem:$0x3FB9];
	_ =	sdelay $0x3  }
0x34: {  	[smem:$0x3FB9] =	sst s10  }
0x35: {  	s10 =	sld [smem:$0x3FB8];
	_ =	sdelay $0x3  }
0x36: {  	p1 =	seq.s32 s10, $0x1;
	s10 =	sld [smem:$0x3FB9];
	_ =	sdelay $0x3  }
0x37: {  	[smem:$0x3FB9] =	sst s10  }
0x38: {  	s10 =	sld [smem:$0x3FBA]  }
0x39: {  	_ = 	snop;
	(pc) =	sbr.ind lr, $3  }
0x3a: {  	_ = 	snop  }
0x3b: {  	_ = 	snop  }
0x3c: {  	p2 =	seq.s32 s10, $0x1;
	s10 =	sld [smem:$0x3FB9]  }
0x3d: {  	_ =	shalt  }
0x3e: {  	_ =	shalt  }
0x3f: {  	_ =	shalt  }
0x40: {  	_ =	shalt  }
0x41: {  	_ =	shalt  }
0x42: {  	_ =	shalt  }
0x43: {  	_ =	shalt  }
0x44: {  	_ =	shalt  }
0x45: {  	_ =	shalt  }
0x46: {  	_ =	shalt  }
0x47: {  	_ =	shalt  }
0x48: {  	_ =	shalt  }
0x49: {  	_ =	shalt  }
0x4a: {  	_ =	shalt  }
0x4b: {  	_ =	shalt  }
0x4c: {  	_ =	shalt  }
0x4d: {  	_ =	shalt  }
0x4e: {  	_ =	shalt  }
0x4f: {  	_ =	shalt  }
0x50: {  	_ =	shalt  }
0x51: {  	_ =	shalt  }
0x52: {  	_ =	shalt  }
0x53: {  	_ =	shalt  }
0x54: {  	_ =	shalt  }
0x55: {  	_ =	shalt  }
0x56: {  	_ =	shalt  }
0x57: {  	_ =	shalt  }
0x58: {  	_ =	shalt  }
0x59: {  	_ =	shalt  }
0x5a: {  	_ =	shalt  }
0x5b: {  	_ =	shalt  }
0x5c: {  	_ =	shalt  }
0x5d: {  	_ =	shalt  }
0x5e: {  	_ =	shalt  }
0x5f: {  	_ =	shalt  }
0x60: {  	_ =	shalt  }
0x61: {  	_ =	shalt  }
0x62: {  	_ =	shalt  }
0x63: {  	_ =	shalt  }
0x64: {  	_ =	shalt  }
0x65: {  	_ =	shalt  }
0x66: {  	_ =	shalt  }
0x67: {  	_ =	shalt  }
0x68: {  	_ =	shalt  }
0x69: {  	_ =	shalt  }
0x6a: {  	_ =	shalt  }
0x6b: {  	_ =	shalt  }
0x6c: {  	_ =	shalt  }
0x6d: {  	_ =	shalt  }
0x6e: {  	_ =	shalt  }
0x6f: {  	_ =	shalt  }
0x70: {  	_ =	shalt  }
0x71: {  	_ =	shalt  }
0x72: {  	_ =	shalt  }
0x73: {  	_ =	shalt  }
0x74: {  	_ =	shalt  }
0x75: {  	_ =	shalt  }
0x76: {  	_ =	shalt  }
0x77: {  	_ =	shalt  }
0x78: {  	_ =	shalt  }
0x79: {  	_ =	shalt  }
0x7a: {  	_ =	shalt  }
0x7b: {  	_ =	shalt  }
0x7c: {  	_ =	shalt  }
0x7d: {  	_ =	shalt  }
0x7e: {  	_ =	shalt  }
0x7f: {  	_ =	shalt  }
0x80: {  	_ =	shalt  }
0x81: {  	_ =	shalt  }
0x82: {  	_ =	shalt  }
0x83: {  	_ =	shalt  }
0x84: {  	_ =	shalt  }
0x85: {  	_ =	shalt  }
0x86: {  	_ =	shalt  }
0x87: {  	_ =	shalt  }
.Lfunc_end0:
.L_simem_size_0:
called_computation_lowered:
.L_overlay_start_0:
0x88: {  	s2 =	sld [smem:$0x3FD9]  }
0x89: {  	s3 =	sld [smem:$0x3FFE];
	_ =	sdelay $0x1  }
0x8a: {  	s1 =	srdreg.scid  }
0x8b: {  	s0 =	sand.u32 $0x1, s1  }
0x8c: {  	s15 =	sshll.u32 s0, $0xA;
	s2 =	sadd.s32 s3, s2  }
0x8d: {  	s2 =	sadd.s32 s2, s15  }
0x8e: {  	[smem:$0x3FC5] =	sst s2  }
0x8f: {  	_ = 	snop  }
0x90: {  	s2 =	sld [smem:$0x3FD0];
	_ =	sdelay $0x1  }
0x91: {  	s16 =	sld [smem:$0x3FC9]  }
0x92: {  	s5 =	simm.s32 $0xA;
	s6 =	simm.s32 $0x10;
	s4 =	sld [smem:$0x3FC7]  }
0x93: {  	[smem:s6], [sflag:s5] =	dma.local [hbm:s2], $0x1  }
0x94: {  	_ =	swait.eq [sflag:s5], $0x1  }
0x95: {  	[sflag:s5] =	ssyncset.done $0x0  }
0x96: {  	[sflag:s5] =	ssyncadd.s32 $0xFFFFFFFF  }
0x97: {  	s17 =	sld [smem:$0x12];
	(tm) =	ssettm $0x1  }
0x98: {  	s18 =	sld [smem:$0x3FFB];
	_ =	sdelay $0x3  }
0x99: {  	_ =	strace s18  }
0x9a: {  	s5 =	sld [smem:$0x3FFC];
	_ =	sdelay $0x3  }
0x9b: {  	_ =	strace s5  }
0x9c: {  	s5 =	sld [smem:$0x3FFD];
	_ =	sdelay $0x3  }
0x9d: {  	_ =	strace s5  }
0x9e: {  	_ =	strace $0x8FFFFFFF  }
0x9f: {  	s19 =	sld [smem:$0x3FDB];
	_ =	sdelay $0x1  }
0xa0: {  	s20 =	simm.s32 $_scs_section_size  }
0xa1: {  	s7 =	simm.s32 $_size__tile_overlayer_lowered;
	s8 =	simm.s32 $_tile_overlayer_lowered  }
0xa2: {  	s23 =	simm.s32 $0x1BFF;
	s22 =	sshll.u32 s8, $0x1;
	s5 =	sadd.s32 s20, s19  }
0xa3: {  	s9 =	simm.s32 $0x0;
	s21 =	sshll.u32 s7, $0x1;
	s7 =	sadd.s32 s22, s5  }
0xa4: {  	[timem:s9], [sflag:s23] =	dma.local [hbm:s7], s21  }
0xa5: {  	_ =	swait.ge [sflag:s23], s21  }
0xa6: {  	s6 =	ssub.s32 $0x0, s21;
	[sflag:s23] =	ssyncset.done $0x0  }
0xa7: {  	[sflag:s23] =	ssyncadd.s32 s6;
	_ =	sdelay $0x1  }
0xa8: {  	s24 =	simm.s32 $0x1B8B  }
0xa9: {  	_ =	swait.ge [sflag:s24], $0x1  }
0xaa: {  	[sflag:s24] =	ssyncset.done $0x0  }
0xab: {  	s25 =	simm.s32 $0x1B8E;
	[sflag:s24] =	ssyncadd.s32 $0xFFFFFFFF  }
0xac: {  	s26 =	simm.s32 $execute0_lowered;
	[smem:$0x3FD2] =	sst s25  }
0xad: {  	s6 =	sshll.u32 s26, $0x1;
	_ =	strace $0x80000046;
	[dreg:$0x1] =	wrdreg $0xFFFFFFFF  }
0xae: {  	s28 =	simm.s32 $_size_execute0_lowered;
	s5 =	sadd.s32 s5, s6;
	[dreg:$0x0] =	wrdreg $0x0  }
0xaf: {  	s6 =	sshll.u32 s28, $0x1;
	[dreg:$0x2] =	wrdreg s5  }
0xb0: {  	[dreg:$0x3] =	wrdreg s6  }
0xb1: {  	[dreg:$0x4] =	wrdreg $0xC0  }
0xb2: {  	_ =	task [dreg:s9], $0x5FFFF  }
0xb3: {  	[dreg:$0x1] =	wrdreg $0xFFFFFFFF  }
0xb4: {  	[dreg:$0x0] =	wrdreg $0x60  }
0xb5: {  	[dreg:$0x2] =	wrdreg s16  }
0xb6: {  	[dreg:$0x3] =	wrdreg s4  }
0xb7: {  	[dreg:$0x4] =	wrdreg s17  }
0xb8: {  	[dreg:$0x5] =	wrdreg $0x9  }
0xb9: {  	_ =	task.clear_ibuf [dreg:s9], $0x6FFFF;
	_ =	strace $0x90000046  }
0xba: {  	s29 =	simm.s32 $0x9;
	_ =	strace $0x80000048  }
0xbb: {  	_ =	swait.ge [sflag:s29], $0x1  }
0xbc: {  	[sflag:s29] =	ssyncadd.s32 $0xFFFFFFFF  }
0xbd: {  	_ =	strace $0x90000048  }
0xbe: {  	_ =	sfence  }
0xbf: {  	s30 =	sld [smem:$0x0];
	_ =	sdelay $0x2  }
0xc0: {  	s31 =	sshll.u32 s1, $0xD;
	s1 =	sshrl.u32 s1, $0x2  }
0xc1: {  	s3 =	sand.u32 $0x4000, s31;
	s1 =	sadd.s32 s1, s30  }
0xc2: {  	s0 =	sor.u32 s3, s0;
	s1 =	sshll.u32 s1, $0x11  }
0xc3: {  	s0 =	sor.u32 s1, s0  }
0xc4: {  	s0 =	sadd.s32 $0x8F2B, s0  }
0xc5: {  	[sflag:s0] =	ssyncadd.remote.s32 $0x1  }
0xc6: {  	_ =	sfence.sel $0xFFFF  }
0xc7: {  	[dreg:$0x0] =	wrdreg $0xFFFFFFFF;
	(pc) =	sbr.abs _section_cstart, $3  }
0xc8: {  	[dreg:$0x1] =	wrdreg $0xFFFFFFFF  }
0xc9: {  	_ =	task.clear_ibuf [dreg:s9], $0x2FFFF;
	_ =	strace $0x9FFFFFFF  }
0xca: {  	(tm) =	ssettm $0x7FFFFFFF  }
0xcb: {  	_ =	shalt  }
tec
execute0_lowered:
.L_overlay_start_1:
0x0: {  	(tag) =	ssettag $0x1  }
0x1: {  	s3 =	rddreg [dreg:$0x0];
	s0 =	srdreg.scid  }
0x2: {  	s4 =	rddreg [dreg:$0x2];
	s1 =	stileid.u32  }
0x3: {  	s10 =	simm.s32 $0x0;
	s0 =	sand.u32 $0x1, s0;
	s1 =	sshll.u32 s1, $0xA  }
0x4: {  	[smem:$0x7FF] =	sst s10;
	s2 =	sshll.u32 s0, $0x9;
	s0 =	ssub.s32 $0x2, s0  }
0x5: {  	_ =	strace $0x80000047;
	s5 =	sor.u32 s2, s1;
	s26 =	sshrl.u32 s0, $0x1  }
0x6: {  	s2 =	sshll.u32 s5, $0x9;
	[dreg:$0x4] =	wrdreg s5;
	s30 =	sor.u32 $0x18, s5  }
0x7: {  	s0 =	ssub.s32 s0, s26;
	s28 =	sadd.s32 s3, s2;
	[dreg:$0x8] =	wrdreg s30  }
0x8: {  	s0 =	smax.u32 s0, $0x1;
	[dreg:$0x5] =	wrdreg s28  }
0x9: {  	s3 =	sadd.s32 $0x1000, s28;
	[dreg:$0xa] =	wrdreg s0  }
0xa: {  	s29 =	sadd.s32 s2, s4;
	s1 =	sadd.s32 $0x2000, s28;
	[dreg:$0x6] =	wrdreg s3  }
0xb: {  	[dreg:$0x7] =	wrdreg s1;
	s1 =	sadd.s32 $0x3F000, s29  }
0xc: {  	s31 =	sshrl.u32 s5, $0x3;
	s2 =	simm.s32 $0x0;
	[dreg:$0x9] =	wrdreg s1  }
.LBB2_1:
0xd: {  	[dreg:$0xb] =	wrdreg s2  }
0xe: {  	s0 =	rddreg [dreg:$0x1];
	s29 =	simm.s32 $0x7  }
0xf: {  	[tilespmem:s10], [sflag:$0x7] =	stream.linear.gather [hbm4b:s0+s10], $0x2000, $0x38;
	[tilespmem:$0x1B000] =	vst v63  }
0x10: {  	_ =	swait.ge [sflag:s29], $0x2000  }
0x11: {  	[sflag:s29] =	ssyncset.done $0x0  }
0x12: {  	s30 =	simm.s32 $0x80;
	[sflag:s29] =	ssyncadd.s32 $0xFFFFE000  }
0x13: {  	v1 =	vld [tilespmem:s30+$0xFFFFFFF0]  }
0x14: {  	v2 =	vld [tilespmem:s30+$0x70]  }
0x15: {  	v0 =	vld [tilespmem:s30+$0x0]  }
0x16: {  	v3 =	vld [tilespmem:s30+$0xFFFFFF90]  }
0x17: {  	v4 =	vld [tilespmem:s30+$0x10]  }
0x18: {  	v5 =	vld [tilespmem:s30+$0xFFFFFFA0]  }
0x19: {  	v6 =	vld [tilespmem:s30+$0x20]  }
0x1a: {  	v7 =	vld [tilespmem:s30+$0xFFFFFFB0]  }
0x1b: {  	v8 =	vld [tilespmem:s30+$0x30]  }
0x1c: {  	v9 =	vld [tilespmem:s30+$0xFFFFFFC0]  }
0x1d: {  	v10 =	vld [tilespmem:s30+$0x40];
	v2 =	vsub.f32 v1, v2  }
0x1e: {  	s0 =	simm.s32 $0x2040;
	v4 =	vsub.f32 v3, v4;
	v1 =	vld [tilespmem:s30+$0xFFFFFFD0]  }
0x1f: {  	v5 =	vsub.f32 v5, v6;
	v3 =	vld [tilespmem:s30+$0x50];
	[tilespmem:s0+$0x30] =	vst v2  }
0x20: {  	v6 =	vsub.f32 v7, v8;
	[tilespmem:s0+$0xFFFFFFD0] =	vst v4;
	v2 =	vld [tilespmem:s30+$0xFFFFFFE0]  }
0x21: {  	[tilespmem:s0+$0xFFFFFFE0] =	vst v5;
	v5 =	vld [tilespmem:s30+$0x60]  }
0x22: {  	s1 =	simm.s32 $0x0;
	s2 =	simm.s32 $0x180;
	v4 =	vld [tilespmem:s30+$0xFFFFFF80];
	[tilespmem:s0+$0xFFFFFFF0] =	vst v6;
	v6 =	vsub.f32 v9, v10  }
.LBB2_2:
0x23: {  	v7 =	vld [tilespmem:s2+$0xFFFFFFF0]  }
0x24: {  	s1 =	sadd.s32 $0x8, s1;
	v8 =	vld [tilespmem:s2+$0x70];
	[tilespmem:s0+$0x0] =	vst v6;
	v1 =	vsub.f32 v1, v3  }
0x25: {  	p0 =	slt.u32 s1, $0xF8;
	v3 =	vld [tilespmem:s2+$0x0]  }
0x26: {  	v6 =	vld [tilespmem:s2+$0xFFFFFF90];
	[tilespmem:s0+$0x10] =	vst v1;
	v1 =	vsub.f32 v2, v5  }
0x27: {  	v2 =	vld [tilespmem:s2+$0x10];
	v9 =	vsub.f32 v4, v0  }
0x28: {  	v4 =	vld [tilespmem:s2+$0xFFFFFFA0];
	[tilespmem:s0+$0x20] =	vst v1  }
0x29: {  	v1 =	vld [tilespmem:s2+$0x20];
	v5 =	vsub.f32 v7, v8;
	[tilespmem:s0+$0xFFFFFFC0] =	vst v9  }
0x2a: {  	s0 =	sadd.s32 $0x80, s0;
	v7 =	vld [tilespmem:s2+$0xFFFFFFB0];
	v0 =	vmov v3  }
0x2b: {  	v8 =	vld [tilespmem:s2+$0x30];
	[tilespmem:s0+$0x30] =	vst v5  }
0x2c: {  	v2 =	vsub.f32 v6, v2;
	v6 =	vld [tilespmem:s2+$0xFFFFFFC0]  }
0x2d: {  	v9 =	vld [tilespmem:s2+$0x40]  }
.Ltmp0:
0x2e: {  	[tilespmem:s0+$0xFFFFFFD0] =	vst v2;
	v2 =	vsub.f32 v4, v1;
	v1 =	vld [tilespmem:s2+$0xFFFFFFD0];
	(pc) =	sbr.rel @p0 .LBB2_2-.Ltmp0, $4  }
0x2f: {  	v3 =	vld [tilespmem:s2+$0x50]  }
0x30: {  	[tilespmem:s0+$0xFFFFFFE0] =	vst v2;
	v7 =	vsub.f32 v7, v8;
	v2 =	vld [tilespmem:s2+$0xFFFFFFE0]  }
0x31: {  	v5 =	vld [tilespmem:s2+$0x60]  }
0x32: {  	v4 =	vld [tilespmem:s2+$0xFFFFFF80];
	[tilespmem:s0+$0xFFFFFFF0] =	vst v7;
	v6 =	vsub.f32 v6, v9;
	s2 =	sadd.s32 $0x100, s2  }
0x33: {  	_ =	sdelay $0x1  }
0x34: {  	v1 =	vsub.f32 v1, v3  }
0x35: {  	[tilespmem:s0+$0x0] =	vst v6;
	v2 =	vsub.f32 v2, v5  }
0x36: {  	[tilespmem:s0+$0x10] =	vst v1;
	v0 =	vsub.f32 v4, v0  }
0x37: {  	[tilespmem:s0+$0x20] =	vst v2  }
0x38: {  	[tilespmem:s0+$0xFFFFFFC0] =	vst v0  }
0x39: {  	s2 =	simm.s32 $0x0;
	s1 =	simm.s32 $0x3000;
	s0 =	rddreg [dreg:$0x5]  }
0x3a: {  	[tilespmem:s1], [sflag:$0x1] =	stream.linear.gather [hbm4b:s0+s2], $0x8000, $0x38;
	[tilespmem:$0x1B000] =	vst v63  }
0x3b: {  	s28 =	simm.s32 $0xB000;
	s26 =	rddreg [dreg:$0x6]  }
0x3c: {  	[tilespmem:s28], [sflag:$0x2] =	stream.linear.gather [hbm4b:s26+s2], $0x8000, $0x38;
	[tilespmem:$0x1B000] =	vst v63  }
0x3d: {  	s30 =	simm.s32 $0x13000;
	s29 =	rddreg [dreg:$0x7];
	s26 =	simm.s32 $0x0  }
0x3e: {  	[tilespmem:s30], [sflag:$0x3] =	stream.linear.gather [hbm4b:s29+s2], $0x8000, $0x38;
	[tilespmem:$0x1B000] =	vst v63  }
.LBB2_4:
0x3f: {  	s29 =	smul.u32 $0x3, s26;
	_ =	sdelay $0x1  }
0x40: {  	s0 =	sadd.s32 $0xFFFFFFFE, s29  }
0x41: {  	p0 =	sgt.u32 s0, $0x3C  }
0x42: {  	s0 =	simm.s32 @!p0 $0x5  }
0x43: {  	_ =	swait.ge @!p0 [sflag:s0], $0x8000  }
0x44: {  	s23 =	simm.s32 $0x1;
	s1 =	sadd.s32 $0x1, s29;
	[sflag:s0] =	ssyncset.done @!p0 $0x0  }
0x45: {  	[dreg:$0xc] =	wrdreg s1;
	s1 =	sadd.s32 @!p0 s31, s1;
	[sflag:s0] =	ssyncadd.s32 @!p0 $0xFFFF8000  }
0x46: {  	s24 =	simm.s32 $0x0;
	s0 =	sshll.u32 @!p0 s1, $0xC;
	s1 =	rddreg [dreg:$0x0]  }
0x47: {  	s2 =	simm.s32 @!p0 $0xB000;
	s0 =	sadd.s32 @!p0 s1, s0;
	s1 =	simm.s32 @!p0 $0x0  }
0x48: {  	[tilespmem:s2], [sflag:$0x2] =	stream.linear.gather @!p0 [hbm4b:s0+s1], $0x8000, $0x38;
	[tilespmem:$0x1B000] =	vst v63  }
0x49: {  	s25 =	sand.u32 $0x7, s24;
	_ =	swait.ge [sflag:s23], $0x8000  }
0x4a: {  	s28 =	smov.u32 s31;
	s0 =	sshll.u32 s25, $0x4;
	[sflag:s23] =	ssyncset.done $0x0  }
0x4b: {  	s1 =	simm.s32 $0x2000;
	s0 =	sadd.s32 $0x0, s0;
	[sflag:s23] =	ssyncadd.s32 $0xFFFF8000  }
0x4c: {  	s31 =	sand.u32 $0x70, s24;
	s2 =	sand.u32 $0x7C00, s24;
	s0 =	sor.u32 $0x380, s0;
	v1 =	vld [tilespmem:s1+$0x0]  }
0x4d: {  	v0 =	vld [tilespmem:s0+$0x3000];
	s0 =	sor.u32 s31, s2  }
0x4e: {  	v15 =	vld [tilespmem:s0+$0x3000]  }
0x4f: {  	v13 =	vld [tilespmem:s0+$0x3080]  }
0x50: {  	v3 =	vimm.f32 $0.0e+00;
	v14 =	vimm.f32 $0.0e+00;
	v12 =	vimm.f32 $0.0e+00;
	v11 =	vld [tilespmem:s0+$0x3100]  }
0x51: {  	s3 =	simm.s32 $0x10;
	v10 =	vimm.f32 $0.0e+00;
	v8 =	vimm.f32 $0.0e+00;
	s4 =	simm.s32 $0x0;
	v6 =	vimm.f32 $0.0e+00;
	s2 =	simm.s32 $0x1;
	v9 =	vld [tilespmem:s0+$0x3180]  }
0x52: {  	v2 =	vimm.f32 $0.0e+00;
	s5 =	sand.u32 $0x70, s3;
	s3 =	simm.s32 $0x20;
	s30 =	sand.u32 $0x7, s2;
	v7 =	vld [tilespmem:s0+$0x3200];
	v4 =	vmul.f32 v0, v1;
	v0 =	vimm.f32 $0.0e+00  }
.LBB2_5:
0x53: {  	p0 =	sne.s32 s3, $0xFF0;
	s6 =	sshll.u32 s30, $0x4;
	v5 =	vmul.f32 v15, v1;
	v16 =	vld [tilespmem:s0+$0x3280];
	s4 =	sadd.s32 $0x80, s4  }
0x54: {  	s1 =	sadd.s32 $0x10, s1;
	s6 =	sadd.s32 s6, s4;
	s7 =	sand.u32 $0x7C00, s4;
	v13 =	vmul.f32 v13, v1;
	v17 =	vld [tilespmem:s0+$0x3300];
	v3 =	vadd.f32 v4, v3  }
0x55: {  	v4 =	vld [tilespmem:s1+$0x0];
	s0 =	sor.u32 s5, s7;
	s5 =	sor.u32 $0x380, s6;
	v14 =	vadd.f32 v5, v14;
	v5 =	vmul.f32 v11, v1  }
0x56: {  	v18 =	vld [tilespmem:s5+$0x3000];
	v12 =	vadd.f32 v13, v12;
	v9 =	vmul.f32 v9, v1  }
.Ltmp1:
0x57: {  	v15 =	vld [tilespmem:s0+$0x3000];
	v10 =	vadd.f32 v5, v10;
	v5 =	vmul.f32 v7, v1;
	(pc) =	sbr.rel @p0 .LBB2_5-.Ltmp1, $4  }
0x58: {  	v13 =	vld [tilespmem:s0+$0x3080];
	v8 =	vadd.f32 v9, v8;
	v7 =	vmul.f32 v16, v1  }
0x59: {  	v11 =	vld [tilespmem:s0+$0x3100];
	v6 =	vadd.f32 v5, v6;
	v5 =	vmul.f32 v17, v1  }
0x5a: {  	s2 =	sadd.s32 $0x1, s2;
	v9 =	vld [tilespmem:s0+$0x3180];
	v0 =	vadd.f32 v7, v0;
	v1 =	vmov v4  }
0x5b: {  	s30 =	sand.u32 $0x7, s2;
	s5 =	sand.u32 $0x70, s3;
	s3 =	sadd.s32 $0x10, s3;
	v7 =	vld [tilespmem:s0+$0x3200];
	v4 =	vmul.f32 v18, v1;
	v2 =	vadd.f32 v5, v2  }
0x5c: {  	s31 =	sadd.s32 $0x80, s4  }
0x5d: {  	s1 =	sadd.s32 $0x10, s1;
	s2 =	sand.u32 $0x7C00, s31  }
0x5e: {  	v5 =	vld [tilespmem:s1+$0x0];
	s1 =	sor.u32 s5, s2  }
0x5f: {  	v16 =	vld [tilespmem:s1+$0x3000];
	_ =	sdelay $0x2  }
0x60: {  	v15 =	vmul.f32 v15, v1;
	_ =	sdelay $0x1  }
0x61: {  	v14 =	vadd.f32 v15, v14;
	v15 =	vmul.f32 v16, v5;
	_ =	sdelay $0x1  }
0x62: {  	v14 =	vadd.f32 v15, v14;
	_ =	sdelay $0x1  }
0x63: {  	(v2sf) =	vpush v14, $0x0  }
0x64: {  	(v2sf) =	vpush v14, $0x1  }
0x65: {  	(v2sf) =	vpush v14, $0x2  }
0x66: {  	(v2sf) =	vpush v14, $0x3  }
0x67: {  	(v2sf) =	vpush v14, $0x4  }
0x68: {  	(v2sf) =	vpush v14, $0x5  }
0x69: {  	(v2sf) =	vpush v14, $0x6  }
0x6a: {  	v15 =	vld [tilespmem:s1+$0x3080];
	(v2sf) =	vpush v14, $0x7  }
0x6b: {  	(v2sf) =	vpush v14, $0x8  }
0x6c: {  	(v2sf) =	vpush v14, $0x9  }
0x6d: {  	v13 =	vmul.f32 v13, v1;
	(v2sf) =	vpush v14, $0xA  }
0x6e: {  	(v2sf) =	vpush v14, $0xB  }
0x6f: {  	v12 =	vadd.f32 v13, v12;
	v13 =	vmul.f32 v15, v5;
	(v2sf) =	vpush v14, $0xC  }
0x70: {  	(v2sf) =	vpush v14, $0xD  }
0x71: {  	v12 =	vadd.f32 v13, v12;
	(v2sf) =	vpush v14, $0xE  }
0x72: {  	s16 =	spop (v2sf);
	(v2sf) =	vpush v14, $0xF  }
0x73: {  	s3 =	spop (v2sf);
	(v2sf) =	vpush v12, $0x0  }
0x74: {  	s17 =	spop (v2sf);
	(v2sf) =	vpush v12, $0x1  }
0x75: {  	s18 =	spop (v2sf);
	(v2sf) =	vpush v12, $0x2  }
0x76: {  	s6 =	spop (v2sf);
	(v2sf) =	vpush v12, $0x3  }
0x77: {  	s7 =	spop (v2sf);
	(v2sf) =	vpush v12, $0x4  }
0x78: {  	s8 =	spop (v2sf);
	(v2sf) =	vpush v12, $0x5  }
0x79: {  	s9 =	spop (v2sf);
	(v2sf) =	vpush v12, $0x6  }
0x7a: {  	v13 =	vld [tilespmem:s1+$0x3100];
	s11 =	spop (v2sf);
	(v2sf) =	vpush v12, $0x7  }
0x7b: {  	s12 =	spop (v2sf);
	(v2sf) =	vpush v12, $0x8  }
0x7c: {  	s13 =	spop (v2sf);
	(v2sf) =	vpush v12, $0x9  }
0x7d: {  	v11 =	vmul.f32 v11, v1;
	s14 =	spop (v2sf);
	(v2sf) =	vpush v12, $0xA  }
0x7e: {  	s19 =	spop (v2sf);
	(v2sf) =	vpush v12, $0xB  }
0x7f: {  	v10 =	vadd.f32 v11, v10;
	v11 =	vmul.f32 v13, v5;
	s20 =	spop (v2sf);
	(v2sf) =	vpush v12, $0xC  }
0x80: {  	s2 =	sadd.f32 s3, s16;
	s21 =	spop (v2sf);
	(v2sf) =	vpush v12, $0xD  }
0x81: {  	v10 =	vadd.f32 v11, v10;
	s4 =	sadd.f32 s18, s17;
	s22 =	spop (v2sf);
	(v2sf) =	vpush v12, $0xE  }
0x82: {  	s6 =	sadd.f32 s7, s6;
	s24 =	spop (v2sf);
	(v2sf) =	vpush v12, $0xF  }
0x83: {  	s2 =	sadd.f32 s4, s2;
	s25 =	spop (v2sf);
	(v2sf) =	vpush v10, $0x0  }
0x84: {  	s23 =	sadd.f32 s14, s13;
	s14 =	spop (v2sf);
	(v2sf) =	vpush v10, $0x1  }
0x85: {  	s8 =	sadd.f32 s9, s8;
	s16 =	spop (v2sf);
	(v2sf) =	vpush v10, $0x2  }
0x86: {  	s11 =	sadd.f32 s12, s11;
	s17 =	spop (v2sf);
	(v2sf) =	vpush v10, $0x3  }
0x87: {  	s6 =	sadd.f32 s8, s6;
	s18 =	spop (v2sf);
	(v2sf) =	vpush v10, $0x4  }
0x88: {  	s3 =	sadd.f32 s20, s19;
	s19 =	spop (v2sf);
	(v2sf) =	vpush v10, $0x5  }
0x89: {  	s2 =	sadd.f32 s6, s2;
	s20 =	spop (v2sf);
	(v2sf) =	vpush v10, $0x6  }
0x8a: {  	v11 =	vld [tilespmem:s1+$0x3180];
	s7 =	sadd.f32 s22, s21;
	s21 =	spop (v2sf);
	(v2sf) =	vpush v10, $0x7  }
0x8b: {  	s11 =	sadd.f32 s23, s11;
	s22 =	spop (v2sf);
	(v2sf) =	vpush v10, $0x8  }
0x8c: {  	s3 =	sadd.f32 s7, s3;
	s23 =	spop (v2sf);
	(v2sf) =	vpush v10, $0x9  }
0x8d: {  	v9 =	vmul.f32 v9, v1;
	s5 =	sadd.f32 s25, s24;
	s15 =	spop (v2sf);
	(v2sf) =	vpush v10, $0xA  }
0x8e: {  	s3 =	sadd.f32 s3, s11;
	s24 =	spop (v2sf);
	(v2sf) =	vpush v10, $0xB  }
0x8f: {  	v8 =	vadd.f32 v9, v8;
	v9 =	vmul.f32 v11, v5;
	s4 =	sadd.f32 s16, s14;
	s25 =	spop (v2sf);
	(v2sf) =	vpush v10, $0xC  }
0x90: {  	s2 =	sadd.f32 s3, s2;
	s16 =	spop (v2sf);
	(v2sf) =	vpush v10, $0xD  }
0x91: {  	v8 =	vadd.f32 v9, v8;
	s8 =	sadd.f32 s18, s17;
	s17 =	spop (v2sf);
	(v2sf) =	vpush v10, $0xE  }
0x92: {  	s4 =	sadd.f32 s4, s5;
	s18 =	spop (v2sf);
	(v2sf) =	vpush v10, $0xF  }
0x93: {  	s6 =	sadd.f32 s20, s19;
	s19 =	spop (v2sf);
	(v2sf) =	vpush v8, $0x0  }
0x94: {  	s11 =	sadd.f32 s22, s21;
	s20 =	spop (v2sf);
	(v2sf) =	vpush v8, $0x1  }
0x95: {  	s6 =	sadd.f32 s6, s8;
	s21 =	spop (v2sf);
	(v2sf) =	vpush v8, $0x2  }
0x96: {  	s3 =	sadd.f32 s15, s23;
	s22 =	spop (v2sf);
	(v2sf) =	vpush v8, $0x3  }
0x97: {  	s4 =	sadd.f32 s6, s4;
	s23 =	spop (v2sf);
	(v2sf) =	vpush v8, $0x4  }
0x98: {  	s9 =	sadd.f32 s25, s24;
	s24 =	spop (v2sf);
	(v2sf) =	vpush v8, $0x5  }
0x99: {  	s7 =	sadd.f32 s17, s16;
	s25 =	spop (v2sf);
	(v2sf) =	vpush v8, $0x6  }
0x9a: {  	v9 =	vld [tilespmem:s1+$0x3200];
	s3 =	sadd.f32 s3, s11;
	s15 =	spop (v2sf);
	(v2sf) =	vpush v8, $0x7  }
0x9b: {  	s7 =	sadd.f32 s7, s9;
	s16 =	spop (v2sf);
	(v2sf) =	vpush v8, $0x8  }
0x9c: {  	v7 =	vmul.f32 v7, v1;
	s13 =	sadd.f32 s19, s18;
	s17 =	spop (v2sf);
	(v2sf) =	vpush v8, $0x9  }
0x9d: {  	s3 =	sadd.f32 s7, s3;
	s18 =	spop (v2sf);
	(v2sf) =	vpush v8, $0xA  }
0x9e: {  	v6 =	vadd.f32 v7, v6;
	v7 =	vmov s2;
	s5 =	sadd.f32 s21, s20;
	s19 =	spop (v2sf);
	(v2sf) =	vpush v8, $0xB  }
0x9f: {  	v9 =	vmul.f32 v9, v5;
	v7 =	vand.u32 $0x7FFFFFFF, v7;
	s8 =	sadd.f32 s23, s22;
	s20 =	spop (v2sf);
	(v2sf) =	vpush v8, $0xC  }
0xa0: {  	v7 =	vsub.f32 $0.0e+00, v7;
	s5 =	sadd.f32 s5, s13;
	s21 =	spop (v2sf);
	(v2sf) =	vpush v8, $0xD  }
0xa1: {  	v6 =	vadd.f32 v9, v6;
	s3 =	sadd.f32 s3, s4;
	s22 =	spop (v2sf);
	(v2sf) =	vpush v8, $0xE  }
0xa2: {  	v7 =	vmul.f32 $1.442695020e+00, v7;
	s6 =	sadd.f32 s25, s24;
	s24 =	spop (v2sf);
	(v2sf) =	vpush v8, $0xF  }
0xa3: {  	s7 =	sadd.f32 s16, s15;
	s25 =	spop (v2sf);
	(v2sf) =	vpush v6, $0x0  }
0xa4: {  	v7 =	vbroadcast v7, $0x0;
	s6 =	sadd.f32 s6, s8;
	s14 =	spop (v2sf);
	(v2sf) =	vpush v6, $0x1  }
0xa5: {  	s12 =	sadd.f32 s18, s17;
	s15 =	spop (v2sf);
	(v2sf) =	vpush v6, $0x2  }
0xa6: {  	(erf) = vpow2.f32 v7;
	s5 =	sadd.f32 s6, s5;
	s16 =	spop (v2sf);
	(v2sf) =	vpush v6, $0x3  }
0xa7: {  	v7 =	vld [tilespmem:s0+$0x3280];
	s2 =	sadd.f32 s20, s19;
	s17 =	spop (v2sf);
	(v2sf) =	vpush v6, $0x4  }
0xa8: {  	s23 =	sadd.f32 s22, s21;
	s18 =	spop (v2sf);
	(v2sf) =	vpush v6, $0x5  }
0xa9: {  	s7 =	sadd.f32 s12, s7;
	s19 =	spop (v2sf);
	(v2sf) =	vpush v6, $0x6  }
0xaa: {  	v8 =	vld [tilespmem:s1+$0x3280];
	s2 =	sadd.f32 s23, s2;
	s20 =	spop (v2sf);
	(v2sf) =	vpush v6, $0x7  }
0xab: {  	v9 =	vmov s3;
	s11 =	sadd.f32 s25, s24;
	s21 =	spop (v2sf);
	(v2sf) =	vpush v6, $0x8  }
0xac: {  	v7 =	vmul.f32 v7, v1;
	v9 =	vand.u32 $0x7FFFFFFF, v9;
	s2 =	sadd.f32 s2, s7;
	s22 =	spop (v2sf);
	(v2sf) =	vpush v6, $0x9  }
0xad: {  	v9 =	vsub.f32 $0.0e+00, v9;
	s8 =	sadd.f32 s15, s14;
	s23 =	spop (v2sf);
	(v2sf) =	vpush v6, $0xA  }
0xae: {  	v0 =	vadd.f32 v7, v0;
	s2 =	sadd.f32 s2, s5;
	s24 =	spop (v2sf);
	(v2sf) =	vpush v6, $0xB  }
0xaf: {  	v9 =	vmul.f32 $1.442695020e+00, v9;
	v7 =	vmul.f32 v8, v5;
	v8 =	vpop (erf);
	s6 =	sadd.f32 s17, s16;
	s25 =	spop (v2sf);
	(v2sf) =	vpush v6, $0xC  }
0xb0: {  	v8 =	vadd.f32 $1.000000000e+00, v8;
	s8 =	sadd.f32 s8, s11;
	s14 =	spop (v2sf);
	(v2sf) =	vpush v6, $0xD  }
0xb1: {  	v7 =	vadd.f32 v7, v0;
	v0 =	vbroadcast v9, $0x0;
	s4 =	sadd.f32 s19, s18;
	s15 =	spop (v2sf);
	(v2sf) =	vpush v6, $0xE  }
0xb2: {  	(erf) = vrcp.f32 v8;
	s3 =	sadd.f32 s21, s20;
	s16 =	spop (v2sf);
	(v2sf) =	vpush v6, $0xF  }
0xb3: {  	(erf) = vpow2.f32 v0;
	s4 =	sadd.f32 s4, s6;
	s17 =	spop (v2sf);
	(v2sf) =	vpush v7, $0x0  }
0xb4: {  	s12 =	sadd.f32 s23, s22;
	s18 =	spop (v2sf);
	(v2sf) =	vpush v7, $0x1  }
0xb5: {  	s21 =	sadd.f32 s4, s8;
	s19 =	spop (v2sf);
	(v2sf) =	vpush v7, $0x2  }
0xb6: {  	s7 =	sadd.f32 s25, s24;
	s20 =	spop (v2sf);
	(v2sf) =	vpush v7, $0x3  }
0xb7: {  	v0 =	vmov s2;
	s5 =	sadd.f32 s15, s14;
	v6 =	vld [tilespmem:s0+$0x3300];
	s22 =	spop (v2sf);
	(v2sf) =	vpush v7, $0x4  }
0xb8: {  	v0 =	vand.u32 $0x7FFFFFFF, v0;
	s3 =	sadd.f32 s12, s3;
	s24 =	spop (v2sf);
	(v2sf) =	vpush v7, $0x5  }
0xb9: {  	s5 =	sadd.f32 s5, s7;
	s25 =	spop (v2sf);
	(v2sf) =	vpush v7, $0x6  }
0xba: {  	v8 =	vld [tilespmem:s1+$0x3300];
	v9 =	vsub.f32 $0.0e+00, v0;
	s14 =	sadd.f32 s17, s16;
	s8 =	spop (v2sf);
	(v2sf) =	vpush v7, $0x7  }
0xbb: {  	v0 =	vpop (erf);
	s23 =	sadd.f32 s5, s3;
	s13 =	spop (v2sf);
	(v2sf) =	vpush v7, $0x8  }
0xbc: {  	v9 =	vmul.f32 $1.442695020e+00, v9;
	s6 =	sadd.f32 s19, s18;
	v1 =	vmul.f32 v6, v1;
	v6 =	vpop (erf);
	s15 =	spop (v2sf);
	(v2sf) =	vpush v7, $0x9  }
0xbd: {  	s0 =	sadd.f32 s23, s21;
	v6 =	vadd.f32 $1.000000000e+00, v6;
	s16 =	spop (v2sf);
	(v2sf) =	vpush v7, $0xA  }
0xbe: {  	s4 =	sadd.f32 s22, s20;
	v1 =	vadd.f32 v1, v2;
	v2 =	vbroadcast v9, $0x0;
	s17 =	spop (v2sf);
	(v2sf) =	vpush v7, $0xB  }
0xbf: {  	v8 =	vmul.f32 v8, v5;
	s6 =	sadd.f32 s6, s14;
	(erf) = vrcp.f32 v6;
	s18 =	spop (v2sf);
	(v2sf) =	vpush v7, $0xC  }
0xc0: {  	s3 =	sadd.f32 s25, s24;
	(erf) = vpow2.f32 v2;
	s19 =	spop (v2sf);
	(v2sf) =	vpush v7, $0xD  }
0xc1: {  	v2 =	vadd.f32 v8, v1;
	s1 =	sadd.f32 s13, s8;
	s20 =	spop (v2sf);
	(v2sf) =	vpush v7, $0xE  }
0xc2: {  	s3 =	sadd.f32 s3, s4;
	s21 =	spop (v2sf);
	(v2sf) =	vpush v7, $0xF  }
0xc3: {  	s9 =	sadd.f32 s16, s15;
	s22 =	spop (v2sf);
	(v2sf) =	vpush v2, $0x0  }
0xc4: {  	v1 =	vmov s0;
	s5 =	sadd.f32 s18, s17;
	s23 =	spop (v2sf);
	(v2sf) =	vpush v2, $0x1  }
0xc5: {  	v1 =	vand.u32 $0x7FFFFFFF, v1;
	s24 =	sadd.f32 s9, s1;
	s25 =	spop (v2sf);
	(v2sf) =	vpush v2, $0x2  }
0xc6: {  	s2 =	sadd.f32 s20, s19;
	s9 =	spop (v2sf);
	(v2sf) =	vpush v2, $0x3  }
0xc7: {  	v6 =	vsub.f32 $0.0e+00, v1;
	s3 =	sadd.f32 s3, s6;
	s11 =	spop (v2sf);
	(v2sf) =	vpush v2, $0x4  }
0xc8: {  	v1 =	vpop (erf);
	s2 =	sadd.f32 s2, s5;
	s12 =	spop (v2sf);
	(v2sf) =	vpush v2, $0x5  }
0xc9: {  	v6 =	vmul.f32 $1.442695020e+00, v6;
	v7 =	vpop (erf);
	s7 =	sadd.f32 s22, s21;
	s13 =	spop (v2sf);
	(v2sf) =	vpush v2, $0x6  }
0xca: {  	v7 =	vadd.f32 $1.000000000e+00, v7;
	s0 =	sadd.f32 s2, s24;
	s14 =	spop (v2sf);
	(v2sf) =	vpush v2, $0x7  }
0xcb: {  	v6 =	vbroadcast v6, $0x0;
	s1 =	sadd.f32 s25, s23;
	s15 =	spop (v2sf);
	(v2sf) =	vpush v2, $0x8  }
0xcc: {  	(erf) = vrcp.f32 v7;
	s0 =	sadd.f32 s0, s3;
	s16 =	spop (v2sf);
	(v2sf) =	vpush v2, $0x9  }
0xcd: {  	(erf) = vpow2.f32 v6;
	s5 =	sadd.f32 s11, s9;
	s17 =	spop (v2sf);
	(v2sf) =	vpush v2, $0xA  }
0xce: {  	s1 =	sadd.f32 s1, s7;
	s18 =	spop (v2sf);
	(v2sf) =	vpush v2, $0xB  }
0xcf: {  	s2 =	sadd.f32 s13, s12;
	s19 =	spop (v2sf);
	(v2sf) =	vpush v2, $0xC  }
0xd0: {  	s20 =	sshll.u32 s30, $0x4;
	s3 =	sadd.f32 s15, s14;
	s21 =	spop (v2sf);
	(v2sf) =	vpush v2, $0xD  }
0xd1: {  	s22 =	sadd.s32 s20, s31;
	v6 =	vmov s0;
	s2 =	sadd.f32 s2, s5;
	s23 =	spop (v2sf);
	(v2sf) =	vpush v2, $0xE  }
0xd2: {  	s8 =	sor.u32 $0x380, s22;
	s4 =	sadd.f32 s17, s16;
	s25 =	spop (v2sf);
	(v2sf) =	vpush v2, $0xF;
	v2 =	vand.u32 $0x7FFFFFFF, v6  }
0xd3: {  	v7 =	vld [tilespmem:s8+$0x3000];
	s1 =	sadd.f32 s2, s1  }
0xd4: {  	s6 =	sadd.f32 s19, s18;
	s8 =	spop (v2sf);
	v6 =	vsub.f32 $0.0e+00, v2  }
0xd5: {  	s24 =	sadd.f32 s23, s21;
	s11 =	spop (v2sf);
	v2 =	vpop (erf)  }
0xd6: {  	s3 =	sadd.f32 s4, s3;
	s12 =	spop (v2sf);
	v6 =	vmul.f32 $1.442695020e+00, v6;
	v8 =	vpop (erf)  }
0xd7: {  	s0 =	sadd.f32 s24, s6;
	s13 =	spop (v2sf);
	v8 =	vadd.f32 $1.000000000e+00, v8  }
0xd8: {  	v3 =	vadd.f32 v4, v3;
	v4 =	vmul.f32 v7, v5;
	s7 =	sadd.f32 s8, s25;
	s14 =	spop (v2sf);
	v5 =	vbroadcast v6, $0x0  }
0xd9: {  	s0 =	sadd.f32 s0, s3;
	s15 =	spop (v2sf);
	(erf) = vrcp.f32 v8  }
0xda: {  	v4 =	vadd.f32 v4, v3;
	s4 =	sadd.f32 s12, s11;
	s16 =	spop (v2sf);
	(erf) = vpow2.f32 v5  }
0xdb: {  	s0 =	sadd.f32 s0, s1;
	s17 =	spop (v2sf)  }
0xdc: {  	s2 =	sadd.f32 s14, s13;
	s18 =	spop (v2sf);
	(v2sf) =	vpush v4, $0x0  }
0xdd: {  	s4 =	sadd.f32 s4, s7;
	s19 =	spop (v2sf);
	(v2sf) =	vpush v4, $0x1  }
0xde: {  	s3 =	sadd.f32 s16, s15;
	v3 =	vmov s0;
	s20 =	spop (v2sf);
	(v2sf) =	vpush v4, $0x2  }
0xdf: {  	v3 =	vand.u32 $0x7FFFFFFF, v3;
	s1 =	sadd.f32 s18, s17;
	s21 =	spop (v2sf);
	(v2sf) =	vpush v4, $0x3  }
0xe0: {  	s2 =	sadd.f32 s3, s2;
	s22 =	spop (v2sf);
	(v2sf) =	vpush v4, $0x4  }
0xe1: {  	v5 =	vsub.f32 $0.0e+00, v3;
	s5 =	sadd.f32 s20, s19;
	s23 =	spop (v2sf);
	(v2sf) =	vpush v4, $0x5  }
0xe2: {  	s0 =	sadd.f32 s22, s21;
	s24 =	spop (v2sf);
	(v2sf) =	vpush v4, $0x6;
	v3 =	vpop (erf)  }
0xe3: {  	v5 =	vmul.f32 $1.442695020e+00, v5;
	s25 =	sadd.f32 s24, s23;
	(v2sf) =	vpush v4, $0x7;
	v6 =	vpop (erf)  }
0xe4: {  	s1 =	sadd.f32 s5, s1;
	(v2sf) =	vpush v4, $0x8;
	v6 =	vadd.f32 $1.000000000e+00, v6  }
0xe5: {  	v5 =	vbroadcast v5, $0x0;
	(v2sf) =	vpush v4, $0x9;
	s0 =	sadd.f32 s25, s0  }
0xe6: {  	s3 =	sadd.f32 s2, s4;
	(v2sf) =	vpush v4, $0xA;
	(erf) = vrcp.f32 v6  }
0xe7: {  	s4 =	simm.s32 $0x0;
	(v2sf) =	vpush v4, $0xB;
	s0 =	sadd.f32 s0, s1;
	(erf) = vpow2.f32 v5  }
0xe8: {  	s2 =	sand.u32 $0x7C00, s4;
	s5 =	sand.u32 $0x40, s4;
	(v2sf) =	vpush v4, $0xC  }
0xe9: {  	s2 =	sor.u32 s5, s2;
	(v2sf) =	vpush v4, $0xD;
	s0 =	sadd.f32 s0, s3  }
0xea: {  	v5 =	vld [tilespmem:s2+$0x3030];
	(v2sf) =	vpush v4, $0xE  }
0xeb: {  	v6 =	vld [tilespmem:s2+$0x30B0];
	s6 =	spop (v2sf);
	(v2sf) =	vpush v4, $0xF;
	v4 =	vmov s0  }
0xec: {  	v7 =	vld [tilespmem:s2+$0x3130];
	v4 =	vand.u32 $0x7FFFFFFF, v4  }
0xed: {  	v8 =	vld [tilespmem:s2+$0x31B0]  }
0xee: {  	v10 =	vld [tilespmem:s2+$0x3000];
	v9 =	vsub.f32 $0.0e+00, v4  }
0xef: {  	p0 =	por $0x0, $0x0;
	v11 =	vld [tilespmem:s2+$0x3080];
	s1 =	simm.s32 $0x1;
	s7 =	spop (v2sf);
	v5 =	vmul.f32 v5, v0;
	v4 =	vpop (erf)  }
0xf0: {  	v13 =	vld [tilespmem:s2+$0x3100];
	s1 =	simm.s32 @!p0 $0x0;
	v6 =	vmul.f32 v6, v1;
	s8 =	spop (v2sf);
	v9 =	vmul.f32 $1.442695020e+00, v9;
	v12 =	vpop (erf)  }
0xf1: {  	s1 =	sshll.u32 s1, $0x6;
	s9 =	spop (v2sf);
	[tilespmem:s2+$0x3030] =	vst v5;
	v5 =	vmul.f32 v7, v2;
	v7 =	vld [tilespmem:s2+$0x3180];
	v12 =	vadd.f32 $1.000000000e+00, v12  }
0xf2: {  	s1 =	sadd.s32 $0x0, s1;
	[tilespmem:s2+$0x30B0] =	vst v6;
	v6 =	vmul.f32 v8, v3;
	v8 =	vld [tilespmem:s2+$0x3010];
	s11 =	spop (v2sf);
	v9 =	vbroadcast v9, $0x0  }
0xf3: {  	s3 =	sadd.s32 $0x30, s1;
	s12 =	spop (v2sf);
	[tilespmem:s2+$0x3130] =	vst v5;
	v5 =	vmul.f32 v10, v0;
	v10 =	vld [tilespmem:s2+$0x3090];
	(erf) = vrcp.f32 v12  }
0xf4: {  	s17 =	sor.u32 $0x200, s3;
	[tilespmem:s2+$0x31B0] =	vst v6;
	v6 =	vmul.f32 v11, v1;
	s13 =	spop (v2sf);
	(erf) = vpow2.f32 v9;
	v9 =	vld [tilespmem:s2+$0x3110]  }
0xf5: {  	s4 =	sadd.f32 s7, s6;
	s14 =	spop (v2sf);
	v11 =	vld [tilespmem:s17+$0x3000];
	[tilespmem:s2+$0x3000] =	vst v5;
	v5 =	vmul.f32 v13, v2  }
0xf6: {  	s0 =	sadd.f32 s9, s8;
	[tilespmem:s2+$0x3080] =	vst v6;
	s15 =	spop (v2sf);
	v6 =	vmul.f32 v7, v3  }
0xf7: {  	s7 =	sadd.f32 s12, s11;
	s16 =	spop (v2sf);
	v7 =	vld [tilespmem:s2+$0x3190];
	[tilespmem:s2+$0x3100] =	vst v5;
	v5 =	vmul.f32 v8, v0  }
0xf8: {  	s0 =	sadd.f32 s0, s4;
	s18 =	spop (v2sf);
	[tilespmem:s2+$0x3180] =	vst v6;
	v6 =	vmul.f32 v10, v1  }
0xf9: {  	s9 =	sadd.f32 s14, s13;
	v8 =	vld [tilespmem:s2+$0x3020];
	s19 =	spop (v2sf);
	[tilespmem:s2+$0x3010] =	vst v5;
	v5 =	vmul.f32 v9, v2  }
0xfa: {  	s12 =	sadd.f32 s16, s15;
	v10 =	vld [tilespmem:s2+$0x30A0];
	s20 =	spop (v2sf);
	[tilespmem:s2+$0x3090] =	vst v6;
	v6 =	vmul.f32 v11, v4  }
0xfb: {  	s24 =	sor.u32 $0x200, s1;
	s15 =	sadd.f32 s9, s7;
	s21 =	spop (v2sf);
	v9 =	vld [tilespmem:s2+$0x3120]  }
0xfc: {  	s25 =	sor.u32 $0x280, s3;
	s6 =	sadd.f32 s19, s18;
	v11 =	vld [tilespmem:s2+$0x31A0];
	s22 =	spop (v2sf);
	v7 =	vmul.f32 v7, v3;
	[tilespmem:s17+$0x3000] =	vst v6  }
0xfd: {  	s8 =	sadd.s32 $0x10, s1;
	v12 =	vld [tilespmem:s24+$0x3000];
	s11 =	sadd.f32 s21, s20;
	s23 =	spop (v2sf);
	[tilespmem:s2+$0x3110] =	vst v5;
	v5 =	vpop (erf)  }
0xfe: {  	s16 =	sor.u32 $0x200, s8;
	v8 =	vmul.f32 v8, v0;
	s13 =	sadd.f32 s23, s22;
	[tilespmem:s2+$0x3190] =	vst v7;
	v7 =	vld [tilespmem:s25+$0x3000];
	v6 =	vpop (erf)  }
0xff: {  	s6 =	sadd.f32 s6, s12;
	v10 =	vmul.f32 v10, v1;
	v13 =	vld [tilespmem:s16+$0x3000];
	v6 =	vadd.f32 $1.000000000e+00, v6  }
0x100: {  	[tilespmem:s2+$0x3020] =	vst v8;
	s17 =	sadd.f32 s13, s11;
	v8 =	vmul.f32 v9, v2  }
0x101: {  	s5 =	sadd.f32 s15, s0;
	[tilespmem:s2+$0x30A0] =	vst v10;
	(erf) = vrcp.f32 v6;
	v6 =	vmul.f32 v11, v3  }
0x102: {  	s0 =	sadd.s32 $0x20, s1;
	s6 =	sadd.f32 s17, s6;
	v9 =	vmul.f32 v12, v4;
	[tilespmem:s2+$0x3120] =	vst v8  }
0x103: {  	s18 =	sor.u32 $0x200, s0;
	[tilespmem:s2+$0x31A0] =	vst v6;
	v6 =	vmul.f32 v7, v5  }
0x104: {  	s20 =	sor.u32 $0x280, s1;
	s19 =	sadd.f32 s6, s5;
	[tilespmem:s24+$0x3000] =	vst v9;
	v8 =	vmul.f32 v13, v4;
	v7 =	vld [tilespmem:s18+$0x3000]  }
0x105: {  	s21 =	sor.u32 $0x300, s3;
	s22 =	simm.s32 $0x200;
	s23 =	simm.s32 $0x40;
	v9 =	vld [tilespmem:s20+$0x3000];
	[tilespmem:s25+$0x3000] =	vst v6  }
0x106: {  	s4 =	sand.u32 $0x7C00, s22;
	s24 =	sor.u32 $0x280, s8;
	[tilespmem:s16+$0x3000] =	vst v8;
	v6 =	vmov s19;
	s25 =	sand.u32 $0x40, s23;
	v8 =	vld [tilespmem:s21+$0x3000]  }
0x107: {  	v10 =	vld [tilespmem:s24+$0x3000];
	v6 =	vand.u32 $0x7FFFFFFF, v6;
	s4 =	sor.u32 s25, s4  }
0x108: {  	v11 =	vsub.f32 $0.0e+00, v6;
	v12 =	vld [tilespmem:s4+$0x3030]  }
0x109: {  	v13 =	vld [tilespmem:s4+$0x30B0];
	v7 =	vmul.f32 v7, v4  }
0x10a: {  	v9 =	vmul.f32 v9, v5;
	v14 =	vld [tilespmem:s4+$0x3130];
	v11 =	vmul.f32 $1.442695020e+00, v11;
	v6 =	vpop (erf)  }
0x10b: {  	[tilespmem:s18+$0x3000] =	vst v7;
	v7 =	vmul.f32 v8, v6;
	v8 =	vld [tilespmem:s4+$0x31B0]  }
0x10c: {  	[tilespmem:s20+$0x3000] =	vst v9;
	v9 =	vmul.f32 v10, v5;
	v10 =	vld [tilespmem:s4+$0x3000];
	v11 =	vbroadcast v11, $0x0  }
0x10d: {  	p0 =	por !p0, !p0;
	s5 =	simm.s32 $0x1;
	[tilespmem:s21+$0x3000] =	vst v7;
	v7 =	vmul.f32 v12, v0;
	v12 =	vld [tilespmem:s4+$0x3080]  }
0x10e: {  	s5 =	simm.s32 @!p0 $0x0;
	[tilespmem:s24+$0x3000] =	vst v9;
	v9 =	vmul.f32 v13, v1;
	(erf) = vpow2.f32 v11;
	v11 =	vld [tilespmem:s4+$0x3100]  }
0x10f: {  	s11 =	sshll.u32 s5, $0x6;
	v13 =	vld [tilespmem:s4+$0x3180];
	[tilespmem:s4+$0x3030] =	vst v7;
	v7 =	vmul.f32 v14, v2  }
0x110: {  	s7 =	sadd.s32 $0x200, s11;
	[tilespmem:s4+$0x30B0] =	vst v9;
	v9 =	vld [tilespmem:s4+$0x3010];
	v8 =	vmul.f32 v8, v3  }
0x111: {  	s2 =	sadd.s32 $0x30, s7;
	[tilespmem:s4+$0x3130] =	vst v7;
	v7 =	vmul.f32 v10, v0;
	v10 =	vld [tilespmem:s4+$0x3090]  }
0x112: {  	s12 =	sor.u32 $0x200, s2;
	[tilespmem:s4+$0x31B0] =	vst v8;
	v8 =	vmul.f32 v12, v1;
	v12 =	vld [tilespmem:s4+$0x3110]  }
0x113: {  	[tilespmem:s4+$0x3000] =	vst v7;
	v7 =	vmul.f32 v11, v2;
	v11 =	vld [tilespmem:s12+$0x3000]  }
0x114: {  	[tilespmem:s4+$0x3080] =	vst v8;
	v8 =	vmul.f32 v13, v3;
	v13 =	vld [tilespmem:s4+$0x3190]  }
0x115: {  	[tilespmem:s4+$0x3100] =	vst v7;
	v7 =	vmul.f32 v9, v0;
	v9 =	vld [tilespmem:s4+$0x3020]  }
0x116: {  	[tilespmem:s4+$0x3180] =	vst v8;
	v8 =	vmul.f32 v10, v1;
	v10 =	vld [tilespmem:s4+$0x30A0]  }
0x117: {  	v14 =	vpop (erf);
	[tilespmem:s4+$0x3010] =	vst v7;
	v7 =	vmul.f32 v12, v2;
	v12 =	vld [tilespmem:s4+$0x3120]  }
0x118: {  	s13 =	sor.u32 $0x200, s7;
	v14 =	vadd.f32 $1.000000000e+00, v14;
	[tilespmem:s4+$0x3090] =	vst v8;
	v8 =	vld [tilespmem:s4+$0x31A0];
	v11 =	vmul.f32 v11, v4  }
0x119: {  	s14 =	sor.u32 $0x280, s0;
	v15 =	vld [tilespmem:s13+$0x3000];
	[tilespmem:s4+$0x3110] =	vst v7;
	v7 =	vmul.f32 v13, v3  }
0x11a: {  	s11 =	sadd.s32 $0x10, s7;
	s15 =	sor.u32 $0x280, s2;
	(erf) = vrcp.f32 v14;
	v9 =	vmul.f32 v9, v0;
	[tilespmem:s12+$0x3000] =	vst v11;
	v11 =	vld [tilespmem:s14+$0x3000]  }
0x11b: {  	s18 =	sor.u32 $0x200, s11;
	[tilespmem:s4+$0x3190] =	vst v7;
	v7 =	vmul.f32 v10, v1;
	v10 =	vld [tilespmem:s15+$0x3000]  }
0x11c: {  	s19 =	sor.u32 $0x300, s1;
	v13 =	vld [tilespmem:s18+$0x3000];
	[tilespmem:s4+$0x3020] =	vst v9;
	v9 =	vmul.f32 v12, v2  }
0x11d: {  	s20 =	sor.u32 $0x300, s8;
	[tilespmem:s4+$0x30A0] =	vst v7;
	v7 =	vmul.f32 v8, v3;
	v8 =	vld [tilespmem:s19+$0x3000]  }
0x11e: {  	s21 =	sor.u32 $0x380, s3;
	s3 =	sadd.s32 $0x20, s7;
	v12 =	vmul.f32 v15, v4;
	[tilespmem:s4+$0x3120] =	vst v9;
	v9 =	vld [tilespmem:s20+$0x3000]  }
0x11f: {  	s16 =	sor.u32 $0x200, s3;
	v14 =	vld [tilespmem:s21+$0x3000];
	[tilespmem:s4+$0x31A0] =	vst v7;
	v7 =	vmul.f32 v11, v5  }
0x120: {  	s17 =	sor.u32 $0x280, s7;
	[tilespmem:s13+$0x3000] =	vst v12;
	v11 =	vld [tilespmem:s16+$0x3000];
	v10 =	vmul.f32 v10, v5  }
0x121: {  	s22 =	sor.u32 $0x300, s0;
	v12 =	vld [tilespmem:s17+$0x3000];
	v13 =	vmul.f32 v13, v4;
	[tilespmem:s14+$0x3000] =	vst v7  }
0x122: {  	s23 =	sor.u32 $0x300, s2;
	[tilespmem:s15+$0x3000] =	vst v10;
	v8 =	vmul.f32 v8, v6;
	v10 =	vld [tilespmem:s22+$0x3000]  }
0x123: {  	s24 =	sor.u32 $0x280, s11;
	v7 =	vpop (erf);
	[tilespmem:s18+$0x3000] =	vst v13;
	v13 =	vld [tilespmem:s23+$0x3000];
	v9 =	vmul.f32 v9, v6  }
0x124: {  	s1 =	sor.u32 $0x380, s1;
	s25 =	simm.s32 $0x400;
	s18 =	simm.s32 $0x80;
	v14 =	vmul.f32 v14, v7;
	v15 =	vld [tilespmem:s24+$0x3000];
	[tilespmem:s19+$0x3000] =	vst v8  }
0x125: {  	s8 =	sor.u32 $0x380, s8;
	s4 =	sand.u32 $0x7C00, s25;
	s12 =	sand.u32 $0x40, s18;
	v8 =	vmul.f32 v11, v4;
	v11 =	vld [tilespmem:s1+$0x3000];
	[tilespmem:s20+$0x3000] =	vst v9  }
0x126: {  	s4 =	sor.u32 s12, s4;
	v9 =	vmul.f32 v12, v5;
	[tilespmem:s21+$0x3000] =	vst v14;
	v12 =	vld [tilespmem:s8+$0x3000]  }
0x127: {  	v14 =	vld [tilespmem:s4+$0x3030];
	[tilespmem:s16+$0x3000] =	vst v8;
	v8 =	vmul.f32 v10, v6  }
0x128: {  	v10 =	vld [tilespmem:s4+$0x30B0];
	[tilespmem:s17+$0x3000] =	vst v9;
	v9 =	vmul.f32 v13, v6  }
0x129: {  	v13 =	vld [tilespmem:s4+$0x3130];
	v15 =	vmul.f32 v15, v5;
	[tilespmem:s22+$0x3000] =	vst v8  }
0x12a: {  	s2 =	sor.u32 $0x380, s2;
	v8 =	vld [tilespmem:s4+$0x31B0];
	[tilespmem:s23+$0x3000] =	vst v9;
	v9 =	vmul.f32 v11, v7  }
0x12b: {  	[tilespmem:s24+$0x3000] =	vst v15;
	v11 =	vld [tilespmem:s2+$0x3000];
	v12 =	vmul.f32 v12, v7  }
0x12c: {  	v15 =	vld [tilespmem:s4+$0x3000];
	v14 =	vmul.f32 v14, v0;
	[tilespmem:s1+$0x3000] =	vst v9  }
0x12d: {  	p0 =	por !p0, !p0;
	v9 =	vld [tilespmem:s4+$0x3080];
	v10 =	vmul.f32 v10, v1;
	s1 =	simm.s32 $0x1;
	[tilespmem:s8+$0x3000] =	vst v12  }
0x12e: {  	s1 =	simm.s32 @!p0 $0x0;
	v12 =	vld [tilespmem:s4+$0x3100];
	[tilespmem:s4+$0x3030] =	vst v14;
	v13 =	vmul.f32 v13, v2  }
0x12f: {  	v14 =	vld [tilespmem:s4+$0x3180];
	s1 =	sshll.u32 s1, $0x6;
	[tilespmem:s4+$0x30B0] =	vst v10;
	v8 =	vmul.f32 v8, v3  }
0x130: {  	v10 =	vld [tilespmem:s4+$0x3010];
	s15 =	sadd.s32 $0x400, s1;
	[tilespmem:s4+$0x3130] =	vst v13;
	v11 =	vmul.f32 v11, v7  }
0x131: {  	v13 =	vmul.f32 v15, v0;
	v15 =	vld [tilespmem:s4+$0x3090];
	[tilespmem:s4+$0x31B0] =	vst v8;
	s30 =	sadd.s32 $0x30, s15  }
0x132: {  	v8 =	vmul.f32 v9, v1;
	v9 =	vld [tilespmem:s4+$0x3110];
	s19 =	sor.u32 $0x200, s30;
	[tilespmem:s2+$0x3000] =	vst v11  }
0x133: {  	[tilespmem:s4+$0x3000] =	vst v13;
	v11 =	vmul.f32 v12, v2;
	v12 =	vld [tilespmem:s19+$0x3000]  }
0x134: {  	v13 =	vld [tilespmem:s4+$0x3190];
	[tilespmem:s4+$0x3080] =	vst v8;
	v8 =	vmul.f32 v14, v3  }
0x135: {  	v10 =	vmul.f32 v10, v0;
	[tilespmem:s4+$0x3100] =	vst v11;
	v11 =	vld [tilespmem:s4+$0x3020]  }
0x136: {  	v14 =	vld [tilespmem:s4+$0x30A0];
	[tilespmem:s4+$0x3180] =	vst v8;
	v8 =	vmul.f32 v15, v1  }
0x137: {  	[tilespmem:s4+$0x3010] =	vst v10;
	v10 =	vld [tilespmem:s4+$0x3120];
	v9 =	vmul.f32 v9, v2  }
0x138: {  	s20 =	sor.u32 $0x200, s15;
	[tilespmem:s4+$0x3090] =	vst v8;
	v8 =	vld [tilespmem:s4+$0x31A0];
	v12 =	vmul.f32 v12, v4  }
0x139: {  	s23 =	sor.u32 $0x280, s3;
	v15 =	vld [tilespmem:s20+$0x3000];
	[tilespmem:s4+$0x3110] =	vst v9;
	v9 =	vmul.f32 v13, v3  }
0x13a: {  	s24 =	sadd.s32 $0x10, s15;
	s25 =	sor.u32 $0x280, s30;
	v11 =	vmul.f32 v11, v0;
	[tilespmem:s19+$0x3000] =	vst v12;
	v12 =	vld [tilespmem:s23+$0x3000]  }
0x13b: {  	s18 =	sor.u32 $0x200, s24;
	[tilespmem:s4+$0x3190] =	vst v9;
	v9 =	vmul.f32 v14, v1;
	v13 =	vld [tilespmem:s25+$0x3000]  }
0x13c: {  	s21 =	sor.u32 $0x300, s7;
	v10 =	vmul.f32 v10, v2;
	v14 =	vld [tilespmem:s18+$0x3000];
	[tilespmem:s4+$0x3020] =	vst v11  }
0x13d: {  	s8 =	sor.u32 $0x300, s11;
	v11 =	vld [tilespmem:s21+$0x3000];
	[tilespmem:s4+$0x30A0] =	vst v9;
	v8 =	vmul.f32 v8, v3  }
0x13e: {  	s0 =	sor.u32 $0x380, s0;
	s22 =	sadd.s32 $0x20, s15;
	v9 =	vmul.f32 v15, v4;
	[tilespmem:s4+$0x3120] =	vst v10;
	v15 =	vld [tilespmem:s8+$0x3000]  }
0x13f: {  	s31 =	sor.u32 $0x380, s7;
	s1 =	sor.u32 $0x380, s11;
	s11 =	sor.u32 $0x200, s22;
	[tilespmem:s4+$0x31A0] =	vst v8;
	v8 =	vmul.f32 v12, v5;
	v12 =	vld [tilespmem:s0+$0x3000]  }
0x140: {  	s9 =	sor.u32 $0x300, s3;
	s7 =	simm.s32 $0x8;
	s5 =	sor.u32 $0x280, s15;
	[tilespmem:s20+$0x3000] =	vst v9;
	v10 =	vld [tilespmem:s11+$0x3000];
	v13 =	vmul.f32 v13, v5  }
0x141: {  	s3 =	sor.u32 $0x380, s3;
	s12 =	sor.u32 $0x300, s15;
	s16 =	sor.u32 $0x280, s24;
	v9 =	vld [tilespmem:s5+$0x3000];
	v14 =	vmul.f32 v14, v4;
	[tilespmem:s23+$0x3000] =	vst v8  }
0x142: {  	s13 =	sor.u32 $0x280, s22;
	s17 =	sor.u32 $0x300, s22;
	s19 =	sor.u32 $0x300, s30;
	v63 =	vmul.f32 v11, v6;
	[tilespmem:s25+$0x3000] =	vst v13;
	v8 =	vld [tilespmem:s9+$0x3000]  }
0x143: {  	s14 =	sor.u32 $0x380, s24;
	s6 =	sor.u32 $0x380, s22;
	s22 =	simm.s32 $0x600;
	[tilespmem:s18+$0x3000] =	vst v14;
	v11 =	vld [tilespmem:s19+$0x3000];
	v14 =	vmul.f32 v15, v6  }
0x144: {  	s2 =	sor.u32 $0x300, s24;
	s24 =	sor.u32 $0x380, s15;
	s23 =	simm.s32 $0xC0;
	[tilespmem:s21+$0x3000] =	vst v63;
	v13 =	vld [tilespmem:s16+$0x3000];
	v12 =	vmul.f32 v12, v7  }
.LBB2_7:
0x145: {  	s4 =	sand.u32 $0x40, s23;
	s15 =	sand.u32 $0x7C00, s22;
	v10 =	vmul.f32 v10, v4;
	v15 =	vld [tilespmem:s31+$0x3000];
	[tilespmem:s8+$0x3000] =	vst v14;
	s8 =	smov.u32 s2  }
0x146: {  	s15 =	sor.u32 s4, s15;
	v9 =	vmul.f32 v9, v5;
	v14 =	vld [tilespmem:s1+$0x3000];
	[tilespmem:s0+$0x3000] =	vst v12;
	s0 =	smov.u32 s3;
	s3 =	smov.u32 s6  }
0x147: {  	v12 =	vld [tilespmem:s15+$0x3030];
	[tilespmem:s11+$0x3000] =	vst v10;
	v8 =	vmul.f32 v8, v6  }
0x148: {  	v10 =	vld [tilespmem:s15+$0x30B0];
	[tilespmem:s5+$0x3000] =	vst v9;
	v9 =	vmul.f32 v11, v6  }
0x149: {  	s7 =	sadd.s32 $0x4, s7;
	v11 =	vld [tilespmem:s15+$0x3130];
	v13 =	vmul.f32 v13, v5;
	[tilespmem:s9+$0x3000] =	vst v8;
	s9 =	smov.u32 s17  }
0x14a: {  	s2 =	sor.u32 $0x380, s30;
	p1 =	slt.u32 s7, $0xFC;
	v8 =	vld [tilespmem:s15+$0x31B0];
	[tilespmem:s19+$0x3000] =	vst v9;
	v9 =	vmul.f32 v15, v7  }
0x14b: {  	[tilespmem:s16+$0x3000] =	vst v13;
	v13 =	vld [tilespmem:s2+$0x3000];
	v14 =	vmul.f32 v14, v7  }
0x14c: {  	v15 =	vld [tilespmem:s15+$0x3000];
	v12 =	vmul.f32 v12, v0;
	[tilespmem:s31+$0x3000] =	vst v9;
	s31 =	smov.u32 s24  }
0x14d: {  	p0 =	por !p0, !p0;
	s4 =	simm.s32 $0x1;
	v9 =	vld [tilespmem:s15+$0x3080];
	v10 =	vmul.f32 v10, v1;
	[tilespmem:s1+$0x3000] =	vst v14;
	s1 =	smov.u32 s14  }
0x14e: {  	s4 =	simm.s32 @!p0 $0x0;
	v14 =	vld [tilespmem:s15+$0x3100];
	[tilespmem:s15+$0x3030] =	vst v12;
	v11 =	vmul.f32 v11, v2  }
0x14f: {  	s4 =	sshll.u32 s4, $0x6;
	v12 =	vld [tilespmem:s15+$0x3180];
	[tilespmem:s15+$0x30B0] =	vst v10;
	v8 =	vmul.f32 v8, v3  }
0x150: {  	s19 =	sadd.s32 s4, s22;
	v10 =	vld [tilespmem:s15+$0x3010];
	[tilespmem:s15+$0x3130] =	vst v11;
	v11 =	vmul.f32 v13, v7  }
0x151: {  	s6 =	sadd.s32 $0x10, s19;
	s30 =	sadd.s32 $0x30, s19;
	s24 =	sadd.s32 $0x20, s19;
	v13 =	vmul.f32 v15, v0;
	v15 =	vld [tilespmem:s15+$0x3090];
	[tilespmem:s15+$0x31B0] =	vst v8  }
0x152: {  	s4 =	sor.u32 $0x200, s6;
	s20 =	sor.u32 $0x200, s30;
	s11 =	sor.u32 $0x200, s24;
	v8 =	vmul.f32 v9, v1;
	v9 =	vld [tilespmem:s15+$0x3110];
	[tilespmem:s2+$0x3000] =	vst v11  }
0x153: {  	s25 =	sor.u32 $0x200, s19;
	s16 =	sor.u32 $0x280, s6;
	s18 =	sor.u32 $0x280, s24;
	[tilespmem:s15+$0x3000] =	vst v13;
	v11 =	vmul.f32 v14, v2;
	v13 =	vld [tilespmem:s20+$0x3000]  }
0x154: {  	s5 =	sor.u32 $0x280, s19;
	s17 =	sor.u32 $0x300, s24;
	s2 =	sor.u32 $0x300, s6;
	[tilespmem:s15+$0x3080] =	vst v8;
	v8 =	vmul.f32 v12, v3;
	v12 =	vld [tilespmem:s15+$0x3190]  }
0x155: {  	s21 =	sor.u32 $0x300, s19;
	s14 =	sor.u32 $0x380, s6;
	s6 =	sor.u32 $0x380, s24;
	[tilespmem:s15+$0x3100] =	vst v11;
	v10 =	vmul.f32 v10, v0;
	v11 =	vld [tilespmem:s15+$0x3020]  }
0x156: {  	s24 =	sor.u32 $0x380, s19;
	[tilespmem:s15+$0x3180] =	vst v8;
	v8 =	vmul.f32 v15, v1;
	v14 =	vld [tilespmem:s15+$0x30A0]  }
0x157: {  	[tilespmem:s15+$0x3010] =	vst v10;
	v9 =	vmul.f32 v9, v2;
	v10 =	vld [tilespmem:s15+$0x3120]  }
0x158: {  	[tilespmem:s15+$0x3090] =	vst v8;
	v8 =	vld [tilespmem:s15+$0x31A0];
	v13 =	vmul.f32 v13, v4  }
0x159: {  	v15 =	vld [tilespmem:s25+$0x3000];
	[tilespmem:s15+$0x3110] =	vst v9;
	v9 =	vmul.f32 v12, v3  }
0x15a: {  	s19 =	sor.u32 $0x280, s30;
	v11 =	vmul.f32 v11, v0;
	[tilespmem:s20+$0x3000] =	vst v13;
	v12 =	vld [tilespmem:s13+$0x3000]  }
0x15b: {  	[tilespmem:s15+$0x3190] =	vst v9;
	v9 =	vmul.f32 v14, v1;
	v13 =	vld [tilespmem:s19+$0x3000]  }
0x15c: {  	v14 =	vld [tilespmem:s4+$0x3000];
	[tilespmem:s15+$0x3020] =	vst v11;
	v10 =	vmul.f32 v10, v2  }
0x15d: {  	[tilespmem:s15+$0x30A0] =	vst v9;
	v8 =	vmul.f32 v8, v3;
	v11 =	vld [tilespmem:s12+$0x3000]  }
0x15e: {  	v9 =	vmul.f32 v15, v4;
	[tilespmem:s15+$0x3120] =	vst v10;
	v15 =	vld [tilespmem:s8+$0x3000]  }
0x15f: {  	[tilespmem:s15+$0x31A0] =	vst v8;
	v8 =	vmul.f32 v12, v5;
	v12 =	vld [tilespmem:s0+$0x3000]  }
.Ltmp2:
0x160: {  	[tilespmem:s25+$0x3000] =	vst v9;
	v10 =	vld [tilespmem:s11+$0x3000];
	v13 =	vmul.f32 v13, v5;
	(pc) =	sbr.rel @p1 .LBB2_7-.Ltmp2, $4  }
0x161: {  	v9 =	vld [tilespmem:s5+$0x3000];
	v14 =	vmul.f32 v14, v4;
	[tilespmem:s13+$0x3000] =	vst v8;
	s13 =	smov.u32 s18  }
0x162: {  	[tilespmem:s19+$0x3000] =	vst v13;
	s19 =	sor.u32 $0x300, s30;
	v16 =	vmul.f32 v11, v6;
	v8 =	vld [tilespmem:s9+$0x3000]  }
0x163: {  	[tilespmem:s4+$0x3000] =	vst v14;
	v11 =	vld [tilespmem:s19+$0x3000];
	v14 =	vmul.f32 v15, v6  }
0x164: {  	s23 =	sadd.s32 $0x40, s23;
	s22 =	sadd.s32 $0x200, s22;
	v13 =	vld [tilespmem:s16+$0x3000];
	[tilespmem:s12+$0x3000] =	vst v16;
	v12 =	vmul.f32 v12, v7;
	s12 =	smov.u32 s21  }
0x165: {  	v0 =	vmul.f32 v10, v4;
	_ =	sdelay $0x1  }
0x166: {  	[tilespmem:s11+$0x3000] =	vst v0  }
0x167: {  	v0 =	vld [tilespmem:s13+$0x3000];
	_ =	sdelay $0x1  }
0x168: {  	v1 =	vmul.f32 v9, v5;
	_ =	sdelay $0x1  }
0x169: {  	[tilespmem:s5+$0x3000] =	vst v1;
	v2 =	vmul.f32 v13, v5  }
0x16a: {  	v1 =	vld [tilespmem:s12+$0x3000];
	v0 =	vmul.f32 v0, v5  }
0x16b: {  	[tilespmem:s16+$0x3000] =	vst v2  }
0x16c: {  	[tilespmem:s13+$0x3000] =	vst v0;
	v0 =	vld [tilespmem:s2+$0x3000]  }
0x16d: {  	v3 =	vmul.f32 v11, v6  }
0x16e: {  	[tilespmem:s8+$0x3000] =	vst v14;
	v5 =	vmul.f32 v8, v6;
	v2 =	vld [tilespmem:s17+$0x3000]  }
0x16f: {  	[tilespmem:s19+$0x3000] =	vst v3;
	v3 =	vld [tilespmem:s1+$0x3000];
	v1 =	vmul.f32 v1, v6  }
0x170: {  	v4 =	vld [tilespmem:s31+$0x3000];
	[tilespmem:s9+$0x3000] =	vst v5  }
0x171: {  	s4 =	sor.u32 $0x380, s30;
	[tilespmem:s12+$0x3000] =	vst v1;
	v1 =	vld [tilespmem:s3+$0x3000];
	v0 =	vmul.f32 v0, v6  }
0x172: {  	v5 =	vld [tilespmem:s4+$0x3000]  }
0x173: {  	v2 =	vmul.f32 v2, v6;
	[tilespmem:s2+$0x3000] =	vst v0;
	v0 =	vld [tilespmem:s24+$0x3000]  }
0x174: {  	[tilespmem:s0+$0x3000] =	vst v12;
	v3 =	vmul.f32 v3, v7  }
0x175: {  	[tilespmem:s17+$0x3000] =	vst v2;
	v2 =	vmul.f32 v4, v7  }
0x176: {  	[tilespmem:s1+$0x3000] =	vst v3;
	v1 =	vmul.f32 v1, v7;
	v4 =	vld [tilespmem:s14+$0x3000]  }
0x177: {  	v6 =	vld [tilespmem:s6+$0x3000];
	[tilespmem:s31+$0x3000] =	vst v2;
	v2 =	vmul.f32 v5, v7  }
0x178: {  	[tilespmem:s3+$0x3000] =	vst v1;
	v0 =	vmul.f32 v0, v7  }
0x179: {  	[tilespmem:s4+$0x3000] =	vst v2  }
0x17a: {  	s30 =	smul.u32 $0x18, s26;
	[tilespmem:s24+$0x3000] =	vst v0  }
0x17b: {  	v1 =	vmul.f32 v4, v7;
	s0 =	rddreg [dreg:$0x4]  }
0x17c: {  	v0 =	vmul.f32 v6, v7;
	s0 =	sadd.s32 s0, s30  }
0x17d: {  	s18 =	rddreg [dreg:$0x2];
	s20 =	sadd.s32 $0xFFFFFFFF, s29;
	[tilespmem:s14+$0x3000] =	vst v1;
	s0 =	sshll.u32 s0, $0x9  }
0x17e: {  	p0 =	sgt.u32 s20, $0x3C;
	s19 =	simm.s32 $0x3000;
	[tilespmem:s6+$0x3000] =	vst v0;
	s0 =	sadd.s32 s18, s0  }
0x17f: {  	[hbm4b:s0+s10] =	stream.linear.scatter [tilespmem:s19], [sflag:$0x4], $0x8000, $0x38;
	[tilespmem:$0x1B000] =	vst v63  }
0x180: {  	s0 =	simm.s32 @!p0 $0x6  }
0x181: {  	_ =	swait.ge @!p0 [sflag:s0], $0x8000  }
0x182: {  	s29 =	sadd.s32 $0x2, s29;
	[sflag:s0] =	ssyncset.done @!p0 $0x0  }
0x183: {  	s1 =	sadd.s32 @!p0 s28, s29;
	[sflag:s0] =	ssyncadd.s32 @!p0 $0xFFFF8000  }
0x184: {  	s0 =	sshll.u32 @!p0 s1, $0xC;
	s1 =	rddreg [dreg:$0x0]  }
0x185: {  	s2 =	simm.s32 @!p0 $0x13000;
	s0 =	sadd.s32 @!p0 s1, s0;
	s1 =	simm.s32 @!p0 $0x0  }
0x186: {  	[tilespmem:s2], [sflag:$0x3] =	stream.linear.gather @!p0 [hbm4b:s0+s1], $0x8000, $0x38;
	[tilespmem:$0x1B000] =	vst v63  }
0x187: {  	s21 =	simm.s32 $0x2;
	s0 =	simm.s32 $0x0  }
0x188: {  	_ =	swait.ge [sflag:s21], $0x8000;
	s22 =	sand.u32 $0x7, s0  }
0x189: {  	[sflag:s21] =	ssyncset.done $0x0;
	s1 =	sshll.u32 s22, $0x4  }
0x18a: {  	s2 =	simm.s32 $0x2000;
	[sflag:s21] =	ssyncadd.s32 $0xFFFF8000;
	s1 =	sadd.s32 $0x0, s1  }
0x18b: {  	s23 =	sand.u32 $0x70, s0;
	s24 =	sand.u32 $0x7C00, s0;
	v1 =	vld [tilespmem:s2+$0x0];
	s1 =	sor.u32 $0x380, s1  }
0x18c: {  	v0 =	vld [tilespmem:s1+$0xB000];
	s1 =	sor.u32 s23, s24  }
0x18d: {  	v15 =	vld [tilespmem:s1+$0xB000]  }
0x18e: {  	v14 =	vld [tilespmem:s1+$0xB080]  }
0x18f: {  	v10 =	vimm.f32 $0.0e+00;
	v12 =	vimm.f32 $0.0e+00;
	v13 =	vimm.f32 $0.0e+00;
	v11 =	vld [tilespmem:s1+$0xB100]  }
0x190: {  	s25 =	simm.s32 $0x10;
	v8 =	vimm.f32 $0.0e+00;
	v3 =	vimm.f32 $0.0e+00;
	s3 =	simm.s32 $0x1;
	v2 =	vimm.f32 $0.0e+00;
	v9 =	vld [tilespmem:s1+$0xB180]  }
0x191: {  	s5 =	sand.u32 $0x70, s25;
	s31 =	sand.u32 $0x7, s3;
	s4 =	simm.s32 $0x20;
	v6 =	vimm.f32 $0.0e+00;
	v7 =	vld [tilespmem:s1+$0xB200];
	v4 =	vmul.f32 v0, v1;
	v0 =	vimm.f32 $0.0e+00  }
.LBB2_9:
0x192: {  	p0 =	sne.s32 s4, $0xFF0;
	s6 =	sshll.u32 s31, $0x4;
	v5 =	vmul.f32 v15, v1;
	v16 =	vld [tilespmem:s1+$0xB280];
	s0 =	sadd.s32 $0x80, s0  }
0x193: {  	s2 =	sadd.s32 $0x10, s2;
	s6 =	sadd.s32 s6, s0;
	s7 =	sand.u32 $0x7C00, s0;
	v14 =	vmul.f32 v14, v1;
	v17 =	vld [tilespmem:s1+$0xB300];
	v3 =	vadd.f32 v4, v3  }
0x194: {  	v4 =	vld [tilespmem:s2+$0x0];
	s1 =	sor.u32 s5, s7;
	s5 =	sor.u32 $0x380, s6;
	v13 =	vadd.f32 v5, v13;
	v5 =	vmul.f32 v11, v1  }
0x195: {  	v18 =	vld [tilespmem:s5+$0xB000];
	v12 =	vadd.f32 v14, v12;
	v9 =	vmul.f32 v9, v1  }
.Ltmp3:
0x196: {  	v15 =	vld [tilespmem:s1+$0xB000];
	v10 =	vadd.f32 v5, v10;
	v5 =	vmul.f32 v7, v1;
	(pc) =	sbr.rel @p0 .LBB2_9-.Ltmp3, $4  }
0x197: {  	v14 =	vld [tilespmem:s1+$0xB080];
	v8 =	vadd.f32 v9, v8;
	v7 =	vmul.f32 v16, v1  }
0x198: {  	v11 =	vld [tilespmem:s1+$0xB100];
	v6 =	vadd.f32 v5, v6;
	v5 =	vmul.f32 v17, v1  }
0x199: {  	s3 =	sadd.s32 $0x1, s3;
	v9 =	vld [tilespmem:s1+$0xB180];
	v0 =	vadd.f32 v7, v0;
	v1 =	vmov v4  }
0x19a: {  	s31 =	sand.u32 $0x7, s3;
	s5 =	sand.u32 $0x70, s4;
	s4 =	sadd.s32 $0x10, s4;
	v7 =	vld [tilespmem:s1+$0xB200];
	v4 =	vmul.f32 v18, v1;
	v2 =	vadd.f32 v5, v2  }
0x19b: {  	s0 =	sadd.s32 $0x80, s0  }
0x19c: {  	s2 =	sadd.s32 $0x10, s2;
	s3 =	sand.u32 $0x7C00, s0  }
0x19d: {  	v5 =	vld [tilespmem:s2+$0x0];
	s3 =	sor.u32 s5, s3  }
0x19e: {  	v16 =	vld [tilespmem:s3+$0xB000];
	_ =	sdelay $0x2  }
0x19f: {  	v15 =	vmul.f32 v15, v1;
	_ =	sdelay $0x1  }
0x1a0: {  	v13 =	vadd.f32 v15, v13;
	v15 =	vmul.f32 v16, v5;
	_ =	sdelay $0x1  }
0x1a1: {  	v13 =	vadd.f32 v15, v13;
	_ =	sdelay $0x1  }
0x1a2: {  	(v2sf) =	vpush v13, $0x0  }
0x1a3: {  	(v2sf) =	vpush v13, $0x1  }
0x1a4: {  	(v2sf) =	vpush v13, $0x2  }
0x1a5: {  	(v2sf) =	vpush v13, $0x3  }
0x1a6: {  	(v2sf) =	vpush v13, $0x4  }
0x1a7: {  	(v2sf) =	vpush v13, $0x5  }
0x1a8: {  	(v2sf) =	vpush v13, $0x6  }
0x1a9: {  	v15 =	vld [tilespmem:s3+$0xB080];
	(v2sf) =	vpush v13, $0x7  }
0x1aa: {  	(v2sf) =	vpush v13, $0x8  }
0x1ab: {  	(v2sf) =	vpush v13, $0x9  }
0x1ac: {  	v14 =	vmul.f32 v14, v1;
	(v2sf) =	vpush v13, $0xA  }
0x1ad: {  	(v2sf) =	vpush v13, $0xB  }
0x1ae: {  	v12 =	vadd.f32 v14, v12;
	v14 =	vmul.f32 v15, v5;
	(v2sf) =	vpush v13, $0xC  }
0x1af: {  	(v2sf) =	vpush v13, $0xD  }
0x1b0: {  	v12 =	vadd.f32 v14, v12;
	(v2sf) =	vpush v13, $0xE  }
0x1b1: {  	s21 =	spop (v2sf);
	(v2sf) =	vpush v13, $0xF  }
0x1b2: {  	s4 =	spop (v2sf);
	(v2sf) =	vpush v12, $0x0  }
0x1b3: {  	s22 =	spop (v2sf);
	(v2sf) =	vpush v12, $0x1  }
0x1b4: {  	s6 =	spop (v2sf);
	(v2sf) =	vpush v12, $0x2  }
0x1b5: {  	s7 =	spop (v2sf);
	(v2sf) =	vpush v12, $0x3  }
0x1b6: {  	s8 =	spop (v2sf);
	(v2sf) =	vpush v12, $0x4  }
0x1b7: {  	s9 =	spop (v2sf);
	(v2sf) =	vpush v12, $0x5  }
0x1b8: {  	s11 =	spop (v2sf);
	(v2sf) =	vpush v12, $0x6  }
0x1b9: {  	v13 =	vld [tilespmem:s3+$0xB100];
	s12 =	spop (v2sf);
	(v2sf) =	vpush v12, $0x7  }
0x1ba: {  	s13 =	spop (v2sf);
	(v2sf) =	vpush v12, $0x8  }
0x1bb: {  	s14 =	spop (v2sf);
	(v2sf) =	vpush v12, $0x9  }
0x1bc: {  	v11 =	vmul.f32 v11, v1;
	s15 =	spop (v2sf);
	(v2sf) =	vpush v12, $0xA  }
0x1bd: {  	s23 =	spop (v2sf);
	(v2sf) =	vpush v12, $0xB  }
0x1be: {  	v10 =	vadd.f32 v11, v10;
	v11 =	vmul.f32 v13, v5;
	s24 =	spop (v2sf);
	(v2sf) =	vpush v12, $0xC  }
0x1bf: {  	s2 =	sadd.f32 s4, s21;
	s25 =	spop (v2sf);
	(v2sf) =	vpush v12, $0xD  }
0x1c0: {  	s5 =	sadd.f32 s6, s22;
	v10 =	vadd.f32 v11, v10;
	s10 =	spop (v2sf);
	(v2sf) =	vpush v12, $0xE  }
0x1c1: {  	s14 =	sadd.f32 s15, s14;
	s15 =	spop (v2sf);
	(v2sf) =	vpush v12, $0xF  }
0x1c2: {  	s7 =	sadd.f32 s8, s7;
	s18 =	spop (v2sf);
	(v2sf) =	vpush v10, $0x0  }
0x1c3: {  	s2 =	sadd.f32 s5, s2;
	s19 =	spop (v2sf);
	(v2sf) =	vpush v10, $0x1  }
0x1c4: {  	s9 =	sadd.f32 s11, s9;
	s20 =	spop (v2sf);
	(v2sf) =	vpush v10, $0x2  }
0x1c5: {  	s12 =	sadd.f32 s13, s12;
	s21 =	spop (v2sf);
	(v2sf) =	vpush v10, $0x3  }
0x1c6: {  	s7 =	sadd.f32 s9, s7;
	s22 =	spop (v2sf);
	(v2sf) =	vpush v10, $0x4  }
0x1c7: {  	s4 =	sadd.f32 s24, s23;
	s23 =	spop (v2sf);
	(v2sf) =	vpush v10, $0x5  }
0x1c8: {  	s2 =	sadd.f32 s7, s2;
	s24 =	spop (v2sf);
	(v2sf) =	vpush v10, $0x6  }
0x1c9: {  	v11 =	vld [tilespmem:s3+$0xB180];
	s8 =	sadd.f32 s10, s25;
	s25 =	spop (v2sf);
	(v2sf) =	vpush v10, $0x7  }
0x1ca: {  	s12 =	sadd.f32 s14, s12;
	s10 =	spop (v2sf);
	(v2sf) =	vpush v10, $0x8  }
0x1cb: {  	s4 =	sadd.f32 s8, s4;
	s17 =	spop (v2sf);
	(v2sf) =	vpush v10, $0x9  }
0x1cc: {  	v9 =	vmul.f32 v9, v1;
	s6 =	sadd.f32 s18, s15;
	s16 =	spop (v2sf);
	(v2sf) =	vpush v10, $0xA  }
0x1cd: {  	s4 =	sadd.f32 s4, s12;
	s18 =	spop (v2sf);
	(v2sf) =	vpush v10, $0xB  }
0x1ce: {  	v8 =	vadd.f32 v9, v8;
	v9 =	vmul.f32 v11, v5;
	s5 =	sadd.f32 s20, s19;
	s19 =	spop (v2sf);
	(v2sf) =	vpush v10, $0xC  }
0x1cf: {  	s2 =	sadd.f32 s4, s2;
	s20 =	spop (v2sf);
	(v2sf) =	vpush v10, $0xD  }
0x1d0: {  	v8 =	vadd.f32 v9, v8;
	s9 =	sadd.f32 s22, s21;
	s21 =	spop (v2sf);
	(v2sf) =	vpush v10, $0xE  }
0x1d1: {  	s5 =	sadd.f32 s5, s6;
	s22 =	spop (v2sf);
	(v2sf) =	vpush v10, $0xF  }
0x1d2: {  	s7 =	sadd.f32 s24, s23;
	s23 =	spop (v2sf);
	(v2sf) =	vpush v8, $0x0  }
0x1d3: {  	s12 =	sadd.f32 s10, s25;
	s24 =	spop (v2sf);
	(v2sf) =	vpush v8, $0x1  }
0x1d4: {  	s7 =	sadd.f32 s7, s9;
	s25 =	spop (v2sf);
	(v2sf) =	vpush v8, $0x2  }
0x1d5: {  	s4 =	sadd.f32 s16, s17;
	s10 =	spop (v2sf);
	(v2sf) =	vpush v8, $0x3  }
0x1d6: {  	s5 =	sadd.f32 s7, s5;
	s16 =	spop (v2sf);
	(v2sf) =	vpush v8, $0x4  }
0x1d7: {  	s11 =	sadd.f32 s19, s18;
	s17 =	spop (v2sf);
	(v2sf) =	vpush v8, $0x5  }
0x1d8: {  	s8 =	sadd.f32 s21, s20;
	s18 =	spop (v2sf);
	(v2sf) =	vpush v8, $0x6  }
0x1d9: {  	v9 =	vld [tilespmem:s3+$0xB200];
	s4 =	sadd.f32 s4, s12;
	s19 =	spop (v2sf);
	(v2sf) =	vpush v8, $0x7  }
0x1da: {  	s8 =	sadd.f32 s8, s11;
	s20 =	spop (v2sf);
	(v2sf) =	vpush v8, $0x8  }
0x1db: {  	v7 =	vmul.f32 v7, v1;
	s14 =	sadd.f32 s23, s22;
	s21 =	spop (v2sf);
	(v2sf) =	vpush v8, $0x9  }
0x1dc: {  	s4 =	sadd.f32 s8, s4;
	s22 =	spop (v2sf);
	(v2sf) =	vpush v8, $0xA  }
0x1dd: {  	v6 =	vadd.f32 v7, v6;
	v7 =	vmov s2;
	s6 =	sadd.f32 s25, s24;
	s23 =	spop (v2sf);
	(v2sf) =	vpush v8, $0xB  }
0x1de: {  	v9 =	vmul.f32 v9, v5;
	v7 =	vand.u32 $0x7FFFFFFF, v7;
	s9 =	sadd.f32 s16, s10;
	s24 =	spop (v2sf);
	(v2sf) =	vpush v8, $0xC  }
0x1df: {  	v7 =	vsub.f32 $0.0e+00, v7;
	s6 =	sadd.f32 s6, s14;
	s25 =	spop (v2sf);
	(v2sf) =	vpush v8, $0xD  }
0x1e0: {  	v6 =	vadd.f32 v9, v6;
	s4 =	sadd.f32 s4, s5;
	s10 =	spop (v2sf);
	(v2sf) =	vpush v8, $0xE  }
0x1e1: {  	v7 =	vmul.f32 $1.442695020e+00, v7;
	s7 =	sadd.f32 s18, s17;
	s15 =	spop (v2sf);
	(v2sf) =	vpush v8, $0xF  }
0x1e2: {  	s8 =	sadd.f32 s20, s19;
	s16 =	spop (v2sf);
	(v2sf) =	vpush v6, $0x0  }
0x1e3: {  	v7 =	vbroadcast v7, $0x0;
	s7 =	sadd.f32 s7, s9;
	s17 =	spop (v2sf);
	(v2sf) =	vpush v6, $0x1  }
0x1e4: {  	s13 =	sadd.f32 s22, s21;
	s18 =	spop (v2sf);
	(v2sf) =	vpush v6, $0x2  }
0x1e5: {  	(erf) = vpow2.f32 v7;
	s6 =	sadd.f32 s7, s6;
	s19 =	spop (v2sf);
	(v2sf) =	vpush v6, $0x3  }
0x1e6: {  	v7 =	vld [tilespmem:s1+$0xB280];
	s2 =	sadd.f32 s24, s23;
	s20 =	spop (v2sf);
	(v2sf) =	vpush v6, $0x4  }
0x1e7: {  	s12 =	sadd.f32 s10, s25;
	s21 =	spop (v2sf);
	(v2sf) =	vpush v6, $0x5  }
0x1e8: {  	s8 =	sadd.f32 s13, s8;
	s22 =	spop (v2sf);
	(v2sf) =	vpush v6, $0x6  }
0x1e9: {  	v8 =	vld [tilespmem:s3+$0xB280];
	s2 =	sadd.f32 s12, s2;
	s23 =	spop (v2sf);
	(v2sf) =	vpush v6, $0x7  }
0x1ea: {  	v9 =	vmov s4;
	s12 =	sadd.f32 s16, s15;
	s24 =	spop (v2sf);
	(v2sf) =	vpush v6, $0x8  }
0x1eb: {  	v7 =	vmul.f32 v7, v1;
	v9 =	vand.u32 $0x7FFFFFFF, v9;
	s2 =	sadd.f32 s2, s8;
	s25 =	spop (v2sf);
	(v2sf) =	vpush v6, $0x9  }
0x1ec: {  	v9 =	vsub.f32 $0.0e+00, v9;
	s9 =	sadd.f32 s18, s17;
	s10 =	spop (v2sf);
	(v2sf) =	vpush v6, $0xA  }
0x1ed: {  	v0 =	vadd.f32 v7, v0;
	s2 =	sadd.f32 s2, s6;
	s15 =	spop (v2sf);
	(v2sf) =	vpush v6, $0xB  }
0x1ee: {  	v9 =	vmul.f32 $1.442695020e+00, v9;
	v7 =	vmul.f32 v8, v5;
	v8 =	vpop (erf);
	s7 =	sadd.f32 s20, s19;
	s16 =	spop (v2sf);
	(v2sf) =	vpush v6, $0xC  }
0x1ef: {  	v8 =	vadd.f32 $1.000000000e+00, v8;
	s9 =	sadd.f32 s9, s12;
	s17 =	spop (v2sf);
	(v2sf) =	vpush v6, $0xD  }
0x1f0: {  	v7 =	vadd.f32 v7, v0;
	v0 =	vbroadcast v9, $0x0;
	s5 =	sadd.f32 s22, s21;
	s18 =	spop (v2sf);
	(v2sf) =	vpush v6, $0xE  }
0x1f1: {  	(erf) = vrcp.f32 v8;
	s4 =	sadd.f32 s24, s23;
	s19 =	spop (v2sf);
	(v2sf) =	vpush v6, $0xF  }
0x1f2: {  	(erf) = vpow2.f32 v0;
	s5 =	sadd.f32 s5, s7;
	s20 =	spop (v2sf);
	(v2sf) =	vpush v7, $0x0  }
0x1f3: {  	s13 =	sadd.f32 s10, s25;
	s21 =	spop (v2sf);
	(v2sf) =	vpush v7, $0x1  }
0x1f4: {  	s24 =	sadd.f32 s5, s9;
	s22 =	spop (v2sf);
	(v2sf) =	vpush v7, $0x2  }
0x1f5: {  	s8 =	sadd.f32 s16, s15;
	s23 =	spop (v2sf);
	(v2sf) =	vpush v7, $0x3  }
0x1f6: {  	v0 =	vmov s2;
	s6 =	sadd.f32 s18, s17;
	v6 =	vld [tilespmem:s1+$0xB300];
	s25 =	spop (v2sf);
	(v2sf) =	vpush v7, $0x4  }
0x1f7: {  	v0 =	vand.u32 $0x7FFFFFFF, v0;
	s4 =	sadd.f32 s13, s4;
	s9 =	spop (v2sf);
	(v2sf) =	vpush v7, $0x5  }
0x1f8: {  	s6 =	sadd.f32 s6, s8;
	s10 =	spop (v2sf);
	(v2sf) =	vpush v7, $0x6  }
0x1f9: {  	v8 =	vld [tilespmem:s3+$0xB300];
	v9 =	vsub.f32 $0.0e+00, v0;
	s16 =	sadd.f32 s20, s19;
	s14 =	spop (v2sf);
	(v2sf) =	vpush v7, $0x7  }
0x1fa: {  	v0 =	vpop (erf);
	s6 =	sadd.f32 s6, s4;
	s15 =	spop (v2sf);
	(v2sf) =	vpush v7, $0x8  }
0x1fb: {  	v9 =	vmul.f32 $1.442695020e+00, v9;
	s7 =	sadd.f32 s22, s21;
	v1 =	vmul.f32 v6, v1;
	v6 =	vpop (erf);
	s17 =	spop (v2sf);
	(v2sf) =	vpush v7, $0x9  }
0x1fc: {  	s1 =	sadd.f32 s6, s24;
	v6 =	vadd.f32 $1.000000000e+00, v6;
	s18 =	spop (v2sf);
	(v2sf) =	vpush v7, $0xA  }
0x1fd: {  	s5 =	sadd.f32 s25, s23;
	v1 =	vadd.f32 v1, v2;
	v2 =	vbroadcast v9, $0x0;
	s19 =	spop (v2sf);
	(v2sf) =	vpush v7, $0xB  }
0x1fe: {  	v8 =	vmul.f32 v8, v5;
	s7 =	sadd.f32 s7, s16;
	(erf) = vrcp.f32 v6;
	s20 =	spop (v2sf);
	(v2sf) =	vpush v7, $0xC  }
0x1ff: {  	s4 =	sadd.f32 s10, s9;
	(erf) = vpow2.f32 v2;
	s21 =	spop (v2sf);
	(v2sf) =	vpush v7, $0xD  }
0x200: {  	v2 =	vadd.f32 v8, v1;
	s2 =	sadd.f32 s15, s14;
	s22 =	spop (v2sf);
	(v2sf) =	vpush v7, $0xE  }
0x201: {  	s4 =	sadd.f32 s4, s5;
	s23 =	spop (v2sf);
	(v2sf) =	vpush v7, $0xF  }
0x202: {  	s11 =	sadd.f32 s18, s17;
	s24 =	spop (v2sf);
	(v2sf) =	vpush v2, $0x0  }
0x203: {  	v1 =	vmov s1;
	s6 =	sadd.f32 s20, s19;
	s25 =	spop (v2sf);
	(v2sf) =	vpush v2, $0x1  }
0x204: {  	v1 =	vand.u32 $0x7FFFFFFF, v1;
	s2 =	sadd.f32 s11, s2;
	s10 =	spop (v2sf);
	(v2sf) =	vpush v2, $0x2  }
0x205: {  	s3 =	sadd.f32 s22, s21;
	s11 =	spop (v2sf);
	(v2sf) =	vpush v2, $0x3  }
0x206: {  	v6 =	vsub.f32 $0.0e+00, v1;
	s4 =	sadd.f32 s4, s7;
	s12 =	spop (v2sf);
	(v2sf) =	vpush v2, $0x4  }
0x207: {  	v1 =	vpop (erf);
	s3 =	sadd.f32 s3, s6;
	s13 =	spop (v2sf);
	(v2sf) =	vpush v2, $0x5  }
0x208: {  	v6 =	vmul.f32 $1.442695020e+00, v6;
	v7 =	vpop (erf);
	s8 =	sadd.f32 s24, s23;
	s14 =	spop (v2sf);
	(v2sf) =	vpush v2, $0x6  }
0x209: {  	v7 =	vadd.f32 $1.000000000e+00, v7;
	s1 =	sadd.f32 s3, s2;
	s15 =	spop (v2sf);
	(v2sf) =	vpush v2, $0x7  }
0x20a: {  	v6 =	vbroadcast v6, $0x0;
	s2 =	sadd.f32 s10, s25;
	s16 =	spop (v2sf);
	(v2sf) =	vpush v2, $0x8  }
0x20b: {  	(erf) = vrcp.f32 v7;
	s1 =	sadd.f32 s1, s4;
	s17 =	spop (v2sf);
	(v2sf) =	vpush v2, $0x9  }
0x20c: {  	(erf) = vpow2.f32 v6;
	s6 =	sadd.f32 s12, s11;
	s18 =	spop (v2sf);
	(v2sf) =	vpush v2, $0xA  }
0x20d: {  	s8 =	sadd.f32 s2, s8;
	s19 =	spop (v2sf);
	(v2sf) =	vpush v2, $0xB  }
0x20e: {  	s3 =	sadd.f32 s14, s13;
	s20 =	spop (v2sf);
	(v2sf) =	vpush v2, $0xC  }
0x20f: {  	s21 =	sshll.u32 s31, $0x4;
	s4 =	sadd.f32 s16, s15;
	s22 =	spop (v2sf);
	(v2sf) =	vpush v2, $0xD  }
0x210: {  	s0 =	sadd.s32 s21, s0;
	v6 =	vmov s1;
	s3 =	sadd.f32 s3, s6;
	s23 =	spop (v2sf);
	(v2sf) =	vpush v2, $0xE  }
0x211: {  	s0 =	sor.u32 $0x380, s0;
	s5 =	sadd.f32 s18, s17;
	s25 =	spop (v2sf);
	(v2sf) =	vpush v2, $0xF;
	v2 =	vand.u32 $0x7FFFFFFF, v6  }
0x212: {  	v7 =	vld [tilespmem:s0+$0xB000];
	s0 =	sadd.f32 s3, s8  }
0x213: {  	s7 =	sadd.f32 s20, s19;
	s10 =	spop (v2sf);
	v6 =	vsub.f32 $0.0e+00, v2  }
0x214: {  	s24 =	sadd.f32 s23, s22;
	s11 =	spop (v2sf);
	v2 =	vpop (erf)  }
0x215: {  	s4 =	sadd.f32 s5, s4;
	s12 =	spop (v2sf);
	v6 =	vmul.f32 $1.442695020e+00, v6;
	v8 =	vpop (erf)  }
0x216: {  	s1 =	sadd.f32 s24, s7;
	s13 =	spop (v2sf);
	v8 =	vadd.f32 $1.000000000e+00, v8  }
0x217: {  	v3 =	vadd.f32 v4, v3;
	v4 =	vmul.f32 v7, v5;
	s2 =	sadd.f32 s10, s25;
	s14 =	spop (v2sf);
	v5 =	vbroadcast v6, $0x0  }
0x218: {  	s1 =	sadd.f32 s1, s4;
	s15 =	spop (v2sf);
	(erf) = vrcp.f32 v8  }
0x219: {  	v4 =	vadd.f32 v4, v3;
	s5 =	sadd.f32 s12, s11;
	s16 =	spop (v2sf);
	(erf) = vpow2.f32 v5  }
0x21a: {  	s0 =	sadd.f32 s1, s0;
	s17 =	spop (v2sf)  }
0x21b: {  	s3 =	sadd.f32 s14, s13;
	s18 =	spop (v2sf);
	(v2sf) =	vpush v4, $0x0  }
0x21c: {  	s2 =	sadd.f32 s5, s2;
	s19 =	spop (v2sf);
	(v2sf) =	vpush v4, $0x1  }
0x21d: {  	s4 =	sadd.f32 s16, s15;
	v3 =	vmov s0;
	s20 =	spop (v2sf);
	(v2sf) =	vpush v4, $0x2  }
0x21e: {  	v3 =	vand.u32 $0x7FFFFFFF, v3;
	s1 =	sadd.f32 s18, s17;
	s21 =	spop (v2sf);
	(v2sf) =	vpush v4, $0x3  }
0x21f: {  	s3 =	sadd.f32 s4, s3;
	s22 =	spop (v2sf);
	(v2sf) =	vpush v4, $0x4  }
0x220: {  	v5 =	vsub.f32 $0.0e+00, v3;
	s6 =	sadd.f32 s20, s19;
	s23 =	spop (v2sf);
	(v2sf) =	vpush v4, $0x5  }
0x221: {  	s0 =	sadd.f32 s22, s21;
	s24 =	spop (v2sf);
	(v2sf) =	vpush v4, $0x6;
	v3 =	vpop (erf)  }
0x222: {  	v5 =	vmul.f32 $1.442695020e+00, v5;
	s25 =	sadd.f32 s24, s23;
	(v2sf) =	vpush v4, $0x7;
	v6 =	vpop (erf)  }
0x223: {  	s1 =	sadd.f32 s6, s1;
	(v2sf) =	vpush v4, $0x8;
	v6 =	vadd.f32 $1.000000000e+00, v6  }
0x224: {  	v5 =	vbroadcast v5, $0x0;
	(v2sf) =	vpush v4, $0x9;
	s0 =	sadd.f32 s25, s0  }
0x225: {  	s3 =	sadd.f32 s3, s2;
	(v2sf) =	vpush v4, $0xA;
	(erf) = vrcp.f32 v6  }
0x226: {  	s6 =	simm.s32 $0x0;
	(v2sf) =	vpush v4, $0xB;
	s0 =	sadd.f32 s0, s1;
	(erf) = vpow2.f32 v5  }
0x227: {  	s7 =	sand.u32 $0x40, s6;
	s2 =	sand.u32 $0x7C00, s6;
	(v2sf) =	vpush v4, $0xC  }
0x228: {  	s2 =	sor.u32 s7, s2;
	(v2sf) =	vpush v4, $0xD;
	s0 =	sadd.f32 s0, s3  }
0x229: {  	v5 =	vld [tilespmem:s2+$0xB030];
	(v2sf) =	vpush v4, $0xE  }
0x22a: {  	v6 =	vld [tilespmem:s2+$0xB0B0];
	s8 =	spop (v2sf);
	(v2sf) =	vpush v4, $0xF;
	v4 =	vmov s0  }
0x22b: {  	v7 =	vld [tilespmem:s2+$0xB130];
	v4 =	vand.u32 $0x7FFFFFFF, v4  }
0x22c: {  	v8 =	vld [tilespmem:s2+$0xB1B0]  }
0x22d: {  	v10 =	vld [tilespmem:s2+$0xB000];
	v9 =	vsub.f32 $0.0e+00, v4  }
0x22e: {  	p0 =	por $0x0, $0x0;
	v11 =	vld [tilespmem:s2+$0xB080];
	s1 =	simm.s32 $0x1;
	s9 =	spop (v2sf);
	v5 =	vmul.f32 v5, v0;
	v4 =	vpop (erf)  }
0x22f: {  	v13 =	vld [tilespmem:s2+$0xB100];
	s1 =	simm.s32 @!p0 $0x0;
	v6 =	vmul.f32 v6, v1;
	s10 =	spop (v2sf);
	v9 =	vmul.f32 $1.442695020e+00, v9;
	v12 =	vpop (erf)  }
0x230: {  	s1 =	sshll.u32 s1, $0x6;
	s11 =	spop (v2sf);
	[tilespmem:s2+$0xB030] =	vst v5;
	v5 =	vmul.f32 v7, v2;
	v7 =	vld [tilespmem:s2+$0xB180];
	v12 =	vadd.f32 $1.000000000e+00, v12  }
0x231: {  	s1 =	sadd.s32 $0x0, s1;
	[tilespmem:s2+$0xB0B0] =	vst v6;
	v6 =	vmul.f32 v8, v3;
	v8 =	vld [tilespmem:s2+$0xB010];
	s12 =	spop (v2sf);
	v9 =	vbroadcast v9, $0x0  }
0x232: {  	s3 =	sadd.s32 $0x30, s1;
	s13 =	spop (v2sf);
	[tilespmem:s2+$0xB130] =	vst v5;
	v5 =	vmul.f32 v10, v0;
	v10 =	vld [tilespmem:s2+$0xB090];
	(erf) = vrcp.f32 v12  }
0x233: {  	s18 =	sor.u32 $0x200, s3;
	[tilespmem:s2+$0xB1B0] =	vst v6;
	v6 =	vmul.f32 v11, v1;
	s14 =	spop (v2sf);
	(erf) = vpow2.f32 v9;
	v9 =	vld [tilespmem:s2+$0xB110]  }
0x234: {  	s4 =	sadd.f32 s9, s8;
	s15 =	spop (v2sf);
	v11 =	vld [tilespmem:s18+$0xB000];
	[tilespmem:s2+$0xB000] =	vst v5;
	v5 =	vmul.f32 v13, v2  }
0x235: {  	s0 =	sadd.f32 s11, s10;
	[tilespmem:s2+$0xB080] =	vst v6;
	s16 =	spop (v2sf);
	v6 =	vmul.f32 v7, v3  }
0x236: {  	s7 =	sadd.f32 s13, s12;
	s17 =	spop (v2sf);
	v7 =	vld [tilespmem:s2+$0xB190];
	[tilespmem:s2+$0xB100] =	vst v5;
	v5 =	vmul.f32 v8, v0  }
0x237: {  	s0 =	sadd.f32 s0, s4;
	s19 =	spop (v2sf);
	[tilespmem:s2+$0xB180] =	vst v6;
	v6 =	vmul.f32 v10, v1  }
0x238: {  	s9 =	sadd.f32 s15, s14;
	v8 =	vld [tilespmem:s2+$0xB020];
	s20 =	spop (v2sf);
	[tilespmem:s2+$0xB010] =	vst v5;
	v5 =	vmul.f32 v9, v2  }
0x239: {  	s12 =	sadd.f32 s17, s16;
	v10 =	vld [tilespmem:s2+$0xB0A0];
	s21 =	spop (v2sf);
	[tilespmem:s2+$0xB090] =	vst v6;
	v6 =	vmul.f32 v11, v4  }
0x23a: {  	s25 =	sor.u32 $0x200, s1;
	s15 =	sadd.f32 s9, s7;
	s22 =	spop (v2sf);
	v9 =	vld [tilespmem:s2+$0xB120]  }
0x23b: {  	s8 =	sadd.s32 $0x10, s1;
	s6 =	sadd.f32 s20, s19;
	v11 =	vld [tilespmem:s2+$0xB1A0];
	s23 =	spop (v2sf);
	v7 =	vmul.f32 v7, v3;
	[tilespmem:s18+$0xB000] =	vst v6  }
0x23c: {  	s10 =	sor.u32 $0x280, s3;
	v12 =	vld [tilespmem:s25+$0xB000];
	s11 =	sadd.f32 s22, s21;
	s24 =	spop (v2sf);
	[tilespmem:s2+$0xB110] =	vst v5;
	v5 =	vpop (erf)  }
0x23d: {  	s16 =	sor.u32 $0x200, s8;
	v8 =	vmul.f32 v8, v0;
	s13 =	sadd.f32 s24, s23;
	[tilespmem:s2+$0xB190] =	vst v7;
	v7 =	vld [tilespmem:s10+$0xB000];
	v6 =	vpop (erf)  }
0x23e: {  	s6 =	sadd.f32 s6, s12;
	v10 =	vmul.f32 v10, v1;
	v13 =	vld [tilespmem:s16+$0xB000];
	v6 =	vadd.f32 $1.000000000e+00, v6  }
0x23f: {  	[tilespmem:s2+$0xB020] =	vst v8;
	s17 =	sadd.f32 s13, s11;
	v8 =	vmul.f32 v9, v2  }
0x240: {  	s5 =	sadd.f32 s15, s0;
	[tilespmem:s2+$0xB0A0] =	vst v10;
	(erf) = vrcp.f32 v6;
	v6 =	vmul.f32 v11, v3  }
0x241: {  	s0 =	sadd.s32 $0x20, s1;
	s6 =	sadd.f32 s17, s6;
	v9 =	vmul.f32 v12, v4;
	[tilespmem:s2+$0xB120] =	vst v8  }
0x242: {  	s18 =	sor.u32 $0x200, s0;
	[tilespmem:s2+$0xB1A0] =	vst v6;
	v6 =	vmul.f32 v7, v5  }
0x243: {  	s20 =	sor.u32 $0x280, s1;
	s19 =	sadd.f32 s6, s5;
	[tilespmem:s25+$0xB000] =	vst v9;
	v8 =	vmul.f32 v13, v4;
	v7 =	vld [tilespmem:s18+$0xB000]  }
0x244: {  	s21 =	sor.u32 $0x300, s3;
	s22 =	simm.s32 $0x200;
	s23 =	simm.s32 $0x40;
	v9 =	vld [tilespmem:s20+$0xB000];
	[tilespmem:s10+$0xB000] =	vst v6  }
0x245: {  	s4 =	sand.u32 $0x7C00, s22;
	s24 =	sor.u32 $0x280, s8;
	s25 =	sand.u32 $0x40, s23;
	[tilespmem:s16+$0xB000] =	vst v8;
	v6 =	vmov s19;
	v8 =	vld [tilespmem:s21+$0xB000]  }
0x246: {  	s4 =	sor.u32 s25, s4;
	v10 =	vld [tilespmem:s24+$0xB000];
	v6 =	vand.u32 $0x7FFFFFFF, v6  }
0x247: {  	v12 =	vld [tilespmem:s4+$0xB030];
	v11 =	vsub.f32 $0.0e+00, v6  }
0x248: {  	v13 =	vld [tilespmem:s4+$0xB0B0];
	v7 =	vmul.f32 v7, v4  }
0x249: {  	v14 =	vld [tilespmem:s4+$0xB130];
	v9 =	vmul.f32 v9, v5;
	v11 =	vmul.f32 $1.442695020e+00, v11;
	v6 =	vpop (erf)  }
0x24a: {  	[tilespmem:s18+$0xB000] =	vst v7;
	v7 =	vmul.f32 v8, v6;
	v8 =	vld [tilespmem:s4+$0xB1B0]  }
0x24b: {  	[tilespmem:s20+$0xB000] =	vst v9;
	v9 =	vmul.f32 v10, v5;
	v10 =	vld [tilespmem:s4+$0xB000];
	v11 =	vbroadcast v11, $0x0  }
0x24c: {  	p0 =	por !p0, !p0;
	s5 =	simm.s32 $0x1;
	[tilespmem:s21+$0xB000] =	vst v7;
	v7 =	vmul.f32 v12, v0;
	v12 =	vld [tilespmem:s4+$0xB080]  }
0x24d: {  	s5 =	simm.s32 @!p0 $0x0;
	[tilespmem:s24+$0xB000] =	vst v9;
	v9 =	vmul.f32 v13, v1;
	(erf) = vpow2.f32 v11;
	v11 =	vld [tilespmem:s4+$0xB100]  }
0x24e: {  	s9 =	sshll.u32 s5, $0x6;
	v13 =	vld [tilespmem:s4+$0xB180];
	[tilespmem:s4+$0xB030] =	vst v7;
	v7 =	vmul.f32 v14, v2  }
0x24f: {  	s7 =	sadd.s32 $0x200, s9;
	[tilespmem:s4+$0xB0B0] =	vst v9;
	v9 =	vld [tilespmem:s4+$0xB010];
	v8 =	vmul.f32 v8, v3  }
0x250: {  	s2 =	sadd.s32 $0x30, s7;
	[tilespmem:s4+$0xB130] =	vst v7;
	v7 =	vmul.f32 v10, v0;
	v10 =	vld [tilespmem:s4+$0xB090]  }
0x251: {  	s10 =	sor.u32 $0x200, s2;
	[tilespmem:s4+$0xB1B0] =	vst v8;
	v8 =	vmul.f32 v12, v1;
	v12 =	vld [tilespmem:s4+$0xB110]  }
0x252: {  	[tilespmem:s4+$0xB000] =	vst v7;
	v7 =	vmul.f32 v11, v2;
	v11 =	vld [tilespmem:s10+$0xB000]  }
0x253: {  	[tilespmem:s4+$0xB080] =	vst v8;
	v8 =	vmul.f32 v13, v3;
	v13 =	vld [tilespmem:s4+$0xB190]  }
0x254: {  	[tilespmem:s4+$0xB100] =	vst v7;
	v7 =	vmul.f32 v9, v0;
	v9 =	vld [tilespmem:s4+$0xB020]  }
0x255: {  	[tilespmem:s4+$0xB180] =	vst v8;
	v8 =	vmul.f32 v10, v1;
	v10 =	vld [tilespmem:s4+$0xB0A0]  }
0x256: {  	v14 =	vpop (erf);
	[tilespmem:s4+$0xB010] =	vst v7;
	v7 =	vmul.f32 v12, v2;
	v12 =	vld [tilespmem:s4+$0xB120]  }
0x257: {  	s12 =	sor.u32 $0x200, s7;
	v14 =	vadd.f32 $1.000000000e+00, v14;
	[tilespmem:s4+$0xB090] =	vst v8;
	v8 =	vld [tilespmem:s4+$0xB1A0];
	v11 =	vmul.f32 v11, v4  }
0x258: {  	s13 =	sor.u32 $0x280, s0;
	v15 =	vld [tilespmem:s12+$0xB000];
	[tilespmem:s4+$0xB110] =	vst v7;
	v7 =	vmul.f32 v13, v3  }
0x259: {  	s11 =	sadd.s32 $0x10, s7;
	s14 =	sor.u32 $0x280, s2;
	(erf) = vrcp.f32 v14;
	v9 =	vmul.f32 v9, v0;
	[tilespmem:s10+$0xB000] =	vst v11;
	v11 =	vld [tilespmem:s13+$0xB000]  }
0x25a: {  	s15 =	sor.u32 $0x200, s11;
	[tilespmem:s4+$0xB190] =	vst v7;
	v7 =	vmul.f32 v10, v1;
	v10 =	vld [tilespmem:s14+$0xB000]  }
0x25b: {  	s16 =	sor.u32 $0x300, s1;
	v13 =	vld [tilespmem:s15+$0xB000];
	[tilespmem:s4+$0xB020] =	vst v9;
	v9 =	vmul.f32 v12, v2  }
0x25c: {  	s18 =	sor.u32 $0x300, s8;
	[tilespmem:s4+$0xB0A0] =	vst v7;
	v7 =	vmul.f32 v8, v3;
	v8 =	vld [tilespmem:s16+$0xB000]  }
0x25d: {  	s19 =	sor.u32 $0x380, s3;
	s3 =	sadd.s32 $0x20, s7;
	v12 =	vmul.f32 v15, v4;
	[tilespmem:s4+$0xB120] =	vst v9;
	v9 =	vld [tilespmem:s18+$0xB000]  }
0x25e: {  	s20 =	sor.u32 $0x200, s3;
	v14 =	vld [tilespmem:s19+$0xB000];
	[tilespmem:s4+$0xB1A0] =	vst v7;
	v7 =	vmul.f32 v11, v5  }
0x25f: {  	s17 =	sor.u32 $0x280, s7;
	[tilespmem:s12+$0xB000] =	vst v12;
	v11 =	vld [tilespmem:s20+$0xB000];
	v10 =	vmul.f32 v10, v5  }
0x260: {  	s21 =	sor.u32 $0x300, s0;
	v12 =	vld [tilespmem:s17+$0xB000];
	v13 =	vmul.f32 v13, v4;
	[tilespmem:s13+$0xB000] =	vst v7  }
0x261: {  	s22 =	sor.u32 $0x300, s2;
	[tilespmem:s14+$0xB000] =	vst v10;
	v8 =	vmul.f32 v8, v6;
	v10 =	vld [tilespmem:s21+$0xB000]  }
0x262: {  	s23 =	sor.u32 $0x280, s11;
	v7 =	vpop (erf);
	[tilespmem:s15+$0xB000] =	vst v13;
	v13 =	vld [tilespmem:s22+$0xB000];
	v9 =	vmul.f32 v9, v6  }
0x263: {  	s25 =	simm.s32 $0x80;
	s1 =	sor.u32 $0x380, s1;
	s24 =	simm.s32 $0x400;
	v14 =	vmul.f32 v14, v7;
	v15 =	vld [tilespmem:s23+$0xB000];
	[tilespmem:s16+$0xB000] =	vst v8  }
0x264: {  	s8 =	sor.u32 $0x380, s8;
	s12 =	sand.u32 $0x40, s25;
	s4 =	sand.u32 $0x7C00, s24;
	v8 =	vmul.f32 v11, v4;
	v11 =	vld [tilespmem:s1+$0xB000];
	[tilespmem:s18+$0xB000] =	vst v9  }
0x265: {  	s4 =	sor.u32 s12, s4;
	v9 =	vmul.f32 v12, v5;
	[tilespmem:s19+$0xB000] =	vst v14;
	v12 =	vld [tilespmem:s8+$0xB000]  }
0x266: {  	v14 =	vld [tilespmem:s4+$0xB030];
	[tilespmem:s20+$0xB000] =	vst v8;
	v8 =	vmul.f32 v10, v6  }
0x267: {  	v10 =	vld [tilespmem:s4+$0xB0B0];
	[tilespmem:s17+$0xB000] =	vst v9;
	v9 =	vmul.f32 v13, v6  }
0x268: {  	v13 =	vld [tilespmem:s4+$0xB130];
	v15 =	vmul.f32 v15, v5;
	[tilespmem:s21+$0xB000] =	vst v8  }
0x269: {  	s6 =	sor.u32 $0x380, s2;
	v8 =	vld [tilespmem:s4+$0xB1B0];
	[tilespmem:s22+$0xB000] =	vst v9;
	v9 =	vmul.f32 v11, v7  }
0x26a: {  	[tilespmem:s23+$0xB000] =	vst v15;
	v11 =	vld [tilespmem:s6+$0xB000];
	v12 =	vmul.f32 v12, v7  }
0x26b: {  	v15 =	vld [tilespmem:s4+$0xB000];
	v14 =	vmul.f32 v14, v0;
	[tilespmem:s1+$0xB000] =	vst v9  }
0x26c: {  	p0 =	por !p0, !p0;
	v9 =	vld [tilespmem:s4+$0xB080];
	v10 =	vmul.f32 v10, v1;
	s1 =	simm.s32 $0x1;
	[tilespmem:s8+$0xB000] =	vst v12  }
0x26d: {  	s1 =	simm.s32 @!p0 $0x0;
	v12 =	vld [tilespmem:s4+$0xB100];
	[tilespmem:s4+$0xB030] =	vst v14;
	v13 =	vmul.f32 v13, v2  }
0x26e: {  	v14 =	vld [tilespmem:s4+$0xB180];
	s1 =	sshll.u32 s1, $0x6;
	[tilespmem:s4+$0xB0B0] =	vst v10;
	v8 =	vmul.f32 v8, v3  }
0x26f: {  	v10 =	vld [tilespmem:s4+$0xB010];
	s10 =	sadd.s32 $0x400, s1;
	[tilespmem:s4+$0xB130] =	vst v13;
	v11 =	vmul.f32 v11, v7  }
0x270: {  	v13 =	vmul.f32 v15, v0;
	v15 =	vld [tilespmem:s4+$0xB090];
	[tilespmem:s4+$0xB1B0] =	vst v8;
	s31 =	sadd.s32 $0x30, s10  }
0x271: {  	v8 =	vmul.f32 v9, v1;
	v9 =	vld [tilespmem:s4+$0xB110];
	s21 =	sor.u32 $0x200, s31;
	[tilespmem:s6+$0xB000] =	vst v11  }
0x272: {  	[tilespmem:s4+$0xB000] =	vst v13;
	v11 =	vmul.f32 v12, v2;
	v12 =	vld [tilespmem:s21+$0xB000]  }
0x273: {  	v13 =	vld [tilespmem:s4+$0xB190];
	[tilespmem:s4+$0xB080] =	vst v8;
	v8 =	vmul.f32 v14, v3  }
0x274: {  	v10 =	vmul.f32 v10, v0;
	[tilespmem:s4+$0xB100] =	vst v11;
	v11 =	vld [tilespmem:s4+$0xB020]  }
0x275: {  	v14 =	vld [tilespmem:s4+$0xB0A0];
	[tilespmem:s4+$0xB180] =	vst v8;
	v8 =	vmul.f32 v15, v1  }
0x276: {  	[tilespmem:s4+$0xB010] =	vst v10;
	v10 =	vld [tilespmem:s4+$0xB120];
	v9 =	vmul.f32 v9, v2  }
0x277: {  	s22 =	sor.u32 $0x200, s10;
	[tilespmem:s4+$0xB090] =	vst v8;
	v8 =	vld [tilespmem:s4+$0xB1A0];
	v12 =	vmul.f32 v12, v4  }
0x278: {  	s24 =	sor.u32 $0x280, s3;
	v15 =	vld [tilespmem:s22+$0xB000];
	[tilespmem:s4+$0xB110] =	vst v9;
	v9 =	vmul.f32 v13, v3  }
0x279: {  	s25 =	sadd.s32 $0x10, s10;
	s18 =	sor.u32 $0x280, s31;
	v11 =	vmul.f32 v11, v0;
	[tilespmem:s21+$0xB000] =	vst v12;
	v12 =	vld [tilespmem:s24+$0xB000]  }
0x27a: {  	s19 =	sor.u32 $0x200, s25;
	[tilespmem:s4+$0xB190] =	vst v9;
	v9 =	vmul.f32 v14, v1;
	v13 =	vld [tilespmem:s18+$0xB000]  }
0x27b: {  	s20 =	sor.u32 $0x300, s7;
	v10 =	vmul.f32 v10, v2;
	v14 =	vld [tilespmem:s19+$0xB000];
	[tilespmem:s4+$0xB020] =	vst v11  }
0x27c: {  	s9 =	sor.u32 $0x300, s11;
	v11 =	vld [tilespmem:s20+$0xB000];
	[tilespmem:s4+$0xB0A0] =	vst v9;
	v8 =	vmul.f32 v8, v3  }
0x27d: {  	s0 =	sor.u32 $0x380, s0;
	s23 =	sadd.s32 $0x20, s10;
	v9 =	vmul.f32 v15, v4;
	[tilespmem:s4+$0xB120] =	vst v10;
	v15 =	vld [tilespmem:s9+$0xB000]  }
0x27e: {  	s12 =	sor.u32 $0x300, s3;
	s3 =	sor.u32 $0x380, s3;
	s6 =	sor.u32 $0x200, s23;
	[tilespmem:s4+$0xB1A0] =	vst v8;
	v8 =	vmul.f32 v12, v5;
	v12 =	vld [tilespmem:s0+$0xB000]  }
0x27f: {  	s14 =	simm.s32 $0x8;
	s8 =	sor.u32 $0x380, s7;
	s15 =	sor.u32 $0x280, s10;
	[tilespmem:s22+$0xB000] =	vst v9;
	v10 =	vld [tilespmem:s6+$0xB000];
	v13 =	vmul.f32 v13, v5  }
0x280: {  	s1 =	sor.u32 $0x380, s11;
	s13 =	sor.u32 $0x300, s10;
	s16 =	sor.u32 $0x380, s10;
	v9 =	vld [tilespmem:s15+$0xB000];
	v14 =	vmul.f32 v14, v4;
	[tilespmem:s24+$0xB000] =	vst v8  }
0x281: {  	s17 =	sor.u32 $0x280, s25;
	s7 =	sor.u32 $0x280, s23;
	s21 =	sor.u32 $0x300, s31;
	v63 =	vmul.f32 v11, v6;
	[tilespmem:s18+$0xB000] =	vst v13;
	v8 =	vld [tilespmem:s12+$0xB000]  }
0x282: {  	s11 =	sor.u32 $0x300, s23;
	s5 =	sor.u32 $0x380, s23;
	s23 =	simm.s32 $0x600;
	[tilespmem:s19+$0xB000] =	vst v14;
	v11 =	vld [tilespmem:s21+$0xB000];
	v14 =	vmul.f32 v15, v6  }
0x283: {  	s4 =	sor.u32 $0x300, s25;
	s22 =	sor.u32 $0x380, s25;
	s24 =	simm.s32 $0xC0;
	[tilespmem:s20+$0xB000] =	vst v63;
	v13 =	vld [tilespmem:s17+$0xB000];
	v12 =	vmul.f32 v12, v7  }
.LBB2_11:
0x284: {  	s2 =	sand.u32 $0x40, s24;
	s18 =	sand.u32 $0x7C00, s23;
	v10 =	vmul.f32 v10, v4;
	v15 =	vld [tilespmem:s8+$0xB000];
	[tilespmem:s9+$0xB000] =	vst v14;
	s9 =	smov.u32 s4  }
0x285: {  	s2 =	sor.u32 s2, s18;
	v9 =	vmul.f32 v9, v5;
	v14 =	vld [tilespmem:s1+$0xB000];
	[tilespmem:s0+$0xB000] =	vst v12;
	s0 =	smov.u32 s3;
	s3 =	smov.u32 s5  }
0x286: {  	v12 =	vld [tilespmem:s2+$0xB030];
	[tilespmem:s6+$0xB000] =	vst v10;
	v8 =	vmul.f32 v8, v6  }
0x287: {  	v10 =	vld [tilespmem:s2+$0xB0B0];
	[tilespmem:s15+$0xB000] =	vst v9;
	v9 =	vmul.f32 v11, v6  }
0x288: {  	s14 =	sadd.s32 $0x4, s14;
	v11 =	vld [tilespmem:s2+$0xB130];
	v13 =	vmul.f32 v13, v5;
	[tilespmem:s12+$0xB000] =	vst v8;
	s12 =	smov.u32 s11  }
0x289: {  	s4 =	sor.u32 $0x380, s31;
	p1 =	slt.u32 s14, $0xFC;
	v8 =	vld [tilespmem:s2+$0xB1B0];
	[tilespmem:s21+$0xB000] =	vst v9;
	v9 =	vmul.f32 v15, v7  }
0x28a: {  	[tilespmem:s17+$0xB000] =	vst v13;
	v13 =	vld [tilespmem:s4+$0xB000];
	v14 =	vmul.f32 v14, v7  }
0x28b: {  	v15 =	vld [tilespmem:s2+$0xB000];
	v12 =	vmul.f32 v12, v0;
	[tilespmem:s8+$0xB000] =	vst v9;
	s8 =	smov.u32 s16  }
0x28c: {  	p0 =	por !p0, !p0;
	s5 =	simm.s32 $0x1;
	v9 =	vld [tilespmem:s2+$0xB080];
	v10 =	vmul.f32 v10, v1;
	[tilespmem:s1+$0xB000] =	vst v14;
	s1 =	smov.u32 s22  }
0x28d: {  	s5 =	simm.s32 @!p0 $0x0;
	v14 =	vld [tilespmem:s2+$0xB100];
	[tilespmem:s2+$0xB030] =	vst v12;
	v11 =	vmul.f32 v11, v2  }
0x28e: {  	s5 =	sshll.u32 s5, $0x6;
	v12 =	vld [tilespmem:s2+$0xB180];
	[tilespmem:s2+$0xB0B0] =	vst v10;
	v8 =	vmul.f32 v8, v3  }
0x28f: {  	s16 =	sadd.s32 s5, s23;
	v10 =	vld [tilespmem:s2+$0xB010];
	[tilespmem:s2+$0xB130] =	vst v11;
	v11 =	vmul.f32 v13, v7  }
0x290: {  	s5 =	sadd.s32 $0x10, s16;
	s20 =	sadd.s32 $0x20, s16;
	s31 =	sadd.s32 $0x30, s16;
	v13 =	vmul.f32 v15, v0;
	v15 =	vld [tilespmem:s2+$0xB090];
	[tilespmem:s2+$0xB1B0] =	vst v8  }
0x291: {  	s19 =	sor.u32 $0x200, s5;
	s6 =	sor.u32 $0x200, s20;
	s25 =	sor.u32 $0x200, s31;
	v8 =	vmul.f32 v9, v1;
	v9 =	vld [tilespmem:s2+$0xB110];
	[tilespmem:s4+$0xB000] =	vst v11  }
0x292: {  	s10 =	sor.u32 $0x200, s16;
	s17 =	sor.u32 $0x280, s5;
	s21 =	sor.u32 $0x280, s20;
	[tilespmem:s2+$0xB000] =	vst v13;
	v11 =	vmul.f32 v14, v2;
	v13 =	vld [tilespmem:s25+$0xB000]  }
0x293: {  	s15 =	sor.u32 $0x280, s16;
	s11 =	sor.u32 $0x300, s20;
	s4 =	sor.u32 $0x300, s5;
	[tilespmem:s2+$0xB080] =	vst v8;
	v8 =	vmul.f32 v12, v3;
	v12 =	vld [tilespmem:s2+$0xB190]  }
0x294: {  	s18 =	sor.u32 $0x300, s16;
	s22 =	sor.u32 $0x380, s5;
	s5 =	sor.u32 $0x380, s20;
	[tilespmem:s2+$0xB100] =	vst v11;
	v10 =	vmul.f32 v10, v0;
	v11 =	vld [tilespmem:s2+$0xB020]  }
0x295: {  	s16 =	sor.u32 $0x380, s16;
	[tilespmem:s2+$0xB180] =	vst v8;
	v8 =	vmul.f32 v15, v1;
	v14 =	vld [tilespmem:s2+$0xB0A0]  }
0x296: {  	[tilespmem:s2+$0xB010] =	vst v10;
	v9 =	vmul.f32 v9, v2;
	v10 =	vld [tilespmem:s2+$0xB120]  }
0x297: {  	[tilespmem:s2+$0xB090] =	vst v8;
	v8 =	vld [tilespmem:s2+$0xB1A0];
	v13 =	vmul.f32 v13, v4  }
0x298: {  	v15 =	vld [tilespmem:s10+$0xB000];
	[tilespmem:s2+$0xB110] =	vst v9;
	v9 =	vmul.f32 v12, v3  }
0x299: {  	s20 =	sor.u32 $0x280, s31;
	v11 =	vmul.f32 v11, v0;
	[tilespmem:s25+$0xB000] =	vst v13;
	v12 =	vld [tilespmem:s7+$0xB000]  }
0x29a: {  	[tilespmem:s2+$0xB190] =	vst v9;
	v9 =	vmul.f32 v14, v1;
	v13 =	vld [tilespmem:s20+$0xB000]  }
0x29b: {  	v14 =	vld [tilespmem:s19+$0xB000];
	[tilespmem:s2+$0xB020] =	vst v11;
	v10 =	vmul.f32 v10, v2  }
0x29c: {  	[tilespmem:s2+$0xB0A0] =	vst v9;
	v8 =	vmul.f32 v8, v3;
	v11 =	vld [tilespmem:s13+$0xB000]  }
0x29d: {  	v9 =	vmul.f32 v15, v4;
	[tilespmem:s2+$0xB120] =	vst v10;
	v15 =	vld [tilespmem:s9+$0xB000]  }
0x29e: {  	[tilespmem:s2+$0xB1A0] =	vst v8;
	v8 =	vmul.f32 v12, v5;
	v12 =	vld [tilespmem:s0+$0xB000]  }
.Ltmp4:
0x29f: {  	[tilespmem:s10+$0xB000] =	vst v9;
	v10 =	vld [tilespmem:s6+$0xB000];
	v13 =	vmul.f32 v13, v5;
	(pc) =	sbr.rel @p1 .LBB2_11-.Ltmp4, $4  }
0x2a0: {  	v9 =	vld [tilespmem:s15+$0xB000];
	v14 =	vmul.f32 v14, v4;
	[tilespmem:s7+$0xB000] =	vst v8;
	s7 =	smov.u32 s21  }
0x2a1: {  	s21 =	sor.u32 $0x300, s31;
	[tilespmem:s20+$0xB000] =	vst v13;
	v16 =	vmul.f32 v11, v6;
	v8 =	vld [tilespmem:s12+$0xB000]  }
0x2a2: {  	[tilespmem:s19+$0xB000] =	vst v14;
	v11 =	vld [tilespmem:s21+$0xB000];
	v14 =	vmul.f32 v15, v6  }
0x2a3: {  	s24 =	sadd.s32 $0x40, s24;
	s23 =	sadd.s32 $0x200, s23;
	v13 =	vld [tilespmem:s17+$0xB000];
	[tilespmem:s13+$0xB000] =	vst v16;
	v12 =	vmul.f32 v12, v7;
	s13 =	smov.u32 s18  }
0x2a4: {  	v0 =	vmul.f32 v10, v4;
	_ =	sdelay $0x1  }
0x2a5: {  	[tilespmem:s6+$0xB000] =	vst v0  }
0x2a6: {  	v0 =	vld [tilespmem:s7+$0xB000];
	_ =	sdelay $0x1  }
0x2a7: {  	v1 =	vmul.f32 v9, v5;
	_ =	sdelay $0x1  }
0x2a8: {  	[tilespmem:s15+$0xB000] =	vst v1;
	v2 =	vmul.f32 v13, v5  }
0x2a9: {  	v1 =	vld [tilespmem:s13+$0xB000];
	v0 =	vmul.f32 v0, v5  }
0x2aa: {  	[tilespmem:s17+$0xB000] =	vst v2  }
0x2ab: {  	[tilespmem:s7+$0xB000] =	vst v0;
	v0 =	vld [tilespmem:s4+$0xB000]  }
0x2ac: {  	v3 =	vmul.f32 v11, v6  }
0x2ad: {  	[tilespmem:s9+$0xB000] =	vst v14;
	v5 =	vmul.f32 v8, v6;
	v2 =	vld [tilespmem:s11+$0xB000]  }
0x2ae: {  	[tilespmem:s21+$0xB000] =	vst v3;
	v3 =	vld [tilespmem:s1+$0xB000];
	v1 =	vmul.f32 v1, v6  }
0x2af: {  	v4 =	vld [tilespmem:s8+$0xB000];
	[tilespmem:s12+$0xB000] =	vst v5  }
0x2b0: {  	s2 =	sor.u32 $0x380, s31;
	[tilespmem:s13+$0xB000] =	vst v1;
	v1 =	vld [tilespmem:s3+$0xB000];
	v0 =	vmul.f32 v0, v6  }
0x2b1: {  	v5 =	vld [tilespmem:s2+$0xB000]  }
0x2b2: {  	v2 =	vmul.f32 v2, v6;
	[tilespmem:s4+$0xB000] =	vst v0;
	v0 =	vld [tilespmem:s16+$0xB000]  }
0x2b3: {  	[tilespmem:s0+$0xB000] =	vst v12;
	v3 =	vmul.f32 v3, v7  }
0x2b4: {  	[tilespmem:s11+$0xB000] =	vst v2;
	v2 =	vmul.f32 v4, v7  }
0x2b5: {  	[tilespmem:s1+$0xB000] =	vst v3;
	v1 =	vmul.f32 v1, v7;
	v4 =	vld [tilespmem:s22+$0xB000]  }
0x2b6: {  	v6 =	vld [tilespmem:s5+$0xB000];
	[tilespmem:s8+$0xB000] =	vst v2;
	v2 =	vmul.f32 v5, v7  }
0x2b7: {  	[tilespmem:s3+$0xB000] =	vst v1;
	v0 =	vmul.f32 v0, v7  }
0x2b8: {  	[tilespmem:s2+$0xB000] =	vst v2  }
0x2b9: {  	[tilespmem:s16+$0xB000] =	vst v0  }
0x2ba: {  	v1 =	vmul.f32 v4, v7;
	s0 =	rddreg [dreg:$0xc]  }
0x2bb: {  	v0 =	vmul.f32 v6, v7;
	s0 =	sadd.s32 s28, s0  }
0x2bc: {  	s18 =	simm.s32 $0xB000;
	s17 =	rddreg [dreg:$0x2];
	[tilespmem:s22+$0xB000] =	vst v1;
	s0 =	sshll.u32 s0, $0xC  }
0x2bd: {  	s19 =	simm.s32 $0x4;
	[tilespmem:s5+$0xB000] =	vst v0;
	s1 =	sadd.s32 s17, s0;
	s0 =	simm.s32 $0x0  }
0x2be: {  	[hbm4b:s1+s0] =	stream.linear.scatter [tilespmem:s18], [sflag:$0x5], $0x8000, $0x38;
	[tilespmem:$0x1B000] =	vst v63  }
0x2bf: {  	_ =	swait.ge [sflag:s19], $0x8000  }
0x2c0: {  	s20 =	rddreg [dreg:$0x8];
	[sflag:s19] =	ssyncset.done $0x0  }
0x2c1: {  	s1 =	sadd.s32 s30, s20;
	[sflag:s19] =	ssyncadd.s32 $0xFFFF8000  }
0x2c2: {  	s1 =	sshll.u32 s1, $0x9;
	s2 =	rddreg [dreg:$0x0]  }
0x2c3: {  	s21 =	simm.s32 $0x3000;
	s22 =	simm.s32 $0x3;
	s1 =	sadd.s32 s2, s1  }
0x2c4: {  	[tilespmem:s21], [sflag:$0x1] =	stream.linear.gather [hbm4b:s1+s0], $0x8000, $0x38;
	[tilespmem:$0x1B000] =	vst v63  }
0x2c5: {  	s23 =	sand.u32 $0x7, s0;
	s24 =	sand.u32 $0x70, s0;
	_ =	swait.ge [sflag:s22], $0x8000  }
0x2c6: {  	s25 =	sand.u32 $0x7C00, s0;
	s1 =	sshll.u32 s23, $0x4;
	[sflag:s22] =	ssyncset.done $0x0  }
0x2c7: {  	s2 =	simm.s32 $0x2000;
	s1 =	sadd.s32 $0x0, s1;
	[sflag:s22] =	ssyncadd.s32 $0xFFFF8000  }
0x2c8: {  	s3 =	sor.u32 s24, s25;
	s1 =	sor.u32 $0x380, s1;
	v1 =	vld [tilespmem:s2+$0x0]  }
0x2c9: {  	v0 =	vld [tilespmem:s1+$0x13000];
	s1 =	sadd.s32 $0x13000, s3  }
0x2ca: {  	v14 =	vld [tilespmem:s1+$0x80]  }
0x2cb: {  	v12 =	vld [tilespmem:s1+$0x100]  }
0x2cc: {  	v15 =	vimm.f32 $0.0e+00;
	v9 =	vimm.f32 $0.0e+00;
	v11 =	vimm.f32 $0.0e+00;
	v10 =	vld [tilespmem:s1+$0x180]  }
0x2cd: {  	s31 =	smov.u32 s28;
	v13 =	vimm.f32 $0.0e+00;
	s4 =	simm.s32 $0x1;
	v5 =	vimm.f32 $0.0e+00;
	v2 =	vimm.f32 $0.0e+00;
	s30 =	simm.s32 $0x10;
	v8 =	vld [tilespmem:s1+$0x200]  }
0x2ce: {  	v7 =	vimm.f32 $0.0e+00;
	s28 =	sand.u32 $0x7, s4;
	s5 =	simm.s32 $0x20;
	s6 =	sand.u32 $0x70, s30;
	v6 =	vld [tilespmem:s1+$0x280];
	v3 =	vmul.f32 v0, v1;
	v0 =	vimm.f32 $0.0e+00  }
.LBB2_13:
0x2cf: {  	p0 =	sne.s32 s5, $0xFF0;
	s7 =	sshll.u32 s28, $0x4;
	v4 =	vmul.f32 v14, v1;
	v16 =	vld [tilespmem:s1+$0x300];
	s0 =	sadd.s32 $0x80, s0  }
0x2d0: {  	s2 =	sadd.s32 $0x10, s2;
	s1 =	sadd.s32 s7, s0;
	s7 =	sand.u32 $0x7C00, s0;
	v17 =	vld [tilespmem:s3+$0x13000];
	v12 =	vmul.f32 v12, v1;
	v2 =	vadd.f32 v3, v2  }
0x2d1: {  	v3 =	vld [tilespmem:s2+$0x0];
	s3 =	sor.u32 s6, s7;
	s6 =	sor.u32 $0x380, s1;
	v13 =	vadd.f32 v4, v13;
	v4 =	vmul.f32 v10, v1  }
0x2d2: {  	s1 =	sadd.s32 $0x13000, s3;
	v18 =	vld [tilespmem:s6+$0x13000];
	v11 =	vadd.f32 v12, v11;
	v8 =	vmul.f32 v8, v1  }
.Ltmp5:
0x2d3: {  	v14 =	vld [tilespmem:s1+$0x80];
	v9 =	vadd.f32 v4, v9;
	v4 =	vmul.f32 v6, v1;
	(pc) =	sbr.rel @p0 .LBB2_13-.Ltmp5, $4  }
0x2d4: {  	v12 =	vld [tilespmem:s1+$0x100];
	v7 =	vadd.f32 v8, v7;
	v6 =	vmul.f32 v16, v1  }
0x2d5: {  	v10 =	vld [tilespmem:s1+$0x180];
	v16 =	vmul.f32 v17, v1;
	v0 =	vadd.f32 v4, v0  }
0x2d6: {  	s4 =	sadd.s32 $0x1, s4;
	v8 =	vld [tilespmem:s1+$0x200];
	v5 =	vadd.f32 v6, v5;
	v1 =	vmov v3  }
0x2d7: {  	s28 =	sand.u32 $0x7, s4;
	s6 =	sand.u32 $0x70, s5;
	s5 =	sadd.s32 $0x10, s5;
	v6 =	vld [tilespmem:s1+$0x280];
	v3 =	vmul.f32 v18, v1;
	v15 =	vadd.f32 v16, v15  }
0x2d8: {  	s0 =	sadd.s32 $0x80, s0  }
0x2d9: {  	v16 =	vld [tilespmem:s3+$0x13000];
	s2 =	sadd.s32 $0x10, s2;
	s4 =	sand.u32 $0x7C00, s0  }
0x2da: {  	v4 =	vld [tilespmem:s2+$0x0];
	s18 =	sor.u32 s6, s4  }
0x2db: {  	v17 =	vld [tilespmem:s18+$0x13000];
	_ =	sdelay $0x2  }
0x2dc: {  	v16 =	vmul.f32 v16, v1;
	_ =	sdelay $0x1  }
0x2dd: {  	v15 =	vadd.f32 v16, v15;
	v59 =	vmul.f32 v17, v4;
	_ =	sdelay $0x1  }
0x2de: {  	v15 =	vadd.f32 v59, v15;
	_ =	sdelay $0x1  }
0x2df: {  	(v2sf) =	vpush v15, $0x0  }
0x2e0: {  	(v2sf) =	vpush v15, $0x1  }
0x2e1: {  	(v2sf) =	vpush v15, $0x2  }
0x2e2: {  	(v2sf) =	vpush v15, $0x3  }
0x2e3: {  	(v2sf) =	vpush v15, $0x4  }
0x2e4: {  	(v2sf) =	vpush v15, $0x5  }
0x2e5: {  	s3 =	sadd.s32 $0x13000, s18;
	(v2sf) =	vpush v15, $0x6  }
0x2e6: {  	v60 =	vld [tilespmem:s3+$0x80];
	(v2sf) =	vpush v15, $0x7  }
0x2e7: {  	(v2sf) =	vpush v15, $0x8  }
0x2e8: {  	(v2sf) =	vpush v15, $0x9  }
0x2e9: {  	v14 =	vmul.f32 v14, v1;
	(v2sf) =	vpush v15, $0xA  }
0x2ea: {  	(v2sf) =	vpush v15, $0xB  }
0x2eb: {  	v13 =	vadd.f32 v14, v13;
	v14 =	vmul.f32 v60, v4;
	(v2sf) =	vpush v15, $0xC  }
0x2ec: {  	(v2sf) =	vpush v15, $0xD  }
0x2ed: {  	v13 =	vadd.f32 v14, v13;
	(v2sf) =	vpush v15, $0xE  }
0x2ee: {  	s19 =	spop (v2sf);
	(v2sf) =	vpush v15, $0xF  }
0x2ef: {  	s20 =	spop (v2sf);
	(v2sf) =	vpush v13, $0x0  }
0x2f0: {  	s5 =	spop (v2sf);
	(v2sf) =	vpush v13, $0x1  }
0x2f1: {  	s21 =	spop (v2sf);
	(v2sf) =	vpush v13, $0x2  }
0x2f2: {  	s7 =	spop (v2sf);
	(v2sf) =	vpush v13, $0x3  }
0x2f3: {  	s8 =	spop (v2sf);
	(v2sf) =	vpush v13, $0x4  }
0x2f4: {  	s9 =	spop (v2sf);
	(v2sf) =	vpush v13, $0x5  }
0x2f5: {  	s10 =	spop (v2sf);
	(v2sf) =	vpush v13, $0x6  }
0x2f6: {  	v14 =	vld [tilespmem:s3+$0x100];
	s11 =	spop (v2sf);
	(v2sf) =	vpush v13, $0x7  }
0x2f7: {  	s12 =	spop (v2sf);
	(v2sf) =	vpush v13, $0x8  }
0x2f8: {  	s13 =	spop (v2sf);
	(v2sf) =	vpush v13, $0x9  }
0x2f9: {  	v12 =	vmul.f32 v12, v1;
	s14 =	spop (v2sf);
	(v2sf) =	vpush v13, $0xA  }
0x2fa: {  	s22 =	spop (v2sf);
	(v2sf) =	vpush v13, $0xB  }
0x2fb: {  	v11 =	vadd.f32 v12, v11;
	v12 =	vmul.f32 v14, v4;
	s23 =	spop (v2sf);
	(v2sf) =	vpush v13, $0xC  }
0x2fc: {  	s2 =	sadd.f32 s20, s19;
	s24 =	spop (v2sf);
	(v2sf) =	vpush v13, $0xD  }
0x2fd: {  	v11 =	vadd.f32 v12, v11;
	s5 =	sadd.f32 s21, s5;
	s25 =	spop (v2sf);
	(v2sf) =	vpush v13, $0xE  }
0x2fe: {  	s13 =	sadd.f32 s14, s13;
	s14 =	spop (v2sf);
	(v2sf) =	vpush v13, $0xF  }
0x2ff: {  	s7 =	sadd.f32 s8, s7;
	s17 =	spop (v2sf);
	(v2sf) =	vpush v11, $0x0  }
0x300: {  	s2 =	sadd.f32 s5, s2;
	s18 =	spop (v2sf);
	(v2sf) =	vpush v11, $0x1  }
0x301: {  	s9 =	sadd.f32 s10, s9;
	s19 =	spop (v2sf);
	(v2sf) =	vpush v11, $0x2  }
0x302: {  	s11 =	sadd.f32 s12, s11;
	s20 =	spop (v2sf);
	(v2sf) =	vpush v11, $0x3  }
0x303: {  	s7 =	sadd.f32 s9, s7;
	s21 =	spop (v2sf);
	(v2sf) =	vpush v11, $0x4  }
0x304: {  	s4 =	sadd.f32 s23, s22;
	s22 =	spop (v2sf);
	(v2sf) =	vpush v11, $0x5  }
0x305: {  	s2 =	sadd.f32 s7, s2;
	s23 =	spop (v2sf);
	(v2sf) =	vpush v11, $0x6  }
0x306: {  	v12 =	vld [tilespmem:s3+$0x180];
	s8 =	sadd.f32 s25, s24;
	s24 =	spop (v2sf);
	(v2sf) =	vpush v11, $0x7  }
0x307: {  	s11 =	sadd.f32 s13, s11;
	s25 =	spop (v2sf);
	(v2sf) =	vpush v11, $0x8  }
0x308: {  	s4 =	sadd.f32 s8, s4;
	s16 =	spop (v2sf);
	(v2sf) =	vpush v11, $0x9  }
0x309: {  	v10 =	vmul.f32 v10, v1;
	s6 =	sadd.f32 s17, s14;
	s15 =	spop (v2sf);
	(v2sf) =	vpush v11, $0xA  }
0x30a: {  	s4 =	sadd.f32 s4, s11;
	s17 =	spop (v2sf);
	(v2sf) =	vpush v11, $0xB  }
0x30b: {  	v9 =	vadd.f32 v10, v9;
	v10 =	vmul.f32 v12, v4;
	s5 =	sadd.f32 s19, s18;
	s18 =	spop (v2sf);
	(v2sf) =	vpush v11, $0xC  }
0x30c: {  	s2 =	sadd.f32 s4, s2;
	s19 =	spop (v2sf);
	(v2sf) =	vpush v11, $0xD  }
0x30d: {  	v9 =	vadd.f32 v10, v9;
	s9 =	sadd.f32 s21, s20;
	s20 =	spop (v2sf);
	(v2sf) =	vpush v11, $0xE  }
0x30e: {  	s5 =	sadd.f32 s5, s6;
	s21 =	spop (v2sf);
	(v2sf) =	vpush v11, $0xF  }
0x30f: {  	s7 =	sadd.f32 s23, s22;
	s22 =	spop (v2sf);
	(v2sf) =	vpush v9, $0x0  }
0x310: {  	s11 =	sadd.f32 s25, s24;
	s23 =	spop (v2sf);
	(v2sf) =	vpush v9, $0x1  }
0x311: {  	s7 =	sadd.f32 s7, s9;
	s24 =	spop (v2sf);
	(v2sf) =	vpush v9, $0x2  }
0x312: {  	s4 =	sadd.f32 s15, s16;
	s25 =	spop (v2sf);
	(v2sf) =	vpush v9, $0x3  }
0x313: {  	s5 =	sadd.f32 s7, s5;
	s15 =	spop (v2sf);
	(v2sf) =	vpush v9, $0x4  }
0x314: {  	s10 =	sadd.f32 s18, s17;
	s16 =	spop (v2sf);
	(v2sf) =	vpush v9, $0x5  }
0x315: {  	s8 =	sadd.f32 s20, s19;
	s17 =	spop (v2sf);
	(v2sf) =	vpush v9, $0x6  }
0x316: {  	v10 =	vld [tilespmem:s3+$0x200];
	s4 =	sadd.f32 s4, s11;
	s18 =	spop (v2sf);
	(v2sf) =	vpush v9, $0x7  }
0x317: {  	v8 =	vmul.f32 v8, v1;
	s8 =	sadd.f32 s8, s10;
	s19 =	spop (v2sf);
	(v2sf) =	vpush v9, $0x8  }
0x318: {  	s13 =	sadd.f32 s22, s21;
	s20 =	spop (v2sf);
	(v2sf) =	vpush v9, $0x9  }
0x319: {  	v7 =	vadd.f32 v8, v7;
	v8 =	vmov s2;
	s4 =	sadd.f32 s8, s4;
	s21 =	spop (v2sf);
	(v2sf) =	vpush v9, $0xA  }
0x31a: {  	v8 =	vand.u32 $0x7FFFFFFF, v8;
	s6 =	sadd.f32 s24, s23;
	s22 =	spop (v2sf);
	(v2sf) =	vpush v9, $0xB  }
0x31b: {  	v10 =	vmul.f32 v10, v4;
	v8 =	vsub.f32 $0.0e+00, v8;
	s9 =	sadd.f32 s15, s25;
	s23 =	spop (v2sf);
	(v2sf) =	vpush v9, $0xC  }
0x31c: {  	s6 =	sadd.f32 s6, s13;
	s24 =	spop (v2sf);
	(v2sf) =	vpush v9, $0xD  }
0x31d: {  	v7 =	vadd.f32 v10, v7;
	v8 =	vmul.f32 $1.442695020e+00, v8;
	s4 =	sadd.f32 s4, s5;
	s25 =	spop (v2sf);
	(v2sf) =	vpush v9, $0xE  }
0x31e: {  	s7 =	sadd.f32 s17, s16;
	s15 =	spop (v2sf);
	(v2sf) =	vpush v9, $0xF  }
0x31f: {  	v8 =	vbroadcast v8, $0x0;
	s8 =	sadd.f32 s19, s18;
	s16 =	spop (v2sf);
	(v2sf) =	vpush v7, $0x0  }
0x320: {  	s7 =	sadd.f32 s7, s9;
	s17 =	spop (v2sf);
	(v2sf) =	vpush v7, $0x1  }
0x321: {  	(erf) = vpow2.f32 v8;
	s12 =	sadd.f32 s21, s20;
	s18 =	spop (v2sf);
	(v2sf) =	vpush v7, $0x2  }
0x322: {  	s6 =	sadd.f32 s7, s6;
	s19 =	spop (v2sf);
	(v2sf) =	vpush v7, $0x3  }
0x323: {  	s2 =	sadd.f32 s23, s22;
	s20 =	spop (v2sf);
	(v2sf) =	vpush v7, $0x4  }
0x324: {  	s14 =	sadd.f32 s25, s24;
	s21 =	spop (v2sf);
	(v2sf) =	vpush v7, $0x5  }
0x325: {  	v8 =	vld [tilespmem:s3+$0x280];
	s8 =	sadd.f32 s12, s8;
	s22 =	spop (v2sf);
	(v2sf) =	vpush v7, $0x6  }
0x326: {  	v9 =	vmov s4;
	s2 =	sadd.f32 s14, s2;
	s23 =	spop (v2sf);
	(v2sf) =	vpush v7, $0x7  }
0x327: {  	v6 =	vmul.f32 v6, v1;
	v9 =	vand.u32 $0x7FFFFFFF, v9;
	s11 =	sadd.f32 s16, s15;
	s24 =	spop (v2sf);
	(v2sf) =	vpush v7, $0x8  }
0x328: {  	v9 =	vsub.f32 $0.0e+00, v9;
	s2 =	sadd.f32 s2, s8;
	s25 =	spop (v2sf);
	(v2sf) =	vpush v7, $0x9  }
0x329: {  	v0 =	vadd.f32 v6, v0;
	s9 =	sadd.f32 s18, s17;
	s14 =	spop (v2sf);
	(v2sf) =	vpush v7, $0xA  }
0x32a: {  	v6 =	vmul.f32 v8, v4;
	v8 =	vpop (erf);
	v9 =	vmul.f32 $1.442695020e+00, v9;
	s2 =	sadd.f32 s2, s6;
	s15 =	spop (v2sf);
	(v2sf) =	vpush v7, $0xB  }
0x32b: {  	v8 =	vadd.f32 $1.000000000e+00, v8;
	s7 =	sadd.f32 s20, s19;
	s16 =	spop (v2sf);
	(v2sf) =	vpush v7, $0xC  }
0x32c: {  	v6 =	vadd.f32 v6, v0;
	v0 =	vbroadcast v9, $0x0;
	s9 =	sadd.f32 s9, s11;
	s17 =	spop (v2sf);
	(v2sf) =	vpush v7, $0xD  }
0x32d: {  	(erf) = vrcp.f32 v8;
	s5 =	sadd.f32 s22, s21;
	s18 =	spop (v2sf);
	(v2sf) =	vpush v7, $0xE  }
0x32e: {  	(erf) = vpow2.f32 v0;
	s4 =	sadd.f32 s24, s23;
	s19 =	spop (v2sf);
	(v2sf) =	vpush v7, $0xF  }
0x32f: {  	s5 =	sadd.f32 s5, s7;
	s20 =	spop (v2sf);
	(v2sf) =	vpush v6, $0x0  }
0x330: {  	s12 =	sadd.f32 s14, s25;
	s21 =	spop (v2sf);
	(v2sf) =	vpush v6, $0x1  }
0x331: {  	s24 =	sadd.f32 s5, s9;
	s22 =	spop (v2sf);
	(v2sf) =	vpush v6, $0x2  }
0x332: {  	v0 =	vmov s2;
	s8 =	sadd.f32 s16, s15;
	v7 =	vld [tilespmem:s1+$0x300];
	s23 =	spop (v2sf);
	(v2sf) =	vpush v6, $0x3  }
0x333: {  	v0 =	vand.u32 $0x7FFFFFFF, v0;
	s6 =	sadd.f32 s18, s17;
	s25 =	spop (v2sf);
	(v2sf) =	vpush v6, $0x4  }
0x334: {  	s4 =	sadd.f32 s12, s4;
	s9 =	spop (v2sf);
	(v2sf) =	vpush v6, $0x5  }
0x335: {  	v9 =	vsub.f32 $0.0e+00, v0;
	s6 =	sadd.f32 s6, s8;
	s13 =	spop (v2sf);
	(v2sf) =	vpush v6, $0x6  }
0x336: {  	v8 =	vld [tilespmem:s3+$0x300];
	v0 =	vpop (erf);
	s16 =	sadd.f32 s20, s19;
	s14 =	spop (v2sf);
	(v2sf) =	vpush v6, $0x7  }
0x337: {  	v9 =	vmul.f32 $1.442695020e+00, v9;
	s6 =	sadd.f32 s6, s4;
	v1 =	vmul.f32 v7, v1;
	v7 =	vpop (erf);
	s15 =	spop (v2sf);
	(v2sf) =	vpush v6, $0x8  }
0x338: {  	s7 =	sadd.f32 s22, s21;
	v7 =	vadd.f32 $1.000000000e+00, v7;
	s17 =	spop (v2sf);
	(v2sf) =	vpush v6, $0x9  }
0x339: {  	s1 =	sadd.f32 s6, s24;
	v1 =	vadd.f32 v1, v5;
	v5 =	vbroadcast v9, $0x0;
	s18 =	spop (v2sf);
	(v2sf) =	vpush v6, $0xA  }
0x33a: {  	s5 =	sadd.f32 s25, s23;
	(erf) = vrcp.f32 v7;
	s19 =	spop (v2sf);
	(v2sf) =	vpush v6, $0xB  }
0x33b: {  	v8 =	vmul.f32 v8, v4;
	s7 =	sadd.f32 s7, s16;
	(erf) = vpow2.f32 v5;
	s20 =	spop (v2sf);
	(v2sf) =	vpush v6, $0xC  }
0x33c: {  	s4 =	sadd.f32 s13, s9;
	s21 =	spop (v2sf);
	(v2sf) =	vpush v6, $0xD  }
0x33d: {  	v5 =	vadd.f32 v8, v1;
	s2 =	sadd.f32 s15, s14;
	s22 =	spop (v2sf);
	(v2sf) =	vpush v6, $0xE  }
0x33e: {  	s4 =	sadd.f32 s4, s5;
	s23 =	spop (v2sf);
	(v2sf) =	vpush v6, $0xF  }
0x33f: {  	v1 =	vmov s1;
	s10 =	sadd.f32 s18, s17;
	s24 =	spop (v2sf);
	(v2sf) =	vpush v5, $0x0  }
0x340: {  	v1 =	vand.u32 $0x7FFFFFFF, v1;
	s6 =	sadd.f32 s20, s19;
	s25 =	spop (v2sf);
	(v2sf) =	vpush v5, $0x1  }
0x341: {  	s2 =	sadd.f32 s10, s2;
	s10 =	spop (v2sf);
	(v2sf) =	vpush v5, $0x2  }
0x342: {  	s3 =	sadd.f32 s22, s21;
	v6 =	vsub.f32 $0.0e+00, v1;
	s11 =	spop (v2sf);
	(v2sf) =	vpush v5, $0x3  }
0x343: {  	s4 =	sadd.f32 s4, s7;
	v1 =	vpop (erf);
	s12 =	spop (v2sf);
	(v2sf) =	vpush v5, $0x4  }
0x344: {  	s3 =	sadd.f32 s3, s6;
	v7 =	vpop (erf);
	v6 =	vmul.f32 $1.442695020e+00, v6;
	s13 =	spop (v2sf);
	(v2sf) =	vpush v5, $0x5  }
0x345: {  	s8 =	sadd.f32 s24, s23;
	v7 =	vadd.f32 $1.000000000e+00, v7;
	s14 =	spop (v2sf);
	(v2sf) =	vpush v5, $0x6  }
0x346: {  	s1 =	sadd.f32 s3, s2;
	v6 =	vbroadcast v6, $0x0;
	s15 =	spop (v2sf);
	(v2sf) =	vpush v5, $0x7  }
0x347: {  	s2 =	sadd.f32 s10, s25;
	(erf) = vrcp.f32 v7;
	s16 =	spop (v2sf);
	(v2sf) =	vpush v5, $0x8  }
0x348: {  	s18 =	sshll.u32 s28, $0x4;
	s1 =	sadd.f32 s1, s4;
	(erf) = vpow2.f32 v6;
	s17 =	spop (v2sf);
	(v2sf) =	vpush v5, $0x9  }
0x349: {  	s0 =	sadd.s32 s18, s0;
	s6 =	sadd.f32 s12, s11;
	s19 =	spop (v2sf);
	(v2sf) =	vpush v5, $0xA  }
0x34a: {  	s0 =	sor.u32 $0x380, s0;
	s2 =	sadd.f32 s2, s8;
	s20 =	spop (v2sf);
	(v2sf) =	vpush v5, $0xB  }
0x34b: {  	v6 =	vld [tilespmem:s0+$0x13000];
	s3 =	sadd.f32 s14, s13;
	s21 =	spop (v2sf);
	(v2sf) =	vpush v5, $0xC  }
0x34c: {  	s4 =	sadd.f32 s16, s15;
	s22 =	spop (v2sf);
	(v2sf) =	vpush v5, $0xD  }
0x34d: {  	v7 =	vmov s1;
	s3 =	sadd.f32 s3, s6;
	s23 =	spop (v2sf);
	(v2sf) =	vpush v5, $0xE  }
0x34e: {  	s9 =	sadd.f32 s19, s17;
	s24 =	spop (v2sf);
	(v2sf) =	vpush v5, $0xF;
	v5 =	vand.u32 $0x7FFFFFFF, v7  }
0x34f: {  	s2 =	sadd.f32 s3, s2;
	v5 =	vsub.f32 $0.0e+00, v5  }
0x350: {  	v3 =	vadd.f32 v3, v2;
	v4 =	vmul.f32 v6, v4;
	s5 =	sadd.f32 s21, s20;
	v2 =	vpop (erf);
	s25 =	spop (v2sf)  }
0x351: {  	v6 =	vpop (erf);
	s0 =	sadd.f32 s23, s22;
	s8 =	spop (v2sf);
	v5 =	vmul.f32 $1.442695020e+00, v5  }
0x352: {  	v4 =	vadd.f32 v4, v3;
	s4 =	sadd.f32 s9, s4;
	v3 =	vadd.f32 $1.000000000e+00, v6;
	s10 =	spop (v2sf)  }
0x353: {  	s0 =	sadd.f32 s0, s5;
	s11 =	spop (v2sf);
	v5 =	vbroadcast v5, $0x0  }
0x354: {  	(erf) = vrcp.f32 v3;
	s1 =	sadd.f32 s25, s24;
	s12 =	spop (v2sf)  }
0x355: {  	s0 =	sadd.f32 s0, s4;
	s13 =	spop (v2sf);
	(erf) = vpow2.f32 v5  }
0x356: {  	(v2sf) =	vpush v4, $0x0;
	s6 =	sadd.f32 s10, s8;
	s14 =	spop (v2sf)  }
0x357: {  	(v2sf) =	vpush v4, $0x1;
	s0 =	sadd.f32 s0, s2;
	s15 =	spop (v2sf)  }
0x358: {  	s3 =	sadd.f32 s12, s11;
	s16 =	spop (v2sf);
	(v2sf) =	vpush v4, $0x2  }
0x359: {  	s1 =	sadd.f32 s6, s1;
	v3 =	vmov s0;
	s17 =	spop (v2sf);
	(v2sf) =	vpush v4, $0x3  }
0x35a: {  	s4 =	sadd.f32 s14, s13;
	v3 =	vand.u32 $0x7FFFFFFF, v3;
	s18 =	spop (v2sf);
	(v2sf) =	vpush v4, $0x4  }
0x35b: {  	s2 =	sadd.f32 s16, s15;
	s19 =	spop (v2sf);
	(v2sf) =	vpush v4, $0x5  }
0x35c: {  	v5 =	vsub.f32 $0.0e+00, v3;
	s3 =	sadd.f32 s4, s3;
	s20 =	spop (v2sf);
	(v2sf) =	vpush v4, $0x6  }
0x35d: {  	s7 =	sadd.f32 s18, s17;
	v3 =	vpop (erf);
	s21 =	spop (v2sf);
	(v2sf) =	vpush v4, $0x7  }
0x35e: {  	s24 =	simm.s32 $0x0;
	v5 =	vmul.f32 $1.442695020e+00, v5;
	s0 =	sadd.f32 s20, s19;
	s22 =	spop (v2sf);
	(v2sf) =	vpush v4, $0x8;
	v6 =	vpop (erf)  }
0x35f: {  	s25 =	sand.u32 $0x40, s24;
	s8 =	sand.u32 $0x7C00, s24;
	s23 =	sadd.f32 s22, s21;
	(v2sf) =	vpush v4, $0x9;
	v6 =	vadd.f32 $1.000000000e+00, v6  }
0x360: {  	s8 =	sor.u32 s25, s8;
	v5 =	vbroadcast v5, $0x0;
	s9 =	sadd.f32 s7, s2;
	(v2sf) =	vpush v4, $0xA  }
0x361: {  	v7 =	vld [tilespmem:s8+$0x13000];
	(v2sf) =	vpush v4, $0xB;
	s0 =	sadd.f32 s23, s0;
	(erf) = vrcp.f32 v6  }
0x362: {  	s1 =	sadd.f32 s3, s1;
	(v2sf) =	vpush v4, $0xC;
	(erf) = vpow2.f32 v5  }
0x363: {  	s2 =	sadd.s32 $0x13000, s8;
	(v2sf) =	vpush v4, $0xD;
	s0 =	sadd.f32 s0, s9  }
0x364: {  	v5 =	vld [tilespmem:s2+$0x30];
	(v2sf) =	vpush v4, $0xE  }
0x365: {  	s10 =	spop (v2sf);
	(v2sf) =	vpush v4, $0xF;
	v4 =	vld [tilespmem:s2+$0xB0];
	s0 =	sadd.f32 s0, s1  }
0x366: {  	v7 =	vmul.f32 v7, v0;
	v6 =	vld [tilespmem:s2+$0x130]  }
0x367: {  	v8 =	vld [tilespmem:s2+$0x1B0];
	s11 =	spop (v2sf);
	v10 =	vmov s0  }
0x368: {  	v9 =	vld [tilespmem:s2+$0x80];
	[tilespmem:s8+$0x13000] =	vst v7;
	s12 =	spop (v2sf);
	v7 =	vand.u32 $0x7FFFFFFF, v10  }
0x369: {  	p0 =	por $0x0, $0x0;
	s1 =	simm.s32 $0x1;
	s13 =	spop (v2sf);
	v5 =	vmul.f32 v5, v0;
	v10 =	vld [tilespmem:s2+$0x100];
	v7 =	vsub.f32 $0.0e+00, v7  }
0x36a: {  	v12 =	vld [tilespmem:s2+$0x180];
	s1 =	simm.s32 @!p0 $0x0;
	s14 =	spop (v2sf);
	v11 =	vmul.f32 v4, v1;
	v4 =	vpop (erf)  }
0x36b: {  	s1 =	sshll.u32 s1, $0x6;
	s15 =	spop (v2sf);
	[tilespmem:s2+$0x30] =	vst v5;
	v5 =	vmul.f32 v6, v2;
	v6 =	vld [tilespmem:s2+$0x10];
	v7 =	vmul.f32 $1.442695020e+00, v7;
	v13 =	vpop (erf)  }
0x36c: {  	v8 =	vmul.f32 v8, v3;
	s1 =	sadd.s32 $0x0, s1;
	s16 =	spop (v2sf);
	[tilespmem:s2+$0xB0] =	vst v11;
	v11 =	vld [tilespmem:s2+$0x90];
	v13 =	vadd.f32 $1.000000000e+00, v13  }
0x36d: {  	s5 =	sadd.f32 s11, s10;
	s8 =	sadd.s32 $0x30, s1;
	s17 =	spop (v2sf);
	[tilespmem:s2+$0x130] =	vst v5;
	v5 =	vmul.f32 v9, v1;
	v9 =	vld [tilespmem:s2+$0x110];
	v7 =	vbroadcast v7, $0x0  }
0x36e: {  	[tilespmem:s2+$0x1B0] =	vst v8;
	s6 =	sadd.f32 s13, s12;
	s22 =	sor.u32 $0x200, s8;
	s18 =	spop (v2sf);
	v8 =	vmul.f32 v10, v2;
	v10 =	vld [tilespmem:s2+$0x190];
	(erf) = vrcp.f32 v13  }
0x36f: {  	s0 =	sadd.f32 s15, s14;
	s19 =	spop (v2sf);
	[tilespmem:s2+$0x80] =	vst v5;
	v5 =	vmul.f32 v12, v3;
	(erf) = vpow2.f32 v7;
	v7 =	vld [tilespmem:s22+$0x13000]  }
0x370: {  	s5 =	sadd.f32 s6, s5;
	s20 =	spop (v2sf);
	[tilespmem:s2+$0x100] =	vst v8;
	v6 =	vmul.f32 v6, v0;
	v8 =	vld [tilespmem:s2+$0x20]  }
0x371: {  	s4 =	sadd.f32 s17, s16;
	s21 =	spop (v2sf);
	[tilespmem:s2+$0x180] =	vst v5;
	v5 =	vmul.f32 v11, v1;
	v11 =	vld [tilespmem:s2+$0xA0]  }
0x372: {  	s11 =	sadd.f32 s19, s18;
	s23 =	spop (v2sf);
	[tilespmem:s2+$0x10] =	vst v6;
	v6 =	vmul.f32 v9, v2;
	v9 =	vld [tilespmem:s2+$0x120]  }
0x373: {  	s16 =	sor.u32 $0x200, s1;
	s0 =	sadd.f32 s4, s0;
	s24 =	spop (v2sf);
	[tilespmem:s2+$0x90] =	vst v5;
	v5 =	vmul.f32 v10, v3;
	v10 =	vld [tilespmem:s2+$0x1A0]  }
0x374: {  	s3 =	sadd.s32 $0x10, s1;
	s13 =	sadd.f32 s21, s20;
	s25 =	spop (v2sf);
	[tilespmem:s2+$0x110] =	vst v6;
	v6 =	vld [tilespmem:s16+$0x13000];
	v7 =	vmul.f32 v7, v4  }
0x375: {  	s17 =	sor.u32 $0x200, s3;
	s9 =	sadd.f32 s24, s23;
	s15 =	spop (v2sf);
	v8 =	vmul.f32 v8, v0;
	[tilespmem:s2+$0x190] =	vst v5  }
0x376: {  	s18 =	sor.u32 $0x280, s8;
	s10 =	sadd.f32 s15, s25;
	v12 =	vld [tilespmem:s17+$0x13000];
	v11 =	vmul.f32 v11, v1;
	[tilespmem:s22+$0x13000] =	vst v7  }
0x377: {  	s19 =	sadd.f32 s13, s11;
	[tilespmem:s2+$0x20] =	vst v8;
	v7 =	vmul.f32 v9, v2;
	v5 =	vpop (erf);
	v8 =	vld [tilespmem:s18+$0x13000]  }
0x378: {  	s20 =	sadd.f32 s10, s9;
	[tilespmem:s2+$0xA0] =	vst v11;
	v10 =	vmul.f32 v10, v3;
	v9 =	vpop (erf)  }
0x379: {  	s5 =	sadd.f32 s0, s5;
	s0 =	sadd.s32 $0x20, s1;
	v6 =	vmul.f32 v6, v4;
	[tilespmem:s2+$0x120] =	vst v7;
	v9 =	vadd.f32 $1.000000000e+00, v9  }
0x37a: {  	s21 =	sor.u32 $0x200, s0;
	s6 =	sadd.f32 s20, s19;
	[tilespmem:s2+$0x1A0] =	vst v10  }
0x37b: {  	s23 =	simm.s32 $0x200;
	s24 =	simm.s32 $0x40;
	s22 =	sor.u32 $0x280, s1;
	[tilespmem:s16+$0x13000] =	vst v6;
	v7 =	vmul.f32 v12, v4;
	v6 =	vld [tilespmem:s21+$0x13000];
	(erf) = vrcp.f32 v9  }
0x37c: {  	s10 =	sand.u32 $0x40, s24;
	s9 =	sand.u32 $0x7C00, s23;
	s5 =	sadd.f32 s6, s5;
	v8 =	vmul.f32 v8, v5  }
0x37d: {  	s12 =	sor.u32 s10, s9;
	v9 =	vld [tilespmem:s22+$0x13000];
	[tilespmem:s17+$0x13000] =	vst v7  }
0x37e: {  	s25 =	sor.u32 $0x280, s3;
	v10 =	vmov s5;
	[tilespmem:s18+$0x13000] =	vst v8;
	v8 =	vld [tilespmem:s12+$0x13000]  }
0x37f: {  	s13 =	sor.u32 $0x300, s8;
	v7 =	vld [tilespmem:s25+$0x13000];
	v10 =	vand.u32 $0x7FFFFFFF, v10  }
0x380: {  	s14 =	sadd.s32 $0x13000, s12;
	v10 =	vsub.f32 $0.0e+00, v10;
	v11 =	vld [tilespmem:s13+$0x13000];
	v6 =	vmul.f32 v6, v4  }
0x381: {  	v12 =	vld [tilespmem:s14+$0x30]  }
0x382: {  	v13 =	vld [tilespmem:s14+$0xB0];
	v9 =	vmul.f32 v9, v5;
	v10 =	vmul.f32 $1.442695020e+00, v10  }
0x383: {  	v14 =	vld [tilespmem:s14+$0x130];
	[tilespmem:s21+$0x13000] =	vst v6;
	v8 =	vmul.f32 v8, v0  }
0x384: {  	v15 =	vld [tilespmem:s14+$0x1B0];
	[tilespmem:s22+$0x13000] =	vst v9;
	v7 =	vmul.f32 v7, v5;
	v10 =	vbroadcast v10, $0x0;
	v6 =	vpop (erf)  }
0x385: {  	v9 =	vld [tilespmem:s14+$0x80];
	v11 =	vmul.f32 v11, v6;
	[tilespmem:s12+$0x13000] =	vst v8  }
0x386: {  	p0 =	por !p0, !p0;
	s2 =	simm.s32 $0x1;
	[tilespmem:s25+$0x13000] =	vst v7;
	v7 =	vmul.f32 v12, v0;
	(erf) = vpow2.f32 v10;
	v8 =	vld [tilespmem:s14+$0x100]  }
0x387: {  	s2 =	simm.s32 @!p0 $0x0;
	v10 =	vmul.f32 v13, v1;
	[tilespmem:s13+$0x13000] =	vst v11;
	v11 =	vld [tilespmem:s14+$0x180]  }
0x388: {  	s2 =	sshll.u32 s2, $0x6;
	v12 =	vld [tilespmem:s14+$0x10];
	[tilespmem:s14+$0x30] =	vst v7;
	v7 =	vmul.f32 v14, v2  }
0x389: {  	s7 =	sadd.s32 $0x200, s2;
	v13 =	vld [tilespmem:s14+$0x90];
	[tilespmem:s14+$0xB0] =	vst v10;
	v10 =	vmul.f32 v15, v3  }
0x38a: {  	s2 =	sadd.s32 $0x30, s7;
	[tilespmem:s14+$0x130] =	vst v7;
	v7 =	vmul.f32 v9, v1;
	v9 =	vld [tilespmem:s14+$0x110]  }
0x38b: {  	s15 =	sor.u32 $0x200, s2;
	[tilespmem:s14+$0x1B0] =	vst v10;
	v10 =	vld [tilespmem:s14+$0x190];
	v8 =	vmul.f32 v8, v2  }
0x38c: {  	[tilespmem:s14+$0x80] =	vst v7;
	v7 =	vmul.f32 v11, v3;
	v11 =	vld [tilespmem:s15+$0x13000]  }
0x38d: {  	[tilespmem:s14+$0x100] =	vst v8;
	v8 =	vmul.f32 v12, v0;
	v12 =	vld [tilespmem:s14+$0x20]  }
0x38e: {  	[tilespmem:s14+$0x180] =	vst v7;
	v7 =	vmul.f32 v13, v1;
	v13 =	vld [tilespmem:s14+$0xA0]  }
0x38f: {  	v14 =	vpop (erf);
	[tilespmem:s14+$0x10] =	vst v8;
	v8 =	vmul.f32 v9, v2;
	v9 =	vld [tilespmem:s14+$0x120]  }
0x390: {  	s16 =	sor.u32 $0x200, s7;
	v14 =	vadd.f32 $1.000000000e+00, v14;
	[tilespmem:s14+$0x90] =	vst v7;
	v7 =	vmul.f32 v10, v3;
	v10 =	vld [tilespmem:s14+$0x1A0]  }
0x391: {  	s17 =	sor.u32 $0x280, s0;
	s12 =	sadd.s32 $0x10, s7;
	v15 =	vld [tilespmem:s16+$0x13000];
	[tilespmem:s14+$0x110] =	vst v8;
	v8 =	vmul.f32 v11, v4  }
0x392: {  	s18 =	sor.u32 $0x200, s12;
	(erf) = vrcp.f32 v14;
	v11 =	vld [tilespmem:s17+$0x13000];
	[tilespmem:s14+$0x190] =	vst v7;
	v7 =	vmul.f32 v12, v0  }
0x393: {  	s19 =	sor.u32 $0x280, s2;
	v12 =	vld [tilespmem:s18+$0x13000];
	v13 =	vmul.f32 v13, v1;
	[tilespmem:s15+$0x13000] =	vst v8  }
0x394: {  	s20 =	sor.u32 $0x300, s1;
	[tilespmem:s14+$0x20] =	vst v7;
	v7 =	vmul.f32 v9, v2;
	v8 =	vld [tilespmem:s19+$0x13000]  }
0x395: {  	s21 =	sor.u32 $0x300, s3;
	[tilespmem:s14+$0xA0] =	vst v13;
	v9 =	vmul.f32 v10, v3;
	v10 =	vld [tilespmem:s20+$0x13000]  }
0x396: {  	s8 =	sor.u32 $0x380, s8;
	s5 =	sadd.s32 $0x20, s7;
	v13 =	vmul.f32 v15, v4;
	[tilespmem:s14+$0x120] =	vst v7;
	v7 =	vld [tilespmem:s21+$0x13000]  }
0x397: {  	s22 =	sor.u32 $0x200, s5;
	v14 =	vld [tilespmem:s8+$0x13000];
	[tilespmem:s14+$0x1A0] =	vst v9;
	v9 =	vmul.f32 v11, v5  }
0x398: {  	s23 =	sor.u32 $0x280, s7;
	[tilespmem:s16+$0x13000] =	vst v13;
	v11 =	vmul.f32 v12, v4;
	v12 =	vld [tilespmem:s22+$0x13000]  }
0x399: {  	s24 =	sor.u32 $0x300, s0;
	v13 =	vld [tilespmem:s23+$0x13000];
	v8 =	vmul.f32 v8, v5;
	[tilespmem:s17+$0x13000] =	vst v9  }
0x39a: {  	s25 =	sor.u32 $0x280, s12;
	[tilespmem:s18+$0x13000] =	vst v11;
	v9 =	vmul.f32 v10, v6;
	v10 =	vld [tilespmem:s24+$0x13000]  }
0x39b: {  	s16 =	simm.s32 $0x80;
	s17 =	sor.u32 $0x300, s2;
	s18 =	simm.s32 $0x400;
	v11 =	vld [tilespmem:s25+$0x13000];
	[tilespmem:s19+$0x13000] =	vst v8;
	v8 =	vmul.f32 v7, v6;
	v7 =	vpop (erf)  }
0x39c: {  	s1 =	sor.u32 $0x380, s1;
	s11 =	sand.u32 $0x7C00, s18;
	v15 =	vld [tilespmem:s17+$0x13000];
	[tilespmem:s20+$0x13000] =	vst v9;
	v9 =	vmul.f32 v14, v7;
	s20 =	sand.u32 $0x40, s16  }
0x39d: {  	v14 =	vld [tilespmem:s1+$0x13000];
	[tilespmem:s21+$0x13000] =	vst v8;
	v8 =	vmul.f32 v12, v4;
	s11 =	sor.u32 s20, s11  }
0x39e: {  	s19 =	sor.u32 $0x380, s3;
	[tilespmem:s8+$0x13000] =	vst v9;
	v9 =	vmul.f32 v13, v5;
	v13 =	vld [tilespmem:s11+$0x13000]  }
0x39f: {  	v12 =	vld [tilespmem:s19+$0x13000];
	s3 =	sadd.s32 $0x13000, s11;
	[tilespmem:s22+$0x13000] =	vst v8;
	v8 =	vmul.f32 v10, v6  }
0x3a0: {  	v10 =	vld [tilespmem:s3+$0x30];
	[tilespmem:s23+$0x13000] =	vst v9;
	v11 =	vmul.f32 v11, v5  }
0x3a1: {  	v9 =	vld [tilespmem:s3+$0xB0];
	v15 =	vmul.f32 v15, v6;
	[tilespmem:s24+$0x13000] =	vst v8  }
0x3a2: {  	v8 =	vld [tilespmem:s3+$0x130];
	v14 =	vmul.f32 v14, v7;
	[tilespmem:s25+$0x13000] =	vst v11  }
0x3a3: {  	s2 =	sor.u32 $0x380, s2;
	v61 =	vld [tilespmem:s3+$0x1B0];
	[tilespmem:s17+$0x13000] =	vst v15;
	v11 =	vmul.f32 v13, v0  }
0x3a4: {  	v12 =	vmul.f32 v12, v7;
	v13 =	vld [tilespmem:s2+$0x13000];
	[tilespmem:s1+$0x13000] =	vst v14  }
0x3a5: {  	v14 =	vld [tilespmem:s3+$0x80];
	v10 =	vmul.f32 v10, v0;
	[tilespmem:s11+$0x13000] =	vst v11  }
0x3a6: {  	p0 =	por !p0, !p0;
	s1 =	simm.s32 $0x1;
	[tilespmem:s19+$0x13000] =	vst v12;
	v9 =	vmul.f32 v9, v1;
	v11 =	vld [tilespmem:s3+$0x100]  }
0x3a7: {  	s1 =	simm.s32 @!p0 $0x0;
	v12 =	vld [tilespmem:s3+$0x180];
	[tilespmem:s3+$0x30] =	vst v10;
	v8 =	vmul.f32 v8, v2  }
0x3a8: {  	s1 =	sshll.u32 s1, $0x6;
	v10 =	vld [tilespmem:s3+$0x10];
	[tilespmem:s3+$0xB0] =	vst v9;
	v9 =	vmul.f32 v61, v3  }
0x3a9: {  	v15 =	vld [tilespmem:s3+$0x90];
	s4 =	sadd.s32 $0x400, s1;
	[tilespmem:s3+$0x130] =	vst v8;
	v8 =	vmul.f32 v13, v7  }
0x3aa: {  	s30 =	sadd.s32 $0x30, s4;
	v13 =	vmul.f32 v14, v1;
	v14 =	vld [tilespmem:s3+$0x110];
	[tilespmem:s3+$0x1B0] =	vst v9  }
0x3ab: {  	s21 =	sor.u32 $0x200, s30;
	v9 =	vmul.f32 v11, v2;
	v11 =	vld [tilespmem:s3+$0x190];
	[tilespmem:s2+$0x13000] =	vst v8  }
0x3ac: {  	[tilespmem:s3+$0x80] =	vst v13;
	v8 =	vmul.f32 v12, v3;
	v12 =	vld [tilespmem:s21+$0x13000]  }
0x3ad: {  	[tilespmem:s3+$0x100] =	vst v9;
	v9 =	vmul.f32 v10, v0;
	v10 =	vld [tilespmem:s3+$0x20]  }
0x3ae: {  	v13 =	vld [tilespmem:s3+$0xA0];
	[tilespmem:s3+$0x180] =	vst v8;
	v8 =	vmul.f32 v15, v1  }
0x3af: {  	[tilespmem:s3+$0x10] =	vst v9;
	v9 =	vmul.f32 v14, v2;
	v14 =	vld [tilespmem:s3+$0x120]  }
0x3b0: {  	s22 =	sor.u32 $0x200, s4;
	[tilespmem:s3+$0x90] =	vst v8;
	v8 =	vmul.f32 v11, v3;
	v11 =	vld [tilespmem:s3+$0x1A0]  }
0x3b1: {  	s23 =	sor.u32 $0x280, s5;
	s24 =	sadd.s32 $0x10, s4;
	v15 =	vld [tilespmem:s22+$0x13000];
	[tilespmem:s3+$0x110] =	vst v9;
	v9 =	vmul.f32 v12, v4  }
0x3b2: {  	s25 =	sor.u32 $0x200, s24;
	[tilespmem:s3+$0x190] =	vst v8;
	v8 =	vmul.f32 v10, v0;
	v10 =	vld [tilespmem:s23+$0x13000]  }
0x3b3: {  	s18 =	sor.u32 $0x280, s30;
	v13 =	vmul.f32 v13, v1;
	v12 =	vld [tilespmem:s25+$0x13000];
	[tilespmem:s21+$0x13000] =	vst v9  }
0x3b4: {  	s20 =	sor.u32 $0x300, s7;
	[tilespmem:s3+$0x20] =	vst v8;
	v8 =	vmul.f32 v14, v2;
	v14 =	vld [tilespmem:s18+$0x13000]  }
0x3b5: {  	s8 =	sor.u32 $0x300, s12;
	[tilespmem:s3+$0xA0] =	vst v13;
	v9 =	vmul.f32 v11, v3;
	v11 =	vld [tilespmem:s20+$0x13000]  }
0x3b6: {  	s0 =	sor.u32 $0x380, s0;
	s19 =	sadd.s32 $0x20, s4;
	v13 =	vmul.f32 v15, v4;
	v15 =	vld [tilespmem:s8+$0x13000];
	[tilespmem:s3+$0x120] =	vst v8  }
0x3b7: {  	s28 =	sor.u32 $0x380, s7;
	s9 =	sor.u32 $0x300, s5;
	v62 =	vld [tilespmem:s0+$0x13000];
	s17 =	sor.u32 $0x200, s19;
	[tilespmem:s3+$0x1A0] =	vst v9;
	v8 =	vmul.f32 v10, v5  }
0x3b8: {  	s7 =	simm.s32 $0x8;
	s1 =	sor.u32 $0x380, s12;
	s15 =	sor.u32 $0x280, s4;
	[tilespmem:s22+$0x13000] =	vst v13;
	v12 =	vmul.f32 v12, v4;
	v10 =	vld [tilespmem:s17+$0x13000]  }
0x3b9: {  	s12 =	sor.u32 $0x300, s4;
	s16 =	sor.u32 $0x380, s4;
	s6 =	sor.u32 $0x280, s24;
	v9 =	vld [tilespmem:s15+$0x13000];
	v13 =	vmul.f32 v14, v5;
	[tilespmem:s23+$0x13000] =	vst v8  }
0x3ba: {  	s13 =	sor.u32 $0x280, s19;
	s11 =	sor.u32 $0x300, s19;
	s14 =	sor.u32 $0x380, s24;
	[tilespmem:s25+$0x13000] =	vst v12;
	v63 =	vmul.f32 v11, v6;
	v8 =	vld [tilespmem:s9+$0x13000]  }
0x3bb: {  	s3 =	sor.u32 $0x380, s5;
	s5 =	sor.u32 $0x380, s19;
	s19 =	sor.u32 $0x300, s30;
	v14 =	vmul.f32 v15, v6;
	v12 =	vld [tilespmem:s6+$0x13000];
	[tilespmem:s18+$0x13000] =	vst v13  }
0x3bc: {  	s2 =	sor.u32 $0x300, s24;
	s22 =	simm.s32 $0x600;
	s23 =	simm.s32 $0xC0;
	v13 =	vmul.f32 v62, v7;
	v11 =	vld [tilespmem:s19+$0x13000];
	[tilespmem:s20+$0x13000] =	vst v63  }
.LBB2_15:
0x3bd: {  	s4 =	sand.u32 $0x40, s23;
	s10 =	sand.u32 $0x7C00, s22;
	v10 =	vmul.f32 v10, v4;
	v15 =	vld [tilespmem:s28+$0x13000];
	[tilespmem:s8+$0x13000] =	vst v14;
	s8 =	smov.u32 s2  }
0x3be: {  	s2 =	sor.u32 s4, s10;
	v9 =	vmul.f32 v9, v5;
	v14 =	vld [tilespmem:s1+$0x13000];
	[tilespmem:s0+$0x13000] =	vst v13;
	s0 =	smov.u32 s3;
	s3 =	smov.u32 s5  }
0x3bf: {  	s4 =	sadd.s32 $0x13000, s2;
	v13 =	vld [tilespmem:s2+$0x13000];
	[tilespmem:s17+$0x13000] =	vst v10;
	v8 =	vmul.f32 v8, v6  }
0x3c0: {  	v10 =	vld [tilespmem:s4+$0x30];
	[tilespmem:s15+$0x13000] =	vst v9;
	v9 =	vmul.f32 v12, v5  }
0x3c1: {  	s7 =	sadd.s32 $0x4, s7;
	v12 =	vld [tilespmem:s4+$0xB0];
	v11 =	vmul.f32 v11, v6;
	[tilespmem:s9+$0x13000] =	vst v8;
	s9 =	smov.u32 s11  }
0x3c2: {  	p1 =	slt.u32 s7, $0xFC;
	v8 =	vld [tilespmem:s4+$0x130];
	[tilespmem:s6+$0x13000] =	vst v9;
	v9 =	vmul.f32 v15, v7  }
0x3c3: {  	s5 =	sor.u32 $0x380, s30;
	v15 =	vld [tilespmem:s4+$0x1B0];
	[tilespmem:s19+$0x13000] =	vst v11;
	v11 =	vmul.f32 v14, v7  }
0x3c4: {  	v13 =	vmul.f32 v13, v0;
	v14 =	vld [tilespmem:s5+$0x13000];
	[tilespmem:s28+$0x13000] =	vst v9;
	s28 =	smov.u32 s16  }
0x3c5: {  	v9 =	vld [tilespmem:s4+$0x80];
	v10 =	vmul.f32 v10, v0;
	[tilespmem:s1+$0x13000] =	vst v11;
	s1 =	smov.u32 s14  }
0x3c6: {  	p0 =	por !p0, !p0;
	[tilespmem:s2+$0x13000] =	vst v13;
	v11 =	vld [tilespmem:s4+$0x100];
	v12 =	vmul.f32 v12, v1;
	s2 =	simm.s32 $0x1  }
0x3c7: {  	s2 =	simm.s32 @!p0 $0x0;
	v13 =	vld [tilespmem:s4+$0x180];
	[tilespmem:s4+$0x30] =	vst v10;
	v8 =	vmul.f32 v8, v2  }
0x3c8: {  	s2 =	sshll.u32 s2, $0x6;
	v10 =	vld [tilespmem:s4+$0x10];
	[tilespmem:s4+$0xB0] =	vst v12;
	v12 =	vmul.f32 v15, v3  }
0x3c9: {  	s10 =	sadd.s32 s2, s22;
	v15 =	vld [tilespmem:s4+$0x90];
	[tilespmem:s4+$0x130] =	vst v8;
	v8 =	vmul.f32 v14, v7  }
0x3ca: {  	v9 =	vmul.f32 v9, v1;
	v14 =	vld [tilespmem:s4+$0x110];
	s14 =	sadd.s32 $0x10, s10;
	s16 =	sadd.s32 $0x20, s10;
	[tilespmem:s4+$0x1B0] =	vst v12;
	s30 =	sadd.s32 $0x30, s10  }
0x3cb: {  	v11 =	vmul.f32 v11, v2;
	v12 =	vld [tilespmem:s4+$0x190];
	s19 =	sor.u32 $0x200, s14;
	s17 =	sor.u32 $0x200, s16;
	s20 =	sor.u32 $0x200, s30;
	[tilespmem:s5+$0x13000] =	vst v8  }
0x3cc: {  	s21 =	sor.u32 $0x200, s10;
	s6 =	sor.u32 $0x280, s14;
	s24 =	sor.u32 $0x280, s16;
	[tilespmem:s4+$0x80] =	vst v9;
	v8 =	vmul.f32 v13, v3;
	v9 =	vld [tilespmem:s20+$0x13000]  }
0x3cd: {  	s15 =	sor.u32 $0x280, s10;
	s2 =	sor.u32 $0x300, s14;
	s11 =	sor.u32 $0x300, s16;
	[tilespmem:s4+$0x100] =	vst v11;
	v10 =	vmul.f32 v10, v0;
	v11 =	vld [tilespmem:s4+$0x20]  }
0x3ce: {  	s18 =	sor.u32 $0x300, s10;
	s14 =	sor.u32 $0x380, s14;
	s5 =	sor.u32 $0x380, s16;
	[tilespmem:s4+$0x180] =	vst v8;
	v8 =	vmul.f32 v15, v1;
	v13 =	vld [tilespmem:s4+$0xA0]  }
0x3cf: {  	s16 =	sor.u32 $0x380, s10;
	[tilespmem:s4+$0x10] =	vst v10;
	v10 =	vmul.f32 v14, v2;
	v14 =	vld [tilespmem:s4+$0x120]  }
0x3d0: {  	[tilespmem:s4+$0x90] =	vst v8;
	v8 =	vmul.f32 v12, v3;
	v12 =	vld [tilespmem:s4+$0x1A0]  }
0x3d1: {  	v15 =	vld [tilespmem:s21+$0x13000];
	[tilespmem:s4+$0x110] =	vst v10;
	v9 =	vmul.f32 v9, v4  }
0x3d2: {  	[tilespmem:s4+$0x190] =	vst v8;
	v8 =	vmul.f32 v11, v0;
	v10 =	vld [tilespmem:s13+$0x13000]  }
0x3d3: {  	s10 =	sor.u32 $0x280, s30;
	v11 =	vld [tilespmem:s19+$0x13000];
	v13 =	vmul.f32 v13, v1;
	[tilespmem:s20+$0x13000] =	vst v9  }
0x3d4: {  	[tilespmem:s4+$0x20] =	vst v8;
	v8 =	vmul.f32 v14, v2;
	v14 =	vld [tilespmem:s10+$0x13000]  }
0x3d5: {  	[tilespmem:s4+$0xA0] =	vst v13;
	v9 =	vmul.f32 v12, v3;
	v12 =	vld [tilespmem:s12+$0x13000]  }
0x3d6: {  	v13 =	vmul.f32 v15, v4;
	[tilespmem:s4+$0x120] =	vst v8;
	v15 =	vld [tilespmem:s8+$0x13000]  }
0x3d7: {  	[tilespmem:s4+$0x1A0] =	vst v9;
	v8 =	vmul.f32 v10, v5;
	v16 =	vld [tilespmem:s0+$0x13000]  }
.Ltmp6:
0x3d8: {  	[tilespmem:s21+$0x13000] =	vst v13;
	v11 =	vmul.f32 v11, v4;
	v10 =	vld [tilespmem:s17+$0x13000];
	(pc) =	sbr.rel @p1 .LBB2_15-.Ltmp6, $4  }
0x3d9: {  	v9 =	vld [tilespmem:s15+$0x13000];
	v13 =	vmul.f32 v14, v5;
	[tilespmem:s13+$0x13000] =	vst v8;
	s13 =	smov.u32 s24  }
0x3da: {  	[tilespmem:s19+$0x13000] =	vst v11;
	v17 =	vmul.f32 v12, v6;
	v8 =	vld [tilespmem:s9+$0x13000]  }
0x3db: {  	s19 =	sor.u32 $0x300, s30;
	v12 =	vld [tilespmem:s6+$0x13000];
	[tilespmem:s10+$0x13000] =	vst v13;
	v14 =	vmul.f32 v15, v6  }
0x3dc: {  	s23 =	sadd.s32 $0x40, s23;
	s22 =	sadd.s32 $0x200, s22;
	v11 =	vld [tilespmem:s19+$0x13000];
	[tilespmem:s12+$0x13000] =	vst v17;
	v13 =	vmul.f32 v16, v7;
	s12 =	smov.u32 s18  }
0x3dd: {  	v0 =	vmul.f32 v10, v4;
	_ =	sdelay $0x1  }
0x3de: {  	[tilespmem:s17+$0x13000] =	vst v0  }
0x3df: {  	v0 =	vld [tilespmem:s13+$0x13000];
	_ =	sdelay $0x2  }
0x3e0: {  	v1 =	vmul.f32 v9, v5  }
0x3e1: {  	v2 =	vmul.f32 v12, v5  }
0x3e2: {  	[tilespmem:s15+$0x13000] =	vst v1;
	v0 =	vmul.f32 v0, v5  }
0x3e3: {  	v1 =	vld [tilespmem:s12+$0x13000];
	[tilespmem:s6+$0x13000] =	vst v2  }
0x3e4: {  	v2 =	vld [tilespmem:s2+$0x13000];
	[tilespmem:s13+$0x13000] =	vst v0  }
0x3e5: {  	v0 =	vld [tilespmem:s11+$0x13000]  }
0x3e6: {  	v3 =	vmul.f32 v11, v6  }
0x3e7: {  	v53 =	vld [tilespmem:s28+$0x13000];
	[tilespmem:s8+$0x13000] =	vst v14;
	v54 =	vmul.f32 v8, v6  }
0x3e8: {  	s4 =	sor.u32 $0x380, s30;
	v55 =	vld [tilespmem:s1+$0x13000];
	[tilespmem:s19+$0x13000] =	vst v3;
	v1 =	vmul.f32 v1, v6  }
0x3e9: {  	[tilespmem:s9+$0x13000] =	vst v54;
	v3 =	vld [tilespmem:s4+$0x13000];
	v2 =	vmul.f32 v2, v6  }
0x3ea: {  	v5 =	vld [tilespmem:s3+$0x13000];
	[tilespmem:s12+$0x13000] =	vst v1;
	v0 =	vmul.f32 v0, v6  }
0x3eb: {  	v1 =	vld [tilespmem:s16+$0x13000];
	[tilespmem:s2+$0x13000] =	vst v2  }
0x3ec: {  	v56 =	vmul.f32 v53, v7;
	v57 =	vld [tilespmem:s14+$0x13000];
	[tilespmem:s11+$0x13000] =	vst v0  }
0x3ed: {  	[tilespmem:s0+$0x13000] =	vst v13;
	v58 =	vmul.f32 v55, v7;
	v59 =	vld [tilespmem:s5+$0x13000]  }
0x3ee: {  	[tilespmem:s28+$0x13000] =	vst v56;
	v60 =	vmul.f32 v3, v7  }
0x3ef: {  	s26 =	sadd.s32 $0x1, s26;
	[tilespmem:s1+$0x13000] =	vst v58;
	v61 =	vmul.f32 v5, v7  }
0x3f0: {  	p0 =	sne.s32 s26, $0x15;
	[tilespmem:s4+$0x13000] =	vst v60;
	v1 =	vmul.f32 v1, v7  }
.Ltmp7:
0x3f1: {  	[tilespmem:s3+$0x13000] =	vst v61;
	v62 =	vmul.f32 v57, v7;
	(pc) =	sbr.rel @p0 .LBB2_4-.Ltmp7, $4  }
0x3f2: {  	s28 =	sadd.s32 s31, s29;
	[tilespmem:s16+$0x13000] =	vst v1;
	v63 =	vmul.f32 v59, v7  }
0x3f3: {  	s29 =	rddreg [dreg:$0x2];
	s0 =	sshll.u32 s28, $0xC;
	[tilespmem:s14+$0x13000] =	vst v62  }
0x3f4: {  	s10 =	simm.s32 $0x0;
	s30 =	simm.s32 $0x13000;
	s0 =	sadd.s32 s29, s0;
	[tilespmem:s5+$0x13000] =	vst v63  }
0x3f5: {  	[hbm4b:s0+s10] =	stream.linear.scatter [tilespmem:s30], [sflag:$0x6], $0x8000, $0x38;
	[tilespmem:$0x1B000] =	vst v63  }
0x3f6: {  	s0 =	simm.s32 $0x0;
	s2 =	simm.s32 $0x1  }
0x3f7: {  	_ =	swait.ge [sflag:s2], $0x8000;
	s1 =	sand.u32 $0x7, s0  }
0x3f8: {  	[sflag:s2] =	ssyncset.done $0x0;
	s1 =	sshll.u32 s1, $0x4  }
0x3f9: {  	[sflag:s2] =	ssyncadd.s32 $0xFFFF8000;
	s2 =	simm.s32 $0x2000;
	s1 =	sadd.s32 $0x0, s1  }
0x3fa: {  	s30 =	sand.u32 $0x70, s0;
	s3 =	sand.u32 $0x7C00, s0;
	v1 =	vld [tilespmem:s2+$0x0];
	s1 =	sor.u32 $0x380, s1  }
0x3fb: {  	v0 =	vld [tilespmem:s1+$0x3000];
	s1 =	sor.u32 s30, s3  }
0x3fc: {  	v15 =	vld [tilespmem:s1+$0x3000]  }
0x3fd: {  	v14 =	vld [tilespmem:s1+$0x3080]  }
0x3fe: {  	v3 =	vimm.f32 $0.0e+00;
	v13 =	vimm.f32 $0.0e+00;
	v12 =	vimm.f32 $0.0e+00;
	v11 =	vld [tilespmem:s1+$0x3100]  }
0x3ff: {  	s4 =	simm.s32 $0x10;
	v10 =	vimm.f32 $0.0e+00;
	v8 =	vimm.f32 $0.0e+00;
	v6 =	vimm.f32 $0.0e+00;
	s3 =	simm.s32 $0x1;
	v9 =	vld [tilespmem:s1+$0x3180]  }
0x400: {  	v2 =	vimm.f32 $0.0e+00;
	s5 =	sand.u32 $0x70, s4;
	s4 =	simm.s32 $0x20;
	s25 =	sand.u32 $0x7, s3;
	v7 =	vld [tilespmem:s1+$0x3200];
	v4 =	vmul.f32 v0, v1;
	v0 =	vimm.f32 $0.0e+00  }
.LBB2_18:
0x401: {  	p0 =	sne.s32 s4, $0xFF0;
	s6 =	sshll.u32 s25, $0x4;
	v5 =	vmul.f32 v15, v1;
	v16 =	vld [tilespmem:s1+$0x3280];
	s0 =	sadd.s32 $0x80, s0  }
0x402: {  	s2 =	sadd.s32 $0x10, s2;
	s6 =	sadd.s32 s6, s0;
	s7 =	sand.u32 $0x7C00, s0;
	v14 =	vmul.f32 v14, v1;
	v17 =	vld [tilespmem:s1+$0x3300];
	v3 =	vadd.f32 v4, v3  }
0x403: {  	v4 =	vld [tilespmem:s2+$0x0];
	s1 =	sor.u32 s5, s7;
	s5 =	sor.u32 $0x380, s6;
	v13 =	vadd.f32 v5, v13;
	v5 =	vmul.f32 v11, v1  }
0x404: {  	v18 =	vld [tilespmem:s5+$0x3000];
	v12 =	vadd.f32 v14, v12;
	v9 =	vmul.f32 v9, v1  }
.Ltmp8:
0x405: {  	v15 =	vld [tilespmem:s1+$0x3000];
	v10 =	vadd.f32 v5, v10;
	v5 =	vmul.f32 v7, v1;
	(pc) =	sbr.rel @p0 .LBB2_18-.Ltmp8, $4  }
0x406: {  	v14 =	vld [tilespmem:s1+$0x3080];
	v8 =	vadd.f32 v9, v8;
	v7 =	vmul.f32 v16, v1  }
0x407: {  	v11 =	vld [tilespmem:s1+$0x3100];
	v6 =	vadd.f32 v5, v6;
	v5 =	vmul.f32 v17, v1  }
0x408: {  	s3 =	sadd.s32 $0x1, s3;
	v9 =	vld [tilespmem:s1+$0x3180];
	v0 =	vadd.f32 v7, v0;
	v1 =	vmov v4  }
0x409: {  	s25 =	sand.u32 $0x7, s3;
	s5 =	sand.u32 $0x70, s4;
	s4 =	sadd.s32 $0x10, s4;
	v7 =	vld [tilespmem:s1+$0x3200];
	v4 =	vmul.f32 v18, v1;
	v2 =	vadd.f32 v5, v2  }
0x40a: {  	s0 =	sadd.s32 $0x80, s0  }
0x40b: {  	s2 =	sadd.s32 $0x10, s2;
	s3 =	sand.u32 $0x7C00, s0  }
0x40c: {  	v5 =	vld [tilespmem:s2+$0x0];
	s3 =	sor.u32 s5, s3  }
0x40d: {  	v16 =	vld [tilespmem:s3+$0x3000];
	_ =	sdelay $0x2  }
0x40e: {  	v15 =	vmul.f32 v15, v1;
	_ =	sdelay $0x1  }
0x40f: {  	v13 =	vadd.f32 v15, v13;
	v15 =	vmul.f32 v16, v5;
	_ =	sdelay $0x1  }
0x410: {  	v13 =	vadd.f32 v15, v13;
	_ =	sdelay $0x1  }
0x411: {  	(v2sf) =	vpush v13, $0x0  }
0x412: {  	(v2sf) =	vpush v13, $0x1  }
0x413: {  	(v2sf) =	vpush v13, $0x2  }
0x414: {  	(v2sf) =	vpush v13, $0x3  }
0x415: {  	(v2sf) =	vpush v13, $0x4  }
0x416: {  	(v2sf) =	vpush v13, $0x5  }
0x417: {  	(v2sf) =	vpush v13, $0x6  }
0x418: {  	v15 =	vld [tilespmem:s3+$0x3080];
	(v2sf) =	vpush v13, $0x7  }
0x419: {  	(v2sf) =	vpush v13, $0x8  }
0x41a: {  	(v2sf) =	vpush v13, $0x9  }
0x41b: {  	v14 =	vmul.f32 v14, v1;
	(v2sf) =	vpush v13, $0xA  }
0x41c: {  	(v2sf) =	vpush v13, $0xB  }
0x41d: {  	v12 =	vadd.f32 v14, v12;
	v14 =	vmul.f32 v15, v5;
	(v2sf) =	vpush v13, $0xC  }
0x41e: {  	(v2sf) =	vpush v13, $0xD  }
0x41f: {  	v12 =	vadd.f32 v14, v12;
	(v2sf) =	vpush v13, $0xE  }
0x420: {  	s28 =	spop (v2sf);
	(v2sf) =	vpush v13, $0xF  }
0x421: {  	s4 =	spop (v2sf);
	(v2sf) =	vpush v12, $0x0  }
0x422: {  	s29 =	spop (v2sf);
	(v2sf) =	vpush v12, $0x1  }
0x423: {  	s6 =	spop (v2sf);
	(v2sf) =	vpush v12, $0x2  }
0x424: {  	s7 =	spop (v2sf);
	(v2sf) =	vpush v12, $0x3  }
0x425: {  	s8 =	spop (v2sf);
	(v2sf) =	vpush v12, $0x4  }
0x426: {  	s9 =	spop (v2sf);
	(v2sf) =	vpush v12, $0x5  }
0x427: {  	s10 =	spop (v2sf);
	(v2sf) =	vpush v12, $0x6  }
0x428: {  	v13 =	vld [tilespmem:s3+$0x3100];
	s11 =	spop (v2sf);
	(v2sf) =	vpush v12, $0x7  }
0x429: {  	s12 =	spop (v2sf);
	(v2sf) =	vpush v12, $0x8  }
0x42a: {  	s13 =	spop (v2sf);
	(v2sf) =	vpush v12, $0x9  }
0x42b: {  	v11 =	vmul.f32 v11, v1;
	s14 =	spop (v2sf);
	(v2sf) =	vpush v12, $0xA  }
0x42c: {  	s30 =	spop (v2sf);
	(v2sf) =	vpush v12, $0xB  }
0x42d: {  	v10 =	vadd.f32 v11, v10;
	v11 =	vmul.f32 v13, v5;
	s15 =	spop (v2sf);
	(v2sf) =	vpush v12, $0xC  }
0x42e: {  	s2 =	sadd.f32 s4, s28;
	s16 =	spop (v2sf);
	(v2sf) =	vpush v12, $0xD  }
0x42f: {  	s5 =	sadd.f32 s6, s29;
	v10 =	vadd.f32 v11, v10;
	s17 =	spop (v2sf);
	(v2sf) =	vpush v12, $0xE  }
0x430: {  	s7 =	sadd.f32 s8, s7;
	s19 =	spop (v2sf);
	(v2sf) =	vpush v12, $0xF  }
0x431: {  	s2 =	sadd.f32 s5, s2;
	s20 =	spop (v2sf);
	(v2sf) =	vpush v10, $0x0  }
0x432: {  	s9 =	sadd.f32 s10, s9;
	s21 =	spop (v2sf);
	(v2sf) =	vpush v10, $0x1  }
0x433: {  	s11 =	sadd.f32 s12, s11;
	s22 =	spop (v2sf);
	(v2sf) =	vpush v10, $0x2  }
0x434: {  	s7 =	sadd.f32 s9, s7;
	s23 =	spop (v2sf);
	(v2sf) =	vpush v10, $0x3  }
0x435: {  	s18 =	sadd.f32 s14, s13;
	s24 =	spop (v2sf);
	(v2sf) =	vpush v10, $0x4  }
0x436: {  	s2 =	sadd.f32 s7, s2;
	s26 =	spop (v2sf);
	(v2sf) =	vpush v10, $0x5  }
0x437: {  	s4 =	sadd.f32 s15, s30;
	s28 =	spop (v2sf);
	(v2sf) =	vpush v10, $0x6  }
0x438: {  	v11 =	vld [tilespmem:s3+$0x3180];
	s8 =	sadd.f32 s17, s16;
	s29 =	spop (v2sf);
	(v2sf) =	vpush v10, $0x7  }
0x439: {  	s11 =	sadd.f32 s18, s11;
	s30 =	spop (v2sf);
	(v2sf) =	vpush v10, $0x8  }
0x43a: {  	s4 =	sadd.f32 s8, s4;
	s16 =	spop (v2sf);
	(v2sf) =	vpush v10, $0x9  }
0x43b: {  	v9 =	vmul.f32 v9, v1;
	s6 =	sadd.f32 s20, s19;
	s15 =	spop (v2sf);
	(v2sf) =	vpush v10, $0xA  }
0x43c: {  	s4 =	sadd.f32 s4, s11;
	s17 =	spop (v2sf);
	(v2sf) =	vpush v10, $0xB  }
0x43d: {  	v8 =	vadd.f32 v9, v8;
	v9 =	vmul.f32 v11, v5;
	s5 =	sadd.f32 s22, s21;
	s18 =	spop (v2sf);
	(v2sf) =	vpush v10, $0xC  }
0x43e: {  	s2 =	sadd.f32 s4, s2;
	s19 =	spop (v2sf);
	(v2sf) =	vpush v10, $0xD  }
0x43f: {  	v8 =	vadd.f32 v9, v8;
	s9 =	sadd.f32 s24, s23;
	s20 =	spop (v2sf);
	(v2sf) =	vpush v10, $0xE  }
0x440: {  	s5 =	sadd.f32 s5, s6;
	s21 =	spop (v2sf);
	(v2sf) =	vpush v10, $0xF  }
0x441: {  	s7 =	sadd.f32 s28, s26;
	s22 =	spop (v2sf);
	(v2sf) =	vpush v8, $0x0  }
0x442: {  	s11 =	sadd.f32 s30, s29;
	s23 =	spop (v2sf);
	(v2sf) =	vpush v8, $0x1  }
0x443: {  	s7 =	sadd.f32 s7, s9;
	s24 =	spop (v2sf);
	(v2sf) =	vpush v8, $0x2  }
0x444: {  	s4 =	sadd.f32 s15, s16;
	s26 =	spop (v2sf);
	(v2sf) =	vpush v8, $0x3  }
0x445: {  	s5 =	sadd.f32 s7, s5;
	s28 =	spop (v2sf);
	(v2sf) =	vpush v8, $0x4  }
0x446: {  	s10 =	sadd.f32 s18, s17;
	s29 =	spop (v2sf);
	(v2sf) =	vpush v8, $0x5  }
0x447: {  	s8 =	sadd.f32 s20, s19;
	s30 =	spop (v2sf);
	(v2sf) =	vpush v8, $0x6  }
0x448: {  	v9 =	vld [tilespmem:s3+$0x3200];
	s4 =	sadd.f32 s4, s11;
	s15 =	spop (v2sf);
	(v2sf) =	vpush v8, $0x7  }
0x449: {  	s8 =	sadd.f32 s8, s10;
	s16 =	spop (v2sf);
	(v2sf) =	vpush v8, $0x8  }
0x44a: {  	v7 =	vmul.f32 v7, v1;
	s13 =	sadd.f32 s22, s21;
	s17 =	spop (v2sf);
	(v2sf) =	vpush v8, $0x9  }
0x44b: {  	s4 =	sadd.f32 s8, s4;
	s18 =	spop (v2sf);
	(v2sf) =	vpush v8, $0xA  }
0x44c: {  	v6 =	vadd.f32 v7, v6;
	v7 =	vmov s2;
	s6 =	sadd.f32 s24, s23;
	s19 =	spop (v2sf);
	(v2sf) =	vpush v8, $0xB  }
0x44d: {  	v9 =	vmul.f32 v9, v5;
	v7 =	vand.u32 $0x7FFFFFFF, v7;
	s9 =	sadd.f32 s28, s26;
	s20 =	spop (v2sf);
	(v2sf) =	vpush v8, $0xC  }
0x44e: {  	v7 =	vsub.f32 $0.0e+00, v7;
	s6 =	sadd.f32 s6, s13;
	s21 =	spop (v2sf);
	(v2sf) =	vpush v8, $0xD  }
0x44f: {  	v6 =	vadd.f32 v9, v6;
	s4 =	sadd.f32 s4, s5;
	s22 =	spop (v2sf);
	(v2sf) =	vpush v8, $0xE  }
0x450: {  	v7 =	vmul.f32 $1.442695020e+00, v7;
	s7 =	sadd.f32 s30, s29;
	s24 =	spop (v2sf);
	(v2sf) =	vpush v8, $0xF  }
0x451: {  	s8 =	sadd.f32 s16, s15;
	s26 =	spop (v2sf);
	(v2sf) =	vpush v6, $0x0  }
0x452: {  	v7 =	vbroadcast v7, $0x0;
	s7 =	sadd.f32 s7, s9;
	s28 =	spop (v2sf);
	(v2sf) =	vpush v6, $0x1  }
0x453: {  	s12 =	sadd.f32 s18, s17;
	s29 =	spop (v2sf);
	(v2sf) =	vpush v6, $0x2  }
0x454: {  	(erf) = vpow2.f32 v7;
	s6 =	sadd.f32 s7, s6;
	s30 =	spop (v2sf);
	(v2sf) =	vpush v6, $0x3  }
0x455: {  	v7 =	vld [tilespmem:s1+$0x3280];
	s2 =	sadd.f32 s20, s19;
	s14 =	spop (v2sf);
	(v2sf) =	vpush v6, $0x4  }
0x456: {  	s23 =	sadd.f32 s22, s21;
	s15 =	spop (v2sf);
	(v2sf) =	vpush v6, $0x5  }
0x457: {  	s8 =	sadd.f32 s12, s8;
	s16 =	spop (v2sf);
	(v2sf) =	vpush v6, $0x6  }
0x458: {  	v8 =	vld [tilespmem:s3+$0x3280];
	s2 =	sadd.f32 s23, s2;
	s17 =	spop (v2sf);
	(v2sf) =	vpush v6, $0x7  }
0x459: {  	v9 =	vmov s4;
	s11 =	sadd.f32 s26, s24;
	s18 =	spop (v2sf);
	(v2sf) =	vpush v6, $0x8  }
0x45a: {  	v7 =	vmul.f32 v7, v1;
	v9 =	vand.u32 $0x7FFFFFFF, v9;
	s2 =	sadd.f32 s2, s8;
	s19 =	spop (v2sf);
	(v2sf) =	vpush v6, $0x9  }
0x45b: {  	v9 =	vsub.f32 $0.0e+00, v9;
	s9 =	sadd.f32 s29, s28;
	s20 =	spop (v2sf);
	(v2sf) =	vpush v6, $0xA  }
0x45c: {  	v0 =	vadd.f32 v7, v0;
	s2 =	sadd.f32 s2, s6;
	s21 =	spop (v2sf);
	(v2sf) =	vpush v6, $0xB  }
0x45d: {  	v9 =	vmul.f32 $1.442695020e+00, v9;
	v7 =	vmul.f32 v8, v5;
	v8 =	vpop (erf);
	s7 =	sadd.f32 s14, s30;
	s22 =	spop (v2sf);
	(v2sf) =	vpush v6, $0xC  }
0x45e: {  	v8 =	vadd.f32 $1.000000000e+00, v8;
	s9 =	sadd.f32 s9, s11;
	s23 =	spop (v2sf);
	(v2sf) =	vpush v6, $0xD  }
0x45f: {  	v7 =	vadd.f32 v7, v0;
	v0 =	vbroadcast v9, $0x0;
	s5 =	sadd.f32 s16, s15;
	s24 =	spop (v2sf);
	(v2sf) =	vpush v6, $0xE  }
0x460: {  	(erf) = vrcp.f32 v8;
	s4 =	sadd.f32 s18, s17;
	s26 =	spop (v2sf);
	(v2sf) =	vpush v6, $0xF  }
0x461: {  	(erf) = vpow2.f32 v0;
	s5 =	sadd.f32 s5, s7;
	s28 =	spop (v2sf);
	(v2sf) =	vpush v7, $0x0  }
0x462: {  	s12 =	sadd.f32 s20, s19;
	s29 =	spop (v2sf);
	(v2sf) =	vpush v7, $0x1  }
0x463: {  	s14 =	sadd.f32 s5, s9;
	s30 =	spop (v2sf);
	(v2sf) =	vpush v7, $0x2  }
0x464: {  	s8 =	sadd.f32 s22, s21;
	s13 =	spop (v2sf);
	(v2sf) =	vpush v7, $0x3  }
0x465: {  	v0 =	vmov s2;
	s6 =	sadd.f32 s24, s23;
	v6 =	vld [tilespmem:s1+$0x3300];
	s15 =	spop (v2sf);
	(v2sf) =	vpush v7, $0x4  }
0x466: {  	v0 =	vand.u32 $0x7FFFFFFF, v0;
	s4 =	sadd.f32 s12, s4;
	s17 =	spop (v2sf);
	(v2sf) =	vpush v7, $0x5  }
0x467: {  	s6 =	sadd.f32 s6, s8;
	s18 =	spop (v2sf);
	(v2sf) =	vpush v7, $0x6  }
0x468: {  	v8 =	vld [tilespmem:s3+$0x3300];
	v9 =	vsub.f32 $0.0e+00, v0;
	s21 =	sadd.f32 s28, s26;
	s19 =	spop (v2sf);
	(v2sf) =	vpush v7, $0x7  }
0x469: {  	v0 =	vpop (erf);
	s16 =	sadd.f32 s6, s4;
	s20 =	spop (v2sf);
	(v2sf) =	vpush v7, $0x8  }
0x46a: {  	v9 =	vmul.f32 $1.442695020e+00, v9;
	s7 =	sadd.f32 s30, s29;
	v1 =	vmul.f32 v6, v1;
	v6 =	vpop (erf);
	s22 =	spop (v2sf);
	(v2sf) =	vpush v7, $0x9  }
0x46b: {  	s1 =	sadd.f32 s16, s14;
	v6 =	vadd.f32 $1.000000000e+00, v6;
	s23 =	spop (v2sf);
	(v2sf) =	vpush v7, $0xA  }
0x46c: {  	s5 =	sadd.f32 s15, s13;
	v1 =	vadd.f32 v1, v2;
	v2 =	vbroadcast v9, $0x0;
	s24 =	spop (v2sf);
	(v2sf) =	vpush v7, $0xB  }
0x46d: {  	v8 =	vmul.f32 v8, v5;
	s7 =	sadd.f32 s7, s21;
	(erf) = vrcp.f32 v6;
	s26 =	spop (v2sf);
	(v2sf) =	vpush v7, $0xC  }
0x46e: {  	s4 =	sadd.f32 s18, s17;
	(erf) = vpow2.f32 v2;
	s28 =	spop (v2sf);
	(v2sf) =	vpush v7, $0xD  }
0x46f: {  	v2 =	vadd.f32 v8, v1;
	s2 =	sadd.f32 s20, s19;
	s29 =	spop (v2sf);
	(v2sf) =	vpush v7, $0xE  }
0x470: {  	s4 =	sadd.f32 s4, s5;
	s30 =	spop (v2sf);
	(v2sf) =	vpush v7, $0xF  }
0x471: {  	s10 =	sadd.f32 s23, s22;
	s11 =	spop (v2sf);
	(v2sf) =	vpush v2, $0x0  }
0x472: {  	v1 =	vmov s1;
	s4 =	sadd.f32 s4, s7;
	s12 =	spop (v2sf);
	(v2sf) =	vpush v2, $0x1  }
0x473: {  	v1 =	vand.u32 $0x7FFFFFFF, v1;
	s6 =	sadd.f32 s26, s24;
	s14 =	spop (v2sf);
	(v2sf) =	vpush v2, $0x2  }
0x474: {  	s3 =	sadd.f32 s29, s28;
	s15 =	spop (v2sf);
	(v2sf) =	vpush v2, $0x3  }
0x475: {  	v6 =	vsub.f32 $0.0e+00, v1;
	s13 =	sadd.f32 s10, s2;
	s16 =	spop (v2sf);
	(v2sf) =	vpush v2, $0x4  }
0x476: {  	v1 =	vpop (erf);
	s3 =	sadd.f32 s3, s6;
	s17 =	spop (v2sf);
	(v2sf) =	vpush v2, $0x5  }
0x477: {  	v6 =	vmul.f32 $1.442695020e+00, v6;
	v7 =	vpop (erf);
	s8 =	sadd.f32 s11, s30;
	s18 =	spop (v2sf);
	(v2sf) =	vpush v2, $0x6  }
0x478: {  	v7 =	vadd.f32 $1.000000000e+00, v7;
	s1 =	sadd.f32 s3, s13;
	s19 =	spop (v2sf);
	(v2sf) =	vpush v2, $0x7  }
0x479: {  	v6 =	vbroadcast v6, $0x0;
	s2 =	sadd.f32 s14, s12;
	s20 =	spop (v2sf);
	(v2sf) =	vpush v2, $0x8  }
0x47a: {  	(erf) = vrcp.f32 v7;
	s1 =	sadd.f32 s1, s4;
	s21 =	spop (v2sf);
	(v2sf) =	vpush v2, $0x9  }
0x47b: {  	(erf) = vpow2.f32 v6;
	s6 =	sadd.f32 s16, s15;
	s22 =	spop (v2sf);
	(v2sf) =	vpush v2, $0xA  }
0x47c: {  	s8 =	sadd.f32 s2, s8;
	s23 =	spop (v2sf);
	(v2sf) =	vpush v2, $0xB  }
0x47d: {  	s3 =	sadd.f32 s18, s17;
	s24 =	spop (v2sf);
	(v2sf) =	vpush v2, $0xC  }
0x47e: {  	s25 =	sshll.u32 s25, $0x4;
	s4 =	sadd.f32 s20, s19;
	s26 =	spop (v2sf);
	(v2sf) =	vpush v2, $0xD  }
0x47f: {  	s0 =	sadd.s32 s25, s0;
	v6 =	vmov s1;
	s3 =	sadd.f32 s3, s6;
	s28 =	spop (v2sf);
	(v2sf) =	vpush v2, $0xE  }
0x480: {  	s0 =	sor.u32 $0x380, s0;
	s5 =	sadd.f32 s22, s21;
	s30 =	spop (v2sf);
	(v2sf) =	vpush v2, $0xF;
	v2 =	vand.u32 $0x7FFFFFFF, v6  }
0x481: {  	v7 =	vld [tilespmem:s0+$0x3000];
	s0 =	sadd.f32 s3, s8  }
0x482: {  	s7 =	sadd.f32 s24, s23;
	s10 =	spop (v2sf);
	v6 =	vsub.f32 $0.0e+00, v2  }
0x483: {  	s29 =	sadd.f32 s28, s26;
	s11 =	spop (v2sf);
	v2 =	vpop (erf)  }
0x484: {  	s4 =	sadd.f32 s5, s4;
	s12 =	spop (v2sf);
	v6 =	vmul.f32 $1.442695020e+00, v6;
	v8 =	vpop (erf)  }
0x485: {  	s1 =	sadd.f32 s29, s7;
	s13 =	spop (v2sf);
	v8 =	vadd.f32 $1.000000000e+00, v8  }
0x486: {  	v3 =	vadd.f32 v4, v3;
	v4 =	vmul.f32 v7, v5;
	s2 =	sadd.f32 s10, s30;
	s14 =	spop (v2sf);
	v5 =	vbroadcast v6, $0x0  }
0x487: {  	s1 =	sadd.f32 s1, s4;
	s15 =	spop (v2sf);
	(erf) = vrcp.f32 v8  }
0x488: {  	v4 =	vadd.f32 v4, v3;
	s5 =	sadd.f32 s12, s11;
	s16 =	spop (v2sf);
	(erf) = vpow2.f32 v5  }
0x489: {  	s0 =	sadd.f32 s1, s0;
	s17 =	spop (v2sf)  }
0x48a: {  	s3 =	sadd.f32 s14, s13;
	s18 =	spop (v2sf);
	(v2sf) =	vpush v4, $0x0  }
0x48b: {  	s2 =	sadd.f32 s5, s2;
	s19 =	spop (v2sf);
	(v2sf) =	vpush v4, $0x1  }
0x48c: {  	s4 =	sadd.f32 s16, s15;
	v3 =	vmov s0;
	s20 =	spop (v2sf);
	(v2sf) =	vpush v4, $0x2  }
0x48d: {  	v3 =	vand.u32 $0x7FFFFFFF, v3;
	s1 =	sadd.f32 s18, s17;
	s21 =	spop (v2sf);
	(v2sf) =	vpush v4, $0x3  }
0x48e: {  	s3 =	sadd.f32 s4, s3;
	s22 =	spop (v2sf);
	(v2sf) =	vpush v4, $0x4  }
0x48f: {  	v5 =	vsub.f32 $0.0e+00, v3;
	s6 =	sadd.f32 s20, s19;
	s23 =	spop (v2sf);
	(v2sf) =	vpush v4, $0x5  }
0x490: {  	s0 =	sadd.f32 s22, s21;
	s24 =	spop (v2sf);
	(v2sf) =	vpush v4, $0x6;
	v3 =	vpop (erf)  }
0x491: {  	v5 =	vmul.f32 $1.442695020e+00, v5;
	s25 =	sadd.f32 s24, s23;
	(v2sf) =	vpush v4, $0x7;
	v6 =	vpop (erf)  }
0x492: {  	s1 =	sadd.f32 s6, s1;
	(v2sf) =	vpush v4, $0x8;
	v6 =	vadd.f32 $1.000000000e+00, v6  }
0x493: {  	v5 =	vbroadcast v5, $0x0;
	(v2sf) =	vpush v4, $0x9;
	s0 =	sadd.f32 s25, s0  }
0x494: {  	s3 =	sadd.f32 s3, s2;
	(v2sf) =	vpush v4, $0xA;
	(erf) = vrcp.f32 v6  }
0x495: {  	s26 =	simm.s32 $0x0;
	(v2sf) =	vpush v4, $0xB;
	s0 =	sadd.f32 s0, s1;
	(erf) = vpow2.f32 v5  }
0x496: {  	s28 =	sand.u32 $0x40, s26;
	s2 =	sand.u32 $0x7C00, s26;
	(v2sf) =	vpush v4, $0xC  }
0x497: {  	s2 =	sor.u32 s28, s2;
	(v2sf) =	vpush v4, $0xD;
	s0 =	sadd.f32 s0, s3  }
0x498: {  	v5 =	vld [tilespmem:s2+$0x3030];
	(v2sf) =	vpush v4, $0xE  }
0x499: {  	v6 =	vld [tilespmem:s2+$0x30B0];
	s29 =	spop (v2sf);
	(v2sf) =	vpush v4, $0xF;
	v4 =	vmov s0  }
0x49a: {  	v7 =	vld [tilespmem:s2+$0x3130];
	v4 =	vand.u32 $0x7FFFFFFF, v4  }
0x49b: {  	v8 =	vld [tilespmem:s2+$0x31B0]  }
0x49c: {  	v10 =	vld [tilespmem:s2+$0x3000];
	v9 =	vsub.f32 $0.0e+00, v4  }
0x49d: {  	p0 =	por $0x0, $0x0;
	v11 =	vld [tilespmem:s2+$0x3080];
	s1 =	simm.s32 $0x1;
	s30 =	spop (v2sf);
	v5 =	vmul.f32 v5, v0;
	v4 =	vpop (erf)  }
0x49e: {  	v13 =	vld [tilespmem:s2+$0x3100];
	s1 =	simm.s32 @!p0 $0x0;
	v6 =	vmul.f32 v6, v1;
	s6 =	spop (v2sf);
	v9 =	vmul.f32 $1.442695020e+00, v9;
	v12 =	vpop (erf)  }
0x49f: {  	s1 =	sshll.u32 s1, $0x6;
	s7 =	spop (v2sf);
	[tilespmem:s2+$0x3030] =	vst v5;
	v5 =	vmul.f32 v7, v2;
	v7 =	vld [tilespmem:s2+$0x3180];
	v12 =	vadd.f32 $1.000000000e+00, v12  }
0x4a0: {  	s1 =	sadd.s32 $0x0, s1;
	[tilespmem:s2+$0x30B0] =	vst v6;
	v6 =	vmul.f32 v8, v3;
	v8 =	vld [tilespmem:s2+$0x3010];
	s8 =	spop (v2sf);
	v9 =	vbroadcast v9, $0x0  }
0x4a1: {  	s3 =	sadd.s32 $0x30, s1;
	s9 =	spop (v2sf);
	[tilespmem:s2+$0x3130] =	vst v5;
	v5 =	vmul.f32 v10, v0;
	v10 =	vld [tilespmem:s2+$0x3090];
	(erf) = vrcp.f32 v12  }
0x4a2: {  	s14 =	sor.u32 $0x200, s3;
	[tilespmem:s2+$0x31B0] =	vst v6;
	v6 =	vmul.f32 v11, v1;
	s10 =	spop (v2sf);
	(erf) = vpow2.f32 v9;
	v9 =	vld [tilespmem:s2+$0x3110]  }
0x4a3: {  	s4 =	sadd.f32 s30, s29;
	s11 =	spop (v2sf);
	v11 =	vld [tilespmem:s14+$0x3000];
	[tilespmem:s2+$0x3000] =	vst v5;
	v5 =	vmul.f32 v13, v2  }
0x4a4: {  	s0 =	sadd.f32 s7, s6;
	[tilespmem:s2+$0x3080] =	vst v6;
	s12 =	spop (v2sf);
	v6 =	vmul.f32 v7, v3  }
0x4a5: {  	s7 =	sadd.f32 s9, s8;
	s13 =	spop (v2sf);
	v7 =	vld [tilespmem:s2+$0x3190];
	[tilespmem:s2+$0x3100] =	vst v5;
	v5 =	vmul.f32 v8, v0  }
0x4a6: {  	s0 =	sadd.f32 s0, s4;
	s15 =	spop (v2sf);
	[tilespmem:s2+$0x3180] =	vst v6;
	v6 =	vmul.f32 v10, v1  }
0x4a7: {  	s9 =	sadd.f32 s11, s10;
	v8 =	vld [tilespmem:s2+$0x3020];
	s16 =	spop (v2sf);
	[tilespmem:s2+$0x3010] =	vst v5;
	v5 =	vmul.f32 v9, v2  }
0x4a8: {  	s11 =	sadd.f32 s13, s12;
	v10 =	vld [tilespmem:s2+$0x30A0];
	s17 =	spop (v2sf);
	[tilespmem:s2+$0x3090] =	vst v6;
	v6 =	vmul.f32 v11, v4  }
0x4a9: {  	s21 =	sor.u32 $0x200, s1;
	s23 =	sadd.f32 s9, s7;
	s18 =	spop (v2sf);
	v9 =	vld [tilespmem:s2+$0x3120]  }
0x4aa: {  	s22 =	sor.u32 $0x280, s3;
	s6 =	sadd.f32 s16, s15;
	v11 =	vld [tilespmem:s2+$0x31A0];
	s19 =	spop (v2sf);
	v7 =	vmul.f32 v7, v3;
	[tilespmem:s14+$0x3000] =	vst v6  }
0x4ab: {  	s8 =	sadd.s32 $0x10, s1;
	v12 =	vld [tilespmem:s21+$0x3000];
	s10 =	sadd.f32 s18, s17;
	s20 =	spop (v2sf);
	[tilespmem:s2+$0x3110] =	vst v5;
	v5 =	vpop (erf)  }
0x4ac: {  	s24 =	sor.u32 $0x200, s8;
	v8 =	vmul.f32 v8, v0;
	s12 =	sadd.f32 s20, s19;
	[tilespmem:s2+$0x3190] =	vst v7;
	v7 =	vld [tilespmem:s22+$0x3000];
	v6 =	vpop (erf)  }
0x4ad: {  	s6 =	sadd.f32 s6, s11;
	v10 =	vmul.f32 v10, v1;
	v13 =	vld [tilespmem:s24+$0x3000];
	v6 =	vadd.f32 $1.000000000e+00, v6  }
0x4ae: {  	[tilespmem:s2+$0x3020] =	vst v8;
	s25 =	sadd.f32 s12, s10;
	v8 =	vmul.f32 v9, v2  }
0x4af: {  	s5 =	sadd.f32 s23, s0;
	[tilespmem:s2+$0x30A0] =	vst v10;
	(erf) = vrcp.f32 v6;
	v6 =	vmul.f32 v11, v3  }
0x4b0: {  	s0 =	sadd.s32 $0x20, s1;
	s6 =	sadd.f32 s25, s6;
	v9 =	vmul.f32 v12, v4;
	[tilespmem:s2+$0x3120] =	vst v8  }
0x4b1: {  	s26 =	sor.u32 $0x200, s0;
	[tilespmem:s2+$0x31A0] =	vst v6;
	v6 =	vmul.f32 v7, v5  }
0x4b2: {  	s29 =	sor.u32 $0x280, s1;
	s28 =	sadd.f32 s6, s5;
	[tilespmem:s21+$0x3000] =	vst v9;
	v8 =	vmul.f32 v13, v4;
	v7 =	vld [tilespmem:s26+$0x3000]  }
0x4b3: {  	s30 =	sor.u32 $0x300, s3;
	s11 =	simm.s32 $0x200;
	s12 =	simm.s32 $0x40;
	v9 =	vld [tilespmem:s29+$0x3000];
	[tilespmem:s22+$0x3000] =	vst v6  }
0x4b4: {  	s13 =	sor.u32 $0x280, s8;
	s4 =	sand.u32 $0x7C00, s11;
	s14 =	sand.u32 $0x40, s12;
	[tilespmem:s24+$0x3000] =	vst v8;
	v6 =	vmov s28;
	v8 =	vld [tilespmem:s30+$0x3000]  }
0x4b5: {  	s4 =	sor.u32 s14, s4;
	v10 =	vld [tilespmem:s13+$0x3000];
	v6 =	vand.u32 $0x7FFFFFFF, v6  }
0x4b6: {  	v12 =	vld [tilespmem:s4+$0x3030];
	v11 =	vsub.f32 $0.0e+00, v6  }
0x4b7: {  	v13 =	vld [tilespmem:s4+$0x30B0];
	v7 =	vmul.f32 v7, v4  }
0x4b8: {  	v14 =	vld [tilespmem:s4+$0x3130];
	v9 =	vmul.f32 v9, v5;
	v11 =	vmul.f32 $1.442695020e+00, v11;
	v6 =	vpop (erf)  }
0x4b9: {  	[tilespmem:s26+$0x3000] =	vst v7;
	v7 =	vmul.f32 v8, v6;
	v8 =	vld [tilespmem:s4+$0x31B0]  }
0x4ba: {  	[tilespmem:s29+$0x3000] =	vst v9;
	v9 =	vmul.f32 v10, v5;
	v10 =	vld [tilespmem:s4+$0x3000];
	v11 =	vbroadcast v11, $0x0  }
0x4bb: {  	p0 =	por !p0, !p0;
	s5 =	simm.s32 $0x1;
	[tilespmem:s30+$0x3000] =	vst v7;
	v7 =	vmul.f32 v12, v0;
	v12 =	vld [tilespmem:s4+$0x3080]  }
0x4bc: {  	s5 =	simm.s32 @!p0 $0x0;
	[tilespmem:s13+$0x3000] =	vst v9;
	v9 =	vmul.f32 v13, v1;
	(erf) = vpow2.f32 v11;
	v11 =	vld [tilespmem:s4+$0x3100]  }
0x4bd: {  	s15 =	sshll.u32 s5, $0x6;
	v13 =	vld [tilespmem:s4+$0x3180];
	[tilespmem:s4+$0x3030] =	vst v7;
	v7 =	vmul.f32 v14, v2  }
0x4be: {  	s7 =	sadd.s32 $0x200, s15;
	[tilespmem:s4+$0x30B0] =	vst v9;
	v9 =	vld [tilespmem:s4+$0x3010];
	v8 =	vmul.f32 v8, v3  }
0x4bf: {  	s2 =	sadd.s32 $0x30, s7;
	[tilespmem:s4+$0x3130] =	vst v7;
	v7 =	vmul.f32 v10, v0;
	v10 =	vld [tilespmem:s4+$0x3090]  }
0x4c0: {  	s16 =	sor.u32 $0x200, s2;
	[tilespmem:s4+$0x31B0] =	vst v8;
	v8 =	vmul.f32 v12, v1;
	v12 =	vld [tilespmem:s4+$0x3110]  }
0x4c1: {  	[tilespmem:s4+$0x3000] =	vst v7;
	v7 =	vmul.f32 v11, v2;
	v11 =	vld [tilespmem:s16+$0x3000]  }
0x4c2: {  	[tilespmem:s4+$0x3080] =	vst v8;
	v8 =	vmul.f32 v13, v3;
	v13 =	vld [tilespmem:s4+$0x3190]  }
0x4c3: {  	[tilespmem:s4+$0x3100] =	vst v7;
	v7 =	vmul.f32 v9, v0;
	v9 =	vld [tilespmem:s4+$0x3020]  }
0x4c4: {  	[tilespmem:s4+$0x3180] =	vst v8;
	v8 =	vmul.f32 v10, v1;
	v10 =	vld [tilespmem:s4+$0x30A0]  }
0x4c5: {  	v14 =	vpop (erf);
	[tilespmem:s4+$0x3010] =	vst v7;
	v7 =	vmul.f32 v12, v2;
	v12 =	vld [tilespmem:s4+$0x3120]  }
0x4c6: {  	s17 =	sor.u32 $0x200, s7;
	v14 =	vadd.f32 $1.000000000e+00, v14;
	[tilespmem:s4+$0x3090] =	vst v8;
	v8 =	vld [tilespmem:s4+$0x31A0];
	v11 =	vmul.f32 v11, v4  }
0x4c7: {  	s18 =	sor.u32 $0x280, s0;
	v15 =	vld [tilespmem:s17+$0x3000];
	[tilespmem:s4+$0x3110] =	vst v7;
	v7 =	vmul.f32 v13, v3  }
0x4c8: {  	s11 =	sadd.s32 $0x10, s7;
	s19 =	sor.u32 $0x280, s2;
	(erf) = vrcp.f32 v14;
	v9 =	vmul.f32 v9, v0;
	[tilespmem:s16+$0x3000] =	vst v11;
	v11 =	vld [tilespmem:s18+$0x3000]  }
0x4c9: {  	s20 =	sor.u32 $0x200, s11;
	[tilespmem:s4+$0x3190] =	vst v7;
	v7 =	vmul.f32 v10, v1;
	v10 =	vld [tilespmem:s19+$0x3000]  }
0x4ca: {  	s21 =	sor.u32 $0x300, s1;
	v13 =	vld [tilespmem:s20+$0x3000];
	[tilespmem:s4+$0x3020] =	vst v9;
	v9 =	vmul.f32 v12, v2  }
0x4cb: {  	s22 =	sor.u32 $0x300, s8;
	[tilespmem:s4+$0x30A0] =	vst v7;
	v7 =	vmul.f32 v8, v3;
	v8 =	vld [tilespmem:s21+$0x3000]  }
0x4cc: {  	s23 =	sor.u32 $0x380, s3;
	s24 =	sadd.s32 $0x20, s7;
	v12 =	vmul.f32 v15, v4;
	[tilespmem:s4+$0x3120] =	vst v9;
	v9 =	vld [tilespmem:s22+$0x3000]  }
0x4cd: {  	s29 =	sor.u32 $0x200, s24;
	v14 =	vld [tilespmem:s23+$0x3000];
	[tilespmem:s4+$0x31A0] =	vst v7;
	v7 =	vmul.f32 v11, v5  }
0x4ce: {  	s16 =	sor.u32 $0x280, s7;
	[tilespmem:s17+$0x3000] =	vst v12;
	v11 =	vld [tilespmem:s29+$0x3000];
	v10 =	vmul.f32 v10, v5  }
0x4cf: {  	s30 =	sor.u32 $0x300, s0;
	v12 =	vld [tilespmem:s16+$0x3000];
	v13 =	vmul.f32 v13, v4;
	[tilespmem:s18+$0x3000] =	vst v7  }
0x4d0: {  	s9 =	sor.u32 $0x300, s2;
	[tilespmem:s19+$0x3000] =	vst v10;
	v8 =	vmul.f32 v8, v6;
	v10 =	vld [tilespmem:s30+$0x3000]  }
0x4d1: {  	s17 =	sor.u32 $0x280, s11;
	v7 =	vpop (erf);
	[tilespmem:s20+$0x3000] =	vst v13;
	v13 =	vld [tilespmem:s9+$0x3000];
	v9 =	vmul.f32 v9, v6  }
0x4d2: {  	s1 =	sor.u32 $0x380, s1;
	s18 =	simm.s32 $0x400;
	s19 =	simm.s32 $0x80;
	v14 =	vmul.f32 v14, v7;
	v15 =	vld [tilespmem:s17+$0x3000];
	[tilespmem:s21+$0x3000] =	vst v8  }
0x4d3: {  	s8 =	sor.u32 $0x380, s8;
	s4 =	sand.u32 $0x7C00, s18;
	s10 =	sand.u32 $0x40, s19;
	v8 =	vmul.f32 v11, v4;
	v11 =	vld [tilespmem:s1+$0x3000];
	[tilespmem:s22+$0x3000] =	vst v9  }
0x4d4: {  	s4 =	sor.u32 s10, s4;
	v9 =	vmul.f32 v12, v5;
	[tilespmem:s23+$0x3000] =	vst v14;
	v12 =	vld [tilespmem:s8+$0x3000]  }
0x4d5: {  	v14 =	vld [tilespmem:s4+$0x3030];
	[tilespmem:s29+$0x3000] =	vst v8;
	v8 =	vmul.f32 v10, v6  }
0x4d6: {  	v10 =	vld [tilespmem:s4+$0x30B0];
	[tilespmem:s16+$0x3000] =	vst v9;
	v9 =	vmul.f32 v13, v6  }
0x4d7: {  	v13 =	vld [tilespmem:s4+$0x3130];
	v15 =	vmul.f32 v15, v5;
	[tilespmem:s30+$0x3000] =	vst v8  }
0x4d8: {  	s20 =	sor.u32 $0x380, s2;
	v8 =	vld [tilespmem:s4+$0x31B0];
	[tilespmem:s9+$0x3000] =	vst v9;
	v9 =	vmul.f32 v11, v7  }
0x4d9: {  	[tilespmem:s17+$0x3000] =	vst v15;
	v11 =	vld [tilespmem:s20+$0x3000];
	v12 =	vmul.f32 v12, v7  }
0x4da: {  	v15 =	vld [tilespmem:s4+$0x3000];
	v14 =	vmul.f32 v14, v0;
	[tilespmem:s1+$0x3000] =	vst v9  }
0x4db: {  	p0 =	por !p0, !p0;
	v9 =	vld [tilespmem:s4+$0x3080];
	v10 =	vmul.f32 v10, v1;
	s1 =	simm.s32 $0x1;
	[tilespmem:s8+$0x3000] =	vst v12  }
0x4dc: {  	s1 =	simm.s32 @!p0 $0x0;
	v12 =	vld [tilespmem:s4+$0x3100];
	[tilespmem:s4+$0x3030] =	vst v14;
	v13 =	vmul.f32 v13, v2  }
0x4dd: {  	v14 =	vld [tilespmem:s4+$0x3180];
	s1 =	sshll.u32 s1, $0x6;
	[tilespmem:s4+$0x30B0] =	vst v10;
	v8 =	vmul.f32 v8, v3  }
0x4de: {  	v10 =	vld [tilespmem:s4+$0x3010];
	s2 =	sadd.s32 $0x400, s1;
	[tilespmem:s4+$0x3130] =	vst v13;
	v11 =	vmul.f32 v11, v7  }
0x4df: {  	v13 =	vmul.f32 v15, v0;
	v15 =	vld [tilespmem:s4+$0x3090];
	[tilespmem:s4+$0x31B0] =	vst v8;
	s25 =	sadd.s32 $0x30, s2  }
0x4e0: {  	v8 =	vmul.f32 v9, v1;
	v9 =	vld [tilespmem:s4+$0x3110];
	s21 =	sor.u32 $0x200, s25;
	[tilespmem:s20+$0x3000] =	vst v11  }
0x4e1: {  	[tilespmem:s4+$0x3000] =	vst v13;
	v11 =	vmul.f32 v12, v2;
	v12 =	vld [tilespmem:s21+$0x3000]  }
0x4e2: {  	v13 =	vld [tilespmem:s4+$0x3190];
	[tilespmem:s4+$0x3080] =	vst v8;
	v8 =	vmul.f32 v14, v3  }
0x4e3: {  	v10 =	vmul.f32 v10, v0;
	[tilespmem:s4+$0x3100] =	vst v11;
	v11 =	vld [tilespmem:s4+$0x3020]  }
0x4e4: {  	v14 =	vld [tilespmem:s4+$0x30A0];
	[tilespmem:s4+$0x3180] =	vst v8;
	v8 =	vmul.f32 v15, v1  }
0x4e5: {  	[tilespmem:s4+$0x3010] =	vst v10;
	v10 =	vld [tilespmem:s4+$0x3120];
	v9 =	vmul.f32 v9, v2  }
0x4e6: {  	s22 =	sor.u32 $0x200, s2;
	[tilespmem:s4+$0x3090] =	vst v8;
	v8 =	vld [tilespmem:s4+$0x31A0];
	v12 =	vmul.f32 v12, v4  }
0x4e7: {  	s23 =	sor.u32 $0x280, s24;
	v15 =	vld [tilespmem:s22+$0x3000];
	[tilespmem:s4+$0x3110] =	vst v9;
	v9 =	vmul.f32 v13, v3  }
0x4e8: {  	s28 =	sadd.s32 $0x10, s2;
	s29 =	sor.u32 $0x280, s25;
	v11 =	vmul.f32 v11, v0;
	[tilespmem:s21+$0x3000] =	vst v12;
	v12 =	vld [tilespmem:s23+$0x3000]  }
0x4e9: {  	s30 =	sor.u32 $0x200, s28;
	[tilespmem:s4+$0x3190] =	vst v9;
	v9 =	vmul.f32 v14, v1;
	v13 =	vld [tilespmem:s29+$0x3000]  }
0x4ea: {  	s18 =	sor.u32 $0x300, s7;
	v10 =	vmul.f32 v10, v2;
	v14 =	vld [tilespmem:s30+$0x3000];
	[tilespmem:s4+$0x3020] =	vst v11  }
0x4eb: {  	s26 =	sor.u32 $0x300, s11;
	v11 =	vld [tilespmem:s18+$0x3000];
	[tilespmem:s4+$0x30A0] =	vst v9;
	v8 =	vmul.f32 v8, v3  }
0x4ec: {  	s0 =	sor.u32 $0x380, s0;
	s20 =	sadd.s32 $0x20, s2;
	v9 =	vmul.f32 v15, v4;
	[tilespmem:s4+$0x3120] =	vst v10;
	v15 =	vld [tilespmem:s26+$0x3000]  }
0x4ed: {  	s3 =	sor.u32 $0x380, s24;
	s9 =	sor.u32 $0x300, s24;
	s6 =	sor.u32 $0x200, s20;
	[tilespmem:s4+$0x31A0] =	vst v8;
	v8 =	vmul.f32 v12, v5;
	v12 =	vld [tilespmem:s0+$0x3000]  }
0x4ee: {  	s8 =	sor.u32 $0x380, s7;
	s1 =	sor.u32 $0x380, s11;
	s11 =	sor.u32 $0x280, s2;
	[tilespmem:s22+$0x3000] =	vst v9;
	v10 =	vld [tilespmem:s6+$0x3000];
	v13 =	vmul.f32 v13, v5  }
0x4ef: {  	s7 =	simm.s32 $0x8;
	s12 =	sor.u32 $0x300, s2;
	s16 =	sor.u32 $0x380, s2;
	v9 =	vld [tilespmem:s11+$0x3000];
	v14 =	vmul.f32 v14, v4;
	[tilespmem:s23+$0x3000] =	vst v8  }
0x4f0: {  	s24 =	sor.u32 $0x280, s28;
	s15 =	sor.u32 $0x300, s28;
	s19 =	sor.u32 $0x300, s25;
	v63 =	vmul.f32 v11, v6;
	[tilespmem:s29+$0x3000] =	vst v13;
	v8 =	vld [tilespmem:s9+$0x3000]  }
0x4f1: {  	s14 =	sor.u32 $0x380, s28;
	s13 =	sor.u32 $0x280, s20;
	s17 =	sor.u32 $0x300, s20;
	[tilespmem:s30+$0x3000] =	vst v14;
	v11 =	vld [tilespmem:s19+$0x3000];
	v14 =	vmul.f32 v15, v6  }
0x4f2: {  	s5 =	sor.u32 $0x380, s20;
	s22 =	simm.s32 $0x600;
	s23 =	simm.s32 $0xC0;
	[tilespmem:s18+$0x3000] =	vst v63;
	v13 =	vld [tilespmem:s24+$0x3000];
	v12 =	vmul.f32 v12, v7  }
.LBB2_20:
0x4f3: {  	s2 =	sand.u32 $0x40, s23;
	s4 =	sand.u32 $0x7C00, s22;
	v10 =	vmul.f32 v10, v4;
	v15 =	vld [tilespmem:s8+$0x3000];
	[tilespmem:s26+$0x3000] =	vst v14;
	s26 =	smov.u32 s15  }
0x4f4: {  	s2 =	sor.u32 s2, s4;
	v9 =	vmul.f32 v9, v5;
	v14 =	vld [tilespmem:s1+$0x3000];
	[tilespmem:s0+$0x3000] =	vst v12;
	s0 =	smov.u32 s3;
	s3 =	smov.u32 s5  }
0x4f5: {  	v12 =	vld [tilespmem:s2+$0x3030];
	[tilespmem:s6+$0x3000] =	vst v10;
	v8 =	vmul.f32 v8, v6  }
0x4f6: {  	v10 =	vld [tilespmem:s2+$0x30B0];
	[tilespmem:s11+$0x3000] =	vst v9;
	v9 =	vmul.f32 v11, v6  }
0x4f7: {  	s7 =	sadd.s32 $0x4, s7;
	v11 =	vld [tilespmem:s2+$0x3130];
	v13 =	vmul.f32 v13, v5;
	[tilespmem:s9+$0x3000] =	vst v8;
	s9 =	smov.u32 s17  }
0x4f8: {  	p1 =	slt.u32 s7, $0xFC;
	s5 =	sor.u32 $0x380, s25;
	v8 =	vld [tilespmem:s2+$0x31B0];
	[tilespmem:s19+$0x3000] =	vst v9;
	v9 =	vmul.f32 v15, v7  }
0x4f9: {  	[tilespmem:s24+$0x3000] =	vst v13;
	v13 =	vld [tilespmem:s5+$0x3000];
	v14 =	vmul.f32 v14, v7  }
0x4fa: {  	v15 =	vld [tilespmem:s2+$0x3000];
	v12 =	vmul.f32 v12, v0;
	[tilespmem:s8+$0x3000] =	vst v9;
	s8 =	smov.u32 s16  }
0x4fb: {  	p0 =	por !p0, !p0;
	s4 =	simm.s32 $0x1;
	v9 =	vld [tilespmem:s2+$0x3080];
	v10 =	vmul.f32 v10, v1;
	[tilespmem:s1+$0x3000] =	vst v14;
	s1 =	smov.u32 s14  }
0x4fc: {  	s4 =	simm.s32 @!p0 $0x0;
	v14 =	vld [tilespmem:s2+$0x3100];
	[tilespmem:s2+$0x3030] =	vst v12;
	v11 =	vmul.f32 v11, v2  }
0x4fd: {  	s4 =	sshll.u32 s4, $0x6;
	v12 =	vld [tilespmem:s2+$0x3180];
	[tilespmem:s2+$0x30B0] =	vst v10;
	v8 =	vmul.f32 v8, v3  }
0x4fe: {  	s10 =	sadd.s32 s4, s22;
	v10 =	vld [tilespmem:s2+$0x3010];
	[tilespmem:s2+$0x3130] =	vst v11;
	v11 =	vmul.f32 v13, v7  }
0x4ff: {  	s25 =	sadd.s32 $0x30, s10;
	s16 =	sadd.s32 $0x20, s10;
	s14 =	sadd.s32 $0x10, s10;
	v13 =	vmul.f32 v15, v0;
	v15 =	vld [tilespmem:s2+$0x3090];
	[tilespmem:s2+$0x31B0] =	vst v8  }
0x500: {  	s20 =	sor.u32 $0x200, s25;
	s6 =	sor.u32 $0x200, s16;
	s4 =	sor.u32 $0x200, s14;
	v8 =	vmul.f32 v9, v1;
	v9 =	vld [tilespmem:s2+$0x3110];
	[tilespmem:s5+$0x3000] =	vst v11  }
0x501: {  	s21 =	sor.u32 $0x200, s10;
	s19 =	sor.u32 $0x280, s16;
	s24 =	sor.u32 $0x280, s14;
	[tilespmem:s2+$0x3000] =	vst v13;
	v11 =	vmul.f32 v14, v2;
	v13 =	vld [tilespmem:s20+$0x3000]  }
0x502: {  	s11 =	sor.u32 $0x280, s10;
	s17 =	sor.u32 $0x300, s16;
	s15 =	sor.u32 $0x300, s14;
	[tilespmem:s2+$0x3080] =	vst v8;
	v8 =	vmul.f32 v12, v3;
	v12 =	vld [tilespmem:s2+$0x3190]  }
0x503: {  	s18 =	sor.u32 $0x300, s10;
	s14 =	sor.u32 $0x380, s14;
	s5 =	sor.u32 $0x380, s16;
	[tilespmem:s2+$0x3100] =	vst v11;
	v10 =	vmul.f32 v10, v0;
	v11 =	vld [tilespmem:s2+$0x3020]  }
0x504: {  	s16 =	sor.u32 $0x380, s10;
	[tilespmem:s2+$0x3180] =	vst v8;
	v8 =	vmul.f32 v15, v1;
	v14 =	vld [tilespmem:s2+$0x30A0]  }
0x505: {  	[tilespmem:s2+$0x3010] =	vst v10;
	v9 =	vmul.f32 v9, v2;
	v10 =	vld [tilespmem:s2+$0x3120]  }
0x506: {  	[tilespmem:s2+$0x3090] =	vst v8;
	v8 =	vld [tilespmem:s2+$0x31A0];
	v13 =	vmul.f32 v13, v4  }
0x507: {  	v15 =	vld [tilespmem:s21+$0x3000];
	[tilespmem:s2+$0x3110] =	vst v9;
	v9 =	vmul.f32 v12, v3  }
0x508: {  	s10 =	sor.u32 $0x280, s25;
	v11 =	vmul.f32 v11, v0;
	[tilespmem:s20+$0x3000] =	vst v13;
	v12 =	vld [tilespmem:s13+$0x3000]  }
0x509: {  	[tilespmem:s2+$0x3190] =	vst v9;
	v9 =	vmul.f32 v14, v1;
	v13 =	vld [tilespmem:s10+$0x3000]  }
0x50a: {  	v14 =	vld [tilespmem:s4+$0x3000];
	[tilespmem:s2+$0x3020] =	vst v11;
	v10 =	vmul.f32 v10, v2  }
0x50b: {  	[tilespmem:s2+$0x30A0] =	vst v9;
	v8 =	vmul.f32 v8, v3;
	v11 =	vld [tilespmem:s12+$0x3000]  }
0x50c: {  	v9 =	vmul.f32 v15, v4;
	[tilespmem:s2+$0x3120] =	vst v10;
	v15 =	vld [tilespmem:s26+$0x3000]  }
0x50d: {  	[tilespmem:s2+$0x31A0] =	vst v8;
	v8 =	vmul.f32 v12, v5;
	v12 =	vld [tilespmem:s0+$0x3000]  }
.Ltmp9:
0x50e: {  	[tilespmem:s21+$0x3000] =	vst v9;
	v10 =	vld [tilespmem:s6+$0x3000];
	v13 =	vmul.f32 v13, v5;
	(pc) =	sbr.rel @p1 .LBB2_20-.Ltmp9, $4  }
0x50f: {  	v9 =	vld [tilespmem:s11+$0x3000];
	v14 =	vmul.f32 v14, v4;
	[tilespmem:s13+$0x3000] =	vst v8;
	s13 =	smov.u32 s19  }
0x510: {  	s19 =	sor.u32 $0x300, s25;
	[tilespmem:s10+$0x3000] =	vst v13;
	v16 =	vmul.f32 v11, v6;
	v8 =	vld [tilespmem:s9+$0x3000]  }
0x511: {  	[tilespmem:s4+$0x3000] =	vst v14;
	v11 =	vld [tilespmem:s19+$0x3000];
	v14 =	vmul.f32 v15, v6  }
0x512: {  	s23 =	sadd.s32 $0x40, s23;
	s22 =	sadd.s32 $0x200, s22;
	v13 =	vld [tilespmem:s24+$0x3000];
	[tilespmem:s12+$0x3000] =	vst v16;
	v12 =	vmul.f32 v12, v7;
	s12 =	smov.u32 s18  }
0x513: {  	v0 =	vmul.f32 v10, v4;
	_ =	sdelay $0x1  }
0x514: {  	[tilespmem:s6+$0x3000] =	vst v0  }
0x515: {  	v0 =	vld [tilespmem:s13+$0x3000];
	_ =	sdelay $0x2  }
0x516: {  	v1 =	vmul.f32 v9, v5  }
0x517: {  	v2 =	vmul.f32 v13, v5  }
0x518: {  	[tilespmem:s11+$0x3000] =	vst v1;
	v0 =	vmul.f32 v0, v5  }
0x519: {  	v1 =	vld [tilespmem:s12+$0x3000];
	[tilespmem:s24+$0x3000] =	vst v2  }
0x51a: {  	v2 =	vld [tilespmem:s15+$0x3000];
	[tilespmem:s13+$0x3000] =	vst v0  }
0x51b: {  	v0 =	vld [tilespmem:s17+$0x3000]  }
0x51c: {  	v3 =	vmul.f32 v11, v6  }
0x51d: {  	v53 =	vld [tilespmem:s8+$0x3000];
	[tilespmem:s26+$0x3000] =	vst v14;
	v54 =	vmul.f32 v8, v6  }
0x51e: {  	s2 =	sor.u32 $0x380, s25;
	v55 =	vld [tilespmem:s1+$0x3000];
	[tilespmem:s19+$0x3000] =	vst v3;
	v1 =	vmul.f32 v1, v6  }
0x51f: {  	[tilespmem:s9+$0x3000] =	vst v54;
	v3 =	vld [tilespmem:s2+$0x3000];
	v2 =	vmul.f32 v2, v6  }
0x520: {  	v5 =	vld [tilespmem:s3+$0x3000];
	[tilespmem:s12+$0x3000] =	vst v1;
	v0 =	vmul.f32 v0, v6  }
0x521: {  	v1 =	vld [tilespmem:s16+$0x3000];
	[tilespmem:s15+$0x3000] =	vst v2  }
0x522: {  	v56 =	vmul.f32 v53, v7;
	v57 =	vld [tilespmem:s14+$0x3000];
	[tilespmem:s17+$0x3000] =	vst v0  }
0x523: {  	[tilespmem:s0+$0x3000] =	vst v12;
	v58 =	vmul.f32 v55, v7;
	v59 =	vld [tilespmem:s5+$0x3000]  }
0x524: {  	[tilespmem:s8+$0x3000] =	vst v56;
	v60 =	vmul.f32 v3, v7  }
0x525: {  	[tilespmem:s1+$0x3000] =	vst v58;
	v61 =	vmul.f32 v5, v7  }
0x526: {  	[tilespmem:s2+$0x3000] =	vst v60;
	v1 =	vmul.f32 v1, v7  }
0x527: {  	[tilespmem:s3+$0x3000] =	vst v61;
	v62 =	vmul.f32 v57, v7  }
0x528: {  	[tilespmem:s16+$0x3000] =	vst v1;
	v63 =	vmul.f32 v59, v7  }
0x529: {  	[tilespmem:s14+$0x3000] =	vst v62  }
0x52a: {  	s10 =	simm.s32 $0x0;
	[tilespmem:s5+$0x3000] =	vst v63  }
0x52b: {  	s25 =	simm.s32 $0x4;
	s24 =	simm.s32 $0x3000;
	s0 =	rddreg [dreg:$0x9]  }
0x52c: {  	[hbm4b:s0+s10] =	stream.linear.scatter [tilespmem:s24], [sflag:$0x4], $0x8000, $0x38;
	[tilespmem:$0x1B000] =	vst v63  }
0x52d: {  	_ =	swait.ge [sflag:s25], $0x8000  }
0x52e: {  	[sflag:s25] =	ssyncset.done $0x0  }
0x52f: {  	s26 =	simm.s32 $0x5;
	[sflag:s25] =	ssyncadd.s32 $0xFFFF8000  }
0x530: {  	_ =	swait.ge [sflag:s26], $0x8000  }
0x531: {  	[sflag:s26] =	ssyncset.done $0x0  }
0x532: {  	s28 =	simm.s32 $0x6;
	[sflag:s26] =	ssyncadd.s32 $0xFFFF8000  }
0x533: {  	_ =	swait.ge [sflag:s28], $0x8000  }
0x534: {  	s29 =	rddreg [dreg:$0xb]  }
0x535: {  	s30 =	rddreg [dreg:$0xa];
	s2 =	sadd.s32 $0x1, s29  }
0x536: {  	p0 =	sne.s32 s2, s30  }
.Ltmp10:
0x537: {  	_ = 	snop;
	(pc) =	sbr.rel @p0 .LBB2_1-.Ltmp10, $3  }
0x538: {  	_ =	sdelay $0x1  }
0x539: {  	[sflag:s28] =	ssyncset.done $0x0  }
0x53a: {  	[sflag:s28] =	ssyncadd.s32 $0xFFFF8000  }
0x53b: {  	_ =	sfence.sel $0x180000  }
0x53c: {  	[bflag:$0x0] =	sbarrier.arrive $0xFFFF  }
0x53d: {  	_ =	strace $0x90000047  }
0x53e: {  	s0 =	stileid.u32;
	[bflag:$0x2] =	sbarrier.arrive $0xFFFF  }
0x53f: {  	p0 =	sne.s32 s0, $0x0;
	s0 =	rddreg [dreg:$0x3]  }
0x540: {  	s0 =	sadd.s32 @!p0 $0x100000, s0  }
0x541: {  	[sflag:s0] =	ssyncadd.tile.s32 @!p0 $0x1;
	_ =	shalt  }
.Lfunc_end2:
_tile_overlayer_lowered:
.L_overlay_start_2:
0x542: {  	(tag) =	ssettag $0x2  }
0x543: {  	s0 =	rddreg [dreg:$0x0];
	s2 =	stileid.u32  }
0x544: {  	s1 =	rddreg [dreg:$0x1];
	p0 =	sne.s32 s2, $0x0  }
0x545: {  	s3 =	rddreg [dreg:$0x2];
	[bflag:$0x3] =	sbarrier.arrive $0xFFFF;
	s2 =	simm.s32 @!p0 $0x1C07  }
0x546: {  	[timem:s3], [sflag:s2] =	dma.local @!p0 [hbm:s0], s1  }
0x547: {  	s0 =	simm.s32 @!p0 $0x7  }
0x548: {  	_ =	swait.ge @!p0 [sflag:s0], s1  }
0x549: {  	s1 =	ssub.s32 @!p0 $0x0, s1;
	[sflag:s0] =	ssyncset.done @!p0 $0x0  }
0x54a: {  	[sflag:s0] =	ssyncadd.s32 @!p0 s1  }
0x54b: {  	[bflag:$0x3] =	sbarrier.arrive $0xFFFF  }
0x54c: {  	_ =	shalt  }

</sc_bundles>
